<compile_context>
chip_gen: v7x
topology: tpu7x:2x2x1
jax: 0.10.2.dev20260603
libtpu: 0.0.44.dev20260713+nightly
codegen_flags: <defaults>
</compile_context>

<pallas_src>
import jax
import jax.numpy as jnp
from jax import lax
from jax.experimental import pallas as pl
from jax.experimental.pallas import tpu as pltpu
from jax.experimental.pallas import tpu_sc as plsc

N = 10000
E = 320000
D = 128
H = 128
O = 64
B = 64

NC = 2
NS = 16
NT = NC * NS
EPT = 10240
KS = 2
REG = 5184
CAP = KS * REG
NEG = -3.0e38
ROWS = 64
RL = 256
AP = 72

_BLK = 2048


def _pre_body(xu_ref, wu_ref, asu_ref, adu_ref, bu_ref,
              xd_ref, wd_ref, asd_ref, add_ref, bd_ref,
              avu_ref, aduo_ref, selfu_ref, avd_ref, addo_ref, selfd_ref):
    hp = jax.lax.Precision.HIGHEST
    for (x_ref, w_ref, as_ref, ad_ref, b_ref, av_ref, ado_ref, self_ref) in (
        (xu_ref, wu_ref, asu_ref, adu_ref, bu_ref, avu_ref, aduo_ref, selfu_ref),
        (xd_ref, wd_ref, asd_ref, add_ref, bd_ref, avd_ref, addo_ref, selfd_ref),
    ):
        w = w_ref[...]
        a2 = jnp.concatenate([as_ref[...][:, None], ad_ref[...][:, None]],
                             axis=1)
        wa = jnp.dot(w, a2, preferred_element_type=jnp.float32, precision=hp)
        r = jnp.dot(x_ref[...], wa, preferred_element_type=jnp.float32)
        av_ref[...] = r[:, 0]
        ado_ref[...] = r[:, 1]

        @pl.when(pl.program_id(0) == 0)
        def _():
            b = b_ref[...]
            iot = lax.broadcasted_iota(jnp.int32, (B, 1), 0)
            cnt = jnp.sum((b[None, :] <= iot).astype(jnp.int32), axis=1)
            self_ref[...] = cnt - 1


def _pre(xu, wu, asu, adu, bu, xd, wd, asd, add_, bd):
    grid = (pl.cdiv(N, _BLK),)
    xspec = pl.BlockSpec((_BLK, D), lambda i: (i, 0))
    wspec = pl.BlockSpec((D, H), lambda i: (0, 0))
    aspec = pl.BlockSpec((H,), lambda i: (0,))
    bspec = pl.BlockSpec((N,), lambda i: (0,))
    ospec = pl.BlockSpec((_BLK,), lambda i: (i,))
    sspec = pl.BlockSpec((B,), lambda i: (0,))
    return pl.pallas_call(
        _pre_body,
        grid=grid,
        in_specs=[xspec, wspec, aspec, aspec, bspec] * 2,
        out_specs=[ospec, ospec, sspec] * 2,
        out_shape=[
            jax.ShapeDtypeStruct((N,), jnp.float32),
            jax.ShapeDtypeStruct((N,), jnp.float32),
            jax.ShapeDtypeStruct((B,), jnp.int32),
        ] * 2,
    )(xu, wu, asu, adu, bu, xd, wd, asd, add_, bd)




def _sc_body(ue_hbm, de_hbm, avu_hbm, adu_hbm, avd_hbm,
             add_hbm, su_hbm, sd_hbm, xu_hbm, xd_hbm,
             accout, repout,
             asrc_v, adst_v, lut_v, self_v, adr_v, rep_v,
             sbuf, dbuf, ce_v, cs_v, ct_v, cl_v, accden_v, rows_v, sem):
    cid = lax.axis_index("c")
    sid = lax.axis_index("s")
    wid = sid * NC + cid
    lanes = lax.iota(jnp.int32, 16)

    def memset_body(i, _):
        for k in range(4):
            lut_v[pl.ds(i * 64 + k * 16, 16)] = jnp.full((16,), -1, jnp.int32)
        return 0

    lax.fori_loop(0, N // 64, memset_body, 0)
    lut_v[pl.ds(N - 16, 16)] = jnp.full((16,), -1, jnp.int32)

    def do_graph(g, e_hbm, av_hbm, ad_hbm, self_hbm, x_hbm):
        pltpu.sync_copy(av_hbm, asrc_v)
        pltpu.sync_copy(ad_hbm, adst_v)
        pltpu.sync_copy(self_hbm, self_v)

        for k in range(4):
            si = self_v[pl.ds(k * 16, 16)]
            si = jnp.where(si < 0, si + N, si)
            self_v[pl.ds(k * 16, 16)] = si
            plsc.store_scatter(lut_v, [si], lanes + k * 16)
        for k in range(4):
            si = self_v[pl.ds(k * 16, 16)]
            rep_v[pl.ds(k * 16, 16)] = plsc.load_gather(lut_v, [si])
            adr_v[pl.ds(k * 16, 16)] = plsc.load_gather(adst_v, [si])

        def zacc_body(i, _):
            for c in range(9):
                accden_v[i, pl.ds(c * 16, 16)] = jnp.zeros((16,), jnp.float32)
            return 0

        lax.fori_loop(0, B, zacc_body, 0)
        accden_v[B, pl.ds(0, 16)] = jnp.zeros((16,), jnp.float32)

        base_e = jnp.where(wid == NT - 1, E - EPT, wid * EPT)
        pltpu.sync_copy(e_hbm.at[0, pl.ds(base_e, EPT)], sbuf)
        pltpu.sync_copy(e_hbm.at[1, pl.ds(base_e, EPT)], dbuf)

        def s1(i, offs):
            new = list(offs)
            for k in range(KS):
                dsts = dbuf[pl.ds(i + k * 16, 16)]
                s = plsc.load_gather(lut_v, [dsts])
                msk = s >= 0
                plsc.store_compressed(ce_v.at[pl.ds(new[k], 16)],
                                      lanes + i + k * 16, mask=msk)
                cnt = plsc.all_reduce_population_count(msk)
                if getattr(cnt, "ndim", 0):
                    cnt = cnt[0]
                new[k] = new[k] + cnt
            return tuple(new)

        i0 = jnp.where(wid == NT - 1,
                       jnp.int32(EPT - (E - (NT - 1) * EPT)), jnp.int32(0))
        offs = plsc.parallel_loop(
            i0, EPT, 16 * KS, unroll=4,
            carry=tuple(jnp.int32(k * REG) for k in range(KS)))(s1)
        counts = list(offs)
        tots = [k * REG + ((c - k * REG + 63) // 64) * 64
                for k, c in zip(range(KS), counts)]

        def s2(i, carry):
            mloc, count = carry
            gidx = lanes + i * 16
            val = gidx < count
            e16 = jnp.where(val, ce_v[pl.ds(i * 16, 16)], 0)
            srcs = plsc.load_gather(sbuf, [e16])
            dsts = plsc.load_gather(dbuf, [e16])
            s = plsc.load_gather(lut_v, [dsts])
            s0 = jnp.where(val, s, 0)
            a = plsc.load_gather(asrc_v, [srcs])
            adr = plsc.load_gather(adr_v, [s0])
            z = a + adr
            logit = jnp.where(z >= 0.0, z, jnp.float32(0.2) * z)
            logit = jnp.where(val, logit, NEG)
            cs_v[pl.ds(i * 16, 16)] = srcs
            ct_v[pl.ds(i * 16, 16)] = s0
            cl_v[pl.ds(i * 16, 16)] = logit
            return jnp.maximum(mloc, logit), count

        mloc = jnp.full((16,), NEG, jnp.float32)
        for k in range(KS):
            mloc, _ = lax.fori_loop(k * REG // 16, tots[k] // 16, s2,
                                    (mloc, counts[k]))

        mmax = jnp.max(mloc)
        accden_v[B, pl.ds(0, 16)] = jnp.full((16,), mmax, jnp.float32)

        def exb(i, count):
            l = cl_v[pl.ds(i * 16, 16)]
            e = jnp.exp(l - mmax)
            gidx = lanes + i * 16
            e = jnp.where(gidx < count, e, jnp.float32(0.0))
            cl_v[pl.ds(i * 16, 16)] = e
            return count

        lane0 = lanes == 0

        def ch3(c, count):
            pltpu.async_copy(
                x_hbm.at[cs_v.at[pl.ds(c * ROWS, ROWS)]], rows_v, sem
            ).wait()
            rem = jnp.minimum(ROWS, count - c * ROWS)

            def edge(i, _):
                eidx = jnp.full((16,), c * ROWS + i, jnp.int32)
                exv = plsc.load_gather(cl_v, [eidx])
                slv = plsc.load_gather(ct_v, [eidx])
                sl = slv[0]
                plsc.addupdate(accden_v.at[sl, pl.ds(128, 16)],
                               jnp.where(lane0, exv, jnp.float32(0.0)))
                for h8 in range(8):
                    plsc.addupdate(accden_v.at[sl, pl.ds(h8 * 16, 16)],
                                   exv * rows_v[i, pl.ds(h8 * 16, 16)])
                return 0

            lax.fori_loop(0, rem, edge, 0)
            return count

        for k in range(KS):
            lax.fori_loop(k * REG // 16, tots[k] // 16, exb, counts[k])
            lax.fori_loop(k * REG // ROWS, tots[k] // ROWS, ch3, counts[k])

        pltpu.sync_copy(accden_v, accout.at[g, pl.ds(wid * AP, AP)])

        @pl.when(jnp.logical_and(sid == 0, cid == 0))
        def _():
            pltpu.sync_copy(rep_v, repout.at[g])

        for k in range(4):
            si = self_v[pl.ds(k * 16, 16)]
            plsc.store_scatter(lut_v, [si], jnp.full((16,), -1, jnp.int32))

    do_graph(0, ue_hbm, avu_hbm, adu_hbm, su_hbm, xu_hbm)
    do_graph(1, de_hbm, avd_hbm, add_hbm, sd_hbm, xd_hbm)


def _sc_main(ue, de, avu, adu, avd, add_, su, sd, xu, xd):
    mesh = plsc.VectorSubcoreMesh(core_axis_name="c", subcore_axis_name="s")
    f = pl.kernel(
        _sc_body,
        out_type=[
            jax.ShapeDtypeStruct((2, NT * AP, RL), jnp.float32),
            jax.ShapeDtypeStruct((2, B), jnp.int32),
        ],
        mesh=mesh,
        compiler_params=pltpu.CompilerParams(needs_layout_passes=False),
        scratch_types=[
            pltpu.VMEM((N,), jnp.float32),
            pltpu.VMEM((N,), jnp.float32),
            pltpu.VMEM((N,), jnp.int32),
            pltpu.VMEM((B,), jnp.int32),
            pltpu.VMEM((B,), jnp.float32),
            pltpu.VMEM((B,), jnp.int32),
            pltpu.VMEM((EPT,), jnp.int32),
            pltpu.VMEM((EPT,), jnp.int32),
            pltpu.VMEM((CAP,), jnp.int32),
            pltpu.VMEM((CAP,), jnp.int32),
            pltpu.VMEM((CAP,), jnp.int32),
            pltpu.VMEM((CAP,), jnp.float32),
            pltpu.VMEM((AP, RL), jnp.float32),
            pltpu.VMEM((ROWS, D), jnp.float32),
            pltpu.SemaphoreType.DMA,
        ],
    )
    return f(ue, de, avu, adu, avd, add_, su, sd, xu, xd)




def _post_body(acc_ref, rep_ref, wu_ref, bu_ref, wd_ref, bd_ref, mw_ref,
               mb_ref, o_ref):
    x = acc_ref[...].reshape(2, NT, AP, RL)
    r = rep_ref[...]
    iot = lax.broadcasted_iota(jnp.int32, (B, B), 1)
    embs = []
    for g, (w_ref, b_ref) in enumerate(((wu_ref, bu_ref), (wd_ref, bd_ref))):
        m_w = x[g, :, B:B + 1, 0:1]
        mm = jnp.max(m_w, axis=0, keepdims=True)
        sc = jnp.exp(m_w - mm)
        acc = jnp.sum(x[g, :, 0:B, 0:128] * sc, axis=0)
        den = jnp.sum(x[g, :, 0:B, 128:129] * sc, axis=0)
        rows = acc / (den + jnp.float32(1e-16))
        out = jnp.dot(rows, w_ref[...], preferred_element_type=jnp.float32,
                      precision=jax.lax.Precision.HIGHEST)
        out = out + b_ref[...][None, :]
        sig = jax.nn.sigmoid(out)
        p = (r[g][:, None] == iot).astype(jnp.float32)
        embs.append(jnp.dot(p, sig, preferred_element_type=jnp.float32))
    prod = embs[0] * embs[1]
    o_ref[...] = (
        jnp.dot(prod, mw_ref[...], preferred_element_type=jnp.float32)
        + mb_ref[...][None, :]
    )


def _post(accden, rep, w_up, b_up, w_down, b_down, mlp_w, mlp_b):
    return pl.pallas_call(
        _post_body,
        out_shape=jax.ShapeDtypeStruct((B, O), jnp.float32),
    )(accden, rep, w_up, b_up, w_down, b_down, mlp_w, mlp_b)




def kernel(up_x, up_edge_index, up_batch, down_x, down_edge_index, down_batch,
           W_up, att_src_up, att_dst_up, bias_up,
           W_down, att_src_down, att_dst_down, bias_down, mlp_W, mlp_b):
    avu, adu, su, avd, add_, sd = _pre(
        up_x, W_up, att_src_up, att_dst_up, up_batch,
        down_x, W_down, att_src_down, att_dst_down, down_batch)
    accden, rep = _sc_main(
        up_edge_index, down_edge_index,
        avu, adu, avd, add_, su, sd, up_x, down_x,
    )
    return _post(accden, rep, W_up, bias_up, W_down, bias_down, mlp_W, mlp_b)

# --- scband reference (transcript-rebuilt; emitter-appended) ---
"""Pipeline reference for scband-event-critic-net-51539607595 (READ-ONLY COPY).

The authoritative reference and input builder live on the scoring server;
editing this copy changes nothing except your own understanding.
"""

import jax, jax.numpy as jnp
import numpy as np

N = 10000
E = 320000
D = 128
H = 128
O = 64
B = 64


def setup_inputs(seed: int = 0) -> dict:
    key = jax.random.key(seed)
    ks = jax.random.split(key, 20)
    up_x = jax.random.normal(ks[0], (N, D), dtype=jnp.float32)
    up_edge_index = jax.random.randint(ks[1], (2, E), 0, N, dtype=jnp.int32)
    up_batch = jnp.sort(jax.random.randint(ks[2], (N,), 0, B, dtype=jnp.int32))
    down_x = jax.random.normal(ks[3], (N, D), dtype=jnp.float32)
    down_edge_index = jax.random.randint(ks[4], (2, E), 0, N, dtype=jnp.int32)
    down_batch = jnp.sort(jax.random.randint(ks[5], (N,), 0, B, dtype=jnp.int32))
    s = 1.0 / np.sqrt(D)
    W_up = jax.random.normal(ks[6], (D, H), dtype=jnp.float32) * s
    att_src_up = jax.random.normal(ks[7], (H,), dtype=jnp.float32) * s
    att_dst_up = jax.random.normal(ks[8], (H,), dtype=jnp.float32) * s
    bias_up = jnp.zeros((H,), dtype=jnp.float32)
    W_down = jax.random.normal(ks[9], (D, H), dtype=jnp.float32) * s
    att_src_down = jax.random.normal(ks[10], (H,), dtype=jnp.float32) * s
    att_dst_down = jax.random.normal(ks[11], (H,), dtype=jnp.float32) * s
    bias_down = jnp.zeros((H,), dtype=jnp.float32)
    mlp_W = jax.random.normal(ks[12], (H, O), dtype=jnp.float32) * (1.0 / np.sqrt(H))
    mlp_b = jnp.zeros((O,), dtype=jnp.float32)
    return {
        "up_x": up_x, "up_edge_index": up_edge_index, "up_batch": up_batch,
        "down_x": down_x, "down_edge_index": down_edge_index, "down_batch": down_batch,
        "W_up": W_up, "att_src_up": att_src_up, "att_dst_up": att_dst_up, "bias_up": bias_up,
        "W_down": W_down, "att_src_down": att_src_down, "att_dst_down": att_dst_down, "bias_down": bias_down,
        "mlp_W": mlp_W, "mlp_b": mlp_b,
    }


def _gat_conv(x, edge_index, W, a_src, a_dst, bias):
    # PyG GATConv, heads=1, add_self_loops=False, negative_slope=0.2
    h = x @ W
    src = edge_index[0]
    dst = edge_index[1]
    alpha_src = h @ a_src  # [N]
    alpha_dst = h @ a_dst  # [N]
    e = jax.nn.leaky_relu(alpha_src[src] + alpha_dst[dst], 0.2)  # [E]
    m = jax.ops.segment_max(e, dst, num_segments=x.shape[0])
    ex = jnp.exp(e - m[dst])
    denom = jax.ops.segment_sum(ex, dst, num_segments=x.shape[0])
    alpha = ex / (denom[dst] + 1e-16)
    out = jax.ops.segment_sum(alpha[:, None] * h[src], dst, num_segments=x.shape[0])
    return out + bias


def _last_node_readout(x_out, batch, num_graphs):
    counts = jax.ops.segment_sum(jnp.ones_like(batch), batch, num_segments=num_graphs)
    self_index = jnp.cumsum(counts) - 1
    return jax.nn.sigmoid(x_out[self_index])


def reference(up_x, up_edge_index, up_batch, down_x, down_edge_index, down_batch,
              W_up, att_src_up, att_dst_up, bias_up,
              W_down, att_src_down, att_dst_down, bias_down,
              mlp_W, mlp_b):
    up_h = _gat_conv(up_x, up_edge_index, W_up, att_src_up, att_dst_up, bias_up)
    up_emb = _last_node_readout(up_h, up_batch, B)
    down_h = _gat_conv(down_x, down_edge_index, W_down, att_src_down, att_dst_down, bias_down)
    down_emb = _last_node_readout(down_h, down_batch, B)
    x = up_emb * down_emb
    return x @ mlp_W + mlp_b

if __name__ == "__main__":
    import jax
    _d = setup_inputs()
    print(jax.jit(kernel)(*tuple(_d.values())))

</pallas_src>

<mosaic_0001>
#map = affine_map<(d0, d1) -> (0, 0)>
#map1 = affine_map<(d0, d1) -> (0)>
#map2 = affine_map<(d0, d1) -> (0, 0, 0)>
module attributes {stable_mosaic.version = 14 : i64} {
  func.func @_sc_body(%arg0: i32, %arg1: i32, %arg2: memref<2x320000xi32, #tpu.memory_space<hbm>>, %arg3: memref<2x320000xi32, #tpu.memory_space<hbm>>, %arg4: memref<10000xf32, #tpu.memory_space<hbm>>, %arg5: memref<10000xf32, #tpu.memory_space<hbm>>, %arg6: memref<10000xf32, #tpu.memory_space<hbm>>, %arg7: memref<10000xf32, #tpu.memory_space<hbm>>, %arg8: memref<64xi32, #tpu.memory_space<hbm>>, %arg9: memref<64xi32, #tpu.memory_space<hbm>>, %arg10: memref<10000x128xf32, #tpu.memory_space<hbm>>, %arg11: memref<10000x128xf32, #tpu.memory_space<hbm>>, %arg12: memref<2x2304x256xf32, #tpu.memory_space<hbm>>, %arg13: memref<2x64xi32, #tpu.memory_space<hbm>>, %arg14: memref<10000xf32, #tpu.memory_space<vmem>>, %arg15: memref<10000xf32, #tpu.memory_space<vmem>>, %arg16: memref<10000xi32, #tpu.memory_space<vmem>>, %arg17: memref<64xi32, #tpu.memory_space<vmem>>, %arg18: memref<64xf32, #tpu.memory_space<vmem>>, %arg19: memref<64xi32, #tpu.memory_space<vmem>>, %arg20: memref<10240xi32, #tpu.memory_space<vmem>>, %arg21: memref<10240xi32, #tpu.memory_space<vmem>>, %arg22: memref<10368xi32, #tpu.memory_space<vmem>>, %arg23: memref<10368xi32, #tpu.memory_space<vmem>>, %arg24: memref<10368xi32, #tpu.memory_space<vmem>>, %arg25: memref<10368xf32, #tpu.memory_space<vmem>>, %arg26: memref<72x256xf32, #tpu.memory_space<vmem>>, %arg27: memref<64x128xf32, #tpu.memory_space<vmem>>, %arg28: memref<!tpu.dma_semaphore, #tpu.memory_space<semaphore_mem>>) attributes {dimension_semantics = [#tpu.dimension_semantics<core_parallel>, #tpu.dimension_semantics<subcore_parallel>], iteration_bounds = array<i64: 2, 16>, scalar_prefetch = 0 : i64, scratch_operands = 15 : i64, tpu.core_type = #tpu.core_type<sc_vector_subcore>, window_params = [{transform_indices = #map}, {transform_indices = #map}, {transform_indices = #map1}, {transform_indices = #map1}, {transform_indices = #map1}, {transform_indices = #map1}, {transform_indices = #map1}, {transform_indices = #map1}, {transform_indices = #map}, {transform_indices = #map}, {transform_indices = #map2}, {transform_indices = #map}]} {
    %mul3A = arith.constant 2 : i32
    %mul3A_0 = arith.muli %arg1, %mul3A : i32
    %add3A = arith.addi %mul3A_0, %arg0 : i32
    %iota3A = tpu.iota {dimensions = array<i32: 0>} : vector<16xi32>
    %scan3A = arith.constant 0 : i32
    %scan3A_1 = arith.constant 0 : i32
    %scan3A_2 = arith.constant 156 : i32
    %scan3A_3 = arith.addi %scan3A_1, %scan3A_2 : i32
    %scan3A_4 = arith.constant 1 : i32
    %scan3A_5 = scf.for %scan3A_843 = %scan3A_1 to %scan3A_3 step %scan3A_4 iter_args(%scan3A_844 = %scan3A) -> (i32)  : i32 {
      %broadcast_in_dim3A_845 = arith.constant -1 : i32
      %broadcast_in_dim3A_846 = vector.broadcast %broadcast_in_dim3A_845 : i32 to vector<16xi32>
      %mul3A_847 = arith.constant 64 : i32
      %mul3A_848 = arith.muli %scan3A_843, %mul3A_847 : i32
      %add3A_849 = arith.constant 0 : i32
      %add3A_850 = arith.addi %mul3A_848, %add3A_849 : i32
      %swap3A_851 = arith.index_cast %add3A_850 : i32 to index
      %swap3A_852 = tpu.vector_load %arg16[%swap3A_851] {strides = array<i32>} : memref<10000xi32, #tpu.memory_space<vmem>>, vector<16xi32>,
      tpu.vector_store %arg16[%swap3A_851], %broadcast_in_dim3A_846 {strides = array<i32>} : memref<10000xi32, #tpu.memory_space<vmem>>, vector<16xi32>,
      %broadcast_in_dim3A_853 = arith.constant -1 : i32
      %broadcast_in_dim3A_854 = vector.broadcast %broadcast_in_dim3A_853 : i32 to vector<16xi32>
      %mul3A_855 = arith.constant 64 : i32
      %mul3A_856 = arith.muli %scan3A_843, %mul3A_855 : i32
      %add3A_857 = arith.constant 16 : i32
      %add3A_858 = arith.addi %mul3A_856, %add3A_857 : i32
      %swap3A_859 = arith.index_cast %add3A_858 : i32 to index
      %swap3A_860 = tpu.vector_load %arg16[%swap3A_859] {strides = array<i32>} : memref<10000xi32, #tpu.memory_space<vmem>>, vector<16xi32>,
      tpu.vector_store %arg16[%swap3A_859], %broadcast_in_dim3A_854 {strides = array<i32>} : memref<10000xi32, #tpu.memory_space<vmem>>, vector<16xi32>,
      %broadcast_in_dim3A_861 = arith.constant -1 : i32
      %broadcast_in_dim3A_862 = vector.broadcast %broadcast_in_dim3A_861 : i32 to vector<16xi32>
      %mul3A_863 = arith.constant 64 : i32
      %mul3A_864 = arith.muli %scan3A_843, %mul3A_863 : i32
      %add3A_865 = arith.constant 32 : i32
      %add3A_866 = arith.addi %mul3A_864, %add3A_865 : i32
      %swap3A_867 = arith.index_cast %add3A_866 : i32 to index
      %swap3A_868 = tpu.vector_load %arg16[%swap3A_867] {strides = array<i32>} : memref<10000xi32, #tpu.memory_space<vmem>>, vector<16xi32>,
      tpu.vector_store %arg16[%swap3A_867], %broadcast_in_dim3A_862 {strides = array<i32>} : memref<10000xi32, #tpu.memory_space<vmem>>, vector<16xi32>,
      %broadcast_in_dim3A_869 = arith.constant -1 : i32
      %broadcast_in_dim3A_870 = vector.broadcast %broadcast_in_dim3A_869 : i32 to vector<16xi32>
      %mul3A_871 = arith.constant 64 : i32
      %mul3A_872 = arith.muli %scan3A_843, %mul3A_871 : i32
      %add3A_873 = arith.constant 48 : i32
      %add3A_874 = arith.addi %mul3A_872, %add3A_873 : i32
      %swap3A_875 = arith.index_cast %add3A_874 : i32 to index
      %swap3A_876 = tpu.vector_load %arg16[%swap3A_875] {strides = array<i32>} : memref<10000xi32, #tpu.memory_space<vmem>>, vector<16xi32>,
      tpu.vector_store %arg16[%swap3A_875], %broadcast_in_dim3A_870 {strides = array<i32>} : memref<10000xi32, #tpu.memory_space<vmem>>, vector<16xi32>,
      %scan3A_877 = arith.constant 0 : i32
      scf.yield %scan3A_877 : i32
    }
    %scan3A_6 = arith.constant 156 : i32
    %broadcast_in_dim3A = arith.constant -1 : i32
    %broadcast_in_dim3A_7 = vector.broadcast %broadcast_in_dim3A : i32 to vector<16xi32>
    %swap3A = arith.constant 9984 : index
    %swap3A_8 = tpu.vector_load %arg16[%swap3A] {strides = array<i32>} : memref<10000xi32, #tpu.memory_space<vmem>>, vector<16xi32>,
    tpu.vector_store %arg16[%swap3A], %broadcast_in_dim3A_7 {strides = array<i32>} : memref<10000xi32, #tpu.memory_space<vmem>>, vector<16xi32>,
    "tpu.region"() ({
      %run_scoped3A_843 = tpu.sem_alloc : memref<!tpu.dma_semaphore, #tpu.memory_space<semaphore_mem>>
      tpu.enqueue_dma source(%arg4 : memref<10000xf32, #tpu.memory_space<hbm>>) target(%arg14 : memref<10000xf32, #tpu.memory_space<vmem>>) target_semaphore(%run_scoped3A_843 : memref<!tpu.dma_semaphore, #tpu.memory_space<semaphore_mem>>)
      tpu.wait_dma2 semaphore(%run_scoped3A_843 : memref<!tpu.dma_semaphore, #tpu.memory_space<semaphore_mem>>) src(%arg4 : memref<10000xf32, #tpu.memory_space<hbm>>) dst(%arg14 : memref<10000xf32, #tpu.memory_space<vmem>>)
      tpu.yield
    }) : () -> ()
    "tpu.region"() ({
      %run_scoped3A_843 = tpu.sem_alloc : memref<!tpu.dma_semaphore, #tpu.memory_space<semaphore_mem>>
      tpu.enqueue_dma source(%arg5 : memref<10000xf32, #tpu.memory_space<hbm>>) target(%arg15 : memref<10000xf32, #tpu.memory_space<vmem>>) target_semaphore(%run_scoped3A_843 : memref<!tpu.dma_semaphore, #tpu.memory_space<semaphore_mem>>)
      tpu.wait_dma2 semaphore(%run_scoped3A_843 : memref<!tpu.dma_semaphore, #tpu.memory_space<semaphore_mem>>) src(%arg5 : memref<10000xf32, #tpu.memory_space<hbm>>) dst(%arg15 : memref<10000xf32, #tpu.memory_space<vmem>>)
      tpu.yield
    }) : () -> ()
    "tpu.region"() ({
      %run_scoped3A_843 = tpu.sem_alloc : memref<!tpu.dma_semaphore, #tpu.memory_space<semaphore_mem>>
      tpu.enqueue_dma source(%arg8 : memref<64xi32, #tpu.memory_space<hbm>>) target(%arg17 : memref<64xi32, #tpu.memory_space<vmem>>) target_semaphore(%run_scoped3A_843 : memref<!tpu.dma_semaphore, #tpu.memory_space<semaphore_mem>>)
      tpu.wait_dma2 semaphore(%run_scoped3A_843 : memref<!tpu.dma_semaphore, #tpu.memory_space<semaphore_mem>>) src(%arg8 : memref<64xi32, #tpu.memory_space<hbm>>) dst(%arg17 : memref<64xi32, #tpu.memory_space<vmem>>)
      tpu.yield
    }) : () -> ()
    %get3A = arith.constant 0 : index
    %get3A_9 = tpu.vector_load %arg17[%get3A] {strides = array<i32>} : memref<64xi32, #tpu.memory_space<vmem>>, vector<16xi32>,
    %lt3A = arith.constant 0 : i32
    %lt3A_10 = vector.broadcast %lt3A : i32 to vector<16xi32>
    %lt3A_11 = arith.cmpi slt, %get3A_9, %lt3A_10 : vector<16xi32>
    %add3A_12 = arith.constant 10000 : i32
    %add3A_13 = vector.broadcast %add3A_12 : i32 to vector<16xi32>
    %add3A_14 = arith.addi %get3A_9, %add3A_13 : vector<16xi32>
    %select_n3A = arith.select %lt3A_11, %add3A_14, %get3A_9 : vector<16xi1>, vector<16xi32>
    %swap3A_15 = arith.constant 0 : index
    %swap3A_16 = tpu.vector_load %arg17[%swap3A_15] {strides = array<i32>} : memref<64xi32, #tpu.memory_space<vmem>>, vector<16xi32>,
    tpu.vector_store %arg17[%swap3A_15], %select_n3A {strides = array<i32>} : memref<64xi32, #tpu.memory_space<vmem>>, vector<16xi32>,
    %add3A_17 = arith.constant 0 : i32
    %add3A_18 = vector.broadcast %add3A_17 : i32 to vector<16xi32>
    %add3A_19 = arith.addi %iota3A, %add3A_18 : vector<16xi32>
    tpu.vector_store_idx %arg16[%select_n3A], %add3A_19 : memref<10000xi32, #tpu.memory_space<vmem>>[vector<16xi32>], vector<16xi32>,
    %get3A_20 = arith.constant 16 : index
    %get3A_21 = tpu.vector_load %arg17[%get3A_20] {strides = array<i32>} : memref<64xi32, #tpu.memory_space<vmem>>, vector<16xi32>,
    %lt3A_22 = arith.constant 0 : i32
    %lt3A_23 = vector.broadcast %lt3A_22 : i32 to vector<16xi32>
    %lt3A_24 = arith.cmpi slt, %get3A_21, %lt3A_23 : vector<16xi32>
    %add3A_25 = arith.constant 10000 : i32
    %add3A_26 = vector.broadcast %add3A_25 : i32 to vector<16xi32>
    %add3A_27 = arith.addi %get3A_21, %add3A_26 : vector<16xi32>
    %select_n3A_28 = arith.select %lt3A_24, %add3A_27, %get3A_21 : vector<16xi1>, vector<16xi32>
    %swap3A_29 = arith.constant 16 : index
    %swap3A_30 = tpu.vector_load %arg17[%swap3A_29] {strides = array<i32>} : memref<64xi32, #tpu.memory_space<vmem>>, vector<16xi32>,
    tpu.vector_store %arg17[%swap3A_29], %select_n3A_28 {strides = array<i32>} : memref<64xi32, #tpu.memory_space<vmem>>, vector<16xi32>,
    %add3A_31 = arith.constant 16 : i32
    %add3A_32 = vector.broadcast %add3A_31 : i32 to vector<16xi32>
    %add3A_33 = arith.addi %iota3A, %add3A_32 : vector<16xi32>
    tpu.vector_store_idx %arg16[%select_n3A_28], %add3A_33 : memref<10000xi32, #tpu.memory_space<vmem>>[vector<16xi32>], vector<16xi32>,
    %get3A_34 = arith.constant 32 : index
    %get3A_35 = tpu.vector_load %arg17[%get3A_34] {strides = array<i32>} : memref<64xi32, #tpu.memory_space<vmem>>, vector<16xi32>,
    %lt3A_36 = arith.constant 0 : i32
    %lt3A_37 = vector.broadcast %lt3A_36 : i32 to vector<16xi32>
    %lt3A_38 = arith.cmpi slt, %get3A_35, %lt3A_37 : vector<16xi32>
    %add3A_39 = arith.constant 10000 : i32
    %add3A_40 = vector.broadcast %add3A_39 : i32 to vector<16xi32>
    %add3A_41 = arith.addi %get3A_35, %add3A_40 : vector<16xi32>
    %select_n3A_42 = arith.select %lt3A_38, %add3A_41, %get3A_35 : vector<16xi1>, vector<16xi32>
    %swap3A_43 = arith.constant 32 : index
    %swap3A_44 = tpu.vector_load %arg17[%swap3A_43] {strides = array<i32>} : memref<64xi32, #tpu.memory_space<vmem>>, vector<16xi32>,
    tpu.vector_store %arg17[%swap3A_43], %select_n3A_42 {strides = array<i32>} : memref<64xi32, #tpu.memory_space<vmem>>, vector<16xi32>,
    %add3A_45 = arith.constant 32 : i32
    %add3A_46 = vector.broadcast %add3A_45 : i32 to vector<16xi32>
    %add3A_47 = arith.addi %iota3A, %add3A_46 : vector<16xi32>
    tpu.vector_store_idx %arg16[%select_n3A_42], %add3A_47 : memref<10000xi32, #tpu.memory_space<vmem>>[vector<16xi32>], vector<16xi32>,
    %get3A_48 = arith.constant 48 : index
    %get3A_49 = tpu.vector_load %arg17[%get3A_48] {strides = array<i32>} : memref<64xi32, #tpu.memory_space<vmem>>, vector<16xi32>,
    %lt3A_50 = arith.constant 0 : i32
    %lt3A_51 = vector.broadcast %lt3A_50 : i32 to vector<16xi32>
    %lt3A_52 = arith.cmpi slt, %get3A_49, %lt3A_51 : vector<16xi32>
    %add3A_53 = arith.constant 10000 : i32
    %add3A_54 = vector.broadcast %add3A_53 : i32 to vector<16xi32>
    %add3A_55 = arith.addi %get3A_49, %add3A_54 : vector<16xi32>
    %select_n3A_56 = arith.select %lt3A_52, %add3A_55, %get3A_49 : vector<16xi1>, vector<16xi32>
    %swap3A_57 = arith.constant 48 : index
    %swap3A_58 = tpu.vector_load %arg17[%swap3A_57] {strides = array<i32>} : memref<64xi32, #tpu.memory_space<vmem>>, vector<16xi32>,
    tpu.vector_store %arg17[%swap3A_57], %select_n3A_56 {strides = array<i32>} : memref<64xi32, #tpu.memory_space<vmem>>, vector<16xi32>,
    %add3A_59 = arith.constant 48 : i32
    %add3A_60 = vector.broadcast %add3A_59 : i32 to vector<16xi32>
    %add3A_61 = arith.addi %iota3A, %add3A_60 : vector<16xi32>
    tpu.vector_store_idx %arg16[%select_n3A_56], %add3A_61 : memref<10000xi32, #tpu.memory_space<vmem>>[vector<16xi32>], vector<16xi32>,
    %get3A_62 = arith.constant 0 : index
    %get3A_63 = tpu.vector_load %arg17[%get3A_62] {strides = array<i32>} : memref<64xi32, #tpu.memory_space<vmem>>, vector<16xi32>,
    %gather3A = tpu.vector_load_idx %arg16[%get3A_63] : memref<10000xi32, #tpu.memory_space<vmem>>[vector<16xi32>], vector<16xi32>,
    %swap3A_64 = arith.constant 0 : index
    %swap3A_65 = tpu.vector_load %arg19[%swap3A_64] {strides = array<i32>} : memref<64xi32, #tpu.memory_space<vmem>>, vector<16xi32>,
    tpu.vector_store %arg19[%swap3A_64], %gather3A {strides = array<i32>} : memref<64xi32, #tpu.memory_space<vmem>>, vector<16xi32>,
    %gather3A_66 = tpu.vector_load_idx %arg15[%get3A_63] : memref<10000xf32, #tpu.memory_space<vmem>>[vector<16xi32>], vector<16xf32>,
    %swap3A_67 = arith.constant 0 : index
    %swap3A_68 = tpu.vector_load %arg18[%swap3A_67] {strides = array<i32>} : memref<64xf32, #tpu.memory_space<vmem>>, vector<16xf32>,
    tpu.vector_store %arg18[%swap3A_67], %gather3A_66 {strides = array<i32>} : memref<64xf32, #tpu.memory_space<vmem>>, vector<16xf32>,
    %get3A_69 = arith.constant 16 : index
    %get3A_70 = tpu.vector_load %arg17[%get3A_69] {strides = array<i32>} : memref<64xi32, #tpu.memory_space<vmem>>, vector<16xi32>,
    %gather3A_71 = tpu.vector_load_idx %arg16[%get3A_70] : memref<10000xi32, #tpu.memory_space<vmem>>[vector<16xi32>], vector<16xi32>,
    %swap3A_72 = arith.constant 16 : index
    %swap3A_73 = tpu.vector_load %arg19[%swap3A_72] {strides = array<i32>} : memref<64xi32, #tpu.memory_space<vmem>>, vector<16xi32>,
    tpu.vector_store %arg19[%swap3A_72], %gather3A_71 {strides = array<i32>} : memref<64xi32, #tpu.memory_space<vmem>>, vector<16xi32>,
    %gather3A_74 = tpu.vector_load_idx %arg15[%get3A_70] : memref<10000xf32, #tpu.memory_space<vmem>>[vector<16xi32>], vector<16xf32>,
    %swap3A_75 = arith.constant 16 : index
    %swap3A_76 = tpu.vector_load %arg18[%swap3A_75] {strides = array<i32>} : memref<64xf32, #tpu.memory_space<vmem>>, vector<16xf32>,
    tpu.vector_store %arg18[%swap3A_75], %gather3A_74 {strides = array<i32>} : memref<64xf32, #tpu.memory_space<vmem>>, vector<16xf32>,
    %get3A_77 = arith.constant 32 : index
    %get3A_78 = tpu.vector_load %arg17[%get3A_77] {strides = array<i32>} : memref<64xi32, #tpu.memory_space<vmem>>, vector<16xi32>,
    %gather3A_79 = tpu.vector_load_idx %arg16[%get3A_78] : memref<10000xi32, #tpu.memory_space<vmem>>[vector<16xi32>], vector<16xi32>,
    %swap3A_80 = arith.constant 32 : index
    %swap3A_81 = tpu.vector_load %arg19[%swap3A_80] {strides = array<i32>} : memref<64xi32, #tpu.memory_space<vmem>>, vector<16xi32>,
    tpu.vector_store %arg19[%swap3A_80], %gather3A_79 {strides = array<i32>} : memref<64xi32, #tpu.memory_space<vmem>>, vector<16xi32>,
    %gather3A_82 = tpu.vector_load_idx %arg15[%get3A_78] : memref<10000xf32, #tpu.memory_space<vmem>>[vector<16xi32>], vector<16xf32>,
    %swap3A_83 = arith.constant 32 : index
    %swap3A_84 = tpu.vector_load %arg18[%swap3A_83] {strides = array<i32>} : memref<64xf32, #tpu.memory_space<vmem>>, vector<16xf32>,
    tpu.vector_store %arg18[%swap3A_83], %gather3A_82 {strides = array<i32>} : memref<64xf32, #tpu.memory_space<vmem>>, vector<16xf32>,
    %get3A_85 = arith.constant 48 : index
    %get3A_86 = tpu.vector_load %arg17[%get3A_85] {strides = array<i32>} : memref<64xi32, #tpu.memory_space<vmem>>, vector<16xi32>,
    %gather3A_87 = tpu.vector_load_idx %arg16[%get3A_86] : memref<10000xi32, #tpu.memory_space<vmem>>[vector<16xi32>], vector<16xi32>,
    %swap3A_88 = arith.constant 48 : index
    %swap3A_89 = tpu.vector_load %arg19[%swap3A_88] {strides = array<i32>} : memref<64xi32, #tpu.memory_space<vmem>>, vector<16xi32>,
    tpu.vector_store %arg19[%swap3A_88], %gather3A_87 {strides = array<i32>} : memref<64xi32, #tpu.memory_space<vmem>>, vector<16xi32>,
    %gather3A_90 = tpu.vector_load_idx %arg15[%get3A_86] : memref<10000xf32, #tpu.memory_space<vmem>>[vector<16xi32>], vector<16xf32>,
    %swap3A_91 = arith.constant 48 : index
    %swap3A_92 = tpu.vector_load %arg18[%swap3A_91] {strides = array<i32>} : memref<64xf32, #tpu.memory_space<vmem>>, vector<16xf32>,
    tpu.vector_store %arg18[%swap3A_91], %gather3A_90 {strides = array<i32>} : memref<64xf32, #tpu.memory_space<vmem>>, vector<16xf32>,
    %scan3A_93 = arith.constant 0 : i32
    %scan3A_94 = arith.constant 0 : i32
    %scan3A_95 = arith.constant 64 : i32
    %scan3A_96 = arith.addi %scan3A_94, %scan3A_95 : i32
    %scan3A_97 = arith.constant 1 : i32
    %scan3A_98 = scf.for %scan3A_843 = %scan3A_94 to %scan3A_96 step %scan3A_97 iter_args(%scan3A_844 = %scan3A_93) -> (i32)  : i32 {
      %broadcast_in_dim3A_845 = arith.constant 0.000000e+00 : f32
      %broadcast_in_dim3A_846 = vector.broadcast %broadcast_in_dim3A_845 : f32 to vector<16xf32>
      %swap3A_847 = arith.index_cast %scan3A_843 : i32 to index
      %swap3A_848 = arith.constant 0 : index
      %swap3A_849 = tpu.vector_load %arg26[%swap3A_847, %swap3A_848] {strides = array<i32>} : memref<72x256xf32, #tpu.memory_space<vmem>>, vector<16xf32>,
      tpu.vector_store %arg26[%swap3A_847, %swap3A_848], %broadcast_in_dim3A_846 {strides = array<i32>} : memref<72x256xf32, #tpu.memory_space<vmem>>, vector<16xf32>,
      %broadcast_in_dim3A_850 = arith.constant 0.000000e+00 : f32
      %broadcast_in_dim3A_851 = vector.broadcast %broadcast_in_dim3A_850 : f32 to vector<16xf32>
      %swap3A_852 = arith.index_cast %scan3A_843 : i32 to index
      %swap3A_853 = arith.constant 16 : index
      %swap3A_854 = tpu.vector_load %arg26[%swap3A_852, %swap3A_853] {strides = array<i32>} : memref<72x256xf32, #tpu.memory_space<vmem>>, vector<16xf32>,
      tpu.vector_store %arg26[%swap3A_852, %swap3A_853], %broadcast_in_dim3A_851 {strides = array<i32>} : memref<72x256xf32, #tpu.memory_space<vmem>>, vector<16xf32>,
      %broadcast_in_dim3A_855 = arith.constant 0.000000e+00 : f32
      %broadcast_in_dim3A_856 = vector.broadcast %broadcast_in_dim3A_855 : f32 to vector<16xf32>
      %swap3A_857 = arith.index_cast %scan3A_843 : i32 to index
      %swap3A_858 = arith.constant 32 : index
      %swap3A_859 = tpu.vector_load %arg26[%swap3A_857, %swap3A_858] {strides = array<i32>} : memref<72x256xf32, #tpu.memory_space<vmem>>, vector<16xf32>,
      tpu.vector_store %arg26[%swap3A_857, %swap3A_858], %broadcast_in_dim3A_856 {strides = array<i32>} : memref<72x256xf32, #tpu.memory_space<vmem>>, vector<16xf32>,
      %broadcast_in_dim3A_860 = arith.constant 0.000000e+00 : f32
      %broadcast_in_dim3A_861 = vector.broadcast %broadcast_in_dim3A_860 : f32 to vector<16xf32>
      %swap3A_862 = arith.index_cast %scan3A_843 : i32 to index
      %swap3A_863 = arith.constant 48 : index
      %swap3A_864 = tpu.vector_load %arg26[%swap3A_862, %swap3A_863] {strides = array<i32>} : memref<72x256xf32, #tpu.memory_space<vmem>>, vector<16xf32>,
      tpu.vector_store %arg26[%swap3A_862, %swap3A_863], %broadcast_in_dim3A_861 {strides = array<i32>} : memref<72x256xf32, #tpu.memory_space<vmem>>, vector<16xf32>,
      %broadcast_in_dim3A_865 = arith.constant 0.000000e+00 : f32
      %broadcast_in_dim3A_866 = vector.broadcast %broadcast_in_dim3A_865 : f32 to vector<16xf32>
      %swap3A_867 = arith.index_cast %scan3A_843 : i32 to index
      %swap3A_868 = arith.constant 64 : index
      %swap3A_869 = tpu.vector_load %arg26[%swap3A_867, %swap3A_868] {strides = array<i32>} : memref<72x256xf32, #tpu.memory_space<vmem>>, vector<16xf32>,
      tpu.vector_store %arg26[%swap3A_867, %swap3A_868], %broadcast_in_dim3A_866 {strides = array<i32>} : memref<72x256xf32, #tpu.memory_space<vmem>>, vector<16xf32>,
      %broadcast_in_dim3A_870 = arith.constant 0.000000e+00 : f32
      %broadcast_in_dim3A_871 = vector.broadcast %broadcast_in_dim3A_870 : f32 to vector<16xf32>
      %swap3A_872 = arith.index_cast %scan3A_843 : i32 to index
      %swap3A_873 = arith.constant 80 : index
      %swap3A_874 = tpu.vector_load %arg26[%swap3A_872, %swap3A_873] {strides = array<i32>} : memref<72x256xf32, #tpu.memory_space<vmem>>, vector<16xf32>,
      tpu.vector_store %arg26[%swap3A_872, %swap3A_873], %broadcast_in_dim3A_871 {strides = array<i32>} : memref<72x256xf32, #tpu.memory_space<vmem>>, vector<16xf32>,
      %broadcast_in_dim3A_875 = arith.constant 0.000000e+00 : f32
      %broadcast_in_dim3A_876 = vector.broadcast %broadcast_in_dim3A_875 : f32 to vector<16xf32>
      %swap3A_877 = arith.index_cast %scan3A_843 : i32 to index
      %swap3A_878 = arith.constant 96 : index
      %swap3A_879 = tpu.vector_load %arg26[%swap3A_877, %swap3A_878] {strides = array<i32>} : memref<72x256xf32, #tpu.memory_space<vmem>>, vector<16xf32>,
      tpu.vector_store %arg26[%swap3A_877, %swap3A_878], %broadcast_in_dim3A_876 {strides = array<i32>} : memref<72x256xf32, #tpu.memory_space<vmem>>, vector<16xf32>,
      %broadcast_in_dim3A_880 = arith.constant 0.000000e+00 : f32
      %broadcast_in_dim3A_881 = vector.broadcast %broadcast_in_dim3A_880 : f32 to vector<16xf32>
      %swap3A_882 = arith.index_cast %scan3A_843 : i32 to index
      %swap3A_883 = arith.constant 112 : index
      %swap3A_884 = tpu.vector_load %arg26[%swap3A_882, %swap3A_883] {strides = array<i32>} : memref<72x256xf32, #tpu.memory_space<vmem>>, vector<16xf32>,
      tpu.vector_store %arg26[%swap3A_882, %swap3A_883], %broadcast_in_dim3A_881 {strides = array<i32>} : memref<72x256xf32, #tpu.memory_space<vmem>>, vector<16xf32>,
      %broadcast_in_dim3A_885 = arith.constant 0.000000e+00 : f32
      %broadcast_in_dim3A_886 = vector.broadcast %broadcast_in_dim3A_885 : f32 to vector<16xf32>
      %swap3A_887 = arith.index_cast %scan3A_843 : i32 to index
      %swap3A_888 = arith.constant 128 : index
      %swap3A_889 = tpu.vector_load %arg26[%swap3A_887, %swap3A_888] {strides = array<i32>} : memref<72x256xf32, #tpu.memory_space<vmem>>, vector<16xf32>,
      tpu.vector_store %arg26[%swap3A_887, %swap3A_888], %broadcast_in_dim3A_886 {strides = array<i32>} : memref<72x256xf32, #tpu.memory_space<vmem>>, vector<16xf32>,
      %scan3A_890 = arith.constant 0 : i32
      scf.yield %scan3A_890 : i32
    }
    %scan3A_99 = arith.constant 64 : i32
    %broadcast_in_dim3A_100 = arith.constant 0.000000e+00 : f32
    %broadcast_in_dim3A_101 = vector.broadcast %broadcast_in_dim3A_100 : f32 to vector<16xf32>
    %swap3A_102 = arith.constant 64 : i32
    %swap3A_103 = arith.index_cast %swap3A_102 : i32 to index
    %swap3A_104 = arith.constant 0 : index
    %swap3A_105 = tpu.vector_load %arg26[%swap3A_103, %swap3A_104] {strides = array<i32>} : memref<72x256xf32, #tpu.memory_space<vmem>>, vector<16xf32>,
    tpu.vector_store %arg26[%swap3A_103, %swap3A_104], %broadcast_in_dim3A_101 {strides = array<i32>} : memref<72x256xf32, #tpu.memory_space<vmem>>, vector<16xf32>,
    %eq3A = arith.constant 31 : i32
    %eq3A_106 = arith.cmpi eq, %add3A, %eq3A : i32
    %mul3A_107 = arith.constant 10240 : i32
    %mul3A_108 = arith.muli %add3A, %mul3A_107 : i32
    %jit3A = arith.constant 309760 : i32
    %select_n3A_109 = arith.select %eq3A_106, %jit3A, %mul3A_108 : i32
    %run_scoped3A = arith.constant 0 : i32
    "tpu.region"() ({
      %run_scoped3A_843 = tpu.sem_alloc : memref<!tpu.dma_semaphore, #tpu.memory_space<semaphore_mem>>
      %dma_start3A = tpu.memref_slice %arg2[%run_scoped3A, %select_n3A_109] : memref<2x320000xi32, #tpu.memory_space<hbm>> -> memref<1x10240xi32, #tpu.memory_space<hbm>>
      %dma_start3A_844 = tpu.memref_squeeze %dma_start3A : memref<1x10240xi32, #tpu.memory_space<hbm>> -> memref<10240xi32, #tpu.memory_space<hbm>>
      %dma_start3A_845 = tpu.memref_slice %arg2[%run_scoped3A, %select_n3A_109] : memref<2x320000xi32, #tpu.memory_space<hbm>> -> memref<1x10240xi32, #tpu.memory_space<hbm>>
      %dma_start3A_846 = tpu.memref_squeeze %dma_start3A_845 : memref<1x10240xi32, #tpu.memory_space<hbm>> -> memref<10240xi32, #tpu.memory_space<hbm>>
      tpu.enqueue_dma source(%dma_start3A_846 : memref<10240xi32, #tpu.memory_space<hbm>>) target(%arg20 : memref<10240xi32, #tpu.memory_space<vmem>>) target_semaphore(%run_scoped3A_843 : memref<!tpu.dma_semaphore, #tpu.memory_space<semaphore_mem>>)
      %dma_wait3A = tpu.memref_slice %arg2[%run_scoped3A, %select_n3A_109] : memref<2x320000xi32, #tpu.memory_space<hbm>> -> memref<1x10240xi32, #tpu.memory_space<hbm>>
      %dma_wait3A_847 = tpu.memref_squeeze %dma_wait3A : memref<1x10240xi32, #tpu.memory_space<hbm>> -> memref<10240xi32, #tpu.memory_space<hbm>>
      %dma_wait3A_848 = tpu.memref_slice %arg2[%run_scoped3A, %select_n3A_109] : memref<2x320000xi32, #tpu.memory_space<hbm>> -> memref<1x10240xi32, #tpu.memory_space<hbm>>
      %dma_wait3A_849 = tpu.memref_squeeze %dma_wait3A_848 : memref<1x10240xi32, #tpu.memory_space<hbm>> -> memref<10240xi32, #tpu.memory_space<hbm>>
      tpu.wait_dma2 semaphore(%run_scoped3A_843 : memref<!tpu.dma_semaphore, #tpu.memory_space<semaphore_mem>>) src(%dma_wait3A_849 : memref<10240xi32, #tpu.memory_space<hbm>>) dst(%arg20 : memref<10240xi32, #tpu.memory_space<vmem>>)
      tpu.yield
    }) : () -> ()
    %run_scoped3A_110 = arith.constant 1 : i32
    "tpu.region"() ({
      %run_scoped3A_843 = tpu.sem_alloc : memref<!tpu.dma_semaphore, #tpu.memory_space<semaphore_mem>>
      %dma_start3A = tpu.memref_slice %arg2[%run_scoped3A_110, %select_n3A_109] : memref<2x320000xi32, #tpu.memory_space<hbm>> -> memref<1x10240xi32, #tpu.memory_space<hbm>>
      %dma_start3A_844 = tpu.memref_squeeze %dma_start3A : memref<1x10240xi32, #tpu.memory_space<hbm>> -> memref<10240xi32, #tpu.memory_space<hbm>>
      %dma_start3A_845 = tpu.memref_slice %arg2[%run_scoped3A_110, %select_n3A_109] : memref<2x320000xi32, #tpu.memory_space<hbm>> -> memref<1x10240xi32, #tpu.memory_space<hbm>>
      %dma_start3A_846 = tpu.memref_squeeze %dma_start3A_845 : memref<1x10240xi32, #tpu.memory_space<hbm>> -> memref<10240xi32, #tpu.memory_space<hbm>>
      tpu.enqueue_dma source(%dma_start3A_846 : memref<10240xi32, #tpu.memory_space<hbm>>) target(%arg21 : memref<10240xi32, #tpu.memory_space<vmem>>) target_semaphore(%run_scoped3A_843 : memref<!tpu.dma_semaphore, #tpu.memory_space<semaphore_mem>>)
      %dma_wait3A = tpu.memref_slice %arg2[%run_scoped3A_110, %select_n3A_109] : memref<2x320000xi32, #tpu.memory_space<hbm>> -> memref<1x10240xi32, #tpu.memory_space<hbm>>
      %dma_wait3A_847 = tpu.memref_squeeze %dma_wait3A : memref<1x10240xi32, #tpu.memory_space<hbm>> -> memref<10240xi32, #tpu.memory_space<hbm>>
      %dma_wait3A_848 = tpu.memref_slice %arg2[%run_scoped3A_110, %select_n3A_109] : memref<2x320000xi32, #tpu.memory_space<hbm>> -> memref<1x10240xi32, #tpu.memory_space<hbm>>
      %dma_wait3A_849 = tpu.memref_squeeze %dma_wait3A_848 : memref<1x10240xi32, #tpu.memory_space<hbm>> -> memref<10240xi32, #tpu.memory_space<hbm>>
      tpu.wait_dma2 semaphore(%run_scoped3A_843 : memref<!tpu.dma_semaphore, #tpu.memory_space<semaphore_mem>>) src(%dma_wait3A_849 : memref<10240xi32, #tpu.memory_space<hbm>>) dst(%arg21 : memref<10240xi32, #tpu.memory_space<vmem>>)
      tpu.yield
    }) : () -> ()
    %eq3A_111 = arith.constant 31 : i32
    %eq3A_112 = arith.cmpi eq, %add3A, %eq3A_111 : i32
    %jit3A_113 = arith.constant 7680 : i32
    %jit3A_114 = arith.constant 0 : i32
    %select_n3A_115 = arith.select %eq3A_112, %jit3A_113, %jit3A_114 : i32
    %parallel_loop3A = arith.constant 10240 : i32
    %parallel_loop3A_116 = arith.constant 32 : i32
    %parallel_loop3A_117 = arith.constant 0 : i32
    %parallel_loop3A_118 = arith.constant 5184 : i32
    %parallel_loop3A_119:2 = scf.for %parallel_loop3A_843 = %select_n3A_115 to %parallel_loop3A step %parallel_loop3A_116 iter_args(%parallel_loop3A_844 = %parallel_loop3A_117, %parallel_loop3A_845 = %parallel_loop3A_118) -> (i32, i32)  : i32 {
      %parallel_loop3A_846 = arith.constant 0 : i32
      %parallel_loop3A_847 = arith.addi %parallel_loop3A_843, %parallel_loop3A_846 : i32
      %parallel_loop3A_848 = arith.index_cast %parallel_loop3A_847 : i32 to index
      %parallel_loop3A_849 = tpu.vector_load %arg21[%parallel_loop3A_848] {strides = array<i32>} : memref<10240xi32, #tpu.memory_space<vmem>>, vector<16xi32>,
      %parallel_loop3A_850 = tpu.vector_load_idx %arg16[%parallel_loop3A_849] : memref<10000xi32, #tpu.memory_space<vmem>>[vector<16xi32>], vector<16xi32>,
      %parallel_loop3A_851 = arith.constant 0 : i32
      %parallel_loop3A_852 = vector.broadcast %parallel_loop3A_851 : i32 to vector<16xi32>
      %parallel_loop3A_853 = arith.cmpi sge, %parallel_loop3A_850, %parallel_loop3A_852 : vector<16xi32>
      %parallel_loop3A_854 = vector.broadcast %parallel_loop3A_843 : i32 to vector<16xi32>
      %parallel_loop3A_855 = arith.addi %iota3A, %parallel_loop3A_854 : vector<16xi32>
      %parallel_loop3A_856 = arith.constant 0 : i32
      %parallel_loop3A_857 = vector.broadcast %parallel_loop3A_856 : i32 to vector<16xi32>
      %parallel_loop3A_858 = arith.addi %parallel_loop3A_855, %parallel_loop3A_857 : vector<16xi32>
      %parallel_loop3A_859 = arith.index_cast %parallel_loop3A_844 : i32 to index
      %parallel_loop3A_860 = tpu.vector_load %arg22[%parallel_loop3A_859] masked %parallel_loop3A_853 {strides = array<i32>} : memref<10368xi32, #tpu.memory_space<vmem>>, vector<16xi32>, vector<16xi1>
      tpu.vector_store %arg22[%parallel_loop3A_859], %parallel_loop3A_858 masked %parallel_loop3A_853 {strides = array<i32>} : memref<10368xi32, #tpu.memory_space<vmem>>, vector<16xi32>, vector<16xi1>
      %parallel_loop3A_861 = tpu.all_reduce %parallel_loop3A_853 {dim = 0 : i64, kind = #tpu.reduction_kind<sum>} : vector<16xi1> -> vector<16xi32>
      %parallel_loop3A_862 = vector.extract_strided_slice %parallel_loop3A_861 {offsets = [0], sizes = [1], strides = [1]} : vector<16xi32> to vector<1xi32>
      %parallel_loop3A_863 = vector.extract %parallel_loop3A_862[0] : i32 from vector<1xi32>
      %parallel_loop3A_864 = arith.addi %parallel_loop3A_844, %parallel_loop3A_863 : i32
      %parallel_loop3A_865 = arith.constant 16 : i32
      %parallel_loop3A_866 = arith.addi %parallel_loop3A_843, %parallel_loop3A_865 : i32
      %parallel_loop3A_867 = arith.index_cast %parallel_loop3A_866 : i32 to index
      %parallel_loop3A_868 = tpu.vector_load %arg21[%parallel_loop3A_867] {strides = array<i32>} : memref<10240xi32, #tpu.memory_space<vmem>>, vector<16xi32>,
      %parallel_loop3A_869 = tpu.vector_load_idx %arg16[%parallel_loop3A_868] : memref<10000xi32, #tpu.memory_space<vmem>>[vector<16xi32>], vector<16xi32>,
      %parallel_loop3A_870 = arith.constant 0 : i32
      %parallel_loop3A_871 = vector.broadcast %parallel_loop3A_870 : i32 to vector<16xi32>
      %parallel_loop3A_872 = arith.cmpi sge, %parallel_loop3A_869, %parallel_loop3A_871 : vector<16xi32>
      %parallel_loop3A_873 = vector.broadcast %parallel_loop3A_843 : i32 to vector<16xi32>
      %parallel_loop3A_874 = arith.addi %iota3A, %parallel_loop3A_873 : vector<16xi32>
      %parallel_loop3A_875 = arith.constant 16 : i32
      %parallel_loop3A_876 = vector.broadcast %parallel_loop3A_875 : i32 to vector<16xi32>
      %parallel_loop3A_877 = arith.addi %parallel_loop3A_874, %parallel_loop3A_876 : vector<16xi32>
      %parallel_loop3A_878 = arith.index_cast %parallel_loop3A_845 : i32 to index
      %parallel_loop3A_879 = tpu.vector_load %arg22[%parallel_loop3A_878] masked %parallel_loop3A_872 {strides = array<i32>} : memref<10368xi32, #tpu.memory_space<vmem>>, vector<16xi32>, vector<16xi1>
      tpu.vector_store %arg22[%parallel_loop3A_878], %parallel_loop3A_877 masked %parallel_loop3A_872 {strides = array<i32>} : memref<10368xi32, #tpu.memory_space<vmem>>, vector<16xi32>, vector<16xi1>
      %parallel_loop3A_880 = tpu.all_reduce %parallel_loop3A_872 {dim = 0 : i64, kind = #tpu.reduction_kind<sum>} : vector<16xi1> -> vector<16xi32>
      %parallel_loop3A_881 = vector.extract_strided_slice %parallel_loop3A_880 {offsets = [0], sizes = [1], strides = [1]} : vector<16xi32> to vector<1xi32>
      %parallel_loop3A_882 = vector.extract %parallel_loop3A_881[0] : i32 from vector<1xi32>
      %parallel_loop3A_883 = arith.addi %parallel_loop3A_845, %parallel_loop3A_882 : i32
      scf.yield %parallel_loop3A_864, %parallel_loop3A_883 : i32, i32
    } {sc.loop_unroll_factor = 4 : i64, sc.parallel_access}
    %sub3A = arith.constant 0 : i32
    %sub3A_120 = arith.subi %parallel_loop3A_119#0, %sub3A : i32
    %add3A_121 = arith.constant 63 : i32
    %add3A_122 = arith.addi %sub3A_120, %add3A_121 : i32
    %jit3A_123 = arith.constant 64 : i32
    %div3A = arith.divsi %add3A_122, %jit3A_123 : i32
    %sign3A = arith.constant 0 : i32
    %sign3A_124 = arith.cmpi sgt, %add3A_122, %sign3A : i32
    %sign3A_125 = arith.extui %sign3A_124 : i1 to i32
    %sign3A_126 = arith.constant 0 : i32
    %sign3A_127 = arith.cmpi slt, %add3A_122, %sign3A_126 : i32
    %sign3A_128 = arith.extui %sign3A_127 : i1 to i32
    %sign3A_129 = arith.subi %sign3A_125, %sign3A_128 : i32
    %sign3A_130 = arith.constant 0 : i32
    %sign3A_131 = arith.cmpi sgt, %jit3A_123, %sign3A_130 : i32
    %sign3A_132 = arith.extui %sign3A_131 : i1 to i32
    %sign3A_133 = arith.constant 0 : i32
    %sign3A_134 = arith.cmpi slt, %jit3A_123, %sign3A_133 : i32
    %sign3A_135 = arith.extui %sign3A_134 : i1 to i32
    %sign3A_136 = arith.subi %sign3A_132, %sign3A_135 : i32
    %ne3A = arith.cmpi ne, %sign3A_129, %sign3A_136 : i32
    %rem3A = arith.remsi %add3A_122, %jit3A_123 : i32
    %ne3A_137 = arith.constant 0 : i32
    %ne3A_138 = arith.cmpi ne, %rem3A, %ne3A_137 : i32
    %and3A = arith.andi %ne3A, %ne3A_138 : i1
    %sub3A_139 = arith.constant 1 : i32
    %sub3A_140 = arith.subi %div3A, %sub3A_139 : i32
    %select_n3A_141 = arith.select %and3A, %sub3A_140, %div3A : i32
    %mul3A_142 = arith.constant 64 : i32
    %mul3A_143 = arith.muli %select_n3A_141, %mul3A_142 : i32
    %add3A_144 = arith.constant 0 : i32
    %add3A_145 = arith.addi %add3A_144, %mul3A_143 : i32
    %sub3A_146 = arith.constant 5184 : i32
    %sub3A_147 = arith.subi %parallel_loop3A_119#1, %sub3A_146 : i32
    %add3A_148 = arith.constant 63 : i32
    %add3A_149 = arith.addi %sub3A_147, %add3A_148 : i32
    %jit3A_150 = arith.constant 64 : i32
    %div3A_151 = arith.divsi %add3A_149, %jit3A_150 : i32
    %sign3A_152 = arith.constant 0 : i32
    %sign3A_153 = arith.cmpi sgt, %add3A_149, %sign3A_152 : i32
    %sign3A_154 = arith.extui %sign3A_153 : i1 to i32
    %sign3A_155 = arith.constant 0 : i32
    %sign3A_156 = arith.cmpi slt, %add3A_149, %sign3A_155 : i32
    %sign3A_157 = arith.extui %sign3A_156 : i1 to i32
    %sign3A_158 = arith.subi %sign3A_154, %sign3A_157 : i32
    %sign3A_159 = arith.constant 0 : i32
    %sign3A_160 = arith.cmpi sgt, %jit3A_150, %sign3A_159 : i32
    %sign3A_161 = arith.extui %sign3A_160 : i1 to i32
    %sign3A_162 = arith.constant 0 : i32
    %sign3A_163 = arith.cmpi slt, %jit3A_150, %sign3A_162 : i32
    %sign3A_164 = arith.extui %sign3A_163 : i1 to i32
    %sign3A_165 = arith.subi %sign3A_161, %sign3A_164 : i32
    %ne3A_166 = arith.cmpi ne, %sign3A_158, %sign3A_165 : i32
    %rem3A_167 = arith.remsi %add3A_149, %jit3A_150 : i32
    %ne3A_168 = arith.constant 0 : i32
    %ne3A_169 = arith.cmpi ne, %rem3A_167, %ne3A_168 : i32
    %and3A_170 = arith.andi %ne3A_166, %ne3A_169 : i1
    %sub3A_171 = arith.constant 1 : i32
    %sub3A_172 = arith.subi %div3A_151, %sub3A_171 : i32
    %select_n3A_173 = arith.select %and3A_170, %sub3A_172, %div3A_151 : i32
    %mul3A_174 = arith.constant 64 : i32
    %mul3A_175 = arith.muli %select_n3A_173, %mul3A_174 : i32
    %add3A_176 = arith.constant 5184 : i32
    %add3A_177 = arith.addi %add3A_176, %mul3A_175 : i32
    %broadcast_in_dim3A_178 = arith.constant -3.000000e+38 : f32
    %broadcast_in_dim3A_179 = vector.broadcast %broadcast_in_dim3A_178 : f32 to vector<16xf32>
    %jit3A_180 = arith.constant 16 : i32
    %div3A_181 = arith.divsi %add3A_145, %jit3A_180 : i32
    %sign3A_182 = arith.constant 0 : i32
    %sign3A_183 = arith.cmpi sgt, %add3A_145, %sign3A_182 : i32
    %sign3A_184 = arith.extui %sign3A_183 : i1 to i32
    %sign3A_185 = arith.constant 0 : i32
    %sign3A_186 = arith.cmpi slt, %add3A_145, %sign3A_185 : i32
    %sign3A_187 = arith.extui %sign3A_186 : i1 to i32
    %sign3A_188 = arith.subi %sign3A_184, %sign3A_187 : i32
    %sign3A_189 = arith.constant 0 : i32
    %sign3A_190 = arith.cmpi sgt, %jit3A_180, %sign3A_189 : i32
    %sign3A_191 = arith.extui %sign3A_190 : i1 to i32
    %sign3A_192 = arith.constant 0 : i32
    %sign3A_193 = arith.cmpi slt, %jit3A_180, %sign3A_192 : i32
    %sign3A_194 = arith.extui %sign3A_193 : i1 to i32
    %sign3A_195 = arith.subi %sign3A_191, %sign3A_194 : i32
    %ne3A_196 = arith.cmpi ne, %sign3A_188, %sign3A_195 : i32
    %rem3A_197 = arith.remsi %add3A_145, %jit3A_180 : i32
    %ne3A_198 = arith.constant 0 : i32
    %ne3A_199 = arith.cmpi ne, %rem3A_197, %ne3A_198 : i32
    %and3A_200 = arith.andi %ne3A_196, %ne3A_199 : i1
    %sub3A_201 = arith.constant 1 : i32
    %sub3A_202 = arith.subi %div3A_181, %sub3A_201 : i32
    %select_n3A_203 = arith.select %and3A_200, %sub3A_202, %div3A_181 : i32
    %while3A = arith.constant 0 : i32
    %while3A_204 = arith.subi %select_n3A_203, %while3A : i32
    %while3A_205 = arith.addi %while3A, %while3A_204 : i32
    %while3A_206 = arith.constant 1 : i32
    %while3A_207 = arith.divsi %while3A_204, %while3A_206 : i32
    %while3A_208 = arith.muli %while3A_207, %while3A_206 : i32
    %while3A_209 = arith.addi %while3A, %while3A_208 : i32
    %while3A_210 = arith.constant 1 : i32
    %while3A_211 = scf.for %while3A_843 = %while3A to %while3A_209 step %while3A_210 iter_args(%while3A_844 = %broadcast_in_dim3A_179) -> (vector<16xf32>)  : i32 {
      %mul3A_845 = arith.constant 16 : i32
      %mul3A_846 = arith.muli %while3A_843, %mul3A_845 : i32
      %add3A_847 = vector.broadcast %mul3A_846 : i32 to vector<16xi32>
      %add3A_848 = arith.addi %iota3A, %add3A_847 : vector<16xi32>
      %lt3A_849 = vector.broadcast %parallel_loop3A_119#0 : i32 to vector<16xi32>
      %lt3A_850 = arith.cmpi slt, %add3A_848, %lt3A_849 : vector<16xi32>
      %mul3A_851 = arith.constant 16 : i32
      %mul3A_852 = arith.muli %while3A_843, %mul3A_851 : i32
      %get3A_853 = arith.index_cast %mul3A_852 : i32 to index
      %get3A_854 = tpu.vector_load %arg22[%get3A_853] {strides = array<i32>} : memref<10368xi32, #tpu.memory_space<vmem>>, vector<16xi32>,
      %jit3A_855 = arith.constant 0 : i32
      %broadcast_in_dim3A_856 = vector.broadcast %jit3A_855 : i32 to vector<16xi32>
      %select_n3A_857 = arith.select %lt3A_850, %get3A_854, %broadcast_in_dim3A_856 : vector<16xi1>, vector<16xi32>
      %gather3A_858 = tpu.vector_load_idx %arg20[%select_n3A_857] : memref<10240xi32, #tpu.memory_space<vmem>>[vector<16xi32>], vector<16xi32>,
      %gather3A_859 = tpu.vector_load_idx %arg21[%select_n3A_857] : memref<10240xi32, #tpu.memory_space<vmem>>[vector<16xi32>], vector<16xi32>,
      %gather3A_860 = tpu.vector_load_idx %arg16[%gather3A_859] : memref<10000xi32, #tpu.memory_space<vmem>>[vector<16xi32>], vector<16xi32>,
      %jit3A_861 = arith.constant 0 : i32
      %broadcast_in_dim3A_862 = vector.broadcast %jit3A_861 : i32 to vector<16xi32>
      %select_n3A_863 = arith.select %lt3A_850, %gather3A_860, %broadcast_in_dim3A_862 : vector<16xi1>, vector<16xi32>
      %gather3A_864 = tpu.vector_load_idx %arg14[%gather3A_858] : memref<10000xf32, #tpu.memory_space<vmem>>[vector<16xi32>], vector<16xf32>,
      %gather3A_865 = tpu.vector_load_idx %arg18[%select_n3A_863] : memref<64xf32, #tpu.memory_space<vmem>>[vector<16xi32>], vector<16xf32>,
      %add3A_866 = arith.addf %gather3A_864, %gather3A_865 : vector<16xf32>
      %ge3A = arith.constant 0.000000e+00 : f32
      %ge3A_867 = vector.broadcast %ge3A : f32 to vector<16xf32>
      %ge3A_868 = arith.cmpf oge, %add3A_866, %ge3A_867 : vector<16xf32>
      %mul3A_869 = arith.constant 2.000000e-01 : f32
      %mul3A_870 = vector.broadcast %mul3A_869 : f32 to vector<16xf32>
      %mul3A_871 = arith.mulf %mul3A_870, %add3A_866 : vector<16xf32>
      %select_n3A_872 = arith.select %ge3A_868, %add3A_866, %mul3A_871 : vector<16xi1>, vector<16xf32>
      %jit3A_873 = arith.constant -3.000000e+38 : f32
      %broadcast_in_dim3A_874 = vector.broadcast %jit3A_873 : f32 to vector<16xf32>
      %select_n3A_875 = arith.select %lt3A_850, %select_n3A_872, %broadcast_in_dim3A_874 : vector<16xi1>, vector<16xf32>
      %mul3A_876 = arith.constant 16 : i32
      %mul3A_877 = arith.muli %while3A_843, %mul3A_876 : i32
      %swap3A_878 = arith.index_cast %mul3A_877 : i32 to index
      %swap3A_879 = tpu.vector_load %arg23[%swap3A_878] {strides = array<i32>} : memref<10368xi32, #tpu.memory_space<vmem>>, vector<16xi32>,
      tpu.vector_store %arg23[%swap3A_878], %gather3A_858 {strides = array<i32>} : memref<10368xi32, #tpu.memory_space<vmem>>, vector<16xi32>,
      %mul3A_880 = arith.constant 16 : i32
      %mul3A_881 = arith.muli %while3A_843, %mul3A_880 : i32
      %swap3A_882 = arith.index_cast %mul3A_881 : i32 to index
      %swap3A_883 = tpu.vector_load %arg24[%swap3A_882] {strides = array<i32>} : memref<10368xi32, #tpu.memory_space<vmem>>, vector<16xi32>,
      tpu.vector_store %arg24[%swap3A_882], %select_n3A_863 {strides = array<i32>} : memref<10368xi32, #tpu.memory_space<vmem>>, vector<16xi32>,
      %mul3A_884 = arith.constant 16 : i32
      %mul3A_885 = arith.muli %while3A_843, %mul3A_884 : i32
      %swap3A_886 = arith.index_cast %mul3A_885 : i32 to index
      %swap3A_887 = tpu.vector_load %arg25[%swap3A_886] {strides = array<i32>} : memref<10368xf32, #tpu.memory_space<vmem>>, vector<16xf32>,
      tpu.vector_store %arg25[%swap3A_886], %select_n3A_875 {strides = array<i32>} : memref<10368xf32, #tpu.memory_space<vmem>>, vector<16xf32>,
      %max3A = arith.maximumf %while3A_844, %select_n3A_875 : vector<16xf32>
      scf.yield %max3A : vector<16xf32>
    }
    %while3A_212 = arith.constant 1 : i32
    %while3A_213 = scf.for %while3A_843 = %while3A_209 to %while3A_205 step %while3A_212 iter_args(%while3A_844 = %while3A_211) -> (vector<16xf32>)  : i32 {
      %mul3A_845 = arith.constant 16 : i32
      %mul3A_846 = arith.muli %while3A_843, %mul3A_845 : i32
      %add3A_847 = vector.broadcast %mul3A_846 : i32 to vector<16xi32>
      %add3A_848 = arith.addi %iota3A, %add3A_847 : vector<16xi32>
      %lt3A_849 = vector.broadcast %parallel_loop3A_119#0 : i32 to vector<16xi32>
      %lt3A_850 = arith.cmpi slt, %add3A_848, %lt3A_849 : vector<16xi32>
      %mul3A_851 = arith.constant 16 : i32
      %mul3A_852 = arith.muli %while3A_843, %mul3A_851 : i32
      %get3A_853 = arith.index_cast %mul3A_852 : i32 to index
      %get3A_854 = tpu.vector_load %arg22[%get3A_853] {strides = array<i32>} : memref<10368xi32, #tpu.memory_space<vmem>>, vector<16xi32>,
      %jit3A_855 = arith.constant 0 : i32
      %broadcast_in_dim3A_856 = vector.broadcast %jit3A_855 : i32 to vector<16xi32>
      %select_n3A_857 = arith.select %lt3A_850, %get3A_854, %broadcast_in_dim3A_856 : vector<16xi1>, vector<16xi32>
      %gather3A_858 = tpu.vector_load_idx %arg20[%select_n3A_857] : memref<10240xi32, #tpu.memory_space<vmem>>[vector<16xi32>], vector<16xi32>,
      %gather3A_859 = tpu.vector_load_idx %arg21[%select_n3A_857] : memref<10240xi32, #tpu.memory_space<vmem>>[vector<16xi32>], vector<16xi32>,
      %gather3A_860 = tpu.vector_load_idx %arg16[%gather3A_859] : memref<10000xi32, #tpu.memory_space<vmem>>[vector<16xi32>], vector<16xi32>,
      %jit3A_861 = arith.constant 0 : i32
      %broadcast_in_dim3A_862 = vector.broadcast %jit3A_861 : i32 to vector<16xi32>
      %select_n3A_863 = arith.select %lt3A_850, %gather3A_860, %broadcast_in_dim3A_862 : vector<16xi1>, vector<16xi32>
      %gather3A_864 = tpu.vector_load_idx %arg14[%gather3A_858] : memref<10000xf32, #tpu.memory_space<vmem>>[vector<16xi32>], vector<16xf32>,
      %gather3A_865 = tpu.vector_load_idx %arg18[%select_n3A_863] : memref<64xf32, #tpu.memory_space<vmem>>[vector<16xi32>], vector<16xf32>,
      %add3A_866 = arith.addf %gather3A_864, %gather3A_865 : vector<16xf32>
      %ge3A = arith.constant 0.000000e+00 : f32
      %ge3A_867 = vector.broadcast %ge3A : f32 to vector<16xf32>
      %ge3A_868 = arith.cmpf oge, %add3A_866, %ge3A_867 : vector<16xf32>
      %mul3A_869 = arith.constant 2.000000e-01 : f32
      %mul3A_870 = vector.broadcast %mul3A_869 : f32 to vector<16xf32>
      %mul3A_871 = arith.mulf %mul3A_870, %add3A_866 : vector<16xf32>
      %select_n3A_872 = arith.select %ge3A_868, %add3A_866, %mul3A_871 : vector<16xi1>, vector<16xf32>
      %jit3A_873 = arith.constant -3.000000e+38 : f32
      %broadcast_in_dim3A_874 = vector.broadcast %jit3A_873 : f32 to vector<16xf32>
      %select_n3A_875 = arith.select %lt3A_850, %select_n3A_872, %broadcast_in_dim3A_874 : vector<16xi1>, vector<16xf32>
      %mul3A_876 = arith.constant 16 : i32
      %mul3A_877 = arith.muli %while3A_843, %mul3A_876 : i32
      %swap3A_878 = arith.index_cast %mul3A_877 : i32 to index
      %swap3A_879 = tpu.vector_load %arg23[%swap3A_878] {strides = array<i32>} : memref<10368xi32, #tpu.memory_space<vmem>>, vector<16xi32>,
      tpu.vector_store %arg23[%swap3A_878], %gather3A_858 {strides = array<i32>} : memref<10368xi32, #tpu.memory_space<vmem>>, vector<16xi32>,
      %mul3A_880 = arith.constant 16 : i32
      %mul3A_881 = arith.muli %while3A_843, %mul3A_880 : i32
      %swap3A_882 = arith.index_cast %mul3A_881 : i32 to index
      %swap3A_883 = tpu.vector_load %arg24[%swap3A_882] {strides = array<i32>} : memref<10368xi32, #tpu.memory_space<vmem>>, vector<16xi32>,
      tpu.vector_store %arg24[%swap3A_882], %select_n3A_863 {strides = array<i32>} : memref<10368xi32, #tpu.memory_space<vmem>>, vector<16xi32>,
      %mul3A_884 = arith.constant 16 : i32
      %mul3A_885 = arith.muli %while3A_843, %mul3A_884 : i32
      %swap3A_886 = arith.index_cast %mul3A_885 : i32 to index
      %swap3A_887 = tpu.vector_load %arg25[%swap3A_886] {strides = array<i32>} : memref<10368xf32, #tpu.memory_space<vmem>>, vector<16xf32>,
      tpu.vector_store %arg25[%swap3A_886], %select_n3A_875 {strides = array<i32>} : memref<10368xf32, #tpu.memory_space<vmem>>, vector<16xf32>,
      %max3A = arith.maximumf %while3A_844, %select_n3A_875 : vector<16xf32>
      scf.yield %max3A : vector<16xf32>
    }
    %jit3A_214 = arith.constant 16 : i32
    %div3A_215 = arith.divsi %add3A_177, %jit3A_214 : i32
    %sign3A_216 = arith.constant 0 : i32
    %sign3A_217 = arith.cmpi sgt, %add3A_177, %sign3A_216 : i32
    %sign3A_218 = arith.extui %sign3A_217 : i1 to i32
    %sign3A_219 = arith.constant 0 : i32
    %sign3A_220 = arith.cmpi slt, %add3A_177, %sign3A_219 : i32
    %sign3A_221 = arith.extui %sign3A_220 : i1 to i32
    %sign3A_222 = arith.subi %sign3A_218, %sign3A_221 : i32
    %sign3A_223 = arith.constant 0 : i32
    %sign3A_224 = arith.cmpi sgt, %jit3A_214, %sign3A_223 : i32
    %sign3A_225 = arith.extui %sign3A_224 : i1 to i32
    %sign3A_226 = arith.constant 0 : i32
    %sign3A_227 = arith.cmpi slt, %jit3A_214, %sign3A_226 : i32
    %sign3A_228 = arith.extui %sign3A_227 : i1 to i32
    %sign3A_229 = arith.subi %sign3A_225, %sign3A_228 : i32
    %ne3A_230 = arith.cmpi ne, %sign3A_222, %sign3A_229 : i32
    %rem3A_231 = arith.remsi %add3A_177, %jit3A_214 : i32
    %ne3A_232 = arith.constant 0 : i32
    %ne3A_233 = arith.cmpi ne, %rem3A_231, %ne3A_232 : i32
    %and3A_234 = arith.andi %ne3A_230, %ne3A_233 : i1
    %sub3A_235 = arith.constant 1 : i32
    %sub3A_236 = arith.subi %div3A_215, %sub3A_235 : i32
    %select_n3A_237 = arith.select %and3A_234, %sub3A_236, %div3A_215 : i32
    %while3A_238 = arith.constant 324 : i32
    %while3A_239 = arith.subi %select_n3A_237, %while3A_238 : i32
    %while3A_240 = arith.addi %while3A_238, %while3A_239 : i32
    %while3A_241 = arith.constant 1 : i32
    %while3A_242 = arith.divsi %while3A_239, %while3A_241 : i32
    %while3A_243 = arith.muli %while3A_242, %while3A_241 : i32
    %while3A_244 = arith.addi %while3A_238, %while3A_243 : i32
    %while3A_245 = arith.constant 1 : i32
    %while3A_246 = scf.for %while3A_843 = %while3A_238 to %while3A_244 step %while3A_245 iter_args(%while3A_844 = %while3A_213) -> (vector<16xf32>)  : i32 {
      %mul3A_845 = arith.constant 16 : i32
      %mul3A_846 = arith.muli %while3A_843, %mul3A_845 : i32
      %add3A_847 = vector.broadcast %mul3A_846 : i32 to vector<16xi32>
      %add3A_848 = arith.addi %iota3A, %add3A_847 : vector<16xi32>
      %lt3A_849 = vector.broadcast %parallel_loop3A_119#1 : i32 to vector<16xi32>
      %lt3A_850 = arith.cmpi slt, %add3A_848, %lt3A_849 : vector<16xi32>
      %mul3A_851 = arith.constant 16 : i32
      %mul3A_852 = arith.muli %while3A_843, %mul3A_851 : i32
      %get3A_853 = arith.index_cast %mul3A_852 : i32 to index
      %get3A_854 = tpu.vector_load %arg22[%get3A_853] {strides = array<i32>} : memref<10368xi32, #tpu.memory_space<vmem>>, vector<16xi32>,
      %jit3A_855 = arith.constant 0 : i32
      %broadcast_in_dim3A_856 = vector.broadcast %jit3A_855 : i32 to vector<16xi32>
      %select_n3A_857 = arith.select %lt3A_850, %get3A_854, %broadcast_in_dim3A_856 : vector<16xi1>, vector<16xi32>
      %gather3A_858 = tpu.vector_load_idx %arg20[%select_n3A_857] : memref<10240xi32, #tpu.memory_space<vmem>>[vector<16xi32>], vector<16xi32>,
      %gather3A_859 = tpu.vector_load_idx %arg21[%select_n3A_857] : memref<10240xi32, #tpu.memory_space<vmem>>[vector<16xi32>], vector<16xi32>,
      %gather3A_860 = tpu.vector_load_idx %arg16[%gather3A_859] : memref<10000xi32, #tpu.memory_space<vmem>>[vector<16xi32>], vector<16xi32>,
      %jit3A_861 = arith.constant 0 : i32
      %broadcast_in_dim3A_862 = vector.broadcast %jit3A_861 : i32 to vector<16xi32>
      %select_n3A_863 = arith.select %lt3A_850, %gather3A_860, %broadcast_in_dim3A_862 : vector<16xi1>, vector<16xi32>
      %gather3A_864 = tpu.vector_load_idx %arg14[%gather3A_858] : memref<10000xf32, #tpu.memory_space<vmem>>[vector<16xi32>], vector<16xf32>,
      %gather3A_865 = tpu.vector_load_idx %arg18[%select_n3A_863] : memref<64xf32, #tpu.memory_space<vmem>>[vector<16xi32>], vector<16xf32>,
      %add3A_866 = arith.addf %gather3A_864, %gather3A_865 : vector<16xf32>
      %ge3A = arith.constant 0.000000e+00 : f32
      %ge3A_867 = vector.broadcast %ge3A : f32 to vector<16xf32>
      %ge3A_868 = arith.cmpf oge, %add3A_866, %ge3A_867 : vector<16xf32>
      %mul3A_869 = arith.constant 2.000000e-01 : f32
      %mul3A_870 = vector.broadcast %mul3A_869 : f32 to vector<16xf32>
      %mul3A_871 = arith.mulf %mul3A_870, %add3A_866 : vector<16xf32>
      %select_n3A_872 = arith.select %ge3A_868, %add3A_866, %mul3A_871 : vector<16xi1>, vector<16xf32>
      %jit3A_873 = arith.constant -3.000000e+38 : f32
      %broadcast_in_dim3A_874 = vector.broadcast %jit3A_873 : f32 to vector<16xf32>
      %select_n3A_875 = arith.select %lt3A_850, %select_n3A_872, %broadcast_in_dim3A_874 : vector<16xi1>, vector<16xf32>
      %mul3A_876 = arith.constant 16 : i32
      %mul3A_877 = arith.muli %while3A_843, %mul3A_876 : i32
      %swap3A_878 = arith.index_cast %mul3A_877 : i32 to index
      %swap3A_879 = tpu.vector_load %arg23[%swap3A_878] {strides = array<i32>} : memref<10368xi32, #tpu.memory_space<vmem>>, vector<16xi32>,
      tpu.vector_store %arg23[%swap3A_878], %gather3A_858 {strides = array<i32>} : memref<10368xi32, #tpu.memory_space<vmem>>, vector<16xi32>,
      %mul3A_880 = arith.constant 16 : i32
      %mul3A_881 = arith.muli %while3A_843, %mul3A_880 : i32
      %swap3A_882 = arith.index_cast %mul3A_881 : i32 to index
      %swap3A_883 = tpu.vector_load %arg24[%swap3A_882] {strides = array<i32>} : memref<10368xi32, #tpu.memory_space<vmem>>, vector<16xi32>,
      tpu.vector_store %arg24[%swap3A_882], %select_n3A_863 {strides = array<i32>} : memref<10368xi32, #tpu.memory_space<vmem>>, vector<16xi32>,
      %mul3A_884 = arith.constant 16 : i32
      %mul3A_885 = arith.muli %while3A_843, %mul3A_884 : i32
      %swap3A_886 = arith.index_cast %mul3A_885 : i32 to index
      %swap3A_887 = tpu.vector_load %arg25[%swap3A_886] {strides = array<i32>} : memref<10368xf32, #tpu.memory_space<vmem>>, vector<16xf32>,
      tpu.vector_store %arg25[%swap3A_886], %select_n3A_875 {strides = array<i32>} : memref<10368xf32, #tpu.memory_space<vmem>>, vector<16xf32>,
      %max3A = arith.maximumf %while3A_844, %select_n3A_875 : vector<16xf32>
      scf.yield %max3A : vector<16xf32>
    }
    %while3A_247 = arith.constant 1 : i32
    %while3A_248 = scf.for %while3A_843 = %while3A_244 to %while3A_240 step %while3A_247 iter_args(%while3A_844 = %while3A_246) -> (vector<16xf32>)  : i32 {
      %mul3A_845 = arith.constant 16 : i32
      %mul3A_846 = arith.muli %while3A_843, %mul3A_845 : i32
      %add3A_847 = vector.broadcast %mul3A_846 : i32 to vector<16xi32>
      %add3A_848 = arith.addi %iota3A, %add3A_847 : vector<16xi32>
      %lt3A_849 = vector.broadcast %parallel_loop3A_119#1 : i32 to vector<16xi32>
      %lt3A_850 = arith.cmpi slt, %add3A_848, %lt3A_849 : vector<16xi32>
      %mul3A_851 = arith.constant 16 : i32
      %mul3A_852 = arith.muli %while3A_843, %mul3A_851 : i32
      %get3A_853 = arith.index_cast %mul3A_852 : i32 to index
      %get3A_854 = tpu.vector_load %arg22[%get3A_853] {strides = array<i32>} : memref<10368xi32, #tpu.memory_space<vmem>>, vector<16xi32>,
      %jit3A_855 = arith.constant 0 : i32
      %broadcast_in_dim3A_856 = vector.broadcast %jit3A_855 : i32 to vector<16xi32>
      %select_n3A_857 = arith.select %lt3A_850, %get3A_854, %broadcast_in_dim3A_856 : vector<16xi1>, vector<16xi32>
      %gather3A_858 = tpu.vector_load_idx %arg20[%select_n3A_857] : memref<10240xi32, #tpu.memory_space<vmem>>[vector<16xi32>], vector<16xi32>,
      %gather3A_859 = tpu.vector_load_idx %arg21[%select_n3A_857] : memref<10240xi32, #tpu.memory_space<vmem>>[vector<16xi32>], vector<16xi32>,
      %gather3A_860 = tpu.vector_load_idx %arg16[%gather3A_859] : memref<10000xi32, #tpu.memory_space<vmem>>[vector<16xi32>], vector<16xi32>,
      %jit3A_861 = arith.constant 0 : i32
      %broadcast_in_dim3A_862 = vector.broadcast %jit3A_861 : i32 to vector<16xi32>
      %select_n3A_863 = arith.select %lt3A_850, %gather3A_860, %broadcast_in_dim3A_862 : vector<16xi1>, vector<16xi32>
      %gather3A_864 = tpu.vector_load_idx %arg14[%gather3A_858] : memref<10000xf32, #tpu.memory_space<vmem>>[vector<16xi32>], vector<16xf32>,
      %gather3A_865 = tpu.vector_load_idx %arg18[%select_n3A_863] : memref<64xf32, #tpu.memory_space<vmem>>[vector<16xi32>], vector<16xf32>,
      %add3A_866 = arith.addf %gather3A_864, %gather3A_865 : vector<16xf32>
      %ge3A = arith.constant 0.000000e+00 : f32
      %ge3A_867 = vector.broadcast %ge3A : f32 to vector<16xf32>
      %ge3A_868 = arith.cmpf oge, %add3A_866, %ge3A_867 : vector<16xf32>
      %mul3A_869 = arith.constant 2.000000e-01 : f32
      %mul3A_870 = vector.broadcast %mul3A_869 : f32 to vector<16xf32>
      %mul3A_871 = arith.mulf %mul3A_870, %add3A_866 : vector<16xf32>
      %select_n3A_872 = arith.select %ge3A_868, %add3A_866, %mul3A_871 : vector<16xi1>, vector<16xf32>
      %jit3A_873 = arith.constant -3.000000e+38 : f32
      %broadcast_in_dim3A_874 = vector.broadcast %jit3A_873 : f32 to vector<16xf32>
      %select_n3A_875 = arith.select %lt3A_850, %select_n3A_872, %broadcast_in_dim3A_874 : vector<16xi1>, vector<16xf32>
      %mul3A_876 = arith.constant 16 : i32
      %mul3A_877 = arith.muli %while3A_843, %mul3A_876 : i32
      %swap3A_878 = arith.index_cast %mul3A_877 : i32 to index
      %swap3A_879 = tpu.vector_load %arg23[%swap3A_878] {strides = array<i32>} : memref<10368xi32, #tpu.memory_space<vmem>>, vector<16xi32>,
      tpu.vector_store %arg23[%swap3A_878], %gather3A_858 {strides = array<i32>} : memref<10368xi32, #tpu.memory_space<vmem>>, vector<16xi32>,
      %mul3A_880 = arith.constant 16 : i32
      %mul3A_881 = arith.muli %while3A_843, %mul3A_880 : i32
      %swap3A_882 = arith.index_cast %mul3A_881 : i32 to index
      %swap3A_883 = tpu.vector_load %arg24[%swap3A_882] {strides = array<i32>} : memref<10368xi32, #tpu.memory_space<vmem>>, vector<16xi32>,
      tpu.vector_store %arg24[%swap3A_882], %select_n3A_863 {strides = array<i32>} : memref<10368xi32, #tpu.memory_space<vmem>>, vector<16xi32>,
      %mul3A_884 = arith.constant 16 : i32
      %mul3A_885 = arith.muli %while3A_843, %mul3A_884 : i32
      %swap3A_886 = arith.index_cast %mul3A_885 : i32 to index
      %swap3A_887 = tpu.vector_load %arg25[%swap3A_886] {strides = array<i32>} : memref<10368xf32, #tpu.memory_space<vmem>>, vector<16xf32>,
      tpu.vector_store %arg25[%swap3A_886], %select_n3A_875 {strides = array<i32>} : memref<10368xf32, #tpu.memory_space<vmem>>, vector<16xf32>,
      %max3A = arith.maximumf %while3A_844, %select_n3A_875 : vector<16xf32>
      scf.yield %max3A : vector<16xf32>
    }
    %reduce_max3A = arith.constant true
    %reduce_max3A_249 = vector.broadcast %reduce_max3A : i1 to vector<16xi1>
    %reduce_max3A_250 = tpu.scan <max>, %while3A_248 masked %reduce_max3A_249 : vector<16xf32>, vector<16xi1> -> vector<16xf32>
    %reduce_max3A_251 = vector.extract %reduce_max3A_250[15] : f32 from vector<16xf32>
    %broadcast_in_dim3A_252 = vector.broadcast %reduce_max3A_251 : f32 to vector<16xf32>
    %swap3A_253 = arith.constant 64 : i32
    %swap3A_254 = arith.index_cast %swap3A_253 : i32 to index
    %swap3A_255 = arith.constant 0 : index
    %swap3A_256 = tpu.vector_load %arg26[%swap3A_254, %swap3A_255] {strides = array<i32>} : memref<72x256xf32, #tpu.memory_space<vmem>>, vector<16xf32>,
    tpu.vector_store %arg26[%swap3A_254, %swap3A_255], %broadcast_in_dim3A_252 {strides = array<i32>} : memref<72x256xf32, #tpu.memory_space<vmem>>, vector<16xf32>,
    %eq3A_257 = arith.constant 0 : i32
    %eq3A_258 = vector.broadcast %eq3A_257 : i32 to vector<16xi32>
    %eq3A_259 = arith.cmpi eq, %iota3A, %eq3A_258 : vector<16xi32>
    %jit3A_260 = arith.constant 16 : i32
    %div3A_261 = arith.divsi %add3A_145, %jit3A_260 : i32
    %sign3A_262 = arith.constant 0 : i32
    %sign3A_263 = arith.cmpi sgt, %add3A_145, %sign3A_262 : i32
    %sign3A_264 = arith.extui %sign3A_263 : i1 to i32
    %sign3A_265 = arith.constant 0 : i32
    %sign3A_266 = arith.cmpi slt, %add3A_145, %sign3A_265 : i32
    %sign3A_267 = arith.extui %sign3A_266 : i1 to i32
    %sign3A_268 = arith.subi %sign3A_264, %sign3A_267 : i32
    %sign3A_269 = arith.constant 0 : i32
    %sign3A_270 = arith.cmpi sgt, %jit3A_260, %sign3A_269 : i32
    %sign3A_271 = arith.extui %sign3A_270 : i1 to i32
    %sign3A_272 = arith.constant 0 : i32
    %sign3A_273 = arith.cmpi slt, %jit3A_260, %sign3A_272 : i32
    %sign3A_274 = arith.extui %sign3A_273 : i1 to i32
    %sign3A_275 = arith.subi %sign3A_271, %sign3A_274 : i32
    %ne3A_276 = arith.cmpi ne, %sign3A_268, %sign3A_275 : i32
    %rem3A_277 = arith.remsi %add3A_145, %jit3A_260 : i32
    %ne3A_278 = arith.constant 0 : i32
    %ne3A_279 = arith.cmpi ne, %rem3A_277, %ne3A_278 : i32
    %and3A_280 = arith.andi %ne3A_276, %ne3A_279 : i1
    %sub3A_281 = arith.constant 1 : i32
    %sub3A_282 = arith.subi %div3A_261, %sub3A_281 : i32
    %select_n3A_283 = arith.select %and3A_280, %sub3A_282, %div3A_261 : i32
    %while3A_284 = arith.constant 0 : i32
    %while3A_285 = arith.subi %select_n3A_283, %while3A_284 : i32
    %while3A_286 = arith.addi %while3A_284, %while3A_285 : i32
    %while3A_287 = arith.constant 1 : i32
    %while3A_288 = arith.divsi %while3A_285, %while3A_287 : i32
    %while3A_289 = arith.muli %while3A_288, %while3A_287 : i32
    %while3A_290 = arith.addi %while3A_284, %while3A_289 : i32
    %while3A_291 = arith.constant 1 : i32
    scf.for %while3A_843 = %while3A_284 to %while3A_290 step %while3A_291  : i32 {
      %mul3A_844 = arith.constant 16 : i32
      %mul3A_845 = arith.muli %while3A_843, %mul3A_844 : i32
      %get3A_846 = arith.index_cast %mul3A_845 : i32 to index
      %get3A_847 = tpu.vector_load %arg25[%get3A_846] {strides = array<i32>} : memref<10368xf32, #tpu.memory_space<vmem>>, vector<16xf32>,
      %sub3A_848 = vector.broadcast %reduce_max3A_251 : f32 to vector<16xf32>
      %sub3A_849 = arith.subf %get3A_847, %sub3A_848 : vector<16xf32>
      %exp3A = math.exp %sub3A_849 : vector<16xf32>
      %mul3A_850 = arith.constant 16 : i32
      %mul3A_851 = arith.muli %while3A_843, %mul3A_850 : i32
      %add3A_852 = vector.broadcast %mul3A_851 : i32 to vector<16xi32>
      %add3A_853 = arith.addi %iota3A, %add3A_852 : vector<16xi32>
      %lt3A_854 = vector.broadcast %parallel_loop3A_119#0 : i32 to vector<16xi32>
      %lt3A_855 = arith.cmpi slt, %add3A_853, %lt3A_854 : vector<16xi32>
      %jit3A_856 = arith.constant 0.000000e+00 : f32
      %broadcast_in_dim3A_857 = vector.broadcast %jit3A_856 : f32 to vector<16xf32>
      %select_n3A_858 = arith.select %lt3A_855, %exp3A, %broadcast_in_dim3A_857 : vector<16xi1>, vector<16xf32>
      %mul3A_859 = arith.constant 16 : i32
      %mul3A_860 = arith.muli %while3A_843, %mul3A_859 : i32
      %swap3A_861 = arith.index_cast %mul3A_860 : i32 to index
      %swap3A_862 = tpu.vector_load %arg25[%swap3A_861] {strides = array<i32>} : memref<10368xf32, #tpu.memory_space<vmem>>, vector<16xf32>,
      tpu.vector_store %arg25[%swap3A_861], %select_n3A_858 {strides = array<i32>} : memref<10368xf32, #tpu.memory_space<vmem>>, vector<16xf32>,
    }
    %while3A_292 = arith.constant 1 : i32
    scf.for %while3A_843 = %while3A_290 to %while3A_286 step %while3A_292  : i32 {
      %mul3A_844 = arith.constant 16 : i32
      %mul3A_845 = arith.muli %while3A_843, %mul3A_844 : i32
      %get3A_846 = arith.index_cast %mul3A_845 : i32 to index
      %get3A_847 = tpu.vector_load %arg25[%get3A_846] {strides = array<i32>} : memref<10368xf32, #tpu.memory_space<vmem>>, vector<16xf32>,
      %sub3A_848 = vector.broadcast %reduce_max3A_251 : f32 to vector<16xf32>
      %sub3A_849 = arith.subf %get3A_847, %sub3A_848 : vector<16xf32>
      %exp3A = math.exp %sub3A_849 : vector<16xf32>
      %mul3A_850 = arith.constant 16 : i32
      %mul3A_851 = arith.muli %while3A_843, %mul3A_850 : i32
      %add3A_852 = vector.broadcast %mul3A_851 : i32 to vector<16xi32>
      %add3A_853 = arith.addi %iota3A, %add3A_852 : vector<16xi32>
      %lt3A_854 = vector.broadcast %parallel_loop3A_119#0 : i32 to vector<16xi32>
      %lt3A_855 = arith.cmpi slt, %add3A_853, %lt3A_854 : vector<16xi32>
      %jit3A_856 = arith.constant 0.000000e+00 : f32
      %broadcast_in_dim3A_857 = vector.broadcast %jit3A_856 : f32 to vector<16xf32>
      %select_n3A_858 = arith.select %lt3A_855, %exp3A, %broadcast_in_dim3A_857 : vector<16xi1>, vector<16xf32>
      %mul3A_859 = arith.constant 16 : i32
      %mul3A_860 = arith.muli %while3A_843, %mul3A_859 : i32
      %swap3A_861 = arith.index_cast %mul3A_860 : i32 to index
      %swap3A_862 = tpu.vector_load %arg25[%swap3A_861] {strides = array<i32>} : memref<10368xf32, #tpu.memory_space<vmem>>, vector<16xf32>,
      tpu.vector_store %arg25[%swap3A_861], %select_n3A_858 {strides = array<i32>} : memref<10368xf32, #tpu.memory_space<vmem>>, vector<16xf32>,
    }
    %jit3A_293 = arith.constant 64 : i32
    %div3A_294 = arith.divsi %add3A_145, %jit3A_293 : i32
    %sign3A_295 = arith.constant 0 : i32
    %sign3A_296 = arith.cmpi sgt, %add3A_145, %sign3A_295 : i32
    %sign3A_297 = arith.extui %sign3A_296 : i1 to i32
    %sign3A_298 = arith.constant 0 : i32
    %sign3A_299 = arith.cmpi slt, %add3A_145, %sign3A_298 : i32
    %sign3A_300 = arith.extui %sign3A_299 : i1 to i32
    %sign3A_301 = arith.subi %sign3A_297, %sign3A_300 : i32
    %sign3A_302 = arith.constant 0 : i32
    %sign3A_303 = arith.cmpi sgt, %jit3A_293, %sign3A_302 : i32
    %sign3A_304 = arith.extui %sign3A_303 : i1 to i32
    %sign3A_305 = arith.constant 0 : i32
    %sign3A_306 = arith.cmpi slt, %jit3A_293, %sign3A_305 : i32
    %sign3A_307 = arith.extui %sign3A_306 : i1 to i32
    %sign3A_308 = arith.subi %sign3A_304, %sign3A_307 : i32
    %ne3A_309 = arith.cmpi ne, %sign3A_301, %sign3A_308 : i32
    %rem3A_310 = arith.remsi %add3A_145, %jit3A_293 : i32
    %ne3A_311 = arith.constant 0 : i32
    %ne3A_312 = arith.cmpi ne, %rem3A_310, %ne3A_311 : i32
    %and3A_313 = arith.andi %ne3A_309, %ne3A_312 : i1
    %sub3A_314 = arith.constant 1 : i32
    %sub3A_315 = arith.subi %div3A_294, %sub3A_314 : i32
    %select_n3A_316 = arith.select %and3A_313, %sub3A_315, %div3A_294 : i32
    %while3A_317 = arith.constant 0 : i32
    %while3A_318 = arith.subi %select_n3A_316, %while3A_317 : i32
    %while3A_319 = arith.addi %while3A_317, %while3A_318 : i32
    %while3A_320 = arith.constant 1 : i32
    %while3A_321 = arith.divsi %while3A_318, %while3A_320 : i32
    %while3A_322 = arith.muli %while3A_321, %while3A_320 : i32
    %while3A_323 = arith.addi %while3A_317, %while3A_322 : i32
    %while3A_324 = arith.constant 1 : i32
    scf.for %while3A_843 = %while3A_317 to %while3A_323 step %while3A_324  : i32 {
      %mul3A_844 = arith.constant 64 : i32
      %mul3A_845 = arith.muli %while3A_843, %mul3A_844 : i32
      %dma_start3A = tpu.memref_slice %arg23[%mul3A_845] : memref<10368xi32, #tpu.memory_space<vmem>> -> memref<64xi32, #tpu.memory_space<vmem>>
      %dma_start3A_846 = arith.constant 0 : i32
      %dma_start3A_847 = arith.constant 0 : i32
      %dma_start3A_848 = tpu.memref_slice %arg10[%dma_start3A_846, %dma_start3A_847] : memref<10000x128xf32, #tpu.memory_space<hbm>> -> memref<10000x128xf32, #tpu.memory_space<hbm>>
      tpu.enqueue_indirect_dma source(%dma_start3A_848 : memref<10000x128xf32, #tpu.memory_space<hbm>>) target(%arg27 : memref<64x128xf32, #tpu.memory_space<vmem>>) offsets(%dma_start3A : memref<64xi32, #tpu.memory_space<vmem>>) semaphore(%arg28 : memref<!tpu.dma_semaphore, #tpu.memory_space<semaphore_mem>>)
      %dma_wait3A = tpu.memref_slice %arg23[%mul3A_845] : memref<10368xi32, #tpu.memory_space<vmem>> -> memref<64xi32, #tpu.memory_space<vmem>>
      %dma_wait3A_849 = arith.constant 0 : i32
      %dma_wait3A_850 = arith.constant 0 : i32
      %dma_wait3A_851 = tpu.memref_slice %arg10[%dma_wait3A_849, %dma_wait3A_850] : memref<10000x128xf32, #tpu.memory_space<hbm>> -> memref<10000x128xf32, #tpu.memory_space<hbm>>
      tpu.wait_indirect_dma semaphore(%arg28 : memref<!tpu.dma_semaphore, #tpu.memory_space<semaphore_mem>>) src(%dma_wait3A_851 : memref<10000x128xf32, #tpu.memory_space<hbm>>) dst(%arg27 : memref<64x128xf32, #tpu.memory_space<vmem>>)
      %mul3A_852 = arith.constant 64 : i32
      %mul3A_853 = arith.muli %while3A_843, %mul3A_852 : i32
      %sub3A_854 = arith.subi %parallel_loop3A_119#0, %mul3A_853 : i32
      %min3A = arith.constant 64 : i32
      %min3A_855 = arith.minsi %min3A, %sub3A_854 : i32
      %while3A_856 = arith.constant 0 : i32
      %while3A_857 = arith.constant 0 : i32
      %while3A_858 = arith.subi %min3A_855, %while3A_856 : i32
      %while3A_859 = arith.addi %while3A_856, %while3A_858 : i32
      %while3A_860 = arith.constant 1 : i32
      %while3A_861 = arith.divsi %while3A_858, %while3A_860 : i32
      %while3A_862 = arith.muli %while3A_861, %while3A_860 : i32
      %while3A_863 = arith.addi %while3A_856, %while3A_862 : i32
      %while3A_864 = arith.constant 1 : i32
      %while3A_865 = scf.for %while3A_868 = %while3A_856 to %while3A_863 step %while3A_864 iter_args(%while3A_869 = %while3A_857) -> (i32)  : i32 {
        %mul3A_870 = arith.constant 64 : i32
        %mul3A_871 = arith.muli %while3A_843, %mul3A_870 : i32
        %add3A_872 = arith.addi %mul3A_871, %while3A_868 : i32
        %broadcast_in_dim3A_873 = vector.broadcast %add3A_872 : i32 to vector<16xi32>
        %gather3A_874 = tpu.vector_load_idx %arg25[%broadcast_in_dim3A_873] : memref<10368xf32, #tpu.memory_space<vmem>>[vector<16xi32>], vector<16xf32>,
        %gather3A_875 = tpu.vector_load_idx %arg24[%broadcast_in_dim3A_873] : memref<10368xi32, #tpu.memory_space<vmem>>[vector<16xi32>], vector<16xi32>,
        %slice3A = vector.extract_strided_slice %gather3A_875 {offsets = [0], sizes = [1], strides = [1]} : vector<16xi32> to vector<1xi32>
        %squeeze3A = vector.extract %slice3A[0] : i32 from vector<1xi32>
        %jit3A_876 = arith.constant 0.000000e+00 : f32
        %broadcast_in_dim3A_877 = vector.broadcast %jit3A_876 : f32 to vector<16xf32>
        %select_n3A_878 = arith.select %eq3A_259, %gather3A_874, %broadcast_in_dim3A_877 : vector<16xi1>, vector<16xf32>
        %swap3A_879 = arith.index_cast %squeeze3A : i32 to index
        %swap3A_880 = arith.constant 128 : index
        %swap3A_881 = tpu.vector_load %arg26[%swap3A_879, %swap3A_880] {strides = array<i32>} : memref<72x256xf32, #tpu.memory_space<vmem>>, vector<16xf32>,
        tpu.vector_store %arg26[%swap3A_879, %swap3A_880], %select_n3A_878 {add = true, strides = array<i32>} : memref<72x256xf32, #tpu.memory_space<vmem>>, vector<16xf32>,
        %get3A_882 = arith.index_cast %while3A_868 : i32 to index
        %get3A_883 = arith.constant 0 : index
        %get3A_884 = tpu.vector_load %arg27[%get3A_882, %get3A_883] {strides = array<i32>} : memref<64x128xf32, #tpu.memory_space<vmem>>, vector<16xf32>,
        %mul3A_885 = arith.mulf %gather3A_874, %get3A_884 : vector<16xf32>
        %swap3A_886 = arith.index_cast %squeeze3A : i32 to index
        %swap3A_887 = arith.constant 0 : index
        %swap3A_888 = tpu.vector_load %arg26[%swap3A_886, %swap3A_887] {strides = array<i32>} : memref<72x256xf32, #tpu.memory_space<vmem>>, vector<16xf32>,
        tpu.vector_store %arg26[%swap3A_886, %swap3A_887], %mul3A_885 {add = true, strides = array<i32>} : memref<72x256xf32, #tpu.memory_space<vmem>>, vector<16xf32>,
        %get3A_889 = arith.index_cast %while3A_868 : i32 to index
        %get3A_890 = arith.constant 16 : index
        %get3A_891 = tpu.vector_load %arg27[%get3A_889, %get3A_890] {strides = array<i32>} : memref<64x128xf32, #tpu.memory_space<vmem>>, vector<16xf32>,
        %mul3A_892 = arith.mulf %gather3A_874, %get3A_891 : vector<16xf32>
        %swap3A_893 = arith.index_cast %squeeze3A : i32 to index
        %swap3A_894 = arith.constant 16 : index
        %swap3A_895 = tpu.vector_load %arg26[%swap3A_893, %swap3A_894] {strides = array<i32>} : memref<72x256xf32, #tpu.memory_space<vmem>>, vector<16xf32>,
        tpu.vector_store %arg26[%swap3A_893, %swap3A_894], %mul3A_892 {add = true, strides = array<i32>} : memref<72x256xf32, #tpu.memory_space<vmem>>, vector<16xf32>,
        %get3A_896 = arith.index_cast %while3A_868 : i32 to index
        %get3A_897 = arith.constant 32 : index
        %get3A_898 = tpu.vector_load %arg27[%get3A_896, %get3A_897] {strides = array<i32>} : memref<64x128xf32, #tpu.memory_space<vmem>>, vector<16xf32>,
        %mul3A_899 = arith.mulf %gather3A_874, %get3A_898 : vector<16xf32>
        %swap3A_900 = arith.index_cast %squeeze3A : i32 to index
        %swap3A_901 = arith.constant 32 : index
        %swap3A_902 = tpu.vector_load %arg26[%swap3A_900, %swap3A_901] {strides = array<i32>} : memref<72x256xf32, #tpu.memory_space<vmem>>, vector<16xf32>,
        tpu.vector_store %arg26[%swap3A_900, %swap3A_901], %mul3A_899 {add = true, strides = array<i32>} : memref<72x256xf32, #tpu.memory_space<vmem>>, vector<16xf32>,
        %get3A_903 = arith.index_cast %while3A_868 : i32 to index
        %get3A_904 = arith.constant 48 : index
        %get3A_905 = tpu.vector_load %arg27[%get3A_903, %get3A_904] {strides = array<i32>} : memref<64x128xf32, #tpu.memory_space<vmem>>, vector<16xf32>,
        %mul3A_906 = arith.mulf %gather3A_874, %get3A_905 : vector<16xf32>
        %swap3A_907 = arith.index_cast %squeeze3A : i32 to index
        %swap3A_908 = arith.constant 48 : index
        %swap3A_909 = tpu.vector_load %arg26[%swap3A_907, %swap3A_908] {strides = array<i32>} : memref<72x256xf32, #tpu.memory_space<vmem>>, vector<16xf32>,
        tpu.vector_store %arg26[%swap3A_907, %swap3A_908], %mul3A_906 {add = true, strides = array<i32>} : memref<72x256xf32, #tpu.memory_space<vmem>>, vector<16xf32>,
        %get3A_910 = arith.index_cast %while3A_868 : i32 to index
        %get3A_911 = arith.constant 64 : index
        %get3A_912 = tpu.vector_load %arg27[%get3A_910, %get3A_911] {strides = array<i32>} : memref<64x128xf32, #tpu.memory_space<vmem>>, vector<16xf32>,
        %mul3A_913 = arith.mulf %gather3A_874, %get3A_912 : vector<16xf32>
        %swap3A_914 = arith.index_cast %squeeze3A : i32 to index
        %swap3A_915 = arith.constant 64 : index
        %swap3A_916 = tpu.vector_load %arg26[%swap3A_914, %swap3A_915] {strides = array<i32>} : memref<72x256xf32, #tpu.memory_space<vmem>>, vector<16xf32>,
        tpu.vector_store %arg26[%swap3A_914, %swap3A_915], %mul3A_913 {add = true, strides = array<i32>} : memref<72x256xf32, #tpu.memory_space<vmem>>, vector<16xf32>,
        %get3A_917 = arith.index_cast %while3A_868 : i32 to index
        %get3A_918 = arith.constant 80 : index
        %get3A_919 = tpu.vector_load %arg27[%get3A_917, %get3A_918] {strides = array<i32>} : memref<64x128xf32, #tpu.memory_space<vmem>>, vector<16xf32>,
        %mul3A_920 = arith.mulf %gather3A_874, %get3A_919 : vector<16xf32>
        %swap3A_921 = arith.index_cast %squeeze3A : i32 to index
        %swap3A_922 = arith.constant 80 : index
        %swap3A_923 = tpu.vector_load %arg26[%swap3A_921, %swap3A_922] {strides = array<i32>} : memref<72x256xf32, #tpu.memory_space<vmem>>, vector<16xf32>,
        tpu.vector_store %arg26[%swap3A_921, %swap3A_922], %mul3A_920 {add = true, strides = array<i32>} : memref<72x256xf32, #tpu.memory_space<vmem>>, vector<16xf32>,
        %get3A_924 = arith.index_cast %while3A_868 : i32 to index
        %get3A_925 = arith.constant 96 : index
        %get3A_926 = tpu.vector_load %arg27[%get3A_924, %get3A_925] {strides = array<i32>} : memref<64x128xf32, #tpu.memory_space<vmem>>, vector<16xf32>,
        %mul3A_927 = arith.mulf %gather3A_874, %get3A_926 : vector<16xf32>
        %swap3A_928 = arith.index_cast %squeeze3A : i32 to index
        %swap3A_929 = arith.constant 96 : index
        %swap3A_930 = tpu.vector_load %arg26[%swap3A_928, %swap3A_929] {strides = array<i32>} : memref<72x256xf32, #tpu.memory_space<vmem>>, vector<16xf32>,
        tpu.vector_store %arg26[%swap3A_928, %swap3A_929], %mul3A_927 {add = true, strides = array<i32>} : memref<72x256xf32, #tpu.memory_space<vmem>>, vector<16xf32>,
        %get3A_931 = arith.index_cast %while3A_868 : i32 to index
        %get3A_932 = arith.constant 112 : index
        %get3A_933 = tpu.vector_load %arg27[%get3A_931, %get3A_932] {strides = array<i32>} : memref<64x128xf32, #tpu.memory_space<vmem>>, vector<16xf32>,
        %mul3A_934 = arith.mulf %gather3A_874, %get3A_933 : vector<16xf32>
        %swap3A_935 = arith.index_cast %squeeze3A : i32 to index
        %swap3A_936 = arith.constant 112 : index
        %swap3A_937 = tpu.vector_load %arg26[%swap3A_935, %swap3A_936] {strides = array<i32>} : memref<72x256xf32, #tpu.memory_space<vmem>>, vector<16xf32>,
        tpu.vector_store %arg26[%swap3A_935, %swap3A_936], %mul3A_934 {add = true, strides = array<i32>} : memref<72x256xf32, #tpu.memory_space<vmem>>, vector<16xf32>,
        %while3A_938 = arith.constant 0 : i32
        scf.yield %while3A_938 : i32
      }
      %while3A_866 = arith.constant 1 : i32
      %while3A_867 = scf.for %while3A_868 = %while3A_863 to %while3A_859 step %while3A_866 iter_args(%while3A_869 = %while3A_865) -> (i32)  : i32 {
        %mul3A_870 = arith.constant 64 : i32
        %mul3A_871 = arith.muli %while3A_843, %mul3A_870 : i32
        %add3A_872 = arith.addi %mul3A_871, %while3A_868 : i32
        %broadcast_in_dim3A_873 = vector.broadcast %add3A_872 : i32 to vector<16xi32>
        %gather3A_874 = tpu.vector_load_idx %arg25[%broadcast_in_dim3A_873] : memref<10368xf32, #tpu.memory_space<vmem>>[vector<16xi32>], vector<16xf32>,
        %gather3A_875 = tpu.vector_load_idx %arg24[%broadcast_in_dim3A_873] : memref<10368xi32, #tpu.memory_space<vmem>>[vector<16xi32>], vector<16xi32>,
        %slice3A = vector.extract_strided_slice %gather3A_875 {offsets = [0], sizes = [1], strides = [1]} : vector<16xi32> to vector<1xi32>
        %squeeze3A = vector.extract %slice3A[0] : i32 from vector<1xi32>
        %jit3A_876 = arith.constant 0.000000e+00 : f32
        %broadcast_in_dim3A_877 = vector.broadcast %jit3A_876 : f32 to vector<16xf32>
        %select_n3A_878 = arith.select %eq3A_259, %gather3A_874, %broadcast_in_dim3A_877 : vector<16xi1>, vector<16xf32>
        %swap3A_879 = arith.index_cast %squeeze3A : i32 to index
        %swap3A_880 = arith.constant 128 : index
        %swap3A_881 = tpu.vector_load %arg26[%swap3A_879, %swap3A_880] {strides = array<i32>} : memref<72x256xf32, #tpu.memory_space<vmem>>, vector<16xf32>,
        tpu.vector_store %arg26[%swap3A_879, %swap3A_880], %select_n3A_878 {add = true, strides = array<i32>} : memref<72x256xf32, #tpu.memory_space<vmem>>, vector<16xf32>,
        %get3A_882 = arith.index_cast %while3A_868 : i32 to index
        %get3A_883 = arith.constant 0 : index
        %get3A_884 = tpu.vector_load %arg27[%get3A_882, %get3A_883] {strides = array<i32>} : memref<64x128xf32, #tpu.memory_space<vmem>>, vector<16xf32>,
        %mul3A_885 = arith.mulf %gather3A_874, %get3A_884 : vector<16xf32>
        %swap3A_886 = arith.index_cast %squeeze3A : i32 to index
        %swap3A_887 = arith.constant 0 : index
        %swap3A_888 = tpu.vector_load %arg26[%swap3A_886, %swap3A_887] {strides = array<i32>} : memref<72x256xf32, #tpu.memory_space<vmem>>, vector<16xf32>,
        tpu.vector_store %arg26[%swap3A_886, %swap3A_887], %mul3A_885 {add = true, strides = array<i32>} : memref<72x256xf32, #tpu.memory_space<vmem>>, vector<16xf32>,
        %get3A_889 = arith.index_cast %while3A_868 : i32 to index
        %get3A_890 = arith.constant 16 : index
        %get3A_891 = tpu.vector_load %arg27[%get3A_889, %get3A_890] {strides = array<i32>} : memref<64x128xf32, #tpu.memory_space<vmem>>, vector<16xf32>,
        %mul3A_892 = arith.mulf %gather3A_874, %get3A_891 : vector<16xf32>
        %swap3A_893 = arith.index_cast %squeeze3A : i32 to index
        %swap3A_894 = arith.constant 16 : index
        %swap3A_895 = tpu.vector_load %arg26[%swap3A_893, %swap3A_894] {strides = array<i32>} : memref<72x256xf32, #tpu.memory_space<vmem>>, vector<16xf32>,
        tpu.vector_store %arg26[%swap3A_893, %swap3A_894], %mul3A_892 {add = true, strides = array<i32>} : memref<72x256xf32, #tpu.memory_space<vmem>>, vector<16xf32>,
        %get3A_896 = arith.index_cast %while3A_868 : i32 to index
        %get3A_897 = arith.constant 32 : index
        %get3A_898 = tpu.vector_load %arg27[%get3A_896, %get3A_897] {strides = array<i32>} : memref<64x128xf32, #tpu.memory_space<vmem>>, vector<16xf32>,
        %mul3A_899 = arith.mulf %gather3A_874, %get3A_898 : vector<16xf32>
        %swap3A_900 = arith.index_cast %squeeze3A : i32 to index
        %swap3A_901 = arith.constant 32 : index
        %swap3A_902 = tpu.vector_load %arg26[%swap3A_900, %swap3A_901] {strides = array<i32>} : memref<72x256xf32, #tpu.memory_space<vmem>>, vector<16xf32>,
        tpu.vector_store %arg26[%swap3A_900, %swap3A_901], %mul3A_899 {add = true, strides = array<i32>} : memref<72x256xf32, #tpu.memory_space<vmem>>, vector<16xf32>,
        %get3A_903 = arith.index_cast %while3A_868 : i32 to index
        %get3A_904 = arith.constant 48 : index
        %get3A_905 = tpu.vector_load %arg27[%get3A_903, %get3A_904] {strides = array<i32>} : memref<64x128xf32, #tpu.memory_space<vmem>>, vector<16xf32>,
        %mul3A_906 = arith.mulf %gather3A_874, %get3A_905 : vector<16xf32>
        %swap3A_907 = arith.index_cast %squeeze3A : i32 to index
        %swap3A_908 = arith.constant 48 : index
        %swap3A_909 = tpu.vector_load %arg26[%swap3A_907, %swap3A_908] {strides = array<i32>} : memref<72x256xf32, #tpu.memory_space<vmem>>, vector<16xf32>,
        tpu.vector_store %arg26[%swap3A_907, %swap3A_908], %mul3A_906 {add = true, strides = array<i32>} : memref<72x256xf32, #tpu.memory_space<vmem>>, vector<16xf32>,
        %get3A_910 = arith.index_cast %while3A_868 : i32 to index
        %get3A_911 = arith.constant 64 : index
        %get3A_912 = tpu.vector_load %arg27[%get3A_910, %get3A_911] {strides = array<i32>} : memref<64x128xf32, #tpu.memory_space<vmem>>, vector<16xf32>,
        %mul3A_913 = arith.mulf %gather3A_874, %get3A_912 : vector<16xf32>
        %swap3A_914 = arith.index_cast %squeeze3A : i32 to index
        %swap3A_915 = arith.constant 64 : index
        %swap3A_916 = tpu.vector_load %arg26[%swap3A_914, %swap3A_915] {strides = array<i32>} : memref<72x256xf32, #tpu.memory_space<vmem>>, vector<16xf32>,
        tpu.vector_store %arg26[%swap3A_914, %swap3A_915], %mul3A_913 {add = true, strides = array<i32>} : memref<72x256xf32, #tpu.memory_space<vmem>>, vector<16xf32>,
        %get3A_917 = arith.index_cast %while3A_868 : i32 to index
        %get3A_918 = arith.constant 80 : index
        %get3A_919 = tpu.vector_load %arg27[%get3A_917, %get3A_918] {strides = array<i32>} : memref<64x128xf32, #tpu.memory_space<vmem>>, vector<16xf32>,
        %mul3A_920 = arith.mulf %gather3A_874, %get3A_919 : vector<16xf32>
        %swap3A_921 = arith.index_cast %squeeze3A : i32 to index
        %swap3A_922 = arith.constant 80 : index
        %swap3A_923 = tpu.vector_load %arg26[%swap3A_921, %swap3A_922] {strides = array<i32>} : memref<72x256xf32, #tpu.memory_space<vmem>>, vector<16xf32>,
        tpu.vector_store %arg26[%swap3A_921, %swap3A_922], %mul3A_920 {add = true, strides = array<i32>} : memref<72x256xf32, #tpu.memory_space<vmem>>, vector<16xf32>,
        %get3A_924 = arith.index_cast %while3A_868 : i32 to index
        %get3A_925 = arith.constant 96 : index
        %get3A_926 = tpu.vector_load %arg27[%get3A_924, %get3A_925] {strides = array<i32>} : memref<64x128xf32, #tpu.memory_space<vmem>>, vector<16xf32>,
        %mul3A_927 = arith.mulf %gather3A_874, %get3A_926 : vector<16xf32>
        %swap3A_928 = arith.index_cast %squeeze3A : i32 to index
        %swap3A_929 = arith.constant 96 : index
        %swap3A_930 = tpu.vector_load %arg26[%swap3A_928, %swap3A_929] {strides = array<i32>} : memref<72x256xf32, #tpu.memory_space<vmem>>, vector<16xf32>,
        tpu.vector_store %arg26[%swap3A_928, %swap3A_929], %mul3A_927 {add = true, strides = array<i32>} : memref<72x256xf32, #tpu.memory_space<vmem>>, vector<16xf32>,
        %get3A_931 = arith.index_cast %while3A_868 : i32 to index
        %get3A_932 = arith.constant 112 : index
        %get3A_933 = tpu.vector_load %arg27[%get3A_931, %get3A_932] {strides = array<i32>} : memref<64x128xf32, #tpu.memory_space<vmem>>, vector<16xf32>,
        %mul3A_934 = arith.mulf %gather3A_874, %get3A_933 : vector<16xf32>
        %swap3A_935 = arith.index_cast %squeeze3A : i32 to index
        %swap3A_936 = arith.constant 112 : index
        %swap3A_937 = tpu.vector_load %arg26[%swap3A_935, %swap3A_936] {strides = array<i32>} : memref<72x256xf32, #tpu.memory_space<vmem>>, vector<16xf32>,
        tpu.vector_store %arg26[%swap3A_935, %swap3A_936], %mul3A_934 {add = true, strides = array<i32>} : memref<72x256xf32, #tpu.memory_space<vmem>>, vector<16xf32>,
        %while3A_938 = arith.constant 0 : i32
        scf.yield %while3A_938 : i32
      }
    }
    %while3A_325 = arith.constant 1 : i32
    scf.for %while3A_843 = %while3A_323 to %while3A_319 step %while3A_325  : i32 {
      %mul3A_844 = arith.constant 64 : i32
      %mul3A_845 = arith.muli %while3A_843, %mul3A_844 : i32
      %dma_start3A = tpu.memref_slice %arg23[%mul3A_845] : memref<10368xi32, #tpu.memory_space<vmem>> -> memref<64xi32, #tpu.memory_space<vmem>>
      %dma_start3A_846 = arith.constant 0 : i32
      %dma_start3A_847 = arith.constant 0 : i32
      %dma_start3A_848 = tpu.memref_slice %arg10[%dma_start3A_846, %dma_start3A_847] : memref<10000x128xf32, #tpu.memory_space<hbm>> -> memref<10000x128xf32, #tpu.memory_space<hbm>>
      tpu.enqueue_indirect_dma source(%dma_start3A_848 : memref<10000x128xf32, #tpu.memory_space<hbm>>) target(%arg27 : memref<64x128xf32, #tpu.memory_space<vmem>>) offsets(%dma_start3A : memref<64xi32, #tpu.memory_space<vmem>>) semaphore(%arg28 : memref<!tpu.dma_semaphore, #tpu.memory_space<semaphore_mem>>)
      %dma_wait3A = tpu.memref_slice %arg23[%mul3A_845] : memref<10368xi32, #tpu.memory_space<vmem>> -> memref<64xi32, #tpu.memory_space<vmem>>
      %dma_wait3A_849 = arith.constant 0 : i32
      %dma_wait3A_850 = arith.constant 0 : i32
      %dma_wait3A_851 = tpu.memref_slice %arg10[%dma_wait3A_849, %dma_wait3A_850] : memref<10000x128xf32, #tpu.memory_space<hbm>> -> memref<10000x128xf32, #tpu.memory_space<hbm>>
      tpu.wait_indirect_dma semaphore(%arg28 : memref<!tpu.dma_semaphore, #tpu.memory_space<semaphore_mem>>) src(%dma_wait3A_851 : memref<10000x128xf32, #tpu.memory_space<hbm>>) dst(%arg27 : memref<64x128xf32, #tpu.memory_space<vmem>>)
      %mul3A_852 = arith.constant 64 : i32
      %mul3A_853 = arith.muli %while3A_843, %mul3A_852 : i32
      %sub3A_854 = arith.subi %parallel_loop3A_119#0, %mul3A_853 : i32
      %min3A = arith.constant 64 : i32
      %min3A_855 = arith.minsi %min3A, %sub3A_854 : i32
      %while3A_856 = arith.constant 0 : i32
      %while3A_857 = arith.constant 0 : i32
      %while3A_858 = arith.subi %min3A_855, %while3A_856 : i32
      %while3A_859 = arith.addi %while3A_856, %while3A_858 : i32
      %while3A_860 = arith.constant 1 : i32
      %while3A_861 = arith.divsi %while3A_858, %while3A_860 : i32
      %while3A_862 = arith.muli %while3A_861, %while3A_860 : i32
      %while3A_863 = arith.addi %while3A_856, %while3A_862 : i32
      %while3A_864 = arith.constant 1 : i32
      %while3A_865 = scf.for %while3A_868 = %while3A_856 to %while3A_863 step %while3A_864 iter_args(%while3A_869 = %while3A_857) -> (i32)  : i32 {
        %mul3A_870 = arith.constant 64 : i32
        %mul3A_871 = arith.muli %while3A_843, %mul3A_870 : i32
        %add3A_872 = arith.addi %mul3A_871, %while3A_868 : i32
        %broadcast_in_dim3A_873 = vector.broadcast %add3A_872 : i32 to vector<16xi32>
        %gather3A_874 = tpu.vector_load_idx %arg25[%broadcast_in_dim3A_873] : memref<10368xf32, #tpu.memory_space<vmem>>[vector<16xi32>], vector<16xf32>,
        %gather3A_875 = tpu.vector_load_idx %arg24[%broadcast_in_dim3A_873] : memref<10368xi32, #tpu.memory_space<vmem>>[vector<16xi32>], vector<16xi32>,
        %slice3A = vector.extract_strided_slice %gather3A_875 {offsets = [0], sizes = [1], strides = [1]} : vector<16xi32> to vector<1xi32>
        %squeeze3A = vector.extract %slice3A[0] : i32 from vector<1xi32>
        %jit3A_876 = arith.constant 0.000000e+00 : f32
        %broadcast_in_dim3A_877 = vector.broadcast %jit3A_876 : f32 to vector<16xf32>
        %select_n3A_878 = arith.select %eq3A_259, %gather3A_874, %broadcast_in_dim3A_877 : vector<16xi1>, vector<16xf32>
        %swap3A_879 = arith.index_cast %squeeze3A : i32 to index
        %swap3A_880 = arith.constant 128 : index
        %swap3A_881 = tpu.vector_load %arg26[%swap3A_879, %swap3A_880] {strides = array<i32>} : memref<72x256xf32, #tpu.memory_space<vmem>>, vector<16xf32>,
        tpu.vector_store %arg26[%swap3A_879, %swap3A_880], %select_n3A_878 {add = true, strides = array<i32>} : memref<72x256xf32, #tpu.memory_space<vmem>>, vector<16xf32>,
        %get3A_882 = arith.index_cast %while3A_868 : i32 to index
        %get3A_883 = arith.constant 0 : index
        %get3A_884 = tpu.vector_load %arg27[%get3A_882, %get3A_883] {strides = array<i32>} : memref<64x128xf32, #tpu.memory_space<vmem>>, vector<16xf32>,
        %mul3A_885 = arith.mulf %gather3A_874, %get3A_884 : vector<16xf32>
        %swap3A_886 = arith.index_cast %squeeze3A : i32 to index
        %swap3A_887 = arith.constant 0 : index
        %swap3A_888 = tpu.vector_load %arg26[%swap3A_886, %swap3A_887] {strides = array<i32>} : memref<72x256xf32, #tpu.memory_space<vmem>>, vector<16xf32>,
        tpu.vector_store %arg26[%swap3A_886, %swap3A_887], %mul3A_885 {add = true, strides = array<i32>} : memref<72x256xf32, #tpu.memory_space<vmem>>, vector<16xf32>,
        %get3A_889 = arith.index_cast %while3A_868 : i32 to index
        %get3A_890 = arith.constant 16 : index
        %get3A_891 = tpu.vector_load %arg27[%get3A_889, %get3A_890] {strides = array<i32>} : memref<64x128xf32, #tpu.memory_space<vmem>>, vector<16xf32>,
        %mul3A_892 = arith.mulf %gather3A_874, %get3A_891 : vector<16xf32>
        %swap3A_893 = arith.index_cast %squeeze3A : i32 to index
        %swap3A_894 = arith.constant 16 : index
        %swap3A_895 = tpu.vector_load %arg26[%swap3A_893, %swap3A_894] {strides = array<i32>} : memref<72x256xf32, #tpu.memory_space<vmem>>, vector<16xf32>,
        tpu.vector_store %arg26[%swap3A_893, %swap3A_894], %mul3A_892 {add = true, strides = array<i32>} : memref<72x256xf32, #tpu.memory_space<vmem>>, vector<16xf32>,
        %get3A_896 = arith.index_cast %while3A_868 : i32 to index
        %get3A_897 = arith.constant 32 : index
        %get3A_898 = tpu.vector_load %arg27[%get3A_896, %get3A_897] {strides = array<i32>} : memref<64x128xf32, #tpu.memory_space<vmem>>, vector<16xf32>,
        %mul3A_899 = arith.mulf %gather3A_874, %get3A_898 : vector<16xf32>
        %swap3A_900 = arith.index_cast %squeeze3A : i32 to index
        %swap3A_901 = arith.constant 32 : index
        %swap3A_902 = tpu.vector_load %arg26[%swap3A_900, %swap3A_901] {strides = array<i32>} : memref<72x256xf32, #tpu.memory_space<vmem>>, vector<16xf32>,
        tpu.vector_store %arg26[%swap3A_900, %swap3A_901], %mul3A_899 {add = true, strides = array<i32>} : memref<72x256xf32, #tpu.memory_space<vmem>>, vector<16xf32>,
        %get3A_903 = arith.index_cast %while3A_868 : i32 to index
        %get3A_904 = arith.constant 48 : index
        %get3A_905 = tpu.vector_load %arg27[%get3A_903, %get3A_904] {strides = array<i32>} : memref<64x128xf32, #tpu.memory_space<vmem>>, vector<16xf32>,
        %mul3A_906 = arith.mulf %gather3A_874, %get3A_905 : vector<16xf32>
        %swap3A_907 = arith.index_cast %squeeze3A : i32 to index
        %swap3A_908 = arith.constant 48 : index
        %swap3A_909 = tpu.vector_load %arg26[%swap3A_907, %swap3A_908] {strides = array<i32>} : memref<72x256xf32, #tpu.memory_space<vmem>>, vector<16xf32>,
        tpu.vector_store %arg26[%swap3A_907, %swap3A_908], %mul3A_906 {add = true, strides = array<i32>} : memref<72x256xf32, #tpu.memory_space<vmem>>, vector<16xf32>,
        %get3A_910 = arith.index_cast %while3A_868 : i32 to index
        %get3A_911 = arith.constant 64 : index
        %get3A_912 = tpu.vector_load %arg27[%get3A_910, %get3A_911] {strides = array<i32>} : memref<64x128xf32, #tpu.memory_space<vmem>>, vector<16xf32>,
        %mul3A_913 = arith.mulf %gather3A_874, %get3A_912 : vector<16xf32>
        %swap3A_914 = arith.index_cast %squeeze3A : i32 to index
        %swap3A_915 = arith.constant 64 : index
        %swap3A_916 = tpu.vector_load %arg26[%swap3A_914, %swap3A_915] {strides = array<i32>} : memref<72x256xf32, #tpu.memory_space<vmem>>, vector<16xf32>,
        tpu.vector_store %arg26[%swap3A_914, %swap3A_915], %mul3A_913 {add = true, strides = array<i32>} : memref<72x256xf32, #tpu.memory_space<vmem>>, vector<16xf32>,
        %get3A_917 = arith.index_cast %while3A_868 : i32 to index
        %get3A_918 = arith.constant 80 : index
        %get3A_919 = tpu.vector_load %arg27[%get3A_917, %get3A_918] {strides = array<i32>} : memref<64x128xf32, #tpu.memory_space<vmem>>, vector<16xf32>,
        %mul3A_920 = arith.mulf %gather3A_874, %get3A_919 : vector<16xf32>
        %swap3A_921 = arith.index_cast %squeeze3A : i32 to index
        %swap3A_922 = arith.constant 80 : index
        %swap3A_923 = tpu.vector_load %arg26[%swap3A_921, %swap3A_922] {strides = array<i32>} : memref<72x256xf32, #tpu.memory_space<vmem>>, vector<16xf32>,
        tpu.vector_store %arg26[%swap3A_921, %swap3A_922], %mul3A_920 {add = true, strides = array<i32>} : memref<72x256xf32, #tpu.memory_space<vmem>>, vector<16xf32>,
        %get3A_924 = arith.index_cast %while3A_868 : i32 to index
        %get3A_925 = arith.constant 96 : index
        %get3A_926 = tpu.vector_load %arg27[%get3A_924, %get3A_925] {strides = array<i32>} : memref<64x128xf32, #tpu.memory_space<vmem>>, vector<16xf32>,
        %mul3A_927 = arith.mulf %gather3A_874, %get3A_926 : vector<16xf32>
        %swap3A_928 = arith.index_cast %squeeze3A : i32 to index
        %swap3A_929 = arith.constant 96 : index
        %swap3A_930 = tpu.vector_load %arg26[%swap3A_928, %swap3A_929] {strides = array<i32>} : memref<72x256xf32, #tpu.memory_space<vmem>>, vector<16xf32>,
        tpu.vector_store %arg26[%swap3A_928, %swap3A_929], %mul3A_927 {add = true, strides = array<i32>} : memref<72x256xf32, #tpu.memory_space<vmem>>, vector<16xf32>,
        %get3A_931 = arith.index_cast %while3A_868 : i32 to index
        %get3A_932 = arith.constant 112 : index
        %get3A_933 = tpu.vector_load %arg27[%get3A_931, %get3A_932] {strides = array<i32>} : memref<64x128xf32, #tpu.memory_space<vmem>>, vector<16xf32>,
        %mul3A_934 = arith.mulf %gather3A_874, %get3A_933 : vector<16xf32>
        %swap3A_935 = arith.index_cast %squeeze3A : i32 to index
        %swap3A_936 = arith.constant 112 : index
        %swap3A_937 = tpu.vector_load %arg26[%swap3A_935, %swap3A_936] {strides = array<i32>} : memref<72x256xf32, #tpu.memory_space<vmem>>, vector<16xf32>,
        tpu.vector_store %arg26[%swap3A_935, %swap3A_936], %mul3A_934 {add = true, strides = array<i32>} : memref<72x256xf32, #tpu.memory_space<vmem>>, vector<16xf32>,
        %while3A_938 = arith.constant 0 : i32
        scf.yield %while3A_938 : i32
      }
      %while3A_866 = arith.constant 1 : i32
      %while3A_867 = scf.for %while3A_868 = %while3A_863 to %while3A_859 step %while3A_866 iter_args(%while3A_869 = %while3A_865) -> (i32)  : i32 {
        %mul3A_870 = arith.constant 64 : i32
        %mul3A_871 = arith.muli %while3A_843, %mul3A_870 : i32
        %add3A_872 = arith.addi %mul3A_871, %while3A_868 : i32
        %broadcast_in_dim3A_873 = vector.broadcast %add3A_872 : i32 to vector<16xi32>
        %gather3A_874 = tpu.vector_load_idx %arg25[%broadcast_in_dim3A_873] : memref<10368xf32, #tpu.memory_space<vmem>>[vector<16xi32>], vector<16xf32>,
        %gather3A_875 = tpu.vector_load_idx %arg24[%broadcast_in_dim3A_873] : memref<10368xi32, #tpu.memory_space<vmem>>[vector<16xi32>], vector<16xi32>,
        %slice3A = vector.extract_strided_slice %gather3A_875 {offsets = [0], sizes = [1], strides = [1]} : vector<16xi32> to vector<1xi32>
        %squeeze3A = vector.extract %slice3A[0] : i32 from vector<1xi32>
        %jit3A_876 = arith.constant 0.000000e+00 : f32
        %broadcast_in_dim3A_877 = vector.broadcast %jit3A_876 : f32 to vector<16xf32>
        %select_n3A_878 = arith.select %eq3A_259, %gather3A_874, %broadcast_in_dim3A_877 : vector<16xi1>, vector<16xf32>
        %swap3A_879 = arith.index_cast %squeeze3A : i32 to index
        %swap3A_880 = arith.constant 128 : index
        %swap3A_881 = tpu.vector_load %arg26[%swap3A_879, %swap3A_880] {strides = array<i32>} : memref<72x256xf32, #tpu.memory_space<vmem>>, vector<16xf32>,
        tpu.vector_store %arg26[%swap3A_879, %swap3A_880], %select_n3A_878 {add = true, strides = array<i32>} : memref<72x256xf32, #tpu.memory_space<vmem>>, vector<16xf32>,
        %get3A_882 = arith.index_cast %while3A_868 : i32 to index
        %get3A_883 = arith.constant 0 : index
        %get3A_884 = tpu.vector_load %arg27[%get3A_882, %get3A_883] {strides = array<i32>} : memref<64x128xf32, #tpu.memory_space<vmem>>, vector<16xf32>,
        %mul3A_885 = arith.mulf %gather3A_874, %get3A_884 : vector<16xf32>
        %swap3A_886 = arith.index_cast %squeeze3A : i32 to index
        %swap3A_887 = arith.constant 0 : index
        %swap3A_888 = tpu.vector_load %arg26[%swap3A_886, %swap3A_887] {strides = array<i32>} : memref<72x256xf32, #tpu.memory_space<vmem>>, vector<16xf32>,
        tpu.vector_store %arg26[%swap3A_886, %swap3A_887], %mul3A_885 {add = true, strides = array<i32>} : memref<72x256xf32, #tpu.memory_space<vmem>>, vector<16xf32>,
        %get3A_889 = arith.index_cast %while3A_868 : i32 to index
        %get3A_890 = arith.constant 16 : index
        %get3A_891 = tpu.vector_load %arg27[%get3A_889, %get3A_890] {strides = array<i32>} : memref<64x128xf32, #tpu.memory_space<vmem>>, vector<16xf32>,
        %mul3A_892 = arith.mulf %gather3A_874, %get3A_891 : vector<16xf32>
        %swap3A_893 = arith.index_cast %squeeze3A : i32 to index
        %swap3A_894 = arith.constant 16 : index
        %swap3A_895 = tpu.vector_load %arg26[%swap3A_893, %swap3A_894] {strides = array<i32>} : memref<72x256xf32, #tpu.memory_space<vmem>>, vector<16xf32>,
        tpu.vector_store %arg26[%swap3A_893, %swap3A_894], %mul3A_892 {add = true, strides = array<i32>} : memref<72x256xf32, #tpu.memory_space<vmem>>, vector<16xf32>,
        %get3A_896 = arith.index_cast %while3A_868 : i32 to index
        %get3A_897 = arith.constant 32 : index
        %get3A_898 = tpu.vector_load %arg27[%get3A_896, %get3A_897] {strides = array<i32>} : memref<64x128xf32, #tpu.memory_space<vmem>>, vector<16xf32>,
        %mul3A_899 = arith.mulf %gather3A_874, %get3A_898 : vector<16xf32>
        %swap3A_900 = arith.index_cast %squeeze3A : i32 to index
        %swap3A_901 = arith.constant 32 : index
        %swap3A_902 = tpu.vector_load %arg26[%swap3A_900, %swap3A_901] {strides = array<i32>} : memref<72x256xf32, #tpu.memory_space<vmem>>, vector<16xf32>,
        tpu.vector_store %arg26[%swap3A_900, %swap3A_901], %mul3A_899 {add = true, strides = array<i32>} : memref<72x256xf32, #tpu.memory_space<vmem>>, vector<16xf32>,
        %get3A_903 = arith.index_cast %while3A_868 : i32 to index
        %get3A_904 = arith.constant 48 : index
        %get3A_905 = tpu.vector_load %arg27[%get3A_903, %get3A_904] {strides = array<i32>} : memref<64x128xf32, #tpu.memory_space<vmem>>, vector<16xf32>,
        %mul3A_906 = arith.mulf %gather3A_874, %get3A_905 : vector<16xf32>
        %swap3A_907 = arith.index_cast %squeeze3A : i32 to index
        %swap3A_908 = arith.constant 48 : index
        %swap3A_909 = tpu.vector_load %arg26[%swap3A_907, %swap3A_908] {strides = array<i32>} : memref<72x256xf32, #tpu.memory_space<vmem>>, vector<16xf32>,
        tpu.vector_store %arg26[%swap3A_907, %swap3A_908], %mul3A_906 {add = true, strides = array<i32>} : memref<72x256xf32, #tpu.memory_space<vmem>>, vector<16xf32>,
        %get3A_910 = arith.index_cast %while3A_868 : i32 to index
        %get3A_911 = arith.constant 64 : index
        %get3A_912 = tpu.vector_load %arg27[%get3A_910, %get3A_911] {strides = array<i32>} : memref<64x128xf32, #tpu.memory_space<vmem>>, vector<16xf32>,
        %mul3A_913 = arith.mulf %gather3A_874, %get3A_912 : vector<16xf32>
        %swap3A_914 = arith.index_cast %squeeze3A : i32 to index
        %swap3A_915 = arith.constant 64 : index
        %swap3A_916 = tpu.vector_load %arg26[%swap3A_914, %swap3A_915] {strides = array<i32>} : memref<72x256xf32, #tpu.memory_space<vmem>>, vector<16xf32>,
        tpu.vector_store %arg26[%swap3A_914, %swap3A_915], %mul3A_913 {add = true, strides = array<i32>} : memref<72x256xf32, #tpu.memory_space<vmem>>, vector<16xf32>,
        %get3A_917 = arith.index_cast %while3A_868 : i32 to index
        %get3A_918 = arith.constant 80 : index
        %get3A_919 = tpu.vector_load %arg27[%get3A_917, %get3A_918] {strides = array<i32>} : memref<64x128xf32, #tpu.memory_space<vmem>>, vector<16xf32>,
        %mul3A_920 = arith.mulf %gather3A_874, %get3A_919 : vector<16xf32>
        %swap3A_921 = arith.index_cast %squeeze3A : i32 to index
        %swap3A_922 = arith.constant 80 : index
        %swap3A_923 = tpu.vector_load %arg26[%swap3A_921, %swap3A_922] {strides = array<i32>} : memref<72x256xf32, #tpu.memory_space<vmem>>, vector<16xf32>,
        tpu.vector_store %arg26[%swap3A_921, %swap3A_922], %mul3A_920 {add = true, strides = array<i32>} : memref<72x256xf32, #tpu.memory_space<vmem>>, vector<16xf32>,
        %get3A_924 = arith.index_cast %while3A_868 : i32 to index
        %get3A_925 = arith.constant 96 : index
        %get3A_926 = tpu.vector_load %arg27[%get3A_924, %get3A_925] {strides = array<i32>} : memref<64x128xf32, #tpu.memory_space<vmem>>, vector<16xf32>,
        %mul3A_927 = arith.mulf %gather3A_874, %get3A_926 : vector<16xf32>
        %swap3A_928 = arith.index_cast %squeeze3A : i32 to index
        %swap3A_929 = arith.constant 96 : index
        %swap3A_930 = tpu.vector_load %arg26[%swap3A_928, %swap3A_929] {strides = array<i32>} : memref<72x256xf32, #tpu.memory_space<vmem>>, vector<16xf32>,
        tpu.vector_store %arg26[%swap3A_928, %swap3A_929], %mul3A_927 {add = true, strides = array<i32>} : memref<72x256xf32, #tpu.memory_space<vmem>>, vector<16xf32>,
        %get3A_931 = arith.index_cast %while3A_868 : i32 to index
        %get3A_932 = arith.constant 112 : index
        %get3A_933 = tpu.vector_load %arg27[%get3A_931, %get3A_932] {strides = array<i32>} : memref<64x128xf32, #tpu.memory_space<vmem>>, vector<16xf32>,
        %mul3A_934 = arith.mulf %gather3A_874, %get3A_933 : vector<16xf32>
        %swap3A_935 = arith.index_cast %squeeze3A : i32 to index
        %swap3A_936 = arith.constant 112 : index
        %swap3A_937 = tpu.vector_load %arg26[%swap3A_935, %swap3A_936] {strides = array<i32>} : memref<72x256xf32, #tpu.memory_space<vmem>>, vector<16xf32>,
        tpu.vector_store %arg26[%swap3A_935, %swap3A_936], %mul3A_934 {add = true, strides = array<i32>} : memref<72x256xf32, #tpu.memory_space<vmem>>, vector<16xf32>,
        %while3A_938 = arith.constant 0 : i32
        scf.yield %while3A_938 : i32
      }
    }
    %jit3A_326 = arith.constant 16 : i32
    %div3A_327 = arith.divsi %add3A_177, %jit3A_326 : i32
    %sign3A_328 = arith.constant 0 : i32
    %sign3A_329 = arith.cmpi sgt, %add3A_177, %sign3A_328 : i32
    %sign3A_330 = arith.extui %sign3A_329 : i1 to i32
    %sign3A_331 = arith.constant 0 : i32
    %sign3A_332 = arith.cmpi slt, %add3A_177, %sign3A_331 : i32
    %sign3A_333 = arith.extui %sign3A_332 : i1 to i32
    %sign3A_334 = arith.subi %sign3A_330, %sign3A_333 : i32
    %sign3A_335 = arith.constant 0 : i32
    %sign3A_336 = arith.cmpi sgt, %jit3A_326, %sign3A_335 : i32
    %sign3A_337 = arith.extui %sign3A_336 : i1 to i32
    %sign3A_338 = arith.constant 0 : i32
    %sign3A_339 = arith.cmpi slt, %jit3A_326, %sign3A_338 : i32
    %sign3A_340 = arith.extui %sign3A_339 : i1 to i32
    %sign3A_341 = arith.subi %sign3A_337, %sign3A_340 : i32
    %ne3A_342 = arith.cmpi ne, %sign3A_334, %sign3A_341 : i32
    %rem3A_343 = arith.remsi %add3A_177, %jit3A_326 : i32
    %ne3A_344 = arith.constant 0 : i32
    %ne3A_345 = arith.cmpi ne, %rem3A_343, %ne3A_344 : i32
    %and3A_346 = arith.andi %ne3A_342, %ne3A_345 : i1
    %sub3A_347 = arith.constant 1 : i32
    %sub3A_348 = arith.subi %div3A_327, %sub3A_347 : i32
    %select_n3A_349 = arith.select %and3A_346, %sub3A_348, %div3A_327 : i32
    %while3A_350 = arith.constant 324 : i32
    %while3A_351 = arith.subi %select_n3A_349, %while3A_350 : i32
    %while3A_352 = arith.addi %while3A_350, %while3A_351 : i32
    %while3A_353 = arith.constant 1 : i32
    %while3A_354 = arith.divsi %while3A_351, %while3A_353 : i32
    %while3A_355 = arith.muli %while3A_354, %while3A_353 : i32
    %while3A_356 = arith.addi %while3A_350, %while3A_355 : i32
    %while3A_357 = arith.constant 1 : i32
    scf.for %while3A_843 = %while3A_350 to %while3A_356 step %while3A_357  : i32 {
      %mul3A_844 = arith.constant 16 : i32
      %mul3A_845 = arith.muli %while3A_843, %mul3A_844 : i32
      %get3A_846 = arith.index_cast %mul3A_845 : i32 to index
      %get3A_847 = tpu.vector_load %arg25[%get3A_846] {strides = array<i32>} : memref<10368xf32, #tpu.memory_space<vmem>>, vector<16xf32>,
      %sub3A_848 = vector.broadcast %reduce_max3A_251 : f32 to vector<16xf32>
      %sub3A_849 = arith.subf %get3A_847, %sub3A_848 : vector<16xf32>
      %exp3A = math.exp %sub3A_849 : vector<16xf32>
      %mul3A_850 = arith.constant 16 : i32
      %mul3A_851 = arith.muli %while3A_843, %mul3A_850 : i32
      %add3A_852 = vector.broadcast %mul3A_851 : i32 to vector<16xi32>
      %add3A_853 = arith.addi %iota3A, %add3A_852 : vector<16xi32>
      %lt3A_854 = vector.broadcast %parallel_loop3A_119#1 : i32 to vector<16xi32>
      %lt3A_855 = arith.cmpi slt, %add3A_853, %lt3A_854 : vector<16xi32>
      %jit3A_856 = arith.constant 0.000000e+00 : f32
      %broadcast_in_dim3A_857 = vector.broadcast %jit3A_856 : f32 to vector<16xf32>
      %select_n3A_858 = arith.select %lt3A_855, %exp3A, %broadcast_in_dim3A_857 : vector<16xi1>, vector<16xf32>
      %mul3A_859 = arith.constant 16 : i32
      %mul3A_860 = arith.muli %while3A_843, %mul3A_859 : i32
      %swap3A_861 = arith.index_cast %mul3A_860 : i32 to index
      %swap3A_862 = tpu.vector_load %arg25[%swap3A_861] {strides = array<i32>} : memref<10368xf32, #tpu.memory_space<vmem>>, vector<16xf32>,
      tpu.vector_store %arg25[%swap3A_861], %select_n3A_858 {strides = array<i32>} : memref<10368xf32, #tpu.memory_space<vmem>>, vector<16xf32>,
    }
    %while3A_358 = arith.constant 1 : i32
    scf.for %while3A_843 = %while3A_356 to %while3A_352 step %while3A_358  : i32 {
      %mul3A_844 = arith.constant 16 : i32
      %mul3A_845 = arith.muli %while3A_843, %mul3A_844 : i32
      %get3A_846 = arith.index_cast %mul3A_845 : i32 to index
      %get3A_847 = tpu.vector_load %arg25[%get3A_846] {strides = array<i32>} : memref<10368xf32, #tpu.memory_space<vmem>>, vector<16xf32>,
      %sub3A_848 = vector.broadcast %reduce_max3A_251 : f32 to vector<16xf32>
      %sub3A_849 = arith.subf %get3A_847, %sub3A_848 : vector<16xf32>
      %exp3A = math.exp %sub3A_849 : vector<16xf32>
      %mul3A_850 = arith.constant 16 : i32
      %mul3A_851 = arith.muli %while3A_843, %mul3A_850 : i32
      %add3A_852 = vector.broadcast %mul3A_851 : i32 to vector<16xi32>
      %add3A_853 = arith.addi %iota3A, %add3A_852 : vector<16xi32>
      %lt3A_854 = vector.broadcast %parallel_loop3A_119#1 : i32 to vector<16xi32>
      %lt3A_855 = arith.cmpi slt, %add3A_853, %lt3A_854 : vector<16xi32>
      %jit3A_856 = arith.constant 0.000000e+00 : f32
      %broadcast_in_dim3A_857 = vector.broadcast %jit3A_856 : f32 to vector<16xf32>
      %select_n3A_858 = arith.select %lt3A_855, %exp3A, %broadcast_in_dim3A_857 : vector<16xi1>, vector<16xf32>
      %mul3A_859 = arith.constant 16 : i32
      %mul3A_860 = arith.muli %while3A_843, %mul3A_859 : i32
      %swap3A_861 = arith.index_cast %mul3A_860 : i32 to index
      %swap3A_862 = tpu.vector_load %arg25[%swap3A_861] {strides = array<i32>} : memref<10368xf32, #tpu.memory_space<vmem>>, vector<16xf32>,
      tpu.vector_store %arg25[%swap3A_861], %select_n3A_858 {strides = array<i32>} : memref<10368xf32, #tpu.memory_space<vmem>>, vector<16xf32>,
    }
    %jit3A_359 = arith.constant 64 : i32
    %div3A_360 = arith.divsi %add3A_177, %jit3A_359 : i32
    %sign3A_361 = arith.constant 0 : i32
    %sign3A_362 = arith.cmpi sgt, %add3A_177, %sign3A_361 : i32
    %sign3A_363 = arith.extui %sign3A_362 : i1 to i32
    %sign3A_364 = arith.constant 0 : i32
    %sign3A_365 = arith.cmpi slt, %add3A_177, %sign3A_364 : i32
    %sign3A_366 = arith.extui %sign3A_365 : i1 to i32
    %sign3A_367 = arith.subi %sign3A_363, %sign3A_366 : i32
    %sign3A_368 = arith.constant 0 : i32
    %sign3A_369 = arith.cmpi sgt, %jit3A_359, %sign3A_368 : i32
    %sign3A_370 = arith.extui %sign3A_369 : i1 to i32
    %sign3A_371 = arith.constant 0 : i32
    %sign3A_372 = arith.cmpi slt, %jit3A_359, %sign3A_371 : i32
    %sign3A_373 = arith.extui %sign3A_372 : i1 to i32
    %sign3A_374 = arith.subi %sign3A_370, %sign3A_373 : i32
    %ne3A_375 = arith.cmpi ne, %sign3A_367, %sign3A_374 : i32
    %rem3A_376 = arith.remsi %add3A_177, %jit3A_359 : i32
    %ne3A_377 = arith.constant 0 : i32
    %ne3A_378 = arith.cmpi ne, %rem3A_376, %ne3A_377 : i32
    %and3A_379 = arith.andi %ne3A_375, %ne3A_378 : i1
    %sub3A_380 = arith.constant 1 : i32
    %sub3A_381 = arith.subi %div3A_360, %sub3A_380 : i32
    %select_n3A_382 = arith.select %and3A_379, %sub3A_381, %div3A_360 : i32
    %while3A_383 = arith.constant 81 : i32
    %while3A_384 = arith.subi %select_n3A_382, %while3A_383 : i32
    %while3A_385 = arith.addi %while3A_383, %while3A_384 : i32
    %while3A_386 = arith.constant 1 : i32
    %while3A_387 = arith.divsi %while3A_384, %while3A_386 : i32
    %while3A_388 = arith.muli %while3A_387, %while3A_386 : i32
    %while3A_389 = arith.addi %while3A_383, %while3A_388 : i32
    %while3A_390 = arith.constant 1 : i32
    scf.for %while3A_843 = %while3A_383 to %while3A_389 step %while3A_390  : i32 {
      %mul3A_844 = arith.constant 64 : i32
      %mul3A_845 = arith.muli %while3A_843, %mul3A_844 : i32
      %dma_start3A = tpu.memref_slice %arg23[%mul3A_845] : memref<10368xi32, #tpu.memory_space<vmem>> -> memref<64xi32, #tpu.memory_space<vmem>>
      %dma_start3A_846 = arith.constant 0 : i32
      %dma_start3A_847 = arith.constant 0 : i32
      %dma_start3A_848 = tpu.memref_slice %arg10[%dma_start3A_846, %dma_start3A_847] : memref<10000x128xf32, #tpu.memory_space<hbm>> -> memref<10000x128xf32, #tpu.memory_space<hbm>>
      tpu.enqueue_indirect_dma source(%dma_start3A_848 : memref<10000x128xf32, #tpu.memory_space<hbm>>) target(%arg27 : memref<64x128xf32, #tpu.memory_space<vmem>>) offsets(%dma_start3A : memref<64xi32, #tpu.memory_space<vmem>>) semaphore(%arg28 : memref<!tpu.dma_semaphore, #tpu.memory_space<semaphore_mem>>)
      %dma_wait3A = tpu.memref_slice %arg23[%mul3A_845] : memref<10368xi32, #tpu.memory_space<vmem>> -> memref<64xi32, #tpu.memory_space<vmem>>
      %dma_wait3A_849 = arith.constant 0 : i32
      %dma_wait3A_850 = arith.constant 0 : i32
      %dma_wait3A_851 = tpu.memref_slice %arg10[%dma_wait3A_849, %dma_wait3A_850] : memref<10000x128xf32, #tpu.memory_space<hbm>> -> memref<10000x128xf32, #tpu.memory_space<hbm>>
      tpu.wait_indirect_dma semaphore(%arg28 : memref<!tpu.dma_semaphore, #tpu.memory_space<semaphore_mem>>) src(%dma_wait3A_851 : memref<10000x128xf32, #tpu.memory_space<hbm>>) dst(%arg27 : memref<64x128xf32, #tpu.memory_space<vmem>>)
      %mul3A_852 = arith.constant 64 : i32
      %mul3A_853 = arith.muli %while3A_843, %mul3A_852 : i32
      %sub3A_854 = arith.subi %parallel_loop3A_119#1, %mul3A_853 : i32
      %min3A = arith.constant 64 : i32
      %min3A_855 = arith.minsi %min3A, %sub3A_854 : i32
      %while3A_856 = arith.constant 0 : i32
      %while3A_857 = arith.constant 0 : i32
      %while3A_858 = arith.subi %min3A_855, %while3A_856 : i32
      %while3A_859 = arith.addi %while3A_856, %while3A_858 : i32
      %while3A_860 = arith.constant 1 : i32
      %while3A_861 = arith.divsi %while3A_858, %while3A_860 : i32
      %while3A_862 = arith.muli %while3A_861, %while3A_860 : i32
      %while3A_863 = arith.addi %while3A_856, %while3A_862 : i32
      %while3A_864 = arith.constant 1 : i32
      %while3A_865 = scf.for %while3A_868 = %while3A_856 to %while3A_863 step %while3A_864 iter_args(%while3A_869 = %while3A_857) -> (i32)  : i32 {
        %mul3A_870 = arith.constant 64 : i32
        %mul3A_871 = arith.muli %while3A_843, %mul3A_870 : i32
        %add3A_872 = arith.addi %mul3A_871, %while3A_868 : i32
        %broadcast_in_dim3A_873 = vector.broadcast %add3A_872 : i32 to vector<16xi32>
        %gather3A_874 = tpu.vector_load_idx %arg25[%broadcast_in_dim3A_873] : memref<10368xf32, #tpu.memory_space<vmem>>[vector<16xi32>], vector<16xf32>,
        %gather3A_875 = tpu.vector_load_idx %arg24[%broadcast_in_dim3A_873] : memref<10368xi32, #tpu.memory_space<vmem>>[vector<16xi32>], vector<16xi32>,
        %slice3A = vector.extract_strided_slice %gather3A_875 {offsets = [0], sizes = [1], strides = [1]} : vector<16xi32> to vector<1xi32>
        %squeeze3A = vector.extract %slice3A[0] : i32 from vector<1xi32>
        %jit3A_876 = arith.constant 0.000000e+00 : f32
        %broadcast_in_dim3A_877 = vector.broadcast %jit3A_876 : f32 to vector<16xf32>
        %select_n3A_878 = arith.select %eq3A_259, %gather3A_874, %broadcast_in_dim3A_877 : vector<16xi1>, vector<16xf32>
        %swap3A_879 = arith.index_cast %squeeze3A : i32 to index
        %swap3A_880 = arith.constant 128 : index
        %swap3A_881 = tpu.vector_load %arg26[%swap3A_879, %swap3A_880] {strides = array<i32>} : memref<72x256xf32, #tpu.memory_space<vmem>>, vector<16xf32>,
        tpu.vector_store %arg26[%swap3A_879, %swap3A_880], %select_n3A_878 {add = true, strides = array<i32>} : memref<72x256xf32, #tpu.memory_space<vmem>>, vector<16xf32>,
        %get3A_882 = arith.index_cast %while3A_868 : i32 to index
        %get3A_883 = arith.constant 0 : index
        %get3A_884 = tpu.vector_load %arg27[%get3A_882, %get3A_883] {strides = array<i32>} : memref<64x128xf32, #tpu.memory_space<vmem>>, vector<16xf32>,
        %mul3A_885 = arith.mulf %gather3A_874, %get3A_884 : vector<16xf32>
        %swap3A_886 = arith.index_cast %squeeze3A : i32 to index
        %swap3A_887 = arith.constant 0 : index
        %swap3A_888 = tpu.vector_load %arg26[%swap3A_886, %swap3A_887] {strides = array<i32>} : memref<72x256xf32, #tpu.memory_space<vmem>>, vector<16xf32>,
        tpu.vector_store %arg26[%swap3A_886, %swap3A_887], %mul3A_885 {add = true, strides = array<i32>} : memref<72x256xf32, #tpu.memory_space<vmem>>, vector<16xf32>,
        %get3A_889 = arith.index_cast %while3A_868 : i32 to index
        %get3A_890 = arith.constant 16 : index
        %get3A_891 = tpu.vector_load %arg27[%get3A_889, %get3A_890] {strides = array<i32>} : memref<64x128xf32, #tpu.memory_space<vmem>>, vector<16xf32>,
        %mul3A_892 = arith.mulf %gather3A_874, %get3A_891 : vector<16xf32>
        %swap3A_893 = arith.index_cast %squeeze3A : i32 to index
        %swap3A_894 = arith.constant 16 : index
        %swap3A_895 = tpu.vector_load %arg26[%swap3A_893, %swap3A_894] {strides = array<i32>} : memref<72x256xf32, #tpu.memory_space<vmem>>, vector<16xf32>,
        tpu.vector_store %arg26[%swap3A_893, %swap3A_894], %mul3A_892 {add = true, strides = array<i32>} : memref<72x256xf32, #tpu.memory_space<vmem>>, vector<16xf32>,
        %get3A_896 = arith.index_cast %while3A_868 : i32 to index
        %get3A_897 = arith.constant 32 : index
        %get3A_898 = tpu.vector_load %arg27[%get3A_896, %get3A_897] {strides = array<i32>} : memref<64x128xf32, #tpu.memory_space<vmem>>, vector<16xf32>,
        %mul3A_899 = arith.mulf %gather3A_874, %get3A_898 : vector<16xf32>
        %swap3A_900 = arith.index_cast %squeeze3A : i32 to index
        %swap3A_901 = arith.constant 32 : index
        %swap3A_902 = tpu.vector_load %arg26[%swap3A_900, %swap3A_901] {strides = array<i32>} : memref<72x256xf32, #tpu.memory_space<vmem>>, vector<16xf32>,
        tpu.vector_store %arg26[%swap3A_900, %swap3A_901], %mul3A_899 {add = true, strides = array<i32>} : memref<72x256xf32, #tpu.memory_space<vmem>>, vector<16xf32>,
        %get3A_903 = arith.index_cast %while3A_868 : i32 to index
        %get3A_904 = arith.constant 48 : index
        %get3A_905 = tpu.vector_load %arg27[%get3A_903, %get3A_904] {strides = array<i32>} : memref<64x128xf32, #tpu.memory_space<vmem>>, vector<16xf32>,
        %mul3A_906 = arith.mulf %gather3A_874, %get3A_905 : vector<16xf32>
        %swap3A_907 = arith.index_cast %squeeze3A : i32 to index
        %swap3A_908 = arith.constant 48 : index
        %swap3A_909 = tpu.vector_load %arg26[%swap3A_907, %swap3A_908] {strides = array<i32>} : memref<72x256xf32, #tpu.memory_space<vmem>>, vector<16xf32>,
        tpu.vector_store %arg26[%swap3A_907, %swap3A_908], %mul3A_906 {add = true, strides = array<i32>} : memref<72x256xf32, #tpu.memory_space<vmem>>, vector<16xf32>,
        %get3A_910 = arith.index_cast %while3A_868 : i32 to index
        %get3A_911 = arith.constant 64 : index
        %get3A_912 = tpu.vector_load %arg27[%get3A_910, %get3A_911] {strides = array<i32>} : memref<64x128xf32, #tpu.memory_space<vmem>>, vector<16xf32>,
        %mul3A_913 = arith.mulf %gather3A_874, %get3A_912 : vector<16xf32>
        %swap3A_914 = arith.index_cast %squeeze3A : i32 to index
        %swap3A_915 = arith.constant 64 : index
        %swap3A_916 = tpu.vector_load %arg26[%swap3A_914, %swap3A_915] {strides = array<i32>} : memref<72x256xf32, #tpu.memory_space<vmem>>, vector<16xf32>,
        tpu.vector_store %arg26[%swap3A_914, %swap3A_915], %mul3A_913 {add = true, strides = array<i32>} : memref<72x256xf32, #tpu.memory_space<vmem>>, vector<16xf32>,
        %get3A_917 = arith.index_cast %while3A_868 : i32 to index
        %get3A_918 = arith.constant 80 : index
        %get3A_919 = tpu.vector_load %arg27[%get3A_917, %get3A_918] {strides = array<i32>} : memref<64x128xf32, #tpu.memory_space<vmem>>, vector<16xf32>,
        %mul3A_920 = arith.mulf %gather3A_874, %get3A_919 : vector<16xf32>
        %swap3A_921 = arith.index_cast %squeeze3A : i32 to index
        %swap3A_922 = arith.constant 80 : index
        %swap3A_923 = tpu.vector_load %arg26[%swap3A_921, %swap3A_922] {strides = array<i32>} : memref<72x256xf32, #tpu.memory_space<vmem>>, vector<16xf32>,
        tpu.vector_store %arg26[%swap3A_921, %swap3A_922], %mul3A_920 {add = true, strides = array<i32>} : memref<72x256xf32, #tpu.memory_space<vmem>>, vector<16xf32>,
        %get3A_924 = arith.index_cast %while3A_868 : i32 to index
        %get3A_925 = arith.constant 96 : index
        %get3A_926 = tpu.vector_load %arg27[%get3A_924, %get3A_925] {strides = array<i32>} : memref<64x128xf32, #tpu.memory_space<vmem>>, vector<16xf32>,
        %mul3A_927 = arith.mulf %gather3A_874, %get3A_926 : vector<16xf32>
        %swap3A_928 = arith.index_cast %squeeze3A : i32 to index
        %swap3A_929 = arith.constant 96 : index
        %swap3A_930 = tpu.vector_load %arg26[%swap3A_928, %swap3A_929] {strides = array<i32>} : memref<72x256xf32, #tpu.memory_space<vmem>>, vector<16xf32>,
        tpu.vector_store %arg26[%swap3A_928, %swap3A_929], %mul3A_927 {add = true, strides = array<i32>} : memref<72x256xf32, #tpu.memory_space<vmem>>, vector<16xf32>,
        %get3A_931 = arith.index_cast %while3A_868 : i32 to index
        %get3A_932 = arith.constant 112 : index
        %get3A_933 = tpu.vector_load %arg27[%get3A_931, %get3A_932] {strides = array<i32>} : memref<64x128xf32, #tpu.memory_space<vmem>>, vector<16xf32>,
        %mul3A_934 = arith.mulf %gather3A_874, %get3A_933 : vector<16xf32>
        %swap3A_935 = arith.index_cast %squeeze3A : i32 to index
        %swap3A_936 = arith.constant 112 : index
        %swap3A_937 = tpu.vector_load %arg26[%swap3A_935, %swap3A_936] {strides = array<i32>} : memref<72x256xf32, #tpu.memory_space<vmem>>, vector<16xf32>,
        tpu.vector_store %arg26[%swap3A_935, %swap3A_936], %mul3A_934 {add = true, strides = array<i32>} : memref<72x256xf32, #tpu.memory_space<vmem>>, vector<16xf32>,
        %while3A_938 = arith.constant 0 : i32
        scf.yield %while3A_938 : i32
      }
      %while3A_866 = arith.constant 1 : i32
      %while3A_867 = scf.for %while3A_868 = %while3A_863 to %while3A_859 step %while3A_866 iter_args(%while3A_869 = %while3A_865) -> (i32)  : i32 {
        %mul3A_870 = arith.constant 64 : i32
        %mul3A_871 = arith.muli %while3A_843, %mul3A_870 : i32
        %add3A_872 = arith.addi %mul3A_871, %while3A_868 : i32
        %broadcast_in_dim3A_873 = vector.broadcast %add3A_872 : i32 to vector<16xi32>
        %gather3A_874 = tpu.vector_load_idx %arg25[%broadcast_in_dim3A_873] : memref<10368xf32, #tpu.memory_space<vmem>>[vector<16xi32>], vector<16xf32>,
        %gather3A_875 = tpu.vector_load_idx %arg24[%broadcast_in_dim3A_873] : memref<10368xi32, #tpu.memory_space<vmem>>[vector<16xi32>], vector<16xi32>,
        %slice3A = vector.extract_strided_slice %gather3A_875 {offsets = [0], sizes = [1], strides = [1]} : vector<16xi32> to vector<1xi32>
        %squeeze3A = vector.extract %slice3A[0] : i32 from vector<1xi32>
        %jit3A_876 = arith.constant 0.000000e+00 : f32
        %broadcast_in_dim3A_877 = vector.broadcast %jit3A_876 : f32 to vector<16xf32>
        %select_n3A_878 = arith.select %eq3A_259, %gather3A_874, %broadcast_in_dim3A_877 : vector<16xi1>, vector<16xf32>
        %swap3A_879 = arith.index_cast %squeeze3A : i32 to index
        %swap3A_880 = arith.constant 128 : index
        %swap3A_881 = tpu.vector_load %arg26[%swap3A_879, %swap3A_880] {strides = array<i32>} : memref<72x256xf32, #tpu.memory_space<vmem>>, vector<16xf32>,
        tpu.vector_store %arg26[%swap3A_879, %swap3A_880], %select_n3A_878 {add = true, strides = array<i32>} : memref<72x256xf32, #tpu.memory_space<vmem>>, vector<16xf32>,
        %get3A_882 = arith.index_cast %while3A_868 : i32 to index
        %get3A_883 = arith.constant 0 : index
        %get3A_884 = tpu.vector_load %arg27[%get3A_882, %get3A_883] {strides = array<i32>} : memref<64x128xf32, #tpu.memory_space<vmem>>, vector<16xf32>,
        %mul3A_885 = arith.mulf %gather3A_874, %get3A_884 : vector<16xf32>
        %swap3A_886 = arith.index_cast %squeeze3A : i32 to index
        %swap3A_887 = arith.constant 0 : index
        %swap3A_888 = tpu.vector_load %arg26[%swap3A_886, %swap3A_887] {strides = array<i32>} : memref<72x256xf32, #tpu.memory_space<vmem>>, vector<16xf32>,
        tpu.vector_store %arg26[%swap3A_886, %swap3A_887], %mul3A_885 {add = true, strides = array<i32>} : memref<72x256xf32, #tpu.memory_space<vmem>>, vector<16xf32>,
        %get3A_889 = arith.index_cast %while3A_868 : i32 to index
        %get3A_890 = arith.constant 16 : index
        %get3A_891 = tpu.vector_load %arg27[%get3A_889, %get3A_890] {strides = array<i32>} : memref<64x128xf32, #tpu.memory_space<vmem>>, vector<16xf32>,
        %mul3A_892 = arith.mulf %gather3A_874, %get3A_891 : vector<16xf32>
        %swap3A_893 = arith.index_cast %squeeze3A : i32 to index
        %swap3A_894 = arith.constant 16 : index
        %swap3A_895 = tpu.vector_load %arg26[%swap3A_893, %swap3A_894] {strides = array<i32>} : memref<72x256xf32, #tpu.memory_space<vmem>>, vector<16xf32>,
        tpu.vector_store %arg26[%swap3A_893, %swap3A_894], %mul3A_892 {add = true, strides = array<i32>} : memref<72x256xf32, #tpu.memory_space<vmem>>, vector<16xf32>,
        %get3A_896 = arith.index_cast %while3A_868 : i32 to index
        %get3A_897 = arith.constant 32 : index
        %get3A_898 = tpu.vector_load %arg27[%get3A_896, %get3A_897] {strides = array<i32>} : memref<64x128xf32, #tpu.memory_space<vmem>>, vector<16xf32>,
        %mul3A_899 = arith.mulf %gather3A_874, %get3A_898 : vector<16xf32>
        %swap3A_900 = arith.index_cast %squeeze3A : i32 to index
        %swap3A_901 = arith.constant 32 : index
        %swap3A_902 = tpu.vector_load %arg26[%swap3A_900, %swap3A_901] {strides = array<i32>} : memref<72x256xf32, #tpu.memory_space<vmem>>, vector<16xf32>,
        tpu.vector_store %arg26[%swap3A_900, %swap3A_901], %mul3A_899 {add = true, strides = array<i32>} : memref<72x256xf32, #tpu.memory_space<vmem>>, vector<16xf32>,
        %get3A_903 = arith.index_cast %while3A_868 : i32 to index
        %get3A_904 = arith.constant 48 : index
        %get3A_905 = tpu.vector_load %arg27[%get3A_903, %get3A_904] {strides = array<i32>} : memref<64x128xf32, #tpu.memory_space<vmem>>, vector<16xf32>,
        %mul3A_906 = arith.mulf %gather3A_874, %get3A_905 : vector<16xf32>
        %swap3A_907 = arith.index_cast %squeeze3A : i32 to index
        %swap3A_908 = arith.constant 48 : index
        %swap3A_909 = tpu.vector_load %arg26[%swap3A_907, %swap3A_908] {strides = array<i32>} : memref<72x256xf32, #tpu.memory_space<vmem>>, vector<16xf32>,
        tpu.vector_store %arg26[%swap3A_907, %swap3A_908], %mul3A_906 {add = true, strides = array<i32>} : memref<72x256xf32, #tpu.memory_space<vmem>>, vector<16xf32>,
        %get3A_910 = arith.index_cast %while3A_868 : i32 to index
        %get3A_911 = arith.constant 64 : index
        %get3A_912 = tpu.vector_load %arg27[%get3A_910, %get3A_911] {strides = array<i32>} : memref<64x128xf32, #tpu.memory_space<vmem>>, vector<16xf32>,
        %mul3A_913 = arith.mulf %gather3A_874, %get3A_912 : vector<16xf32>
        %swap3A_914 = arith.index_cast %squeeze3A : i32 to index
        %swap3A_915 = arith.constant 64 : index
        %swap3A_916 = tpu.vector_load %arg26[%swap3A_914, %swap3A_915] {strides = array<i32>} : memref<72x256xf32, #tpu.memory_space<vmem>>, vector<16xf32>,
        tpu.vector_store %arg26[%swap3A_914, %swap3A_915], %mul3A_913 {add = true, strides = array<i32>} : memref<72x256xf32, #tpu.memory_space<vmem>>, vector<16xf32>,
        %get3A_917 = arith.index_cast %while3A_868 : i32 to index
        %get3A_918 = arith.constant 80 : index
        %get3A_919 = tpu.vector_load %arg27[%get3A_917, %get3A_918] {strides = array<i32>} : memref<64x128xf32, #tpu.memory_space<vmem>>, vector<16xf32>,
        %mul3A_920 = arith.mulf %gather3A_874, %get3A_919 : vector<16xf32>
        %swap3A_921 = arith.index_cast %squeeze3A : i32 to index
        %swap3A_922 = arith.constant 80 : index
        %swap3A_923 = tpu.vector_load %arg26[%swap3A_921, %swap3A_922] {strides = array<i32>} : memref<72x256xf32, #tpu.memory_space<vmem>>, vector<16xf32>,
        tpu.vector_store %arg26[%swap3A_921, %swap3A_922], %mul3A_920 {add = true, strides = array<i32>} : memref<72x256xf32, #tpu.memory_space<vmem>>, vector<16xf32>,
        %get3A_924 = arith.index_cast %while3A_868 : i32 to index
        %get3A_925 = arith.constant 96 : index
        %get3A_926 = tpu.vector_load %arg27[%get3A_924, %get3A_925] {strides = array<i32>} : memref<64x128xf32, #tpu.memory_space<vmem>>, vector<16xf32>,
        %mul3A_927 = arith.mulf %gather3A_874, %get3A_926 : vector<16xf32>
        %swap3A_928 = arith.index_cast %squeeze3A : i32 to index
        %swap3A_929 = arith.constant 96 : index
        %swap3A_930 = tpu.vector_load %arg26[%swap3A_928, %swap3A_929] {strides = array<i32>} : memref<72x256xf32, #tpu.memory_space<vmem>>, vector<16xf32>,
        tpu.vector_store %arg26[%swap3A_928, %swap3A_929], %mul3A_927 {add = true, strides = array<i32>} : memref<72x256xf32, #tpu.memory_space<vmem>>, vector<16xf32>,
        %get3A_931 = arith.index_cast %while3A_868 : i32 to index
        %get3A_932 = arith.constant 112 : index
        %get3A_933 = tpu.vector_load %arg27[%get3A_931, %get3A_932] {strides = array<i32>} : memref<64x128xf32, #tpu.memory_space<vmem>>, vector<16xf32>,
        %mul3A_934 = arith.mulf %gather3A_874, %get3A_933 : vector<16xf32>
        %swap3A_935 = arith.index_cast %squeeze3A : i32 to index
        %swap3A_936 = arith.constant 112 : index
        %swap3A_937 = tpu.vector_load %arg26[%swap3A_935, %swap3A_936] {strides = array<i32>} : memref<72x256xf32, #tpu.memory_space<vmem>>, vector<16xf32>,
        tpu.vector_store %arg26[%swap3A_935, %swap3A_936], %mul3A_934 {add = true, strides = array<i32>} : memref<72x256xf32, #tpu.memory_space<vmem>>, vector<16xf32>,
        %while3A_938 = arith.constant 0 : i32
        scf.yield %while3A_938 : i32
      }
    }
    %while3A_391 = arith.constant 1 : i32
    scf.for %while3A_843 = %while3A_389 to %while3A_385 step %while3A_391  : i32 {
      %mul3A_844 = arith.constant 64 : i32
      %mul3A_845 = arith.muli %while3A_843, %mul3A_844 : i32
      %dma_start3A = tpu.memref_slice %arg23[%mul3A_845] : memref<10368xi32, #tpu.memory_space<vmem>> -> memref<64xi32, #tpu.memory_space<vmem>>
      %dma_start3A_846 = arith.constant 0 : i32
      %dma_start3A_847 = arith.constant 0 : i32
      %dma_start3A_848 = tpu.memref_slice %arg10[%dma_start3A_846, %dma_start3A_847] : memref<10000x128xf32, #tpu.memory_space<hbm>> -> memref<10000x128xf32, #tpu.memory_space<hbm>>
      tpu.enqueue_indirect_dma source(%dma_start3A_848 : memref<10000x128xf32, #tpu.memory_space<hbm>>) target(%arg27 : memref<64x128xf32, #tpu.memory_space<vmem>>) offsets(%dma_start3A : memref<64xi32, #tpu.memory_space<vmem>>) semaphore(%arg28 : memref<!tpu.dma_semaphore, #tpu.memory_space<semaphore_mem>>)
      %dma_wait3A = tpu.memref_slice %arg23[%mul3A_845] : memref<10368xi32, #tpu.memory_space<vmem>> -> memref<64xi32, #tpu.memory_space<vmem>>
      %dma_wait3A_849 = arith.constant 0 : i32
      %dma_wait3A_850 = arith.constant 0 : i32
      %dma_wait3A_851 = tpu.memref_slice %arg10[%dma_wait3A_849, %dma_wait3A_850] : memref<10000x128xf32, #tpu.memory_space<hbm>> -> memref<10000x128xf32, #tpu.memory_space<hbm>>
      tpu.wait_indirect_dma semaphore(%arg28 : memref<!tpu.dma_semaphore, #tpu.memory_space<semaphore_mem>>) src(%dma_wait3A_851 : memref<10000x128xf32, #tpu.memory_space<hbm>>) dst(%arg27 : memref<64x128xf32, #tpu.memory_space<vmem>>)
      %mul3A_852 = arith.constant 64 : i32
      %mul3A_853 = arith.muli %while3A_843, %mul3A_852 : i32
      %sub3A_854 = arith.subi %parallel_loop3A_119#1, %mul3A_853 : i32
      %min3A = arith.constant 64 : i32
      %min3A_855 = arith.minsi %min3A, %sub3A_854 : i32
      %while3A_856 = arith.constant 0 : i32
      %while3A_857 = arith.constant 0 : i32
      %while3A_858 = arith.subi %min3A_855, %while3A_856 : i32
      %while3A_859 = arith.addi %while3A_856, %while3A_858 : i32
      %while3A_860 = arith.constant 1 : i32
      %while3A_861 = arith.divsi %while3A_858, %while3A_860 : i32
      %while3A_862 = arith.muli %while3A_861, %while3A_860 : i32
      %while3A_863 = arith.addi %while3A_856, %while3A_862 : i32
      %while3A_864 = arith.constant 1 : i32
      %while3A_865 = scf.for %while3A_868 = %while3A_856 to %while3A_863 step %while3A_864 iter_args(%while3A_869 = %while3A_857) -> (i32)  : i32 {
        %mul3A_870 = arith.constant 64 : i32
        %mul3A_871 = arith.muli %while3A_843, %mul3A_870 : i32
        %add3A_872 = arith.addi %mul3A_871, %while3A_868 : i32
        %broadcast_in_dim3A_873 = vector.broadcast %add3A_872 : i32 to vector<16xi32>
        %gather3A_874 = tpu.vector_load_idx %arg25[%broadcast_in_dim3A_873] : memref<10368xf32, #tpu.memory_space<vmem>>[vector<16xi32>], vector<16xf32>,
        %gather3A_875 = tpu.vector_load_idx %arg24[%broadcast_in_dim3A_873] : memref<10368xi32, #tpu.memory_space<vmem>>[vector<16xi32>], vector<16xi32>,
        %slice3A = vector.extract_strided_slice %gather3A_875 {offsets = [0], sizes = [1], strides = [1]} : vector<16xi32> to vector<1xi32>
        %squeeze3A = vector.extract %slice3A[0] : i32 from vector<1xi32>
        %jit3A_876 = arith.constant 0.000000e+00 : f32
        %broadcast_in_dim3A_877 = vector.broadcast %jit3A_876 : f32 to vector<16xf32>
        %select_n3A_878 = arith.select %eq3A_259, %gather3A_874, %broadcast_in_dim3A_877 : vector<16xi1>, vector<16xf32>
        %swap3A_879 = arith.index_cast %squeeze3A : i32 to index
        %swap3A_880 = arith.constant 128 : index
        %swap3A_881 = tpu.vector_load %arg26[%swap3A_879, %swap3A_880] {strides = array<i32>} : memref<72x256xf32, #tpu.memory_space<vmem>>, vector<16xf32>,
        tpu.vector_store %arg26[%swap3A_879, %swap3A_880], %select_n3A_878 {add = true, strides = array<i32>} : memref<72x256xf32, #tpu.memory_space<vmem>>, vector<16xf32>,
        %get3A_882 = arith.index_cast %while3A_868 : i32 to index
        %get3A_883 = arith.constant 0 : index
        %get3A_884 = tpu.vector_load %arg27[%get3A_882, %get3A_883] {strides = array<i32>} : memref<64x128xf32, #tpu.memory_space<vmem>>, vector<16xf32>,
        %mul3A_885 = arith.mulf %gather3A_874, %get3A_884 : vector<16xf32>
        %swap3A_886 = arith.index_cast %squeeze3A : i32 to index
        %swap3A_887 = arith.constant 0 : index
        %swap3A_888 = tpu.vector_load %arg26[%swap3A_886, %swap3A_887] {strides = array<i32>} : memref<72x256xf32, #tpu.memory_space<vmem>>, vector<16xf32>,
        tpu.vector_store %arg26[%swap3A_886, %swap3A_887], %mul3A_885 {add = true, strides = array<i32>} : memref<72x256xf32, #tpu.memory_space<vmem>>, vector<16xf32>,
        %get3A_889 = arith.index_cast %while3A_868 : i32 to index
        %get3A_890 = arith.constant 16 : index
        %get3A_891 = tpu.vector_load %arg27[%get3A_889, %get3A_890] {strides = array<i32>} : memref<64x128xf32, #tpu.memory_space<vmem>>, vector<16xf32>,
        %mul3A_892 = arith.mulf %gather3A_874, %get3A_891 : vector<16xf32>
        %swap3A_893 = arith.index_cast %squeeze3A : i32 to index
        %swap3A_894 = arith.constant 16 : index
        %swap3A_895 = tpu.vector_load %arg26[%swap3A_893, %swap3A_894] {strides = array<i32>} : memref<72x256xf32, #tpu.memory_space<vmem>>, vector<16xf32>,
        tpu.vector_store %arg26[%swap3A_893, %swap3A_894], %mul3A_892 {add = true, strides = array<i32>} : memref<72x256xf32, #tpu.memory_space<vmem>>, vector<16xf32>,
        %get3A_896 = arith.index_cast %while3A_868 : i32 to index
        %get3A_897 = arith.constant 32 : index
        %get3A_898 = tpu.vector_load %arg27[%get3A_896, %get3A_897] {strides = array<i32>} : memref<64x128xf32, #tpu.memory_space<vmem>>, vector<16xf32>,
        %mul3A_899 = arith.mulf %gather3A_874, %get3A_898 : vector<16xf32>
        %swap3A_900 = arith.index_cast %squeeze3A : i32 to index
        %swap3A_901 = arith.constant 32 : index
        %swap3A_902 = tpu.vector_load %arg26[%swap3A_900, %swap3A_901] {strides = array<i32>} : memref<72x256xf32, #tpu.memory_space<vmem>>, vector<16xf32>,
        tpu.vector_store %arg26[%swap3A_900, %swap3A_901], %mul3A_899 {add = true, strides = array<i32>} : memref<72x256xf32, #tpu.memory_space<vmem>>, vector<16xf32>,
        %get3A_903 = arith.index_cast %while3A_868 : i32 to index
        %get3A_904 = arith.constant 48 : index
        %get3A_905 = tpu.vector_load %arg27[%get3A_903, %get3A_904] {strides = array<i32>} : memref<64x128xf32, #tpu.memory_space<vmem>>, vector<16xf32>,
        %mul3A_906 = arith.mulf %gather3A_874, %get3A_905 : vector<16xf32>
        %swap3A_907 = arith.index_cast %squeeze3A : i32 to index
        %swap3A_908 = arith.constant 48 : index
        %swap3A_909 = tpu.vector_load %arg26[%swap3A_907, %swap3A_908] {strides = array<i32>} : memref<72x256xf32, #tpu.memory_space<vmem>>, vector<16xf32>,
        tpu.vector_store %arg26[%swap3A_907, %swap3A_908], %mul3A_906 {add = true, strides = array<i32>} : memref<72x256xf32, #tpu.memory_space<vmem>>, vector<16xf32>,
        %get3A_910 = arith.index_cast %while3A_868 : i32 to index
        %get3A_911 = arith.constant 64 : index
        %get3A_912 = tpu.vector_load %arg27[%get3A_910, %get3A_911] {strides = array<i32>} : memref<64x128xf32, #tpu.memory_space<vmem>>, vector<16xf32>,
        %mul3A_913 = arith.mulf %gather3A_874, %get3A_912 : vector<16xf32>
        %swap3A_914 = arith.index_cast %squeeze3A : i32 to index
        %swap3A_915 = arith.constant 64 : index
        %swap3A_916 = tpu.vector_load %arg26[%swap3A_914, %swap3A_915] {strides = array<i32>} : memref<72x256xf32, #tpu.memory_space<vmem>>, vector<16xf32>,
        tpu.vector_store %arg26[%swap3A_914, %swap3A_915], %mul3A_913 {add = true, strides = array<i32>} : memref<72x256xf32, #tpu.memory_space<vmem>>, vector<16xf32>,
        %get3A_917 = arith.index_cast %while3A_868 : i32 to index
        %get3A_918 = arith.constant 80 : index
        %get3A_919 = tpu.vector_load %arg27[%get3A_917, %get3A_918] {strides = array<i32>} : memref<64x128xf32, #tpu.memory_space<vmem>>, vector<16xf32>,
        %mul3A_920 = arith.mulf %gather3A_874, %get3A_919 : vector<16xf32>
        %swap3A_921 = arith.index_cast %squeeze3A : i32 to index
        %swap3A_922 = arith.constant 80 : index
        %swap3A_923 = tpu.vector_load %arg26[%swap3A_921, %swap3A_922] {strides = array<i32>} : memref<72x256xf32, #tpu.memory_space<vmem>>, vector<16xf32>,
        tpu.vector_store %arg26[%swap3A_921, %swap3A_922], %mul3A_920 {add = true, strides = array<i32>} : memref<72x256xf32, #tpu.memory_space<vmem>>, vector<16xf32>,
        %get3A_924 = arith.index_cast %while3A_868 : i32 to index
        %get3A_925 = arith.constant 96 : index
        %get3A_926 = tpu.vector_load %arg27[%get3A_924, %get3A_925] {strides = array<i32>} : memref<64x128xf32, #tpu.memory_space<vmem>>, vector<16xf32>,
        %mul3A_927 = arith.mulf %gather3A_874, %get3A_926 : vector<16xf32>
        %swap3A_928 = arith.index_cast %squeeze3A : i32 to index
        %swap3A_929 = arith.constant 96 : index
        %swap3A_930 = tpu.vector_load %arg26[%swap3A_928, %swap3A_929] {strides = array<i32>} : memref<72x256xf32, #tpu.memory_space<vmem>>, vector<16xf32>,
        tpu.vector_store %arg26[%swap3A_928, %swap3A_929], %mul3A_927 {add = true, strides = array<i32>} : memref<72x256xf32, #tpu.memory_space<vmem>>, vector<16xf32>,
        %get3A_931 = arith.index_cast %while3A_868 : i32 to index
        %get3A_932 = arith.constant 112 : index
        %get3A_933 = tpu.vector_load %arg27[%get3A_931, %get3A_932] {strides = array<i32>} : memref<64x128xf32, #tpu.memory_space<vmem>>, vector<16xf32>,
        %mul3A_934 = arith.mulf %gather3A_874, %get3A_933 : vector<16xf32>
        %swap3A_935 = arith.index_cast %squeeze3A : i32 to index
        %swap3A_936 = arith.constant 112 : index
        %swap3A_937 = tpu.vector_load %arg26[%swap3A_935, %swap3A_936] {strides = array<i32>} : memref<72x256xf32, #tpu.memory_space<vmem>>, vector<16xf32>,
        tpu.vector_store %arg26[%swap3A_935, %swap3A_936], %mul3A_934 {add = true, strides = array<i32>} : memref<72x256xf32, #tpu.memory_space<vmem>>, vector<16xf32>,
        %while3A_938 = arith.constant 0 : i32
        scf.yield %while3A_938 : i32
      }
      %while3A_866 = arith.constant 1 : i32
      %while3A_867 = scf.for %while3A_868 = %while3A_863 to %while3A_859 step %while3A_866 iter_args(%while3A_869 = %while3A_865) -> (i32)  : i32 {
        %mul3A_870 = arith.constant 64 : i32
        %mul3A_871 = arith.muli %while3A_843, %mul3A_870 : i32
        %add3A_872 = arith.addi %mul3A_871, %while3A_868 : i32
        %broadcast_in_dim3A_873 = vector.broadcast %add3A_872 : i32 to vector<16xi32>
        %gather3A_874 = tpu.vector_load_idx %arg25[%broadcast_in_dim3A_873] : memref<10368xf32, #tpu.memory_space<vmem>>[vector<16xi32>], vector<16xf32>,
        %gather3A_875 = tpu.vector_load_idx %arg24[%broadcast_in_dim3A_873] : memref<10368xi32, #tpu.memory_space<vmem>>[vector<16xi32>], vector<16xi32>,
        %slice3A = vector.extract_strided_slice %gather3A_875 {offsets = [0], sizes = [1], strides = [1]} : vector<16xi32> to vector<1xi32>
        %squeeze3A = vector.extract %slice3A[0] : i32 from vector<1xi32>
        %jit3A_876 = arith.constant 0.000000e+00 : f32
        %broadcast_in_dim3A_877 = vector.broadcast %jit3A_876 : f32 to vector<16xf32>
        %select_n3A_878 = arith.select %eq3A_259, %gather3A_874, %broadcast_in_dim3A_877 : vector<16xi1>, vector<16xf32>
        %swap3A_879 = arith.index_cast %squeeze3A : i32 to index
        %swap3A_880 = arith.constant 128 : index
        %swap3A_881 = tpu.vector_load %arg26[%swap3A_879, %swap3A_880] {strides = array<i32>} : memref<72x256xf32, #tpu.memory_space<vmem>>, vector<16xf32>,
        tpu.vector_store %arg26[%swap3A_879, %swap3A_880], %select_n3A_878 {add = true, strides = array<i32>} : memref<72x256xf32, #tpu.memory_space<vmem>>, vector<16xf32>,
        %get3A_882 = arith.index_cast %while3A_868 : i32 to index
        %get3A_883 = arith.constant 0 : index
        %get3A_884 = tpu.vector_load %arg27[%get3A_882, %get3A_883] {strides = array<i32>} : memref<64x128xf32, #tpu.memory_space<vmem>>, vector<16xf32>,
        %mul3A_885 = arith.mulf %gather3A_874, %get3A_884 : vector<16xf32>
        %swap3A_886 = arith.index_cast %squeeze3A : i32 to index
        %swap3A_887 = arith.constant 0 : index
        %swap3A_888 = tpu.vector_load %arg26[%swap3A_886, %swap3A_887] {strides = array<i32>} : memref<72x256xf32, #tpu.memory_space<vmem>>, vector<16xf32>,
        tpu.vector_store %arg26[%swap3A_886, %swap3A_887], %mul3A_885 {add = true, strides = array<i32>} : memref<72x256xf32, #tpu.memory_space<vmem>>, vector<16xf32>,
        %get3A_889 = arith.index_cast %while3A_868 : i32 to index
        %get3A_890 = arith.constant 16 : index
        %get3A_891 = tpu.vector_load %arg27[%get3A_889, %get3A_890] {strides = array<i32>} : memref<64x128xf32, #tpu.memory_space<vmem>>, vector<16xf32>,
        %mul3A_892 = arith.mulf %gather3A_874, %get3A_891 : vector<16xf32>
        %swap3A_893 = arith.index_cast %squeeze3A : i32 to index
        %swap3A_894 = arith.constant 16 : index
        %swap3A_895 = tpu.vector_load %arg26[%swap3A_893, %swap3A_894] {strides = array<i32>} : memref<72x256xf32, #tpu.memory_space<vmem>>, vector<16xf32>,
        tpu.vector_store %arg26[%swap3A_893, %swap3A_894], %mul3A_892 {add = true, strides = array<i32>} : memref<72x256xf32, #tpu.memory_space<vmem>>, vector<16xf32>,
        %get3A_896 = arith.index_cast %while3A_868 : i32 to index
        %get3A_897 = arith.constant 32 : index
        %get3A_898 = tpu.vector_load %arg27[%get3A_896, %get3A_897] {strides = array<i32>} : memref<64x128xf32, #tpu.memory_space<vmem>>, vector<16xf32>,
        %mul3A_899 = arith.mulf %gather3A_874, %get3A_898 : vector<16xf32>
        %swap3A_900 = arith.index_cast %squeeze3A : i32 to index
        %swap3A_901 = arith.constant 32 : index
        %swap3A_902 = tpu.vector_load %arg26[%swap3A_900, %swap3A_901] {strides = array<i32>} : memref<72x256xf32, #tpu.memory_space<vmem>>, vector<16xf32>,
        tpu.vector_store %arg26[%swap3A_900, %swap3A_901], %mul3A_899 {add = true, strides = array<i32>} : memref<72x256xf32, #tpu.memory_space<vmem>>, vector<16xf32>,
        %get3A_903 = arith.index_cast %while3A_868 : i32 to index
        %get3A_904 = arith.constant 48 : index
        %get3A_905 = tpu.vector_load %arg27[%get3A_903, %get3A_904] {strides = array<i32>} : memref<64x128xf32, #tpu.memory_space<vmem>>, vector<16xf32>,
        %mul3A_906 = arith.mulf %gather3A_874, %get3A_905 : vector<16xf32>
        %swap3A_907 = arith.index_cast %squeeze3A : i32 to index
        %swap3A_908 = arith.constant 48 : index
        %swap3A_909 = tpu.vector_load %arg26[%swap3A_907, %swap3A_908] {strides = array<i32>} : memref<72x256xf32, #tpu.memory_space<vmem>>, vector<16xf32>,
        tpu.vector_store %arg26[%swap3A_907, %swap3A_908], %mul3A_906 {add = true, strides = array<i32>} : memref<72x256xf32, #tpu.memory_space<vmem>>, vector<16xf32>,
        %get3A_910 = arith.index_cast %while3A_868 : i32 to index
        %get3A_911 = arith.constant 64 : index
        %get3A_912 = tpu.vector_load %arg27[%get3A_910, %get3A_911] {strides = array<i32>} : memref<64x128xf32, #tpu.memory_space<vmem>>, vector<16xf32>,
        %mul3A_913 = arith.mulf %gather3A_874, %get3A_912 : vector<16xf32>
        %swap3A_914 = arith.index_cast %squeeze3A : i32 to index
        %swap3A_915 = arith.constant 64 : index
        %swap3A_916 = tpu.vector_load %arg26[%swap3A_914, %swap3A_915] {strides = array<i32>} : memref<72x256xf32, #tpu.memory_space<vmem>>, vector<16xf32>,
        tpu.vector_store %arg26[%swap3A_914, %swap3A_915], %mul3A_913 {add = true, strides = array<i32>} : memref<72x256xf32, #tpu.memory_space<vmem>>, vector<16xf32>,
        %get3A_917 = arith.index_cast %while3A_868 : i32 to index
        %get3A_918 = arith.constant 80 : index
        %get3A_919 = tpu.vector_load %arg27[%get3A_917, %get3A_918] {strides = array<i32>} : memref<64x128xf32, #tpu.memory_space<vmem>>, vector<16xf32>,
        %mul3A_920 = arith.mulf %gather3A_874, %get3A_919 : vector<16xf32>
        %swap3A_921 = arith.index_cast %squeeze3A : i32 to index
        %swap3A_922 = arith.constant 80 : index
        %swap3A_923 = tpu.vector_load %arg26[%swap3A_921, %swap3A_922] {strides = array<i32>} : memref<72x256xf32, #tpu.memory_space<vmem>>, vector<16xf32>,
        tpu.vector_store %arg26[%swap3A_921, %swap3A_922], %mul3A_920 {add = true, strides = array<i32>} : memref<72x256xf32, #tpu.memory_space<vmem>>, vector<16xf32>,
        %get3A_924 = arith.index_cast %while3A_868 : i32 to index
        %get3A_925 = arith.constant 96 : index
        %get3A_926 = tpu.vector_load %arg27[%get3A_924, %get3A_925] {strides = array<i32>} : memref<64x128xf32, #tpu.memory_space<vmem>>, vector<16xf32>,
        %mul3A_927 = arith.mulf %gather3A_874, %get3A_926 : vector<16xf32>
        %swap3A_928 = arith.index_cast %squeeze3A : i32 to index
        %swap3A_929 = arith.constant 96 : index
        %swap3A_930 = tpu.vector_load %arg26[%swap3A_928, %swap3A_929] {strides = array<i32>} : memref<72x256xf32, #tpu.memory_space<vmem>>, vector<16xf32>,
        tpu.vector_store %arg26[%swap3A_928, %swap3A_929], %mul3A_927 {add = true, strides = array<i32>} : memref<72x256xf32, #tpu.memory_space<vmem>>, vector<16xf32>,
        %get3A_931 = arith.index_cast %while3A_868 : i32 to index
        %get3A_932 = arith.constant 112 : index
        %get3A_933 = tpu.vector_load %arg27[%get3A_931, %get3A_932] {strides = array<i32>} : memref<64x128xf32, #tpu.memory_space<vmem>>, vector<16xf32>,
        %mul3A_934 = arith.mulf %gather3A_874, %get3A_933 : vector<16xf32>
        %swap3A_935 = arith.index_cast %squeeze3A : i32 to index
        %swap3A_936 = arith.constant 112 : index
        %swap3A_937 = tpu.vector_load %arg26[%swap3A_935, %swap3A_936] {strides = array<i32>} : memref<72x256xf32, #tpu.memory_space<vmem>>, vector<16xf32>,
        tpu.vector_store %arg26[%swap3A_935, %swap3A_936], %mul3A_934 {add = true, strides = array<i32>} : memref<72x256xf32, #tpu.memory_space<vmem>>, vector<16xf32>,
        %while3A_938 = arith.constant 0 : i32
        scf.yield %while3A_938 : i32
      }
    }
    %mul3A_392 = arith.constant 72 : i32
    %mul3A_393 = arith.muli %add3A, %mul3A_392 : i32
    %run_scoped3A_394 = arith.constant 0 : i32
    "tpu.region"() ({
      %run_scoped3A_843 = tpu.sem_alloc : memref<!tpu.dma_semaphore, #tpu.memory_space<semaphore_mem>>
      %dma_start3A = arith.constant 0 : i32
      %dma_start3A_844 = tpu.memref_slice %arg12[%run_scoped3A_394, %mul3A_393, %dma_start3A] : memref<2x2304x256xf32, #tpu.memory_space<hbm>> -> memref<1x72x256xf32, #tpu.memory_space<hbm>>
      %dma_start3A_845 = tpu.memref_squeeze %dma_start3A_844 : memref<1x72x256xf32, #tpu.memory_space<hbm>> -> memref<72x256xf32, #tpu.memory_space<hbm>>
      %dma_start3A_846 = arith.constant 0 : i32
      %dma_start3A_847 = tpu.memref_slice %arg12[%run_scoped3A_394, %mul3A_393, %dma_start3A_846] : memref<2x2304x256xf32, #tpu.memory_space<hbm>> -> memref<1x72x256xf32, #tpu.memory_space<hbm>>
      %dma_start3A_848 = tpu.memref_squeeze %dma_start3A_847 : memref<1x72x256xf32, #tpu.memory_space<hbm>> -> memref<72x256xf32, #tpu.memory_space<hbm>>
      tpu.enqueue_dma source(%arg26 : memref<72x256xf32, #tpu.memory_space<vmem>>) target(%dma_start3A_848 : memref<72x256xf32, #tpu.memory_space<hbm>>) target_semaphore(%run_scoped3A_843 : memref<!tpu.dma_semaphore, #tpu.memory_space<semaphore_mem>>)
      %dma_wait3A = arith.constant 0 : i32
      %dma_wait3A_849 = tpu.memref_slice %arg12[%run_scoped3A_394, %mul3A_393, %dma_wait3A] : memref<2x2304x256xf32, #tpu.memory_space<hbm>> -> memref<1x72x256xf32, #tpu.memory_space<hbm>>
      %dma_wait3A_850 = tpu.memref_squeeze %dma_wait3A_849 : memref<1x72x256xf32, #tpu.memory_space<hbm>> -> memref<72x256xf32, #tpu.memory_space<hbm>>
      %dma_wait3A_851 = arith.constant 0 : i32
      %dma_wait3A_852 = tpu.memref_slice %arg12[%run_scoped3A_394, %mul3A_393, %dma_wait3A_851] : memref<2x2304x256xf32, #tpu.memory_space<hbm>> -> memref<1x72x256xf32, #tpu.memory_space<hbm>>
      %dma_wait3A_853 = tpu.memref_squeeze %dma_wait3A_852 : memref<1x72x256xf32, #tpu.memory_space<hbm>> -> memref<72x256xf32, #tpu.memory_space<hbm>>
      tpu.wait_dma2 semaphore(%run_scoped3A_843 : memref<!tpu.dma_semaphore, #tpu.memory_space<semaphore_mem>>) src(%arg26 : memref<72x256xf32, #tpu.memory_space<vmem>>) dst(%dma_wait3A_853 : memref<72x256xf32, #tpu.memory_space<hbm>>)
      tpu.yield
    }) : () -> ()
    %eq3A_395 = arith.constant 0 : i32
    %eq3A_396 = arith.cmpi eq, %arg1, %eq3A_395 : i32
    %eq3A_397 = arith.constant 0 : i32
    %eq3A_398 = arith.cmpi eq, %arg0, %eq3A_397 : i32
    %and3A_399 = arith.andi %eq3A_396, %eq3A_398 : i1
    %convert_element_type3A = arith.extui %and3A_399 : i1 to i32
    %cond3A = arith.constant 0 : i32
    %cond3A_400 = arith.cmpi ne, %convert_element_type3A, %cond3A : i32
    scf.if %cond3A_400 {
      %run_scoped3A_843 = arith.constant 0 : i32
      "tpu.region"() ({
        %run_scoped3A_844 = tpu.sem_alloc : memref<!tpu.dma_semaphore, #tpu.memory_space<semaphore_mem>>
        %dma_start3A = arith.constant 0 : i32
        %dma_start3A_845 = tpu.memref_slice %arg13[%run_scoped3A_843, %dma_start3A] : memref<2x64xi32, #tpu.memory_space<hbm>> -> memref<1x64xi32, #tpu.memory_space<hbm>>
        %dma_start3A_846 = tpu.memref_squeeze %dma_start3A_845 : memref<1x64xi32, #tpu.memory_space<hbm>> -> memref<64xi32, #tpu.memory_space<hbm>>
        %dma_start3A_847 = arith.constant 0 : i32
        %dma_start3A_848 = tpu.memref_slice %arg13[%run_scoped3A_843, %dma_start3A_847] : memref<2x64xi32, #tpu.memory_space<hbm>> -> memref<1x64xi32, #tpu.memory_space<hbm>>
        %dma_start3A_849 = tpu.memref_squeeze %dma_start3A_848 : memref<1x64xi32, #tpu.memory_space<hbm>> -> memref<64xi32, #tpu.memory_space<hbm>>
        tpu.enqueue_dma source(%arg19 : memref<64xi32, #tpu.memory_space<vmem>>) target(%dma_start3A_849 : memref<64xi32, #tpu.memory_space<hbm>>) target_semaphore(%run_scoped3A_844 : memref<!tpu.dma_semaphore, #tpu.memory_space<semaphore_mem>>)
        %dma_wait3A = arith.constant 0 : i32
        %dma_wait3A_850 = tpu.memref_slice %arg13[%run_scoped3A_843, %dma_wait3A] : memref<2x64xi32, #tpu.memory_space<hbm>> -> memref<1x64xi32, #tpu.memory_space<hbm>>
        %dma_wait3A_851 = tpu.memref_squeeze %dma_wait3A_850 : memref<1x64xi32, #tpu.memory_space<hbm>> -> memref<64xi32, #tpu.memory_space<hbm>>
        %dma_wait3A_852 = arith.constant 0 : i32
        %dma_wait3A_853 = tpu.memref_slice %arg13[%run_scoped3A_843, %dma_wait3A_852] : memref<2x64xi32, #tpu.memory_space<hbm>> -> memref<1x64xi32, #tpu.memory_space<hbm>>
        %dma_wait3A_854 = tpu.memref_squeeze %dma_wait3A_853 : memref<1x64xi32, #tpu.memory_space<hbm>> -> memref<64xi32, #tpu.memory_space<hbm>>
        tpu.wait_dma2 semaphore(%run_scoped3A_844 : memref<!tpu.dma_semaphore, #tpu.memory_space<semaphore_mem>>) src(%arg19 : memref<64xi32, #tpu.memory_space<vmem>>) dst(%dma_wait3A_854 : memref<64xi32, #tpu.memory_space<hbm>>)
        tpu.yield
      }) : () -> ()
    } else {
    }
    %get3A_401 = arith.constant 0 : index
    %get3A_402 = tpu.vector_load %arg17[%get3A_401] {strides = array<i32>} : memref<64xi32, #tpu.memory_space<vmem>>, vector<16xi32>,
    %broadcast_in_dim3A_403 = arith.constant -1 : i32
    %broadcast_in_dim3A_404 = vector.broadcast %broadcast_in_dim3A_403 : i32 to vector<16xi32>
    tpu.vector_store_idx %arg16[%get3A_402], %broadcast_in_dim3A_404 : memref<10000xi32, #tpu.memory_space<vmem>>[vector<16xi32>], vector<16xi32>,
    %get3A_405 = arith.constant 16 : index
    %get3A_406 = tpu.vector_load %arg17[%get3A_405] {strides = array<i32>} : memref<64xi32, #tpu.memory_space<vmem>>, vector<16xi32>,
    %broadcast_in_dim3A_407 = arith.constant -1 : i32
    %broadcast_in_dim3A_408 = vector.broadcast %broadcast_in_dim3A_407 : i32 to vector<16xi32>
    tpu.vector_store_idx %arg16[%get3A_406], %broadcast_in_dim3A_408 : memref<10000xi32, #tpu.memory_space<vmem>>[vector<16xi32>], vector<16xi32>,
    %get3A_409 = arith.constant 32 : index
    %get3A_410 = tpu.vector_load %arg17[%get3A_409] {strides = array<i32>} : memref<64xi32, #tpu.memory_space<vmem>>, vector<16xi32>,
    %broadcast_in_dim3A_411 = arith.constant -1 : i32
    %broadcast_in_dim3A_412 = vector.broadcast %broadcast_in_dim3A_411 : i32 to vector<16xi32>
    tpu.vector_store_idx %arg16[%get3A_410], %broadcast_in_dim3A_412 : memref<10000xi32, #tpu.memory_space<vmem>>[vector<16xi32>], vector<16xi32>,
    %get3A_413 = arith.constant 48 : index
    %get3A_414 = tpu.vector_load %arg17[%get3A_413] {strides = array<i32>} : memref<64xi32, #tpu.memory_space<vmem>>, vector<16xi32>,
    %broadcast_in_dim3A_415 = arith.constant -1 : i32
    %broadcast_in_dim3A_416 = vector.broadcast %broadcast_in_dim3A_415 : i32 to vector<16xi32>
    tpu.vector_store_idx %arg16[%get3A_414], %broadcast_in_dim3A_416 : memref<10000xi32, #tpu.memory_space<vmem>>[vector<16xi32>], vector<16xi32>,
    "tpu.region"() ({
      %run_scoped3A_843 = tpu.sem_alloc : memref<!tpu.dma_semaphore, #tpu.memory_space<semaphore_mem>>
      tpu.enqueue_dma source(%arg6 : memref<10000xf32, #tpu.memory_space<hbm>>) target(%arg14 : memref<10000xf32, #tpu.memory_space<vmem>>) target_semaphore(%run_scoped3A_843 : memref<!tpu.dma_semaphore, #tpu.memory_space<semaphore_mem>>)
      tpu.wait_dma2 semaphore(%run_scoped3A_843 : memref<!tpu.dma_semaphore, #tpu.memory_space<semaphore_mem>>) src(%arg6 : memref<10000xf32, #tpu.memory_space<hbm>>) dst(%arg14 : memref<10000xf32, #tpu.memory_space<vmem>>)
      tpu.yield
    }) : () -> ()
    "tpu.region"() ({
      %run_scoped3A_843 = tpu.sem_alloc : memref<!tpu.dma_semaphore, #tpu.memory_space<semaphore_mem>>
      tpu.enqueue_dma source(%arg7 : memref<10000xf32, #tpu.memory_space<hbm>>) target(%arg15 : memref<10000xf32, #tpu.memory_space<vmem>>) target_semaphore(%run_scoped3A_843 : memref<!tpu.dma_semaphore, #tpu.memory_space<semaphore_mem>>)
      tpu.wait_dma2 semaphore(%run_scoped3A_843 : memref<!tpu.dma_semaphore, #tpu.memory_space<semaphore_mem>>) src(%arg7 : memref<10000xf32, #tpu.memory_space<hbm>>) dst(%arg15 : memref<10000xf32, #tpu.memory_space<vmem>>)
      tpu.yield
    }) : () -> ()
    "tpu.region"() ({
      %run_scoped3A_843 = tpu.sem_alloc : memref<!tpu.dma_semaphore, #tpu.memory_space<semaphore_mem>>
      tpu.enqueue_dma source(%arg9 : memref<64xi32, #tpu.memory_space<hbm>>) target(%arg17 : memref<64xi32, #tpu.memory_space<vmem>>) target_semaphore(%run_scoped3A_843 : memref<!tpu.dma_semaphore, #tpu.memory_space<semaphore_mem>>)
      tpu.wait_dma2 semaphore(%run_scoped3A_843 : memref<!tpu.dma_semaphore, #tpu.memory_space<semaphore_mem>>) src(%arg9 : memref<64xi32, #tpu.memory_space<hbm>>) dst(%arg17 : memref<64xi32, #tpu.memory_space<vmem>>)
      tpu.yield
    }) : () -> ()
    %get3A_417 = arith.constant 0 : index
    %get3A_418 = tpu.vector_load %arg17[%get3A_417] {strides = array<i32>} : memref<64xi32, #tpu.memory_space<vmem>>, vector<16xi32>,
    %lt3A_419 = arith.constant 0 : i32
    %lt3A_420 = vector.broadcast %lt3A_419 : i32 to vector<16xi32>
    %lt3A_421 = arith.cmpi slt, %get3A_418, %lt3A_420 : vector<16xi32>
    %add3A_422 = arith.constant 10000 : i32
    %add3A_423 = vector.broadcast %add3A_422 : i32 to vector<16xi32>
    %add3A_424 = arith.addi %get3A_418, %add3A_423 : vector<16xi32>
    %select_n3A_425 = arith.select %lt3A_421, %add3A_424, %get3A_418 : vector<16xi1>, vector<16xi32>
    %swap3A_426 = arith.constant 0 : index
    %swap3A_427 = tpu.vector_load %arg17[%swap3A_426] {strides = array<i32>} : memref<64xi32, #tpu.memory_space<vmem>>, vector<16xi32>,
    tpu.vector_store %arg17[%swap3A_426], %select_n3A_425 {strides = array<i32>} : memref<64xi32, #tpu.memory_space<vmem>>, vector<16xi32>,
    %add3A_428 = arith.constant 0 : i32
    %add3A_429 = vector.broadcast %add3A_428 : i32 to vector<16xi32>
    %add3A_430 = arith.addi %iota3A, %add3A_429 : vector<16xi32>
    tpu.vector_store_idx %arg16[%select_n3A_425], %add3A_430 : memref<10000xi32, #tpu.memory_space<vmem>>[vector<16xi32>], vector<16xi32>,
    %get3A_431 = arith.constant 16 : index
    %get3A_432 = tpu.vector_load %arg17[%get3A_431] {strides = array<i32>} : memref<64xi32, #tpu.memory_space<vmem>>, vector<16xi32>,
    %lt3A_433 = arith.constant 0 : i32
    %lt3A_434 = vector.broadcast %lt3A_433 : i32 to vector<16xi32>
    %lt3A_435 = arith.cmpi slt, %get3A_432, %lt3A_434 : vector<16xi32>
    %add3A_436 = arith.constant 10000 : i32
    %add3A_437 = vector.broadcast %add3A_436 : i32 to vector<16xi32>
    %add3A_438 = arith.addi %get3A_432, %add3A_437 : vector<16xi32>
    %select_n3A_439 = arith.select %lt3A_435, %add3A_438, %get3A_432 : vector<16xi1>, vector<16xi32>
    %swap3A_440 = arith.constant 16 : index
    %swap3A_441 = tpu.vector_load %arg17[%swap3A_440] {strides = array<i32>} : memref<64xi32, #tpu.memory_space<vmem>>, vector<16xi32>,
    tpu.vector_store %arg17[%swap3A_440], %select_n3A_439 {strides = array<i32>} : memref<64xi32, #tpu.memory_space<vmem>>, vector<16xi32>,
    %add3A_442 = arith.constant 16 : i32
    %add3A_443 = vector.broadcast %add3A_442 : i32 to vector<16xi32>
    %add3A_444 = arith.addi %iota3A, %add3A_443 : vector<16xi32>
    tpu.vector_store_idx %arg16[%select_n3A_439], %add3A_444 : memref<10000xi32, #tpu.memory_space<vmem>>[vector<16xi32>], vector<16xi32>,
    %get3A_445 = arith.constant 32 : index
    %get3A_446 = tpu.vector_load %arg17[%get3A_445] {strides = array<i32>} : memref<64xi32, #tpu.memory_space<vmem>>, vector<16xi32>,
    %lt3A_447 = arith.constant 0 : i32
    %lt3A_448 = vector.broadcast %lt3A_447 : i32 to vector<16xi32>
    %lt3A_449 = arith.cmpi slt, %get3A_446, %lt3A_448 : vector<16xi32>
    %add3A_450 = arith.constant 10000 : i32
    %add3A_451 = vector.broadcast %add3A_450 : i32 to vector<16xi32>
    %add3A_452 = arith.addi %get3A_446, %add3A_451 : vector<16xi32>
    %select_n3A_453 = arith.select %lt3A_449, %add3A_452, %get3A_446 : vector<16xi1>, vector<16xi32>
    %swap3A_454 = arith.constant 32 : index
    %swap3A_455 = tpu.vector_load %arg17[%swap3A_454] {strides = array<i32>} : memref<64xi32, #tpu.memory_space<vmem>>, vector<16xi32>,
    tpu.vector_store %arg17[%swap3A_454], %select_n3A_453 {strides = array<i32>} : memref<64xi32, #tpu.memory_space<vmem>>, vector<16xi32>,
    %add3A_456 = arith.constant 32 : i32
    %add3A_457 = vector.broadcast %add3A_456 : i32 to vector<16xi32>
    %add3A_458 = arith.addi %iota3A, %add3A_457 : vector<16xi32>
    tpu.vector_store_idx %arg16[%select_n3A_453], %add3A_458 : memref<10000xi32, #tpu.memory_space<vmem>>[vector<16xi32>], vector<16xi32>,
    %get3A_459 = arith.constant 48 : index
    %get3A_460 = tpu.vector_load %arg17[%get3A_459] {strides = array<i32>} : memref<64xi32, #tpu.memory_space<vmem>>, vector<16xi32>,
    %lt3A_461 = arith.constant 0 : i32
    %lt3A_462 = vector.broadcast %lt3A_461 : i32 to vector<16xi32>
    %lt3A_463 = arith.cmpi slt, %get3A_460, %lt3A_462 : vector<16xi32>
    %add3A_464 = arith.constant 10000 : i32
    %add3A_465 = vector.broadcast %add3A_464 : i32 to vector<16xi32>
    %add3A_466 = arith.addi %get3A_460, %add3A_465 : vector<16xi32>
    %select_n3A_467 = arith.select %lt3A_463, %add3A_466, %get3A_460 : vector<16xi1>, vector<16xi32>
    %swap3A_468 = arith.constant 48 : index
    %swap3A_469 = tpu.vector_load %arg17[%swap3A_468] {strides = array<i32>} : memref<64xi32, #tpu.memory_space<vmem>>, vector<16xi32>,
    tpu.vector_store %arg17[%swap3A_468], %select_n3A_467 {strides = array<i32>} : memref<64xi32, #tpu.memory_space<vmem>>, vector<16xi32>,
    %add3A_470 = arith.constant 48 : i32
    %add3A_471 = vector.broadcast %add3A_470 : i32 to vector<16xi32>
    %add3A_472 = arith.addi %iota3A, %add3A_471 : vector<16xi32>
    tpu.vector_store_idx %arg16[%select_n3A_467], %add3A_472 : memref<10000xi32, #tpu.memory_space<vmem>>[vector<16xi32>], vector<16xi32>,
    %get3A_473 = arith.constant 0 : index
    %get3A_474 = tpu.vector_load %arg17[%get3A_473] {strides = array<i32>} : memref<64xi32, #tpu.memory_space<vmem>>, vector<16xi32>,
    %gather3A_475 = tpu.vector_load_idx %arg16[%get3A_474] : memref<10000xi32, #tpu.memory_space<vmem>>[vector<16xi32>], vector<16xi32>,
    %swap3A_476 = arith.constant 0 : index
    %swap3A_477 = tpu.vector_load %arg19[%swap3A_476] {strides = array<i32>} : memref<64xi32, #tpu.memory_space<vmem>>, vector<16xi32>,
    tpu.vector_store %arg19[%swap3A_476], %gather3A_475 {strides = array<i32>} : memref<64xi32, #tpu.memory_space<vmem>>, vector<16xi32>,
    %gather3A_478 = tpu.vector_load_idx %arg15[%get3A_474] : memref<10000xf32, #tpu.memory_space<vmem>>[vector<16xi32>], vector<16xf32>,
    %swap3A_479 = arith.constant 0 : index
    %swap3A_480 = tpu.vector_load %arg18[%swap3A_479] {strides = array<i32>} : memref<64xf32, #tpu.memory_space<vmem>>, vector<16xf32>,
    tpu.vector_store %arg18[%swap3A_479], %gather3A_478 {strides = array<i32>} : memref<64xf32, #tpu.memory_space<vmem>>, vector<16xf32>,
    %get3A_481 = arith.constant 16 : index
    %get3A_482 = tpu.vector_load %arg17[%get3A_481] {strides = array<i32>} : memref<64xi32, #tpu.memory_space<vmem>>, vector<16xi32>,
    %gather3A_483 = tpu.vector_load_idx %arg16[%get3A_482] : memref<10000xi32, #tpu.memory_space<vmem>>[vector<16xi32>], vector<16xi32>,
    %swap3A_484 = arith.constant 16 : index
    %swap3A_485 = tpu.vector_load %arg19[%swap3A_484] {strides = array<i32>} : memref<64xi32, #tpu.memory_space<vmem>>, vector<16xi32>,
    tpu.vector_store %arg19[%swap3A_484], %gather3A_483 {strides = array<i32>} : memref<64xi32, #tpu.memory_space<vmem>>, vector<16xi32>,
    %gather3A_486 = tpu.vector_load_idx %arg15[%get3A_482] : memref<10000xf32, #tpu.memory_space<vmem>>[vector<16xi32>], vector<16xf32>,
    %swap3A_487 = arith.constant 16 : index
    %swap3A_488 = tpu.vector_load %arg18[%swap3A_487] {strides = array<i32>} : memref<64xf32, #tpu.memory_space<vmem>>, vector<16xf32>,
    tpu.vector_store %arg18[%swap3A_487], %gather3A_486 {strides = array<i32>} : memref<64xf32, #tpu.memory_space<vmem>>, vector<16xf32>,
    %get3A_489 = arith.constant 32 : index
    %get3A_490 = tpu.vector_load %arg17[%get3A_489] {strides = array<i32>} : memref<64xi32, #tpu.memory_space<vmem>>, vector<16xi32>,
    %gather3A_491 = tpu.vector_load_idx %arg16[%get3A_490] : memref<10000xi32, #tpu.memory_space<vmem>>[vector<16xi32>], vector<16xi32>,
    %swap3A_492 = arith.constant 32 : index
    %swap3A_493 = tpu.vector_load %arg19[%swap3A_492] {strides = array<i32>} : memref<64xi32, #tpu.memory_space<vmem>>, vector<16xi32>,
    tpu.vector_store %arg19[%swap3A_492], %gather3A_491 {strides = array<i32>} : memref<64xi32, #tpu.memory_space<vmem>>, vector<16xi32>,
    %gather3A_494 = tpu.vector_load_idx %arg15[%get3A_490] : memref<10000xf32, #tpu.memory_space<vmem>>[vector<16xi32>], vector<16xf32>,
    %swap3A_495 = arith.constant 32 : index
    %swap3A_496 = tpu.vector_load %arg18[%swap3A_495] {strides = array<i32>} : memref<64xf32, #tpu.memory_space<vmem>>, vector<16xf32>,
    tpu.vector_store %arg18[%swap3A_495], %gather3A_494 {strides = array<i32>} : memref<64xf32, #tpu.memory_space<vmem>>, vector<16xf32>,
    %get3A_497 = arith.constant 48 : index
    %get3A_498 = tpu.vector_load %arg17[%get3A_497] {strides = array<i32>} : memref<64xi32, #tpu.memory_space<vmem>>, vector<16xi32>,
    %gather3A_499 = tpu.vector_load_idx %arg16[%get3A_498] : memref<10000xi32, #tpu.memory_space<vmem>>[vector<16xi32>], vector<16xi32>,
    %swap3A_500 = arith.constant 48 : index
    %swap3A_501 = tpu.vector_load %arg19[%swap3A_500] {strides = array<i32>} : memref<64xi32, #tpu.memory_space<vmem>>, vector<16xi32>,
    tpu.vector_store %arg19[%swap3A_500], %gather3A_499 {strides = array<i32>} : memref<64xi32, #tpu.memory_space<vmem>>, vector<16xi32>,
    %gather3A_502 = tpu.vector_load_idx %arg15[%get3A_498] : memref<10000xf32, #tpu.memory_space<vmem>>[vector<16xi32>], vector<16xf32>,
    %swap3A_503 = arith.constant 48 : index
    %swap3A_504 = tpu.vector_load %arg18[%swap3A_503] {strides = array<i32>} : memref<64xf32, #tpu.memory_space<vmem>>, vector<16xf32>,
    tpu.vector_store %arg18[%swap3A_503], %gather3A_502 {strides = array<i32>} : memref<64xf32, #tpu.memory_space<vmem>>, vector<16xf32>,
    %scan3A_505 = arith.constant 0 : i32
    %scan3A_506 = arith.constant 0 : i32
    %scan3A_507 = arith.constant 64 : i32
    %scan3A_508 = arith.addi %scan3A_506, %scan3A_507 : i32
    %scan3A_509 = arith.constant 1 : i32
    %scan3A_510 = scf.for %scan3A_843 = %scan3A_506 to %scan3A_508 step %scan3A_509 iter_args(%scan3A_844 = %scan3A_505) -> (i32)  : i32 {
      %broadcast_in_dim3A_845 = arith.constant 0.000000e+00 : f32
      %broadcast_in_dim3A_846 = vector.broadcast %broadcast_in_dim3A_845 : f32 to vector<16xf32>
      %swap3A_847 = arith.index_cast %scan3A_843 : i32 to index
      %swap3A_848 = arith.constant 0 : index
      %swap3A_849 = tpu.vector_load %arg26[%swap3A_847, %swap3A_848] {strides = array<i32>} : memref<72x256xf32, #tpu.memory_space<vmem>>, vector<16xf32>,
      tpu.vector_store %arg26[%swap3A_847, %swap3A_848], %broadcast_in_dim3A_846 {strides = array<i32>} : memref<72x256xf32, #tpu.memory_space<vmem>>, vector<16xf32>,
      %broadcast_in_dim3A_850 = arith.constant 0.000000e+00 : f32
      %broadcast_in_dim3A_851 = vector.broadcast %broadcast_in_dim3A_850 : f32 to vector<16xf32>
      %swap3A_852 = arith.index_cast %scan3A_843 : i32 to index
      %swap3A_853 = arith.constant 16 : index
      %swap3A_854 = tpu.vector_load %arg26[%swap3A_852, %swap3A_853] {strides = array<i32>} : memref<72x256xf32, #tpu.memory_space<vmem>>, vector<16xf32>,
      tpu.vector_store %arg26[%swap3A_852, %swap3A_853], %broadcast_in_dim3A_851 {strides = array<i32>} : memref<72x256xf32, #tpu.memory_space<vmem>>, vector<16xf32>,
      %broadcast_in_dim3A_855 = arith.constant 0.000000e+00 : f32
      %broadcast_in_dim3A_856 = vector.broadcast %broadcast_in_dim3A_855 : f32 to vector<16xf32>
      %swap3A_857 = arith.index_cast %scan3A_843 : i32 to index
      %swap3A_858 = arith.constant 32 : index
      %swap3A_859 = tpu.vector_load %arg26[%swap3A_857, %swap3A_858] {strides = array<i32>} : memref<72x256xf32, #tpu.memory_space<vmem>>, vector<16xf32>,
      tpu.vector_store %arg26[%swap3A_857, %swap3A_858], %broadcast_in_dim3A_856 {strides = array<i32>} : memref<72x256xf32, #tpu.memory_space<vmem>>, vector<16xf32>,
      %broadcast_in_dim3A_860 = arith.constant 0.000000e+00 : f32
      %broadcast_in_dim3A_861 = vector.broadcast %broadcast_in_dim3A_860 : f32 to vector<16xf32>
      %swap3A_862 = arith.index_cast %scan3A_843 : i32 to index
      %swap3A_863 = arith.constant 48 : index
      %swap3A_864 = tpu.vector_load %arg26[%swap3A_862, %swap3A_863] {strides = array<i32>} : memref<72x256xf32, #tpu.memory_space<vmem>>, vector<16xf32>,
      tpu.vector_store %arg26[%swap3A_862, %swap3A_863], %broadcast_in_dim3A_861 {strides = array<i32>} : memref<72x256xf32, #tpu.memory_space<vmem>>, vector<16xf32>,
      %broadcast_in_dim3A_865 = arith.constant 0.000000e+00 : f32
      %broadcast_in_dim3A_866 = vector.broadcast %broadcast_in_dim3A_865 : f32 to vector<16xf32>
      %swap3A_867 = arith.index_cast %scan3A_843 : i32 to index
      %swap3A_868 = arith.constant 64 : index
      %swap3A_869 = tpu.vector_load %arg26[%swap3A_867, %swap3A_868] {strides = array<i32>} : memref<72x256xf32, #tpu.memory_space<vmem>>, vector<16xf32>,
      tpu.vector_store %arg26[%swap3A_867, %swap3A_868], %broadcast_in_dim3A_866 {strides = array<i32>} : memref<72x256xf32, #tpu.memory_space<vmem>>, vector<16xf32>,
      %broadcast_in_dim3A_870 = arith.constant 0.000000e+00 : f32
      %broadcast_in_dim3A_871 = vector.broadcast %broadcast_in_dim3A_870 : f32 to vector<16xf32>
      %swap3A_872 = arith.index_cast %scan3A_843 : i32 to index
      %swap3A_873 = arith.constant 80 : index
      %swap3A_874 = tpu.vector_load %arg26[%swap3A_872, %swap3A_873] {strides = array<i32>} : memref<72x256xf32, #tpu.memory_space<vmem>>, vector<16xf32>,
      tpu.vector_store %arg26[%swap3A_872, %swap3A_873], %broadcast_in_dim3A_871 {strides = array<i32>} : memref<72x256xf32, #tpu.memory_space<vmem>>, vector<16xf32>,
      %broadcast_in_dim3A_875 = arith.constant 0.000000e+00 : f32
      %broadcast_in_dim3A_876 = vector.broadcast %broadcast_in_dim3A_875 : f32 to vector<16xf32>
      %swap3A_877 = arith.index_cast %scan3A_843 : i32 to index
      %swap3A_878 = arith.constant 96 : index
      %swap3A_879 = tpu.vector_load %arg26[%swap3A_877, %swap3A_878] {strides = array<i32>} : memref<72x256xf32, #tpu.memory_space<vmem>>, vector<16xf32>,
      tpu.vector_store %arg26[%swap3A_877, %swap3A_878], %broadcast_in_dim3A_876 {strides = array<i32>} : memref<72x256xf32, #tpu.memory_space<vmem>>, vector<16xf32>,
      %broadcast_in_dim3A_880 = arith.constant 0.000000e+00 : f32
      %broadcast_in_dim3A_881 = vector.broadcast %broadcast_in_dim3A_880 : f32 to vector<16xf32>
      %swap3A_882 = arith.index_cast %scan3A_843 : i32 to index
      %swap3A_883 = arith.constant 112 : index
      %swap3A_884 = tpu.vector_load %arg26[%swap3A_882, %swap3A_883] {strides = array<i32>} : memref<72x256xf32, #tpu.memory_space<vmem>>, vector<16xf32>,
      tpu.vector_store %arg26[%swap3A_882, %swap3A_883], %broadcast_in_dim3A_881 {strides = array<i32>} : memref<72x256xf32, #tpu.memory_space<vmem>>, vector<16xf32>,
      %broadcast_in_dim3A_885 = arith.constant 0.000000e+00 : f32
      %broadcast_in_dim3A_886 = vector.broadcast %broadcast_in_dim3A_885 : f32 to vector<16xf32>
      %swap3A_887 = arith.index_cast %scan3A_843 : i32 to index
      %swap3A_888 = arith.constant 128 : index
      %swap3A_889 = tpu.vector_load %arg26[%swap3A_887, %swap3A_888] {strides = array<i32>} : memref<72x256xf32, #tpu.memory_space<vmem>>, vector<16xf32>,
      tpu.vector_store %arg26[%swap3A_887, %swap3A_888], %broadcast_in_dim3A_886 {strides = array<i32>} : memref<72x256xf32, #tpu.memory_space<vmem>>, vector<16xf32>,
      %scan3A_890 = arith.constant 0 : i32
      scf.yield %scan3A_890 : i32
    }
    %scan3A_511 = arith.constant 64 : i32
    %broadcast_in_dim3A_512 = arith.constant 0.000000e+00 : f32
    %broadcast_in_dim3A_513 = vector.broadcast %broadcast_in_dim3A_512 : f32 to vector<16xf32>
    %swap3A_514 = arith.constant 64 : i32
    %swap3A_515 = arith.index_cast %swap3A_514 : i32 to index
    %swap3A_516 = arith.constant 0 : index
    %swap3A_517 = tpu.vector_load %arg26[%swap3A_515, %swap3A_516] {strides = array<i32>} : memref<72x256xf32, #tpu.memory_space<vmem>>, vector<16xf32>,
    tpu.vector_store %arg26[%swap3A_515, %swap3A_516], %broadcast_in_dim3A_513 {strides = array<i32>} : memref<72x256xf32, #tpu.memory_space<vmem>>, vector<16xf32>,
    %eq3A_518 = arith.constant 31 : i32
    %eq3A_519 = arith.cmpi eq, %add3A, %eq3A_518 : i32
    %mul3A_520 = arith.constant 10240 : i32
    %mul3A_521 = arith.muli %add3A, %mul3A_520 : i32
    %jit3A_522 = arith.constant 309760 : i32
    %select_n3A_523 = arith.select %eq3A_519, %jit3A_522, %mul3A_521 : i32
    %run_scoped3A_524 = arith.constant 0 : i32
    "tpu.region"() ({
      %run_scoped3A_843 = tpu.sem_alloc : memref<!tpu.dma_semaphore, #tpu.memory_space<semaphore_mem>>
      %dma_start3A = tpu.memref_slice %arg3[%run_scoped3A_524, %select_n3A_523] : memref<2x320000xi32, #tpu.memory_space<hbm>> -> memref<1x10240xi32, #tpu.memory_space<hbm>>
      %dma_start3A_844 = tpu.memref_squeeze %dma_start3A : memref<1x10240xi32, #tpu.memory_space<hbm>> -> memref<10240xi32, #tpu.memory_space<hbm>>
      %dma_start3A_845 = tpu.memref_slice %arg3[%run_scoped3A_524, %select_n3A_523] : memref<2x320000xi32, #tpu.memory_space<hbm>> -> memref<1x10240xi32, #tpu.memory_space<hbm>>
      %dma_start3A_846 = tpu.memref_squeeze %dma_start3A_845 : memref<1x10240xi32, #tpu.memory_space<hbm>> -> memref<10240xi32, #tpu.memory_space<hbm>>
      tpu.enqueue_dma source(%dma_start3A_846 : memref<10240xi32, #tpu.memory_space<hbm>>) target(%arg20 : memref<10240xi32, #tpu.memory_space<vmem>>) target_semaphore(%run_scoped3A_843 : memref<!tpu.dma_semaphore, #tpu.memory_space<semaphore_mem>>)
      %dma_wait3A = tpu.memref_slice %arg3[%run_scoped3A_524, %select_n3A_523] : memref<2x320000xi32, #tpu.memory_space<hbm>> -> memref<1x10240xi32, #tpu.memory_space<hbm>>
      %dma_wait3A_847 = tpu.memref_squeeze %dma_wait3A : memref<1x10240xi32, #tpu.memory_space<hbm>> -> memref<10240xi32, #tpu.memory_space<hbm>>
      %dma_wait3A_848 = tpu.memref_slice %arg3[%run_scoped3A_524, %select_n3A_523] : memref<2x320000xi32, #tpu.memory_space<hbm>> -> memref<1x10240xi32, #tpu.memory_space<hbm>>
      %dma_wait3A_849 = tpu.memref_squeeze %dma_wait3A_848 : memref<1x10240xi32, #tpu.memory_space<hbm>> -> memref<10240xi32, #tpu.memory_space<hbm>>
      tpu.wait_dma2 semaphore(%run_scoped3A_843 : memref<!tpu.dma_semaphore, #tpu.memory_space<semaphore_mem>>) src(%dma_wait3A_849 : memref<10240xi32, #tpu.memory_space<hbm>>) dst(%arg20 : memref<10240xi32, #tpu.memory_space<vmem>>)
      tpu.yield
    }) : () -> ()
    %run_scoped3A_525 = arith.constant 1 : i32
    "tpu.region"() ({
      %run_scoped3A_843 = tpu.sem_alloc : memref<!tpu.dma_semaphore, #tpu.memory_space<semaphore_mem>>
      %dma_start3A = tpu.memref_slice %arg3[%run_scoped3A_525, %select_n3A_523] : memref<2x320000xi32, #tpu.memory_space<hbm>> -> memref<1x10240xi32, #tpu.memory_space<hbm>>
      %dma_start3A_844 = tpu.memref_squeeze %dma_start3A : memref<1x10240xi32, #tpu.memory_space<hbm>> -> memref<10240xi32, #tpu.memory_space<hbm>>
      %dma_start3A_845 = tpu.memref_slice %arg3[%run_scoped3A_525, %select_n3A_523] : memref<2x320000xi32, #tpu.memory_space<hbm>> -> memref<1x10240xi32, #tpu.memory_space<hbm>>
      %dma_start3A_846 = tpu.memref_squeeze %dma_start3A_845 : memref<1x10240xi32, #tpu.memory_space<hbm>> -> memref<10240xi32, #tpu.memory_space<hbm>>
      tpu.enqueue_dma source(%dma_start3A_846 : memref<10240xi32, #tpu.memory_space<hbm>>) target(%arg21 : memref<10240xi32, #tpu.memory_space<vmem>>) target_semaphore(%run_scoped3A_843 : memref<!tpu.dma_semaphore, #tpu.memory_space<semaphore_mem>>)
      %dma_wait3A = tpu.memref_slice %arg3[%run_scoped3A_525, %select_n3A_523] : memref<2x320000xi32, #tpu.memory_space<hbm>> -> memref<1x10240xi32, #tpu.memory_space<hbm>>
      %dma_wait3A_847 = tpu.memref_squeeze %dma_wait3A : memref<1x10240xi32, #tpu.memory_space<hbm>> -> memref<10240xi32, #tpu.memory_space<hbm>>
      %dma_wait3A_848 = tpu.memref_slice %arg3[%run_scoped3A_525, %select_n3A_523] : memref<2x320000xi32, #tpu.memory_space<hbm>> -> memref<1x10240xi32, #tpu.memory_space<hbm>>
      %dma_wait3A_849 = tpu.memref_squeeze %dma_wait3A_848 : memref<1x10240xi32, #tpu.memory_space<hbm>> -> memref<10240xi32, #tpu.memory_space<hbm>>
      tpu.wait_dma2 semaphore(%run_scoped3A_843 : memref<!tpu.dma_semaphore, #tpu.memory_space<semaphore_mem>>) src(%dma_wait3A_849 : memref<10240xi32, #tpu.memory_space<hbm>>) dst(%arg21 : memref<10240xi32, #tpu.memory_space<vmem>>)
      tpu.yield
    }) : () -> ()
    %eq3A_526 = arith.constant 31 : i32
    %eq3A_527 = arith.cmpi eq, %add3A, %eq3A_526 : i32
    %jit3A_528 = arith.constant 7680 : i32
    %jit3A_529 = arith.constant 0 : i32
    %select_n3A_530 = arith.select %eq3A_527, %jit3A_528, %jit3A_529 : i32
    %parallel_loop3A_531 = arith.constant 10240 : i32
    %parallel_loop3A_532 = arith.constant 32 : i32
    %parallel_loop3A_533 = arith.constant 0 : i32
    %parallel_loop3A_534 = arith.constant 5184 : i32
    %parallel_loop3A_535:2 = scf.for %parallel_loop3A_843 = %select_n3A_530 to %parallel_loop3A_531 step %parallel_loop3A_532 iter_args(%parallel_loop3A_844 = %parallel_loop3A_533, %parallel_loop3A_845 = %parallel_loop3A_534) -> (i32, i32)  : i32 {
      %parallel_loop3A_846 = arith.constant 0 : i32
      %parallel_loop3A_847 = arith.addi %parallel_loop3A_843, %parallel_loop3A_846 : i32
      %parallel_loop3A_848 = arith.index_cast %parallel_loop3A_847 : i32 to index
      %parallel_loop3A_849 = tpu.vector_load %arg21[%parallel_loop3A_848] {strides = array<i32>} : memref<10240xi32, #tpu.memory_space<vmem>>, vector<16xi32>,
      %parallel_loop3A_850 = tpu.vector_load_idx %arg16[%parallel_loop3A_849] : memref<10000xi32, #tpu.memory_space<vmem>>[vector<16xi32>], vector<16xi32>,
      %parallel_loop3A_851 = arith.constant 0 : i32
      %parallel_loop3A_852 = vector.broadcast %parallel_loop3A_851 : i32 to vector<16xi32>
      %parallel_loop3A_853 = arith.cmpi sge, %parallel_loop3A_850, %parallel_loop3A_852 : vector<16xi32>
      %parallel_loop3A_854 = vector.broadcast %parallel_loop3A_843 : i32 to vector<16xi32>
      %parallel_loop3A_855 = arith.addi %iota3A, %parallel_loop3A_854 : vector<16xi32>
      %parallel_loop3A_856 = arith.constant 0 : i32
      %parallel_loop3A_857 = vector.broadcast %parallel_loop3A_856 : i32 to vector<16xi32>
      %parallel_loop3A_858 = arith.addi %parallel_loop3A_855, %parallel_loop3A_857 : vector<16xi32>
      %parallel_loop3A_859 = arith.index_cast %parallel_loop3A_844 : i32 to index
      %parallel_loop3A_860 = tpu.vector_load %arg22[%parallel_loop3A_859] masked %parallel_loop3A_853 {strides = array<i32>} : memref<10368xi32, #tpu.memory_space<vmem>>, vector<16xi32>, vector<16xi1>
      tpu.vector_store %arg22[%parallel_loop3A_859], %parallel_loop3A_858 masked %parallel_loop3A_853 {strides = array<i32>} : memref<10368xi32, #tpu.memory_space<vmem>>, vector<16xi32>, vector<16xi1>
      %parallel_loop3A_861 = tpu.all_reduce %parallel_loop3A_853 {dim = 0 : i64, kind = #tpu.reduction_kind<sum>} : vector<16xi1> -> vector<16xi32>
      %parallel_loop3A_862 = vector.extract_strided_slice %parallel_loop3A_861 {offsets = [0], sizes = [1], strides = [1]} : vector<16xi32> to vector<1xi32>
      %parallel_loop3A_863 = vector.extract %parallel_loop3A_862[0] : i32 from vector<1xi32>
      %parallel_loop3A_864 = arith.addi %parallel_loop3A_844, %parallel_loop3A_863 : i32
      %parallel_loop3A_865 = arith.constant 16 : i32
      %parallel_loop3A_866 = arith.addi %parallel_loop3A_843, %parallel_loop3A_865 : i32
      %parallel_loop3A_867 = arith.index_cast %parallel_loop3A_866 : i32 to index
      %parallel_loop3A_868 = tpu.vector_load %arg21[%parallel_loop3A_867] {strides = array<i32>} : memref<10240xi32, #tpu.memory_space<vmem>>, vector<16xi32>,
      %parallel_loop3A_869 = tpu.vector_load_idx %arg16[%parallel_loop3A_868] : memref<10000xi32, #tpu.memory_space<vmem>>[vector<16xi32>], vector<16xi32>,
      %parallel_loop3A_870 = arith.constant 0 : i32
      %parallel_loop3A_871 = vector.broadcast %parallel_loop3A_870 : i32 to vector<16xi32>
      %parallel_loop3A_872 = arith.cmpi sge, %parallel_loop3A_869, %parallel_loop3A_871 : vector<16xi32>
      %parallel_loop3A_873 = vector.broadcast %parallel_loop3A_843 : i32 to vector<16xi32>
      %parallel_loop3A_874 = arith.addi %iota3A, %parallel_loop3A_873 : vector<16xi32>
      %parallel_loop3A_875 = arith.constant 16 : i32
      %parallel_loop3A_876 = vector.broadcast %parallel_loop3A_875 : i32 to vector<16xi32>
      %parallel_loop3A_877 = arith.addi %parallel_loop3A_874, %parallel_loop3A_876 : vector<16xi32>
      %parallel_loop3A_878 = arith.index_cast %parallel_loop3A_845 : i32 to index
      %parallel_loop3A_879 = tpu.vector_load %arg22[%parallel_loop3A_878] masked %parallel_loop3A_872 {strides = array<i32>} : memref<10368xi32, #tpu.memory_space<vmem>>, vector<16xi32>, vector<16xi1>
      tpu.vector_store %arg22[%parallel_loop3A_878], %parallel_loop3A_877 masked %parallel_loop3A_872 {strides = array<i32>} : memref<10368xi32, #tpu.memory_space<vmem>>, vector<16xi32>, vector<16xi1>
      %parallel_loop3A_880 = tpu.all_reduce %parallel_loop3A_872 {dim = 0 : i64, kind = #tpu.reduction_kind<sum>} : vector<16xi1> -> vector<16xi32>
      %parallel_loop3A_881 = vector.extract_strided_slice %parallel_loop3A_880 {offsets = [0], sizes = [1], strides = [1]} : vector<16xi32> to vector<1xi32>
      %parallel_loop3A_882 = vector.extract %parallel_loop3A_881[0] : i32 from vector<1xi32>
      %parallel_loop3A_883 = arith.addi %parallel_loop3A_845, %parallel_loop3A_882 : i32
      scf.yield %parallel_loop3A_864, %parallel_loop3A_883 : i32, i32
    } {sc.loop_unroll_factor = 4 : i64, sc.parallel_access}
    %sub3A_536 = arith.constant 0 : i32
    %sub3A_537 = arith.subi %parallel_loop3A_535#0, %sub3A_536 : i32
    %add3A_538 = arith.constant 63 : i32
    %add3A_539 = arith.addi %sub3A_537, %add3A_538 : i32
    %jit3A_540 = arith.constant 64 : i32
    %div3A_541 = arith.divsi %add3A_539, %jit3A_540 : i32
    %sign3A_542 = arith.constant 0 : i32
    %sign3A_543 = arith.cmpi sgt, %add3A_539, %sign3A_542 : i32
    %sign3A_544 = arith.extui %sign3A_543 : i1 to i32
    %sign3A_545 = arith.constant 0 : i32
    %sign3A_546 = arith.cmpi slt, %add3A_539, %sign3A_545 : i32
    %sign3A_547 = arith.extui %sign3A_546 : i1 to i32
    %sign3A_548 = arith.subi %sign3A_544, %sign3A_547 : i32
    %sign3A_549 = arith.constant 0 : i32
    %sign3A_550 = arith.cmpi sgt, %jit3A_540, %sign3A_549 : i32
    %sign3A_551 = arith.extui %sign3A_550 : i1 to i32
    %sign3A_552 = arith.constant 0 : i32
    %sign3A_553 = arith.cmpi slt, %jit3A_540, %sign3A_552 : i32
    %sign3A_554 = arith.extui %sign3A_553 : i1 to i32
    %sign3A_555 = arith.subi %sign3A_551, %sign3A_554 : i32
    %ne3A_556 = arith.cmpi ne, %sign3A_548, %sign3A_555 : i32
    %rem3A_557 = arith.remsi %add3A_539, %jit3A_540 : i32
    %ne3A_558 = arith.constant 0 : i32
    %ne3A_559 = arith.cmpi ne, %rem3A_557, %ne3A_558 : i32
    %and3A_560 = arith.andi %ne3A_556, %ne3A_559 : i1
    %sub3A_561 = arith.constant 1 : i32
    %sub3A_562 = arith.subi %div3A_541, %sub3A_561 : i32
    %select_n3A_563 = arith.select %and3A_560, %sub3A_562, %div3A_541 : i32
    %mul3A_564 = arith.constant 64 : i32
    %mul3A_565 = arith.muli %select_n3A_563, %mul3A_564 : i32
    %add3A_566 = arith.constant 0 : i32
    %add3A_567 = arith.addi %add3A_566, %mul3A_565 : i32
    %sub3A_568 = arith.constant 5184 : i32
    %sub3A_569 = arith.subi %parallel_loop3A_535#1, %sub3A_568 : i32
    %add3A_570 = arith.constant 63 : i32
    %add3A_571 = arith.addi %sub3A_569, %add3A_570 : i32
    %jit3A_572 = arith.constant 64 : i32
    %div3A_573 = arith.divsi %add3A_571, %jit3A_572 : i32
    %sign3A_574 = arith.constant 0 : i32
    %sign3A_575 = arith.cmpi sgt, %add3A_571, %sign3A_574 : i32
    %sign3A_576 = arith.extui %sign3A_575 : i1 to i32
    %sign3A_577 = arith.constant 0 : i32
    %sign3A_578 = arith.cmpi slt, %add3A_571, %sign3A_577 : i32
    %sign3A_579 = arith.extui %sign3A_578 : i1 to i32
    %sign3A_580 = arith.subi %sign3A_576, %sign3A_579 : i32
    %sign3A_581 = arith.constant 0 : i32
    %sign3A_582 = arith.cmpi sgt, %jit3A_572, %sign3A_581 : i32
    %sign3A_583 = arith.extui %sign3A_582 : i1 to i32
    %sign3A_584 = arith.constant 0 : i32
    %sign3A_585 = arith.cmpi slt, %jit3A_572, %sign3A_584 : i32
    %sign3A_586 = arith.extui %sign3A_585 : i1 to i32
    %sign3A_587 = arith.subi %sign3A_583, %sign3A_586 : i32
    %ne3A_588 = arith.cmpi ne, %sign3A_580, %sign3A_587 : i32
    %rem3A_589 = arith.remsi %add3A_571, %jit3A_572 : i32
    %ne3A_590 = arith.constant 0 : i32
    %ne3A_591 = arith.cmpi ne, %rem3A_589, %ne3A_590 : i32
    %and3A_592 = arith.andi %ne3A_588, %ne3A_591 : i1
    %sub3A_593 = arith.constant 1 : i32
    %sub3A_594 = arith.subi %div3A_573, %sub3A_593 : i32
    %select_n3A_595 = arith.select %and3A_592, %sub3A_594, %div3A_573 : i32
    %mul3A_596 = arith.constant 64 : i32
    %mul3A_597 = arith.muli %select_n3A_595, %mul3A_596 : i32
    %add3A_598 = arith.constant 5184 : i32
    %add3A_599 = arith.addi %add3A_598, %mul3A_597 : i32
    %broadcast_in_dim3A_600 = arith.constant -3.000000e+38 : f32
    %broadcast_in_dim3A_601 = vector.broadcast %broadcast_in_dim3A_600 : f32 to vector<16xf32>
    %jit3A_602 = arith.constant 16 : i32
    %div3A_603 = arith.divsi %add3A_567, %jit3A_602 : i32
    %sign3A_604 = arith.constant 0 : i32
    %sign3A_605 = arith.cmpi sgt, %add3A_567, %sign3A_604 : i32
    %sign3A_606 = arith.extui %sign3A_605 : i1 to i32
    %sign3A_607 = arith.constant 0 : i32
    %sign3A_608 = arith.cmpi slt, %add3A_567, %sign3A_607 : i32
    %sign3A_609 = arith.extui %sign3A_608 : i1 to i32
    %sign3A_610 = arith.subi %sign3A_606, %sign3A_609 : i32
    %sign3A_611 = arith.constant 0 : i32
    %sign3A_612 = arith.cmpi sgt, %jit3A_602, %sign3A_611 : i32
    %sign3A_613 = arith.extui %sign3A_612 : i1 to i32
    %sign3A_614 = arith.constant 0 : i32
    %sign3A_615 = arith.cmpi slt, %jit3A_602, %sign3A_614 : i32
    %sign3A_616 = arith.extui %sign3A_615 : i1 to i32
    %sign3A_617 = arith.subi %sign3A_613, %sign3A_616 : i32
    %ne3A_618 = arith.cmpi ne, %sign3A_610, %sign3A_617 : i32
    %rem3A_619 = arith.remsi %add3A_567, %jit3A_602 : i32
    %ne3A_620 = arith.constant 0 : i32
    %ne3A_621 = arith.cmpi ne, %rem3A_619, %ne3A_620 : i32
    %and3A_622 = arith.andi %ne3A_618, %ne3A_621 : i1
    %sub3A_623 = arith.constant 1 : i32
    %sub3A_624 = arith.subi %div3A_603, %sub3A_623 : i32
    %select_n3A_625 = arith.select %and3A_622, %sub3A_624, %div3A_603 : i32
    %while3A_626 = arith.constant 0 : i32
    %while3A_627 = arith.subi %select_n3A_625, %while3A_626 : i32
    %while3A_628 = arith.addi %while3A_626, %while3A_627 : i32
    %while3A_629 = arith.constant 1 : i32
    %while3A_630 = arith.divsi %while3A_627, %while3A_629 : i32
    %while3A_631 = arith.muli %while3A_630, %while3A_629 : i32
    %while3A_632 = arith.addi %while3A_626, %while3A_631 : i32
    %while3A_633 = arith.constant 1 : i32
    %while3A_634 = scf.for %while3A_843 = %while3A_626 to %while3A_632 step %while3A_633 iter_args(%while3A_844 = %broadcast_in_dim3A_601) -> (vector<16xf32>)  : i32 {
      %mul3A_845 = arith.constant 16 : i32
      %mul3A_846 = arith.muli %while3A_843, %mul3A_845 : i32
      %add3A_847 = vector.broadcast %mul3A_846 : i32 to vector<16xi32>
      %add3A_848 = arith.addi %iota3A, %add3A_847 : vector<16xi32>
      %lt3A_849 = vector.broadcast %parallel_loop3A_535#0 : i32 to vector<16xi32>
      %lt3A_850 = arith.cmpi slt, %add3A_848, %lt3A_849 : vector<16xi32>
      %mul3A_851 = arith.constant 16 : i32
      %mul3A_852 = arith.muli %while3A_843, %mul3A_851 : i32
      %get3A_853 = arith.index_cast %mul3A_852 : i32 to index
      %get3A_854 = tpu.vector_load %arg22[%get3A_853] {strides = array<i32>} : memref<10368xi32, #tpu.memory_space<vmem>>, vector<16xi32>,
      %jit3A_855 = arith.constant 0 : i32
      %broadcast_in_dim3A_856 = vector.broadcast %jit3A_855 : i32 to vector<16xi32>
      %select_n3A_857 = arith.select %lt3A_850, %get3A_854, %broadcast_in_dim3A_856 : vector<16xi1>, vector<16xi32>
      %gather3A_858 = tpu.vector_load_idx %arg20[%select_n3A_857] : memref<10240xi32, #tpu.memory_space<vmem>>[vector<16xi32>], vector<16xi32>,
      %gather3A_859 = tpu.vector_load_idx %arg21[%select_n3A_857] : memref<10240xi32, #tpu.memory_space<vmem>>[vector<16xi32>], vector<16xi32>,
      %gather3A_860 = tpu.vector_load_idx %arg16[%gather3A_859] : memref<10000xi32, #tpu.memory_space<vmem>>[vector<16xi32>], vector<16xi32>,
      %jit3A_861 = arith.constant 0 : i32
      %broadcast_in_dim3A_862 = vector.broadcast %jit3A_861 : i32 to vector<16xi32>
      %select_n3A_863 = arith.select %lt3A_850, %gather3A_860, %broadcast_in_dim3A_862 : vector<16xi1>, vector<16xi32>
      %gather3A_864 = tpu.vector_load_idx %arg14[%gather3A_858] : memref<10000xf32, #tpu.memory_space<vmem>>[vector<16xi32>], vector<16xf32>,
      %gather3A_865 = tpu.vector_load_idx %arg18[%select_n3A_863] : memref<64xf32, #tpu.memory_space<vmem>>[vector<16xi32>], vector<16xf32>,
      %add3A_866 = arith.addf %gather3A_864, %gather3A_865 : vector<16xf32>
      %ge3A = arith.constant 0.000000e+00 : f32
      %ge3A_867 = vector.broadcast %ge3A : f32 to vector<16xf32>
      %ge3A_868 = arith.cmpf oge, %add3A_866, %ge3A_867 : vector<16xf32>
      %mul3A_869 = arith.constant 2.000000e-01 : f32
      %mul3A_870 = vector.broadcast %mul3A_869 : f32 to vector<16xf32>
      %mul3A_871 = arith.mulf %mul3A_870, %add3A_866 : vector<16xf32>
      %select_n3A_872 = arith.select %ge3A_868, %add3A_866, %mul3A_871 : vector<16xi1>, vector<16xf32>
      %jit3A_873 = arith.constant -3.000000e+38 : f32
      %broadcast_in_dim3A_874 = vector.broadcast %jit3A_873 : f32 to vector<16xf32>
      %select_n3A_875 = arith.select %lt3A_850, %select_n3A_872, %broadcast_in_dim3A_874 : vector<16xi1>, vector<16xf32>
      %mul3A_876 = arith.constant 16 : i32
      %mul3A_877 = arith.muli %while3A_843, %mul3A_876 : i32
      %swap3A_878 = arith.index_cast %mul3A_877 : i32 to index
      %swap3A_879 = tpu.vector_load %arg23[%swap3A_878] {strides = array<i32>} : memref<10368xi32, #tpu.memory_space<vmem>>, vector<16xi32>,
      tpu.vector_store %arg23[%swap3A_878], %gather3A_858 {strides = array<i32>} : memref<10368xi32, #tpu.memory_space<vmem>>, vector<16xi32>,
      %mul3A_880 = arith.constant 16 : i32
      %mul3A_881 = arith.muli %while3A_843, %mul3A_880 : i32
      %swap3A_882 = arith.index_cast %mul3A_881 : i32 to index
      %swap3A_883 = tpu.vector_load %arg24[%swap3A_882] {strides = array<i32>} : memref<10368xi32, #tpu.memory_space<vmem>>, vector<16xi32>,
      tpu.vector_store %arg24[%swap3A_882], %select_n3A_863 {strides = array<i32>} : memref<10368xi32, #tpu.memory_space<vmem>>, vector<16xi32>,
      %mul3A_884 = arith.constant 16 : i32
      %mul3A_885 = arith.muli %while3A_843, %mul3A_884 : i32
      %swap3A_886 = arith.index_cast %mul3A_885 : i32 to index
      %swap3A_887 = tpu.vector_load %arg25[%swap3A_886] {strides = array<i32>} : memref<10368xf32, #tpu.memory_space<vmem>>, vector<16xf32>,
      tpu.vector_store %arg25[%swap3A_886], %select_n3A_875 {strides = array<i32>} : memref<10368xf32, #tpu.memory_space<vmem>>, vector<16xf32>,
      %max3A = arith.maximumf %while3A_844, %select_n3A_875 : vector<16xf32>
      scf.yield %max3A : vector<16xf32>
    }
    %while3A_635 = arith.constant 1 : i32
    %while3A_636 = scf.for %while3A_843 = %while3A_632 to %while3A_628 step %while3A_635 iter_args(%while3A_844 = %while3A_634) -> (vector<16xf32>)  : i32 {
      %mul3A_845 = arith.constant 16 : i32
      %mul3A_846 = arith.muli %while3A_843, %mul3A_845 : i32
      %add3A_847 = vector.broadcast %mul3A_846 : i32 to vector<16xi32>
      %add3A_848 = arith.addi %iota3A, %add3A_847 : vector<16xi32>
      %lt3A_849 = vector.broadcast %parallel_loop3A_535#0 : i32 to vector<16xi32>
      %lt3A_850 = arith.cmpi slt, %add3A_848, %lt3A_849 : vector<16xi32>
      %mul3A_851 = arith.constant 16 : i32
      %mul3A_852 = arith.muli %while3A_843, %mul3A_851 : i32
      %get3A_853 = arith.index_cast %mul3A_852 : i32 to index
      %get3A_854 = tpu.vector_load %arg22[%get3A_853] {strides = array<i32>} : memref<10368xi32, #tpu.memory_space<vmem>>, vector<16xi32>,
      %jit3A_855 = arith.constant 0 : i32
      %broadcast_in_dim3A_856 = vector.broadcast %jit3A_855 : i32 to vector<16xi32>
      %select_n3A_857 = arith.select %lt3A_850, %get3A_854, %broadcast_in_dim3A_856 : vector<16xi1>, vector<16xi32>
      %gather3A_858 = tpu.vector_load_idx %arg20[%select_n3A_857] : memref<10240xi32, #tpu.memory_space<vmem>>[vector<16xi32>], vector<16xi32>,
      %gather3A_859 = tpu.vector_load_idx %arg21[%select_n3A_857] : memref<10240xi32, #tpu.memory_space<vmem>>[vector<16xi32>], vector<16xi32>,
      %gather3A_860 = tpu.vector_load_idx %arg16[%gather3A_859] : memref<10000xi32, #tpu.memory_space<vmem>>[vector<16xi32>], vector<16xi32>,
      %jit3A_861 = arith.constant 0 : i32
      %broadcast_in_dim3A_862 = vector.broadcast %jit3A_861 : i32 to vector<16xi32>
      %select_n3A_863 = arith.select %lt3A_850, %gather3A_860, %broadcast_in_dim3A_862 : vector<16xi1>, vector<16xi32>
      %gather3A_864 = tpu.vector_load_idx %arg14[%gather3A_858] : memref<10000xf32, #tpu.memory_space<vmem>>[vector<16xi32>], vector<16xf32>,
      %gather3A_865 = tpu.vector_load_idx %arg18[%select_n3A_863] : memref<64xf32, #tpu.memory_space<vmem>>[vector<16xi32>], vector<16xf32>,
      %add3A_866 = arith.addf %gather3A_864, %gather3A_865 : vector<16xf32>
      %ge3A = arith.constant 0.000000e+00 : f32
      %ge3A_867 = vector.broadcast %ge3A : f32 to vector<16xf32>
      %ge3A_868 = arith.cmpf oge, %add3A_866, %ge3A_867 : vector<16xf32>
      %mul3A_869 = arith.constant 2.000000e-01 : f32
      %mul3A_870 = vector.broadcast %mul3A_869 : f32 to vector<16xf32>
      %mul3A_871 = arith.mulf %mul3A_870, %add3A_866 : vector<16xf32>
      %select_n3A_872 = arith.select %ge3A_868, %add3A_866, %mul3A_871 : vector<16xi1>, vector<16xf32>
      %jit3A_873 = arith.constant -3.000000e+38 : f32
      %broadcast_in_dim3A_874 = vector.broadcast %jit3A_873 : f32 to vector<16xf32>
      %select_n3A_875 = arith.select %lt3A_850, %select_n3A_872, %broadcast_in_dim3A_874 : vector<16xi1>, vector<16xf32>
      %mul3A_876 = arith.constant 16 : i32
      %mul3A_877 = arith.muli %while3A_843, %mul3A_876 : i32
      %swap3A_878 = arith.index_cast %mul3A_877 : i32 to index
      %swap3A_879 = tpu.vector_load %arg23[%swap3A_878] {strides = array<i32>} : memref<10368xi32, #tpu.memory_space<vmem>>, vector<16xi32>,
      tpu.vector_store %arg23[%swap3A_878], %gather3A_858 {strides = array<i32>} : memref<10368xi32, #tpu.memory_space<vmem>>, vector<16xi32>,
      %mul3A_880 = arith.constant 16 : i32
      %mul3A_881 = arith.muli %while3A_843, %mul3A_880 : i32
      %swap3A_882 = arith.index_cast %mul3A_881 : i32 to index
      %swap3A_883 = tpu.vector_load %arg24[%swap3A_882] {strides = array<i32>} : memref<10368xi32, #tpu.memory_space<vmem>>, vector<16xi32>,
      tpu.vector_store %arg24[%swap3A_882], %select_n3A_863 {strides = array<i32>} : memref<10368xi32, #tpu.memory_space<vmem>>, vector<16xi32>,
      %mul3A_884 = arith.constant 16 : i32
      %mul3A_885 = arith.muli %while3A_843, %mul3A_884 : i32
      %swap3A_886 = arith.index_cast %mul3A_885 : i32 to index
      %swap3A_887 = tpu.vector_load %arg25[%swap3A_886] {strides = array<i32>} : memref<10368xf32, #tpu.memory_space<vmem>>, vector<16xf32>,
      tpu.vector_store %arg25[%swap3A_886], %select_n3A_875 {strides = array<i32>} : memref<10368xf32, #tpu.memory_space<vmem>>, vector<16xf32>,
      %max3A = arith.maximumf %while3A_844, %select_n3A_875 : vector<16xf32>
      scf.yield %max3A : vector<16xf32>
    }
    %jit3A_637 = arith.constant 16 : i32
    %div3A_638 = arith.divsi %add3A_599, %jit3A_637 : i32
    %sign3A_639 = arith.constant 0 : i32
    %sign3A_640 = arith.cmpi sgt, %add3A_599, %sign3A_639 : i32
    %sign3A_641 = arith.extui %sign3A_640 : i1 to i32
    %sign3A_642 = arith.constant 0 : i32
    %sign3A_643 = arith.cmpi slt, %add3A_599, %sign3A_642 : i32
    %sign3A_644 = arith.extui %sign3A_643 : i1 to i32
    %sign3A_645 = arith.subi %sign3A_641, %sign3A_644 : i32
    %sign3A_646 = arith.constant 0 : i32
    %sign3A_647 = arith.cmpi sgt, %jit3A_637, %sign3A_646 : i32
    %sign3A_648 = arith.extui %sign3A_647 : i1 to i32
    %sign3A_649 = arith.constant 0 : i32
    %sign3A_650 = arith.cmpi slt, %jit3A_637, %sign3A_649 : i32
    %sign3A_651 = arith.extui %sign3A_650 : i1 to i32
    %sign3A_652 = arith.subi %sign3A_648, %sign3A_651 : i32
    %ne3A_653 = arith.cmpi ne, %sign3A_645, %sign3A_652 : i32
    %rem3A_654 = arith.remsi %add3A_599, %jit3A_637 : i32
    %ne3A_655 = arith.constant 0 : i32
    %ne3A_656 = arith.cmpi ne, %rem3A_654, %ne3A_655 : i32
    %and3A_657 = arith.andi %ne3A_653, %ne3A_656 : i1
    %sub3A_658 = arith.constant 1 : i32
    %sub3A_659 = arith.subi %div3A_638, %sub3A_658 : i32
    %select_n3A_660 = arith.select %and3A_657, %sub3A_659, %div3A_638 : i32
    %while3A_661 = arith.constant 324 : i32
    %while3A_662 = arith.subi %select_n3A_660, %while3A_661 : i32
    %while3A_663 = arith.addi %while3A_661, %while3A_662 : i32
    %while3A_664 = arith.constant 1 : i32
    %while3A_665 = arith.divsi %while3A_662, %while3A_664 : i32
    %while3A_666 = arith.muli %while3A_665, %while3A_664 : i32
    %while3A_667 = arith.addi %while3A_661, %while3A_666 : i32
    %while3A_668 = arith.constant 1 : i32
    %while3A_669 = scf.for %while3A_843 = %while3A_661 to %while3A_667 step %while3A_668 iter_args(%while3A_844 = %while3A_636) -> (vector<16xf32>)  : i32 {
      %mul3A_845 = arith.constant 16 : i32
      %mul3A_846 = arith.muli %while3A_843, %mul3A_845 : i32
      %add3A_847 = vector.broadcast %mul3A_846 : i32 to vector<16xi32>
      %add3A_848 = arith.addi %iota3A, %add3A_847 : vector<16xi32>
      %lt3A_849 = vector.broadcast %parallel_loop3A_535#1 : i32 to vector<16xi32>
      %lt3A_850 = arith.cmpi slt, %add3A_848, %lt3A_849 : vector<16xi32>
      %mul3A_851 = arith.constant 16 : i32
      %mul3A_852 = arith.muli %while3A_843, %mul3A_851 : i32
      %get3A_853 = arith.index_cast %mul3A_852 : i32 to index
      %get3A_854 = tpu.vector_load %arg22[%get3A_853] {strides = array<i32>} : memref<10368xi32, #tpu.memory_space<vmem>>, vector<16xi32>,
      %jit3A_855 = arith.constant 0 : i32
      %broadcast_in_dim3A_856 = vector.broadcast %jit3A_855 : i32 to vector<16xi32>
      %select_n3A_857 = arith.select %lt3A_850, %get3A_854, %broadcast_in_dim3A_856 : vector<16xi1>, vector<16xi32>
      %gather3A_858 = tpu.vector_load_idx %arg20[%select_n3A_857] : memref<10240xi32, #tpu.memory_space<vmem>>[vector<16xi32>], vector<16xi32>,
      %gather3A_859 = tpu.vector_load_idx %arg21[%select_n3A_857] : memref<10240xi32, #tpu.memory_space<vmem>>[vector<16xi32>], vector<16xi32>,
      %gather3A_860 = tpu.vector_load_idx %arg16[%gather3A_859] : memref<10000xi32, #tpu.memory_space<vmem>>[vector<16xi32>], vector<16xi32>,
      %jit3A_861 = arith.constant 0 : i32
      %broadcast_in_dim3A_862 = vector.broadcast %jit3A_861 : i32 to vector<16xi32>
      %select_n3A_863 = arith.select %lt3A_850, %gather3A_860, %broadcast_in_dim3A_862 : vector<16xi1>, vector<16xi32>
      %gather3A_864 = tpu.vector_load_idx %arg14[%gather3A_858] : memref<10000xf32, #tpu.memory_space<vmem>>[vector<16xi32>], vector<16xf32>,
      %gather3A_865 = tpu.vector_load_idx %arg18[%select_n3A_863] : memref<64xf32, #tpu.memory_space<vmem>>[vector<16xi32>], vector<16xf32>,
      %add3A_866 = arith.addf %gather3A_864, %gather3A_865 : vector<16xf32>
      %ge3A = arith.constant 0.000000e+00 : f32
      %ge3A_867 = vector.broadcast %ge3A : f32 to vector<16xf32>
      %ge3A_868 = arith.cmpf oge, %add3A_866, %ge3A_867 : vector<16xf32>
      %mul3A_869 = arith.constant 2.000000e-01 : f32
      %mul3A_870 = vector.broadcast %mul3A_869 : f32 to vector<16xf32>
      %mul3A_871 = arith.mulf %mul3A_870, %add3A_866 : vector<16xf32>
      %select_n3A_872 = arith.select %ge3A_868, %add3A_866, %mul3A_871 : vector<16xi1>, vector<16xf32>
      %jit3A_873 = arith.constant -3.000000e+38 : f32
      %broadcast_in_dim3A_874 = vector.broadcast %jit3A_873 : f32 to vector<16xf32>
      %select_n3A_875 = arith.select %lt3A_850, %select_n3A_872, %broadcast_in_dim3A_874 : vector<16xi1>, vector<16xf32>
      %mul3A_876 = arith.constant 16 : i32
      %mul3A_877 = arith.muli %while3A_843, %mul3A_876 : i32
      %swap3A_878 = arith.index_cast %mul3A_877 : i32 to index
      %swap3A_879 = tpu.vector_load %arg23[%swap3A_878] {strides = array<i32>} : memref<10368xi32, #tpu.memory_space<vmem>>, vector<16xi32>,
      tpu.vector_store %arg23[%swap3A_878], %gather3A_858 {strides = array<i32>} : memref<10368xi32, #tpu.memory_space<vmem>>, vector<16xi32>,
      %mul3A_880 = arith.constant 16 : i32
      %mul3A_881 = arith.muli %while3A_843, %mul3A_880 : i32
      %swap3A_882 = arith.index_cast %mul3A_881 : i32 to index
      %swap3A_883 = tpu.vector_load %arg24[%swap3A_882] {strides = array<i32>} : memref<10368xi32, #tpu.memory_space<vmem>>, vector<16xi32>,
      tpu.vector_store %arg24[%swap3A_882], %select_n3A_863 {strides = array<i32>} : memref<10368xi32, #tpu.memory_space<vmem>>, vector<16xi32>,
      %mul3A_884 = arith.constant 16 : i32
      %mul3A_885 = arith.muli %while3A_843, %mul3A_884 : i32
      %swap3A_886 = arith.index_cast %mul3A_885 : i32 to index
      %swap3A_887 = tpu.vector_load %arg25[%swap3A_886] {strides = array<i32>} : memref<10368xf32, #tpu.memory_space<vmem>>, vector<16xf32>,
      tpu.vector_store %arg25[%swap3A_886], %select_n3A_875 {strides = array<i32>} : memref<10368xf32, #tpu.memory_space<vmem>>, vector<16xf32>,
      %max3A = arith.maximumf %while3A_844, %select_n3A_875 : vector<16xf32>
      scf.yield %max3A : vector<16xf32>
    }
    %while3A_670 = arith.constant 1 : i32
    %while3A_671 = scf.for %while3A_843 = %while3A_667 to %while3A_663 step %while3A_670 iter_args(%while3A_844 = %while3A_669) -> (vector<16xf32>)  : i32 {
      %mul3A_845 = arith.constant 16 : i32
      %mul3A_846 = arith.muli %while3A_843, %mul3A_845 : i32
      %add3A_847 = vector.broadcast %mul3A_846 : i32 to vector<16xi32>
      %add3A_848 = arith.addi %iota3A, %add3A_847 : vector<16xi32>
      %lt3A_849 = vector.broadcast %parallel_loop3A_535#1 : i32 to vector<16xi32>
      %lt3A_850 = arith.cmpi slt, %add3A_848, %lt3A_849 : vector<16xi32>
      %mul3A_851 = arith.constant 16 : i32
      %mul3A_852 = arith.muli %while3A_843, %mul3A_851 : i32
      %get3A_853 = arith.index_cast %mul3A_852 : i32 to index
      %get3A_854 = tpu.vector_load %arg22[%get3A_853] {strides = array<i32>} : memref<10368xi32, #tpu.memory_space<vmem>>, vector<16xi32>,
      %jit3A_855 = arith.constant 0 : i32
      %broadcast_in_dim3A_856 = vector.broadcast %jit3A_855 : i32 to vector<16xi32>
      %select_n3A_857 = arith.select %lt3A_850, %get3A_854, %broadcast_in_dim3A_856 : vector<16xi1>, vector<16xi32>
      %gather3A_858 = tpu.vector_load_idx %arg20[%select_n3A_857] : memref<10240xi32, #tpu.memory_space<vmem>>[vector<16xi32>], vector<16xi32>,
      %gather3A_859 = tpu.vector_load_idx %arg21[%select_n3A_857] : memref<10240xi32, #tpu.memory_space<vmem>>[vector<16xi32>], vector<16xi32>,
      %gather3A_860 = tpu.vector_load_idx %arg16[%gather3A_859] : memref<10000xi32, #tpu.memory_space<vmem>>[vector<16xi32>], vector<16xi32>,
      %jit3A_861 = arith.constant 0 : i32
      %broadcast_in_dim3A_862 = vector.broadcast %jit3A_861 : i32 to vector<16xi32>
      %select_n3A_863 = arith.select %lt3A_850, %gather3A_860, %broadcast_in_dim3A_862 : vector<16xi1>, vector<16xi32>
      %gather3A_864 = tpu.vector_load_idx %arg14[%gather3A_858] : memref<10000xf32, #tpu.memory_space<vmem>>[vector<16xi32>], vector<16xf32>,
      %gather3A_865 = tpu.vector_load_idx %arg18[%select_n3A_863] : memref<64xf32, #tpu.memory_space<vmem>>[vector<16xi32>], vector<16xf32>,
      %add3A_866 = arith.addf %gather3A_864, %gather3A_865 : vector<16xf32>
      %ge3A = arith.constant 0.000000e+00 : f32
      %ge3A_867 = vector.broadcast %ge3A : f32 to vector<16xf32>
      %ge3A_868 = arith.cmpf oge, %add3A_866, %ge3A_867 : vector<16xf32>
      %mul3A_869 = arith.constant 2.000000e-01 : f32
      %mul3A_870 = vector.broadcast %mul3A_869 : f32 to vector<16xf32>
      %mul3A_871 = arith.mulf %mul3A_870, %add3A_866 : vector<16xf32>
      %select_n3A_872 = arith.select %ge3A_868, %add3A_866, %mul3A_871 : vector<16xi1>, vector<16xf32>
      %jit3A_873 = arith.constant -3.000000e+38 : f32
      %broadcast_in_dim3A_874 = vector.broadcast %jit3A_873 : f32 to vector<16xf32>
      %select_n3A_875 = arith.select %lt3A_850, %select_n3A_872, %broadcast_in_dim3A_874 : vector<16xi1>, vector<16xf32>
      %mul3A_876 = arith.constant 16 : i32
      %mul3A_877 = arith.muli %while3A_843, %mul3A_876 : i32
      %swap3A_878 = arith.index_cast %mul3A_877 : i32 to index
      %swap3A_879 = tpu.vector_load %arg23[%swap3A_878] {strides = array<i32>} : memref<10368xi32, #tpu.memory_space<vmem>>, vector<16xi32>,
      tpu.vector_store %arg23[%swap3A_878], %gather3A_858 {strides = array<i32>} : memref<10368xi32, #tpu.memory_space<vmem>>, vector<16xi32>,
      %mul3A_880 = arith.constant 16 : i32
      %mul3A_881 = arith.muli %while3A_843, %mul3A_880 : i32
      %swap3A_882 = arith.index_cast %mul3A_881 : i32 to index
      %swap3A_883 = tpu.vector_load %arg24[%swap3A_882] {strides = array<i32>} : memref<10368xi32, #tpu.memory_space<vmem>>, vector<16xi32>,
      tpu.vector_store %arg24[%swap3A_882], %select_n3A_863 {strides = array<i32>} : memref<10368xi32, #tpu.memory_space<vmem>>, vector<16xi32>,
      %mul3A_884 = arith.constant 16 : i32
      %mul3A_885 = arith.muli %while3A_843, %mul3A_884 : i32
      %swap3A_886 = arith.index_cast %mul3A_885 : i32 to index
      %swap3A_887 = tpu.vector_load %arg25[%swap3A_886] {strides = array<i32>} : memref<10368xf32, #tpu.memory_space<vmem>>, vector<16xf32>,
      tpu.vector_store %arg25[%swap3A_886], %select_n3A_875 {strides = array<i32>} : memref<10368xf32, #tpu.memory_space<vmem>>, vector<16xf32>,
      %max3A = arith.maximumf %while3A_844, %select_n3A_875 : vector<16xf32>
      scf.yield %max3A : vector<16xf32>
    }
    %reduce_max3A_672 = arith.constant true
    %reduce_max3A_673 = vector.broadcast %reduce_max3A_672 : i1 to vector<16xi1>
    %reduce_max3A_674 = tpu.scan <max>, %while3A_671 masked %reduce_max3A_673 : vector<16xf32>, vector<16xi1> -> vector<16xf32>
    %reduce_max3A_675 = vector.extract %reduce_max3A_674[15] : f32 from vector<16xf32>
    %broadcast_in_dim3A_676 = vector.broadcast %reduce_max3A_675 : f32 to vector<16xf32>
    %swap3A_677 = arith.constant 64 : i32
    %swap3A_678 = arith.index_cast %swap3A_677 : i32 to index
    %swap3A_679 = arith.constant 0 : index
    %swap3A_680 = tpu.vector_load %arg26[%swap3A_678, %swap3A_679] {strides = array<i32>} : memref<72x256xf32, #tpu.memory_space<vmem>>, vector<16xf32>,
    tpu.vector_store %arg26[%swap3A_678, %swap3A_679], %broadcast_in_dim3A_676 {strides = array<i32>} : memref<72x256xf32, #tpu.memory_space<vmem>>, vector<16xf32>,
    %eq3A_681 = arith.constant 0 : i32
    %eq3A_682 = vector.broadcast %eq3A_681 : i32 to vector<16xi32>
    %eq3A_683 = arith.cmpi eq, %iota3A, %eq3A_682 : vector<16xi32>
    %jit3A_684 = arith.constant 16 : i32
    %div3A_685 = arith.divsi %add3A_567, %jit3A_684 : i32
    %sign3A_686 = arith.constant 0 : i32
    %sign3A_687 = arith.cmpi sgt, %add3A_567, %sign3A_686 : i32
    %sign3A_688 = arith.extui %sign3A_687 : i1 to i32
    %sign3A_689 = arith.constant 0 : i32
    %sign3A_690 = arith.cmpi slt, %add3A_567, %sign3A_689 : i32
    %sign3A_691 = arith.extui %sign3A_690 : i1 to i32
    %sign3A_692 = arith.subi %sign3A_688, %sign3A_691 : i32
    %sign3A_693 = arith.constant 0 : i32
    %sign3A_694 = arith.cmpi sgt, %jit3A_684, %sign3A_693 : i32
    %sign3A_695 = arith.extui %sign3A_694 : i1 to i32
    %sign3A_696 = arith.constant 0 : i32
    %sign3A_697 = arith.cmpi slt, %jit3A_684, %sign3A_696 : i32
    %sign3A_698 = arith.extui %sign3A_697 : i1 to i32
    %sign3A_699 = arith.subi %sign3A_695, %sign3A_698 : i32
    %ne3A_700 = arith.cmpi ne, %sign3A_692, %sign3A_699 : i32
    %rem3A_701 = arith.remsi %add3A_567, %jit3A_684 : i32
    %ne3A_702 = arith.constant 0 : i32
    %ne3A_703 = arith.cmpi ne, %rem3A_701, %ne3A_702 : i32
    %and3A_704 = arith.andi %ne3A_700, %ne3A_703 : i1
    %sub3A_705 = arith.constant 1 : i32
    %sub3A_706 = arith.subi %div3A_685, %sub3A_705 : i32
    %select_n3A_707 = arith.select %and3A_704, %sub3A_706, %div3A_685 : i32
    %while3A_708 = arith.constant 0 : i32
    %while3A_709 = arith.subi %select_n3A_707, %while3A_708 : i32
    %while3A_710 = arith.addi %while3A_708, %while3A_709 : i32
    %while3A_711 = arith.constant 1 : i32
    %while3A_712 = arith.divsi %while3A_709, %while3A_711 : i32
    %while3A_713 = arith.muli %while3A_712, %while3A_711 : i32
    %while3A_714 = arith.addi %while3A_708, %while3A_713 : i32
    %while3A_715 = arith.constant 1 : i32
    scf.for %while3A_843 = %while3A_708 to %while3A_714 step %while3A_715  : i32 {
      %mul3A_844 = arith.constant 16 : i32
      %mul3A_845 = arith.muli %while3A_843, %mul3A_844 : i32
      %get3A_846 = arith.index_cast %mul3A_845 : i32 to index
      %get3A_847 = tpu.vector_load %arg25[%get3A_846] {strides = array<i32>} : memref<10368xf32, #tpu.memory_space<vmem>>, vector<16xf32>,
      %sub3A_848 = vector.broadcast %reduce_max3A_675 : f32 to vector<16xf32>
      %sub3A_849 = arith.subf %get3A_847, %sub3A_848 : vector<16xf32>
      %exp3A = math.exp %sub3A_849 : vector<16xf32>
      %mul3A_850 = arith.constant 16 : i32
      %mul3A_851 = arith.muli %while3A_843, %mul3A_850 : i32
      %add3A_852 = vector.broadcast %mul3A_851 : i32 to vector<16xi32>
      %add3A_853 = arith.addi %iota3A, %add3A_852 : vector<16xi32>
      %lt3A_854 = vector.broadcast %parallel_loop3A_535#0 : i32 to vector<16xi32>
      %lt3A_855 = arith.cmpi slt, %add3A_853, %lt3A_854 : vector<16xi32>
      %jit3A_856 = arith.constant 0.000000e+00 : f32
      %broadcast_in_dim3A_857 = vector.broadcast %jit3A_856 : f32 to vector<16xf32>
      %select_n3A_858 = arith.select %lt3A_855, %exp3A, %broadcast_in_dim3A_857 : vector<16xi1>, vector<16xf32>
      %mul3A_859 = arith.constant 16 : i32
      %mul3A_860 = arith.muli %while3A_843, %mul3A_859 : i32
      %swap3A_861 = arith.index_cast %mul3A_860 : i32 to index
      %swap3A_862 = tpu.vector_load %arg25[%swap3A_861] {strides = array<i32>} : memref<10368xf32, #tpu.memory_space<vmem>>, vector<16xf32>,
      tpu.vector_store %arg25[%swap3A_861], %select_n3A_858 {strides = array<i32>} : memref<10368xf32, #tpu.memory_space<vmem>>, vector<16xf32>,
    }
    %while3A_716 = arith.constant 1 : i32
    scf.for %while3A_843 = %while3A_714 to %while3A_710 step %while3A_716  : i32 {
      %mul3A_844 = arith.constant 16 : i32
      %mul3A_845 = arith.muli %while3A_843, %mul3A_844 : i32
      %get3A_846 = arith.index_cast %mul3A_845 : i32 to index
      %get3A_847 = tpu.vector_load %arg25[%get3A_846] {strides = array<i32>} : memref<10368xf32, #tpu.memory_space<vmem>>, vector<16xf32>,
      %sub3A_848 = vector.broadcast %reduce_max3A_675 : f32 to vector<16xf32>
      %sub3A_849 = arith.subf %get3A_847, %sub3A_848 : vector<16xf32>
      %exp3A = math.exp %sub3A_849 : vector<16xf32>
      %mul3A_850 = arith.constant 16 : i32
      %mul3A_851 = arith.muli %while3A_843, %mul3A_850 : i32
      %add3A_852 = vector.broadcast %mul3A_851 : i32 to vector<16xi32>
      %add3A_853 = arith.addi %iota3A, %add3A_852 : vector<16xi32>
      %lt3A_854 = vector.broadcast %parallel_loop3A_535#0 : i32 to vector<16xi32>
      %lt3A_855 = arith.cmpi slt, %add3A_853, %lt3A_854 : vector<16xi32>
      %jit3A_856 = arith.constant 0.000000e+00 : f32
      %broadcast_in_dim3A_857 = vector.broadcast %jit3A_856 : f32 to vector<16xf32>
      %select_n3A_858 = arith.select %lt3A_855, %exp3A, %broadcast_in_dim3A_857 : vector<16xi1>, vector<16xf32>
      %mul3A_859 = arith.constant 16 : i32
      %mul3A_860 = arith.muli %while3A_843, %mul3A_859 : i32
      %swap3A_861 = arith.index_cast %mul3A_860 : i32 to index
      %swap3A_862 = tpu.vector_load %arg25[%swap3A_861] {strides = array<i32>} : memref<10368xf32, #tpu.memory_space<vmem>>, vector<16xf32>,
      tpu.vector_store %arg25[%swap3A_861], %select_n3A_858 {strides = array<i32>} : memref<10368xf32, #tpu.memory_space<vmem>>, vector<16xf32>,
    }
    %jit3A_717 = arith.constant 64 : i32
    %div3A_718 = arith.divsi %add3A_567, %jit3A_717 : i32
    %sign3A_719 = arith.constant 0 : i32
    %sign3A_720 = arith.cmpi sgt, %add3A_567, %sign3A_719 : i32
    %sign3A_721 = arith.extui %sign3A_720 : i1 to i32
    %sign3A_722 = arith.constant 0 : i32
    %sign3A_723 = arith.cmpi slt, %add3A_567, %sign3A_722 : i32
    %sign3A_724 = arith.extui %sign3A_723 : i1 to i32
    %sign3A_725 = arith.subi %sign3A_721, %sign3A_724 : i32
    %sign3A_726 = arith.constant 0 : i32
    %sign3A_727 = arith.cmpi sgt, %jit3A_717, %sign3A_726 : i32
    %sign3A_728 = arith.extui %sign3A_727 : i1 to i32
    %sign3A_729 = arith.constant 0 : i32
    %sign3A_730 = arith.cmpi slt, %jit3A_717, %sign3A_729 : i32
    %sign3A_731 = arith.extui %sign3A_730 : i1 to i32
    %sign3A_732 = arith.subi %sign3A_728, %sign3A_731 : i32
    %ne3A_733 = arith.cmpi ne, %sign3A_725, %sign3A_732 : i32
    %rem3A_734 = arith.remsi %add3A_567, %jit3A_717 : i32
    %ne3A_735 = arith.constant 0 : i32
    %ne3A_736 = arith.cmpi ne, %rem3A_734, %ne3A_735 : i32
    %and3A_737 = arith.andi %ne3A_733, %ne3A_736 : i1
    %sub3A_738 = arith.constant 1 : i32
    %sub3A_739 = arith.subi %div3A_718, %sub3A_738 : i32
    %select_n3A_740 = arith.select %and3A_737, %sub3A_739, %div3A_718 : i32
    %while3A_741 = arith.constant 0 : i32
    %while3A_742 = arith.subi %select_n3A_740, %while3A_741 : i32
    %while3A_743 = arith.addi %while3A_741, %while3A_742 : i32
    %while3A_744 = arith.constant 1 : i32
    %while3A_745 = arith.divsi %while3A_742, %while3A_744 : i32
    %while3A_746 = arith.muli %while3A_745, %while3A_744 : i32
    %while3A_747 = arith.addi %while3A_741, %while3A_746 : i32
    %while3A_748 = arith.constant 1 : i32
    scf.for %while3A_843 = %while3A_741 to %while3A_747 step %while3A_748  : i32 {
      %mul3A_844 = arith.constant 64 : i32
      %mul3A_845 = arith.muli %while3A_843, %mul3A_844 : i32
      %dma_start3A = tpu.memref_slice %arg23[%mul3A_845] : memref<10368xi32, #tpu.memory_space<vmem>> -> memref<64xi32, #tpu.memory_space<vmem>>
      %dma_start3A_846 = arith.constant 0 : i32
      %dma_start3A_847 = arith.constant 0 : i32
      %dma_start3A_848 = tpu.memref_slice %arg11[%dma_start3A_846, %dma_start3A_847] : memref<10000x128xf32, #tpu.memory_space<hbm>> -> memref<10000x128xf32, #tpu.memory_space<hbm>>
      tpu.enqueue_indirect_dma source(%dma_start3A_848 : memref<10000x128xf32, #tpu.memory_space<hbm>>) target(%arg27 : memref<64x128xf32, #tpu.memory_space<vmem>>) offsets(%dma_start3A : memref<64xi32, #tpu.memory_space<vmem>>) semaphore(%arg28 : memref<!tpu.dma_semaphore, #tpu.memory_space<semaphore_mem>>)
      %dma_wait3A = tpu.memref_slice %arg23[%mul3A_845] : memref<10368xi32, #tpu.memory_space<vmem>> -> memref<64xi32, #tpu.memory_space<vmem>>
      %dma_wait3A_849 = arith.constant 0 : i32
      %dma_wait3A_850 = arith.constant 0 : i32
      %dma_wait3A_851 = tpu.memref_slice %arg11[%dma_wait3A_849, %dma_wait3A_850] : memref<10000x128xf32, #tpu.memory_space<hbm>> -> memref<10000x128xf32, #tpu.memory_space<hbm>>
      tpu.wait_indirect_dma semaphore(%arg28 : memref<!tpu.dma_semaphore, #tpu.memory_space<semaphore_mem>>) src(%dma_wait3A_851 : memref<10000x128xf32, #tpu.memory_space<hbm>>) dst(%arg27 : memref<64x128xf32, #tpu.memory_space<vmem>>)
      %mul3A_852 = arith.constant 64 : i32
      %mul3A_853 = arith.muli %while3A_843, %mul3A_852 : i32
      %sub3A_854 = arith.subi %parallel_loop3A_535#0, %mul3A_853 : i32
      %min3A = arith.constant 64 : i32
      %min3A_855 = arith.minsi %min3A, %sub3A_854 : i32
      %while3A_856 = arith.constant 0 : i32
      %while3A_857 = arith.constant 0 : i32
      %while3A_858 = arith.subi %min3A_855, %while3A_856 : i32
      %while3A_859 = arith.addi %while3A_856, %while3A_858 : i32
      %while3A_860 = arith.constant 1 : i32
      %while3A_861 = arith.divsi %while3A_858, %while3A_860 : i32
      %while3A_862 = arith.muli %while3A_861, %while3A_860 : i32
      %while3A_863 = arith.addi %while3A_856, %while3A_862 : i32
      %while3A_864 = arith.constant 1 : i32
      %while3A_865 = scf.for %while3A_868 = %while3A_856 to %while3A_863 step %while3A_864 iter_args(%while3A_869 = %while3A_857) -> (i32)  : i32 {
        %mul3A_870 = arith.constant 64 : i32
        %mul3A_871 = arith.muli %while3A_843, %mul3A_870 : i32
        %add3A_872 = arith.addi %mul3A_871, %while3A_868 : i32
        %broadcast_in_dim3A_873 = vector.broadcast %add3A_872 : i32 to vector<16xi32>
        %gather3A_874 = tpu.vector_load_idx %arg25[%broadcast_in_dim3A_873] : memref<10368xf32, #tpu.memory_space<vmem>>[vector<16xi32>], vector<16xf32>,
        %gather3A_875 = tpu.vector_load_idx %arg24[%broadcast_in_dim3A_873] : memref<10368xi32, #tpu.memory_space<vmem>>[vector<16xi32>], vector<16xi32>,
        %slice3A = vector.extract_strided_slice %gather3A_875 {offsets = [0], sizes = [1], strides = [1]} : vector<16xi32> to vector<1xi32>
        %squeeze3A = vector.extract %slice3A[0] : i32 from vector<1xi32>
        %jit3A_876 = arith.constant 0.000000e+00 : f32
        %broadcast_in_dim3A_877 = vector.broadcast %jit3A_876 : f32 to vector<16xf32>
        %select_n3A_878 = arith.select %eq3A_683, %gather3A_874, %broadcast_in_dim3A_877 : vector<16xi1>, vector<16xf32>
        %swap3A_879 = arith.index_cast %squeeze3A : i32 to index
        %swap3A_880 = arith.constant 128 : index
        %swap3A_881 = tpu.vector_load %arg26[%swap3A_879, %swap3A_880] {strides = array<i32>} : memref<72x256xf32, #tpu.memory_space<vmem>>, vector<16xf32>,
        tpu.vector_store %arg26[%swap3A_879, %swap3A_880], %select_n3A_878 {add = true, strides = array<i32>} : memref<72x256xf32, #tpu.memory_space<vmem>>, vector<16xf32>,
        %get3A_882 = arith.index_cast %while3A_868 : i32 to index
        %get3A_883 = arith.constant 0 : index
        %get3A_884 = tpu.vector_load %arg27[%get3A_882, %get3A_883] {strides = array<i32>} : memref<64x128xf32, #tpu.memory_space<vmem>>, vector<16xf32>,
        %mul3A_885 = arith.mulf %gather3A_874, %get3A_884 : vector<16xf32>
        %swap3A_886 = arith.index_cast %squeeze3A : i32 to index
        %swap3A_887 = arith.constant 0 : index
        %swap3A_888 = tpu.vector_load %arg26[%swap3A_886, %swap3A_887] {strides = array<i32>} : memref<72x256xf32, #tpu.memory_space<vmem>>, vector<16xf32>,
        tpu.vector_store %arg26[%swap3A_886, %swap3A_887], %mul3A_885 {add = true, strides = array<i32>} : memref<72x256xf32, #tpu.memory_space<vmem>>, vector<16xf32>,
        %get3A_889 = arith.index_cast %while3A_868 : i32 to index
        %get3A_890 = arith.constant 16 : index
        %get3A_891 = tpu.vector_load %arg27[%get3A_889, %get3A_890] {strides = array<i32>} : memref<64x128xf32, #tpu.memory_space<vmem>>, vector<16xf32>,
        %mul3A_892 = arith.mulf %gather3A_874, %get3A_891 : vector<16xf32>
        %swap3A_893 = arith.index_cast %squeeze3A : i32 to index
        %swap3A_894 = arith.constant 16 : index
        %swap3A_895 = tpu.vector_load %arg26[%swap3A_893, %swap3A_894] {strides = array<i32>} : memref<72x256xf32, #tpu.memory_space<vmem>>, vector<16xf32>,
        tpu.vector_store %arg26[%swap3A_893, %swap3A_894], %mul3A_892 {add = true, strides = array<i32>} : memref<72x256xf32, #tpu.memory_space<vmem>>, vector<16xf32>,
        %get3A_896 = arith.index_cast %while3A_868 : i32 to index
        %get3A_897 = arith.constant 32 : index
        %get3A_898 = tpu.vector_load %arg27[%get3A_896, %get3A_897] {strides = array<i32>} : memref<64x128xf32, #tpu.memory_space<vmem>>, vector<16xf32>,
        %mul3A_899 = arith.mulf %gather3A_874, %get3A_898 : vector<16xf32>
        %swap3A_900 = arith.index_cast %squeeze3A : i32 to index
        %swap3A_901 = arith.constant 32 : index
        %swap3A_902 = tpu.vector_load %arg26[%swap3A_900, %swap3A_901] {strides = array<i32>} : memref<72x256xf32, #tpu.memory_space<vmem>>, vector<16xf32>,
        tpu.vector_store %arg26[%swap3A_900, %swap3A_901], %mul3A_899 {add = true, strides = array<i32>} : memref<72x256xf32, #tpu.memory_space<vmem>>, vector<16xf32>,
        %get3A_903 = arith.index_cast %while3A_868 : i32 to index
        %get3A_904 = arith.constant 48 : index
        %get3A_905 = tpu.vector_load %arg27[%get3A_903, %get3A_904] {strides = array<i32>} : memref<64x128xf32, #tpu.memory_space<vmem>>, vector<16xf32>,
        %mul3A_906 = arith.mulf %gather3A_874, %get3A_905 : vector<16xf32>
        %swap3A_907 = arith.index_cast %squeeze3A : i32 to index
        %swap3A_908 = arith.constant 48 : index
        %swap3A_909 = tpu.vector_load %arg26[%swap3A_907, %swap3A_908] {strides = array<i32>} : memref<72x256xf32, #tpu.memory_space<vmem>>, vector<16xf32>,
        tpu.vector_store %arg26[%swap3A_907, %swap3A_908], %mul3A_906 {add = true, strides = array<i32>} : memref<72x256xf32, #tpu.memory_space<vmem>>, vector<16xf32>,
        %get3A_910 = arith.index_cast %while3A_868 : i32 to index
        %get3A_911 = arith.constant 64 : index
        %get3A_912 = tpu.vector_load %arg27[%get3A_910, %get3A_911] {strides = array<i32>} : memref<64x128xf32, #tpu.memory_space<vmem>>, vector<16xf32>,
        %mul3A_913 = arith.mulf %gather3A_874, %get3A_912 : vector<16xf32>
        %swap3A_914 = arith.index_cast %squeeze3A : i32 to index
        %swap3A_915 = arith.constant 64 : index
        %swap3A_916 = tpu.vector_load %arg26[%swap3A_914, %swap3A_915] {strides = array<i32>} : memref<72x256xf32, #tpu.memory_space<vmem>>, vector<16xf32>,
        tpu.vector_store %arg26[%swap3A_914, %swap3A_915], %mul3A_913 {add = true, strides = array<i32>} : memref<72x256xf32, #tpu.memory_space<vmem>>, vector<16xf32>,
        %get3A_917 = arith.index_cast %while3A_868 : i32 to index
        %get3A_918 = arith.constant 80 : index
        %get3A_919 = tpu.vector_load %arg27[%get3A_917, %get3A_918] {strides = array<i32>} : memref<64x128xf32, #tpu.memory_space<vmem>>, vector<16xf32>,
        %mul3A_920 = arith.mulf %gather3A_874, %get3A_919 : vector<16xf32>
        %swap3A_921 = arith.index_cast %squeeze3A : i32 to index
        %swap3A_922 = arith.constant 80 : index
        %swap3A_923 = tpu.vector_load %arg26[%swap3A_921, %swap3A_922] {strides = array<i32>} : memref<72x256xf32, #tpu.memory_space<vmem>>, vector<16xf32>,
        tpu.vector_store %arg26[%swap3A_921, %swap3A_922], %mul3A_920 {add = true, strides = array<i32>} : memref<72x256xf32, #tpu.memory_space<vmem>>, vector<16xf32>,
        %get3A_924 = arith.index_cast %while3A_868 : i32 to index
        %get3A_925 = arith.constant 96 : index
        %get3A_926 = tpu.vector_load %arg27[%get3A_924, %get3A_925] {strides = array<i32>} : memref<64x128xf32, #tpu.memory_space<vmem>>, vector<16xf32>,
        %mul3A_927 = arith.mulf %gather3A_874, %get3A_926 : vector<16xf32>
        %swap3A_928 = arith.index_cast %squeeze3A : i32 to index
        %swap3A_929 = arith.constant 96 : index
        %swap3A_930 = tpu.vector_load %arg26[%swap3A_928, %swap3A_929] {strides = array<i32>} : memref<72x256xf32, #tpu.memory_space<vmem>>, vector<16xf32>,
        tpu.vector_store %arg26[%swap3A_928, %swap3A_929], %mul3A_927 {add = true, strides = array<i32>} : memref<72x256xf32, #tpu.memory_space<vmem>>, vector<16xf32>,
        %get3A_931 = arith.index_cast %while3A_868 : i32 to index
        %get3A_932 = arith.constant 112 : index
        %get3A_933 = tpu.vector_load %arg27[%get3A_931, %get3A_932] {strides = array<i32>} : memref<64x128xf32, #tpu.memory_space<vmem>>, vector<16xf32>,
        %mul3A_934 = arith.mulf %gather3A_874, %get3A_933 : vector<16xf32>
        %swap3A_935 = arith.index_cast %squeeze3A : i32 to index
        %swap3A_936 = arith.constant 112 : index
        %swap3A_937 = tpu.vector_load %arg26[%swap3A_935, %swap3A_936] {strides = array<i32>} : memref<72x256xf32, #tpu.memory_space<vmem>>, vector<16xf32>,
        tpu.vector_store %arg26[%swap3A_935, %swap3A_936], %mul3A_934 {add = true, strides = array<i32>} : memref<72x256xf32, #tpu.memory_space<vmem>>, vector<16xf32>,
        %while3A_938 = arith.constant 0 : i32
        scf.yield %while3A_938 : i32
      }
      %while3A_866 = arith.constant 1 : i32
      %while3A_867 = scf.for %while3A_868 = %while3A_863 to %while3A_859 step %while3A_866 iter_args(%while3A_869 = %while3A_865) -> (i32)  : i32 {
        %mul3A_870 = arith.constant 64 : i32
        %mul3A_871 = arith.muli %while3A_843, %mul3A_870 : i32
        %add3A_872 = arith.addi %mul3A_871, %while3A_868 : i32
        %broadcast_in_dim3A_873 = vector.broadcast %add3A_872 : i32 to vector<16xi32>
        %gather3A_874 = tpu.vector_load_idx %arg25[%broadcast_in_dim3A_873] : memref<10368xf32, #tpu.memory_space<vmem>>[vector<16xi32>], vector<16xf32>,
        %gather3A_875 = tpu.vector_load_idx %arg24[%broadcast_in_dim3A_873] : memref<10368xi32, #tpu.memory_space<vmem>>[vector<16xi32>], vector<16xi32>,
        %slice3A = vector.extract_strided_slice %gather3A_875 {offsets = [0], sizes = [1], strides = [1]} : vector<16xi32> to vector<1xi32>
        %squeeze3A = vector.extract %slice3A[0] : i32 from vector<1xi32>
        %jit3A_876 = arith.constant 0.000000e+00 : f32
        %broadcast_in_dim3A_877 = vector.broadcast %jit3A_876 : f32 to vector<16xf32>
        %select_n3A_878 = arith.select %eq3A_683, %gather3A_874, %broadcast_in_dim3A_877 : vector<16xi1>, vector<16xf32>
        %swap3A_879 = arith.index_cast %squeeze3A : i32 to index
        %swap3A_880 = arith.constant 128 : index
        %swap3A_881 = tpu.vector_load %arg26[%swap3A_879, %swap3A_880] {strides = array<i32>} : memref<72x256xf32, #tpu.memory_space<vmem>>, vector<16xf32>,
        tpu.vector_store %arg26[%swap3A_879, %swap3A_880], %select_n3A_878 {add = true, strides = array<i32>} : memref<72x256xf32, #tpu.memory_space<vmem>>, vector<16xf32>,
        %get3A_882 = arith.index_cast %while3A_868 : i32 to index
        %get3A_883 = arith.constant 0 : index
        %get3A_884 = tpu.vector_load %arg27[%get3A_882, %get3A_883] {strides = array<i32>} : memref<64x128xf32, #tpu.memory_space<vmem>>, vector<16xf32>,
        %mul3A_885 = arith.mulf %gather3A_874, %get3A_884 : vector<16xf32>
        %swap3A_886 = arith.index_cast %squeeze3A : i32 to index
        %swap3A_887 = arith.constant 0 : index
        %swap3A_888 = tpu.vector_load %arg26[%swap3A_886, %swap3A_887] {strides = array<i32>} : memref<72x256xf32, #tpu.memory_space<vmem>>, vector<16xf32>,
        tpu.vector_store %arg26[%swap3A_886, %swap3A_887], %mul3A_885 {add = true, strides = array<i32>} : memref<72x256xf32, #tpu.memory_space<vmem>>, vector<16xf32>,
        %get3A_889 = arith.index_cast %while3A_868 : i32 to index
        %get3A_890 = arith.constant 16 : index
        %get3A_891 = tpu.vector_load %arg27[%get3A_889, %get3A_890] {strides = array<i32>} : memref<64x128xf32, #tpu.memory_space<vmem>>, vector<16xf32>,
        %mul3A_892 = arith.mulf %gather3A_874, %get3A_891 : vector<16xf32>
        %swap3A_893 = arith.index_cast %squeeze3A : i32 to index
        %swap3A_894 = arith.constant 16 : index
        %swap3A_895 = tpu.vector_load %arg26[%swap3A_893, %swap3A_894] {strides = array<i32>} : memref<72x256xf32, #tpu.memory_space<vmem>>, vector<16xf32>,
        tpu.vector_store %arg26[%swap3A_893, %swap3A_894], %mul3A_892 {add = true, strides = array<i32>} : memref<72x256xf32, #tpu.memory_space<vmem>>, vector<16xf32>,
        %get3A_896 = arith.index_cast %while3A_868 : i32 to index
        %get3A_897 = arith.constant 32 : index
        %get3A_898 = tpu.vector_load %arg27[%get3A_896, %get3A_897] {strides = array<i32>} : memref<64x128xf32, #tpu.memory_space<vmem>>, vector<16xf32>,
        %mul3A_899 = arith.mulf %gather3A_874, %get3A_898 : vector<16xf32>
        %swap3A_900 = arith.index_cast %squeeze3A : i32 to index
        %swap3A_901 = arith.constant 32 : index
        %swap3A_902 = tpu.vector_load %arg26[%swap3A_900, %swap3A_901] {strides = array<i32>} : memref<72x256xf32, #tpu.memory_space<vmem>>, vector<16xf32>,
        tpu.vector_store %arg26[%swap3A_900, %swap3A_901], %mul3A_899 {add = true, strides = array<i32>} : memref<72x256xf32, #tpu.memory_space<vmem>>, vector<16xf32>,
        %get3A_903 = arith.index_cast %while3A_868 : i32 to index
        %get3A_904 = arith.constant 48 : index
        %get3A_905 = tpu.vector_load %arg27[%get3A_903, %get3A_904] {strides = array<i32>} : memref<64x128xf32, #tpu.memory_space<vmem>>, vector<16xf32>,
        %mul3A_906 = arith.mulf %gather3A_874, %get3A_905 : vector<16xf32>
        %swap3A_907 = arith.index_cast %squeeze3A : i32 to index
        %swap3A_908 = arith.constant 48 : index
        %swap3A_909 = tpu.vector_load %arg26[%swap3A_907, %swap3A_908] {strides = array<i32>} : memref<72x256xf32, #tpu.memory_space<vmem>>, vector<16xf32>,
        tpu.vector_store %arg26[%swap3A_907, %swap3A_908], %mul3A_906 {add = true, strides = array<i32>} : memref<72x256xf32, #tpu.memory_space<vmem>>, vector<16xf32>,
        %get3A_910 = arith.index_cast %while3A_868 : i32 to index
        %get3A_911 = arith.constant 64 : index
        %get3A_912 = tpu.vector_load %arg27[%get3A_910, %get3A_911] {strides = array<i32>} : memref<64x128xf32, #tpu.memory_space<vmem>>, vector<16xf32>,
        %mul3A_913 = arith.mulf %gather3A_874, %get3A_912 : vector<16xf32>
        %swap3A_914 = arith.index_cast %squeeze3A : i32 to index
        %swap3A_915 = arith.constant 64 : index
        %swap3A_916 = tpu.vector_load %arg26[%swap3A_914, %swap3A_915] {strides = array<i32>} : memref<72x256xf32, #tpu.memory_space<vmem>>, vector<16xf32>,
        tpu.vector_store %arg26[%swap3A_914, %swap3A_915], %mul3A_913 {add = true, strides = array<i32>} : memref<72x256xf32, #tpu.memory_space<vmem>>, vector<16xf32>,
        %get3A_917 = arith.index_cast %while3A_868 : i32 to index
        %get3A_918 = arith.constant 80 : index
        %get3A_919 = tpu.vector_load %arg27[%get3A_917, %get3A_918] {strides = array<i32>} : memref<64x128xf32, #tpu.memory_space<vmem>>, vector<16xf32>,
        %mul3A_920 = arith.mulf %gather3A_874, %get3A_919 : vector<16xf32>
        %swap3A_921 = arith.index_cast %squeeze3A : i32 to index
        %swap3A_922 = arith.constant 80 : index
        %swap3A_923 = tpu.vector_load %arg26[%swap3A_921, %swap3A_922] {strides = array<i32>} : memref<72x256xf32, #tpu.memory_space<vmem>>, vector<16xf32>,
        tpu.vector_store %arg26[%swap3A_921, %swap3A_922], %mul3A_920 {add = true, strides = array<i32>} : memref<72x256xf32, #tpu.memory_space<vmem>>, vector<16xf32>,
        %get3A_924 = arith.index_cast %while3A_868 : i32 to index
        %get3A_925 = arith.constant 96 : index
        %get3A_926 = tpu.vector_load %arg27[%get3A_924, %get3A_925] {strides = array<i32>} : memref<64x128xf32, #tpu.memory_space<vmem>>, vector<16xf32>,
        %mul3A_927 = arith.mulf %gather3A_874, %get3A_926 : vector<16xf32>
        %swap3A_928 = arith.index_cast %squeeze3A : i32 to index
        %swap3A_929 = arith.constant 96 : index
        %swap3A_930 = tpu.vector_load %arg26[%swap3A_928, %swap3A_929] {strides = array<i32>} : memref<72x256xf32, #tpu.memory_space<vmem>>, vector<16xf32>,
        tpu.vector_store %arg26[%swap3A_928, %swap3A_929], %mul3A_927 {add = true, strides = array<i32>} : memref<72x256xf32, #tpu.memory_space<vmem>>, vector<16xf32>,
        %get3A_931 = arith.index_cast %while3A_868 : i32 to index
        %get3A_932 = arith.constant 112 : index
        %get3A_933 = tpu.vector_load %arg27[%get3A_931, %get3A_932] {strides = array<i32>} : memref<64x128xf32, #tpu.memory_space<vmem>>, vector<16xf32>,
        %mul3A_934 = arith.mulf %gather3A_874, %get3A_933 : vector<16xf32>
        %swap3A_935 = arith.index_cast %squeeze3A : i32 to index
        %swap3A_936 = arith.constant 112 : index
        %swap3A_937 = tpu.vector_load %arg26[%swap3A_935, %swap3A_936] {strides = array<i32>} : memref<72x256xf32, #tpu.memory_space<vmem>>, vector<16xf32>,
        tpu.vector_store %arg26[%swap3A_935, %swap3A_936], %mul3A_934 {add = true, strides = array<i32>} : memref<72x256xf32, #tpu.memory_space<vmem>>, vector<16xf32>,
        %while3A_938 = arith.constant 0 : i32
        scf.yield %while3A_938 : i32
      }
    }
    %while3A_749 = arith.constant 1 : i32
    scf.for %while3A_843 = %while3A_747 to %while3A_743 step %while3A_749  : i32 {
      %mul3A_844 = arith.constant 64 : i32
      %mul3A_845 = arith.muli %while3A_843, %mul3A_844 : i32
      %dma_start3A = tpu.memref_slice %arg23[%mul3A_845] : memref<10368xi32, #tpu.memory_space<vmem>> -> memref<64xi32, #tpu.memory_space<vmem>>
      %dma_start3A_846 = arith.constant 0 : i32
      %dma_start3A_847 = arith.constant 0 : i32
      %dma_start3A_848 = tpu.memref_slice %arg11[%dma_start3A_846, %dma_start3A_847] : memref<10000x128xf32, #tpu.memory_space<hbm>> -> memref<10000x128xf32, #tpu.memory_space<hbm>>
      tpu.enqueue_indirect_dma source(%dma_start3A_848 : memref<10000x128xf32, #tpu.memory_space<hbm>>) target(%arg27 : memref<64x128xf32, #tpu.memory_space<vmem>>) offsets(%dma_start3A : memref<64xi32, #tpu.memory_space<vmem>>) semaphore(%arg28 : memref<!tpu.dma_semaphore, #tpu.memory_space<semaphore_mem>>)
      %dma_wait3A = tpu.memref_slice %arg23[%mul3A_845] : memref<10368xi32, #tpu.memory_space<vmem>> -> memref<64xi32, #tpu.memory_space<vmem>>
      %dma_wait3A_849 = arith.constant 0 : i32
      %dma_wait3A_850 = arith.constant 0 : i32
      %dma_wait3A_851 = tpu.memref_slice %arg11[%dma_wait3A_849, %dma_wait3A_850] : memref<10000x128xf32, #tpu.memory_space<hbm>> -> memref<10000x128xf32, #tpu.memory_space<hbm>>
      tpu.wait_indirect_dma semaphore(%arg28 : memref<!tpu.dma_semaphore, #tpu.memory_space<semaphore_mem>>) src(%dma_wait3A_851 : memref<10000x128xf32, #tpu.memory_space<hbm>>) dst(%arg27 : memref<64x128xf32, #tpu.memory_space<vmem>>)
      %mul3A_852 = arith.constant 64 : i32
      %mul3A_853 = arith.muli %while3A_843, %mul3A_852 : i32
      %sub3A_854 = arith.subi %parallel_loop3A_535#0, %mul3A_853 : i32
      %min3A = arith.constant 64 : i32
      %min3A_855 = arith.minsi %min3A, %sub3A_854 : i32
      %while3A_856 = arith.constant 0 : i32
      %while3A_857 = arith.constant 0 : i32
      %while3A_858 = arith.subi %min3A_855, %while3A_856 : i32
      %while3A_859 = arith.addi %while3A_856, %while3A_858 : i32
      %while3A_860 = arith.constant 1 : i32
      %while3A_861 = arith.divsi %while3A_858, %while3A_860 : i32
      %while3A_862 = arith.muli %while3A_861, %while3A_860 : i32
      %while3A_863 = arith.addi %while3A_856, %while3A_862 : i32
      %while3A_864 = arith.constant 1 : i32
      %while3A_865 = scf.for %while3A_868 = %while3A_856 to %while3A_863 step %while3A_864 iter_args(%while3A_869 = %while3A_857) -> (i32)  : i32 {
        %mul3A_870 = arith.constant 64 : i32
        %mul3A_871 = arith.muli %while3A_843, %mul3A_870 : i32
        %add3A_872 = arith.addi %mul3A_871, %while3A_868 : i32
        %broadcast_in_dim3A_873 = vector.broadcast %add3A_872 : i32 to vector<16xi32>
        %gather3A_874 = tpu.vector_load_idx %arg25[%broadcast_in_dim3A_873] : memref<10368xf32, #tpu.memory_space<vmem>>[vector<16xi32>], vector<16xf32>,
        %gather3A_875 = tpu.vector_load_idx %arg24[%broadcast_in_dim3A_873] : memref<10368xi32, #tpu.memory_space<vmem>>[vector<16xi32>], vector<16xi32>,
        %slice3A = vector.extract_strided_slice %gather3A_875 {offsets = [0], sizes = [1], strides = [1]} : vector<16xi32> to vector<1xi32>
        %squeeze3A = vector.extract %slice3A[0] : i32 from vector<1xi32>
        %jit3A_876 = arith.constant 0.000000e+00 : f32
        %broadcast_in_dim3A_877 = vector.broadcast %jit3A_876 : f32 to vector<16xf32>
        %select_n3A_878 = arith.select %eq3A_683, %gather3A_874, %broadcast_in_dim3A_877 : vector<16xi1>, vector<16xf32>
        %swap3A_879 = arith.index_cast %squeeze3A : i32 to index
        %swap3A_880 = arith.constant 128 : index
        %swap3A_881 = tpu.vector_load %arg26[%swap3A_879, %swap3A_880] {strides = array<i32>} : memref<72x256xf32, #tpu.memory_space<vmem>>, vector<16xf32>,
        tpu.vector_store %arg26[%swap3A_879, %swap3A_880], %select_n3A_878 {add = true, strides = array<i32>} : memref<72x256xf32, #tpu.memory_space<vmem>>, vector<16xf32>,
        %get3A_882 = arith.index_cast %while3A_868 : i32 to index
        %get3A_883 = arith.constant 0 : index
        %get3A_884 = tpu.vector_load %arg27[%get3A_882, %get3A_883] {strides = array<i32>} : memref<64x128xf32, #tpu.memory_space<vmem>>, vector<16xf32>,
        %mul3A_885 = arith.mulf %gather3A_874, %get3A_884 : vector<16xf32>
        %swap3A_886 = arith.index_cast %squeeze3A : i32 to index
        %swap3A_887 = arith.constant 0 : index
        %swap3A_888 = tpu.vector_load %arg26[%swap3A_886, %swap3A_887] {strides = array<i32>} : memref<72x256xf32, #tpu.memory_space<vmem>>, vector<16xf32>,
        tpu.vector_store %arg26[%swap3A_886, %swap3A_887], %mul3A_885 {add = true, strides = array<i32>} : memref<72x256xf32, #tpu.memory_space<vmem>>, vector<16xf32>,
        %get3A_889 = arith.index_cast %while3A_868 : i32 to index
        %get3A_890 = arith.constant 16 : index
        %get3A_891 = tpu.vector_load %arg27[%get3A_889, %get3A_890] {strides = array<i32>} : memref<64x128xf32, #tpu.memory_space<vmem>>, vector<16xf32>,
        %mul3A_892 = arith.mulf %gather3A_874, %get3A_891 : vector<16xf32>
        %swap3A_893 = arith.index_cast %squeeze3A : i32 to index
        %swap3A_894 = arith.constant 16 : index
        %swap3A_895 = tpu.vector_load %arg26[%swap3A_893, %swap3A_894] {strides = array<i32>} : memref<72x256xf32, #tpu.memory_space<vmem>>, vector<16xf32>,
        tpu.vector_store %arg26[%swap3A_893, %swap3A_894], %mul3A_892 {add = true, strides = array<i32>} : memref<72x256xf32, #tpu.memory_space<vmem>>, vector<16xf32>,
        %get3A_896 = arith.index_cast %while3A_868 : i32 to index
        %get3A_897 = arith.constant 32 : index
        %get3A_898 = tpu.vector_load %arg27[%get3A_896, %get3A_897] {strides = array<i32>} : memref<64x128xf32, #tpu.memory_space<vmem>>, vector<16xf32>,
        %mul3A_899 = arith.mulf %gather3A_874, %get3A_898 : vector<16xf32>
        %swap3A_900 = arith.index_cast %squeeze3A : i32 to index
        %swap3A_901 = arith.constant 32 : index
        %swap3A_902 = tpu.vector_load %arg26[%swap3A_900, %swap3A_901] {strides = array<i32>} : memref<72x256xf32, #tpu.memory_space<vmem>>, vector<16xf32>,
        tpu.vector_store %arg26[%swap3A_900, %swap3A_901], %mul3A_899 {add = true, strides = array<i32>} : memref<72x256xf32, #tpu.memory_space<vmem>>, vector<16xf32>,
        %get3A_903 = arith.index_cast %while3A_868 : i32 to index
        %get3A_904 = arith.constant 48 : index
        %get3A_905 = tpu.vector_load %arg27[%get3A_903, %get3A_904] {strides = array<i32>} : memref<64x128xf32, #tpu.memory_space<vmem>>, vector<16xf32>,
        %mul3A_906 = arith.mulf %gather3A_874, %get3A_905 : vector<16xf32>
        %swap3A_907 = arith.index_cast %squeeze3A : i32 to index
        %swap3A_908 = arith.constant 48 : index
        %swap3A_909 = tpu.vector_load %arg26[%swap3A_907, %swap3A_908] {strides = array<i32>} : memref<72x256xf32, #tpu.memory_space<vmem>>, vector<16xf32>,
        tpu.vector_store %arg26[%swap3A_907, %swap3A_908], %mul3A_906 {add = true, strides = array<i32>} : memref<72x256xf32, #tpu.memory_space<vmem>>, vector<16xf32>,
        %get3A_910 = arith.index_cast %while3A_868 : i32 to index
        %get3A_911 = arith.constant 64 : index
        %get3A_912 = tpu.vector_load %arg27[%get3A_910, %get3A_911] {strides = array<i32>} : memref<64x128xf32, #tpu.memory_space<vmem>>, vector<16xf32>,
        %mul3A_913 = arith.mulf %gather3A_874, %get3A_912 : vector<16xf32>
        %swap3A_914 = arith.index_cast %squeeze3A : i32 to index
        %swap3A_915 = arith.constant 64 : index
        %swap3A_916 = tpu.vector_load %arg26[%swap3A_914, %swap3A_915] {strides = array<i32>} : memref<72x256xf32, #tpu.memory_space<vmem>>, vector<16xf32>,
        tpu.vector_store %arg26[%swap3A_914, %swap3A_915], %mul3A_913 {add = true, strides = array<i32>} : memref<72x256xf32, #tpu.memory_space<vmem>>, vector<16xf32>,
        %get3A_917 = arith.index_cast %while3A_868 : i32 to index
        %get3A_918 = arith.constant 80 : index
        %get3A_919 = tpu.vector_load %arg27[%get3A_917, %get3A_918] {strides = array<i32>} : memref<64x128xf32, #tpu.memory_space<vmem>>, vector<16xf32>,
        %mul3A_920 = arith.mulf %gather3A_874, %get3A_919 : vector<16xf32>
        %swap3A_921 = arith.index_cast %squeeze3A : i32 to index
        %swap3A_922 = arith.constant 80 : index
        %swap3A_923 = tpu.vector_load %arg26[%swap3A_921, %swap3A_922] {strides = array<i32>} : memref<72x256xf32, #tpu.memory_space<vmem>>, vector<16xf32>,
        tpu.vector_store %arg26[%swap3A_921, %swap3A_922], %mul3A_920 {add = true, strides = array<i32>} : memref<72x256xf32, #tpu.memory_space<vmem>>, vector<16xf32>,
        %get3A_924 = arith.index_cast %while3A_868 : i32 to index
        %get3A_925 = arith.constant 96 : index
        %get3A_926 = tpu.vector_load %arg27[%get3A_924, %get3A_925] {strides = array<i32>} : memref<64x128xf32, #tpu.memory_space<vmem>>, vector<16xf32>,
        %mul3A_927 = arith.mulf %gather3A_874, %get3A_926 : vector<16xf32>
        %swap3A_928 = arith.index_cast %squeeze3A : i32 to index
        %swap3A_929 = arith.constant 96 : index
        %swap3A_930 = tpu.vector_load %arg26[%swap3A_928, %swap3A_929] {strides = array<i32>} : memref<72x256xf32, #tpu.memory_space<vmem>>, vector<16xf32>,
        tpu.vector_store %arg26[%swap3A_928, %swap3A_929], %mul3A_927 {add = true, strides = array<i32>} : memref<72x256xf32, #tpu.memory_space<vmem>>, vector<16xf32>,
        %get3A_931 = arith.index_cast %while3A_868 : i32 to index
        %get3A_932 = arith.constant 112 : index
        %get3A_933 = tpu.vector_load %arg27[%get3A_931, %get3A_932] {strides = array<i32>} : memref<64x128xf32, #tpu.memory_space<vmem>>, vector<16xf32>,
        %mul3A_934 = arith.mulf %gather3A_874, %get3A_933 : vector<16xf32>
        %swap3A_935 = arith.index_cast %squeeze3A : i32 to index
        %swap3A_936 = arith.constant 112 : index
        %swap3A_937 = tpu.vector_load %arg26[%swap3A_935, %swap3A_936] {strides = array<i32>} : memref<72x256xf32, #tpu.memory_space<vmem>>, vector<16xf32>,
        tpu.vector_store %arg26[%swap3A_935, %swap3A_936], %mul3A_934 {add = true, strides = array<i32>} : memref<72x256xf32, #tpu.memory_space<vmem>>, vector<16xf32>,
        %while3A_938 = arith.constant 0 : i32
        scf.yield %while3A_938 : i32
      }
      %while3A_866 = arith.constant 1 : i32
      %while3A_867 = scf.for %while3A_868 = %while3A_863 to %while3A_859 step %while3A_866 iter_args(%while3A_869 = %while3A_865) -> (i32)  : i32 {
        %mul3A_870 = arith.constant 64 : i32
        %mul3A_871 = arith.muli %while3A_843, %mul3A_870 : i32
        %add3A_872 = arith.addi %mul3A_871, %while3A_868 : i32
        %broadcast_in_dim3A_873 = vector.broadcast %add3A_872 : i32 to vector<16xi32>
        %gather3A_874 = tpu.vector_load_idx %arg25[%broadcast_in_dim3A_873] : memref<10368xf32, #tpu.memory_space<vmem>>[vector<16xi32>], vector<16xf32>,
        %gather3A_875 = tpu.vector_load_idx %arg24[%broadcast_in_dim3A_873] : memref<10368xi32, #tpu.memory_space<vmem>>[vector<16xi32>], vector<16xi32>,
        %slice3A = vector.extract_strided_slice %gather3A_875 {offsets = [0], sizes = [1], strides = [1]} : vector<16xi32> to vector<1xi32>
        %squeeze3A = vector.extract %slice3A[0] : i32 from vector<1xi32>
        %jit3A_876 = arith.constant 0.000000e+00 : f32
        %broadcast_in_dim3A_877 = vector.broadcast %jit3A_876 : f32 to vector<16xf32>
        %select_n3A_878 = arith.select %eq3A_683, %gather3A_874, %broadcast_in_dim3A_877 : vector<16xi1>, vector<16xf32>
        %swap3A_879 = arith.index_cast %squeeze3A : i32 to index
        %swap3A_880 = arith.constant 128 : index
        %swap3A_881 = tpu.vector_load %arg26[%swap3A_879, %swap3A_880] {strides = array<i32>} : memref<72x256xf32, #tpu.memory_space<vmem>>, vector<16xf32>,
        tpu.vector_store %arg26[%swap3A_879, %swap3A_880], %select_n3A_878 {add = true, strides = array<i32>} : memref<72x256xf32, #tpu.memory_space<vmem>>, vector<16xf32>,
        %get3A_882 = arith.index_cast %while3A_868 : i32 to index
        %get3A_883 = arith.constant 0 : index
        %get3A_884 = tpu.vector_load %arg27[%get3A_882, %get3A_883] {strides = array<i32>} : memref<64x128xf32, #tpu.memory_space<vmem>>, vector<16xf32>,
        %mul3A_885 = arith.mulf %gather3A_874, %get3A_884 : vector<16xf32>
        %swap3A_886 = arith.index_cast %squeeze3A : i32 to index
        %swap3A_887 = arith.constant 0 : index
        %swap3A_888 = tpu.vector_load %arg26[%swap3A_886, %swap3A_887] {strides = array<i32>} : memref<72x256xf32, #tpu.memory_space<vmem>>, vector<16xf32>,
        tpu.vector_store %arg26[%swap3A_886, %swap3A_887], %mul3A_885 {add = true, strides = array<i32>} : memref<72x256xf32, #tpu.memory_space<vmem>>, vector<16xf32>,
        %get3A_889 = arith.index_cast %while3A_868 : i32 to index
        %get3A_890 = arith.constant 16 : index
        %get3A_891 = tpu.vector_load %arg27[%get3A_889, %get3A_890] {strides = array<i32>} : memref<64x128xf32, #tpu.memory_space<vmem>>, vector<16xf32>,
        %mul3A_892 = arith.mulf %gather3A_874, %get3A_891 : vector<16xf32>
        %swap3A_893 = arith.index_cast %squeeze3A : i32 to index
        %swap3A_894 = arith.constant 16 : index
        %swap3A_895 = tpu.vector_load %arg26[%swap3A_893, %swap3A_894] {strides = array<i32>} : memref<72x256xf32, #tpu.memory_space<vmem>>, vector<16xf32>,
        tpu.vector_store %arg26[%swap3A_893, %swap3A_894], %mul3A_892 {add = true, strides = array<i32>} : memref<72x256xf32, #tpu.memory_space<vmem>>, vector<16xf32>,
        %get3A_896 = arith.index_cast %while3A_868 : i32 to index
        %get3A_897 = arith.constant 32 : index
        %get3A_898 = tpu.vector_load %arg27[%get3A_896, %get3A_897] {strides = array<i32>} : memref<64x128xf32, #tpu.memory_space<vmem>>, vector<16xf32>,
        %mul3A_899 = arith.mulf %gather3A_874, %get3A_898 : vector<16xf32>
        %swap3A_900 = arith.index_cast %squeeze3A : i32 to index
        %swap3A_901 = arith.constant 32 : index
        %swap3A_902 = tpu.vector_load %arg26[%swap3A_900, %swap3A_901] {strides = array<i32>} : memref<72x256xf32, #tpu.memory_space<vmem>>, vector<16xf32>,
        tpu.vector_store %arg26[%swap3A_900, %swap3A_901], %mul3A_899 {add = true, strides = array<i32>} : memref<72x256xf32, #tpu.memory_space<vmem>>, vector<16xf32>,
        %get3A_903 = arith.index_cast %while3A_868 : i32 to index
        %get3A_904 = arith.constant 48 : index
        %get3A_905 = tpu.vector_load %arg27[%get3A_903, %get3A_904] {strides = array<i32>} : memref<64x128xf32, #tpu.memory_space<vmem>>, vector<16xf32>,
        %mul3A_906 = arith.mulf %gather3A_874, %get3A_905 : vector<16xf32>
        %swap3A_907 = arith.index_cast %squeeze3A : i32 to index
        %swap3A_908 = arith.constant 48 : index
        %swap3A_909 = tpu.vector_load %arg26[%swap3A_907, %swap3A_908] {strides = array<i32>} : memref<72x256xf32, #tpu.memory_space<vmem>>, vector<16xf32>,
        tpu.vector_store %arg26[%swap3A_907, %swap3A_908], %mul3A_906 {add = true, strides = array<i32>} : memref<72x256xf32, #tpu.memory_space<vmem>>, vector<16xf32>,
        %get3A_910 = arith.index_cast %while3A_868 : i32 to index
        %get3A_911 = arith.constant 64 : index
        %get3A_912 = tpu.vector_load %arg27[%get3A_910, %get3A_911] {strides = array<i32>} : memref<64x128xf32, #tpu.memory_space<vmem>>, vector<16xf32>,
        %mul3A_913 = arith.mulf %gather3A_874, %get3A_912 : vector<16xf32>
        %swap3A_914 = arith.index_cast %squeeze3A : i32 to index
        %swap3A_915 = arith.constant 64 : index
        %swap3A_916 = tpu.vector_load %arg26[%swap3A_914, %swap3A_915] {strides = array<i32>} : memref<72x256xf32, #tpu.memory_space<vmem>>, vector<16xf32>,
        tpu.vector_store %arg26[%swap3A_914, %swap3A_915], %mul3A_913 {add = true, strides = array<i32>} : memref<72x256xf32, #tpu.memory_space<vmem>>, vector<16xf32>,
        %get3A_917 = arith.index_cast %while3A_868 : i32 to index
        %get3A_918 = arith.constant 80 : index
        %get3A_919 = tpu.vector_load %arg27[%get3A_917, %get3A_918] {strides = array<i32>} : memref<64x128xf32, #tpu.memory_space<vmem>>, vector<16xf32>,
        %mul3A_920 = arith.mulf %gather3A_874, %get3A_919 : vector<16xf32>
        %swap3A_921 = arith.index_cast %squeeze3A : i32 to index
        %swap3A_922 = arith.constant 80 : index
        %swap3A_923 = tpu.vector_load %arg26[%swap3A_921, %swap3A_922] {strides = array<i32>} : memref<72x256xf32, #tpu.memory_space<vmem>>, vector<16xf32>,
        tpu.vector_store %arg26[%swap3A_921, %swap3A_922], %mul3A_920 {add = true, strides = array<i32>} : memref<72x256xf32, #tpu.memory_space<vmem>>, vector<16xf32>,
        %get3A_924 = arith.index_cast %while3A_868 : i32 to index
        %get3A_925 = arith.constant 96 : index
        %get3A_926 = tpu.vector_load %arg27[%get3A_924, %get3A_925] {strides = array<i32>} : memref<64x128xf32, #tpu.memory_space<vmem>>, vector<16xf32>,
        %mul3A_927 = arith.mulf %gather3A_874, %get3A_926 : vector<16xf32>
        %swap3A_928 = arith.index_cast %squeeze3A : i32 to index
        %swap3A_929 = arith.constant 96 : index
        %swap3A_930 = tpu.vector_load %arg26[%swap3A_928, %swap3A_929] {strides = array<i32>} : memref<72x256xf32, #tpu.memory_space<vmem>>, vector<16xf32>,
        tpu.vector_store %arg26[%swap3A_928, %swap3A_929], %mul3A_927 {add = true, strides = array<i32>} : memref<72x256xf32, #tpu.memory_space<vmem>>, vector<16xf32>,
        %get3A_931 = arith.index_cast %while3A_868 : i32 to index
        %get3A_932 = arith.constant 112 : index
        %get3A_933 = tpu.vector_load %arg27[%get3A_931, %get3A_932] {strides = array<i32>} : memref<64x128xf32, #tpu.memory_space<vmem>>, vector<16xf32>,
        %mul3A_934 = arith.mulf %gather3A_874, %get3A_933 : vector<16xf32>
        %swap3A_935 = arith.index_cast %squeeze3A : i32 to index
        %swap3A_936 = arith.constant 112 : index
        %swap3A_937 = tpu.vector_load %arg26[%swap3A_935, %swap3A_936] {strides = array<i32>} : memref<72x256xf32, #tpu.memory_space<vmem>>, vector<16xf32>,
        tpu.vector_store %arg26[%swap3A_935, %swap3A_936], %mul3A_934 {add = true, strides = array<i32>} : memref<72x256xf32, #tpu.memory_space<vmem>>, vector<16xf32>,
        %while3A_938 = arith.constant 0 : i32
        scf.yield %while3A_938 : i32
      }
    }
    %jit3A_750 = arith.constant 16 : i32
    %div3A_751 = arith.divsi %add3A_599, %jit3A_750 : i32
    %sign3A_752 = arith.constant 0 : i32
    %sign3A_753 = arith.cmpi sgt, %add3A_599, %sign3A_752 : i32
    %sign3A_754 = arith.extui %sign3A_753 : i1 to i32
    %sign3A_755 = arith.constant 0 : i32
    %sign3A_756 = arith.cmpi slt, %add3A_599, %sign3A_755 : i32
    %sign3A_757 = arith.extui %sign3A_756 : i1 to i32
    %sign3A_758 = arith.subi %sign3A_754, %sign3A_757 : i32
    %sign3A_759 = arith.constant 0 : i32
    %sign3A_760 = arith.cmpi sgt, %jit3A_750, %sign3A_759 : i32
    %sign3A_761 = arith.extui %sign3A_760 : i1 to i32
    %sign3A_762 = arith.constant 0 : i32
    %sign3A_763 = arith.cmpi slt, %jit3A_750, %sign3A_762 : i32
    %sign3A_764 = arith.extui %sign3A_763 : i1 to i32
    %sign3A_765 = arith.subi %sign3A_761, %sign3A_764 : i32
    %ne3A_766 = arith.cmpi ne, %sign3A_758, %sign3A_765 : i32
    %rem3A_767 = arith.remsi %add3A_599, %jit3A_750 : i32
    %ne3A_768 = arith.constant 0 : i32
    %ne3A_769 = arith.cmpi ne, %rem3A_767, %ne3A_768 : i32
    %and3A_770 = arith.andi %ne3A_766, %ne3A_769 : i1
    %sub3A_771 = arith.constant 1 : i32
    %sub3A_772 = arith.subi %div3A_751, %sub3A_771 : i32
    %select_n3A_773 = arith.select %and3A_770, %sub3A_772, %div3A_751 : i32
    %while3A_774 = arith.constant 324 : i32
    %while3A_775 = arith.subi %select_n3A_773, %while3A_774 : i32
    %while3A_776 = arith.addi %while3A_774, %while3A_775 : i32
    %while3A_777 = arith.constant 1 : i32
    %while3A_778 = arith.divsi %while3A_775, %while3A_777 : i32
    %while3A_779 = arith.muli %while3A_778, %while3A_777 : i32
    %while3A_780 = arith.addi %while3A_774, %while3A_779 : i32
    %while3A_781 = arith.constant 1 : i32
    scf.for %while3A_843 = %while3A_774 to %while3A_780 step %while3A_781  : i32 {
      %mul3A_844 = arith.constant 16 : i32
      %mul3A_845 = arith.muli %while3A_843, %mul3A_844 : i32
      %get3A_846 = arith.index_cast %mul3A_845 : i32 to index
      %get3A_847 = tpu.vector_load %arg25[%get3A_846] {strides = array<i32>} : memref<10368xf32, #tpu.memory_space<vmem>>, vector<16xf32>,
      %sub3A_848 = vector.broadcast %reduce_max3A_675 : f32 to vector<16xf32>
      %sub3A_849 = arith.subf %get3A_847, %sub3A_848 : vector<16xf32>
      %exp3A = math.exp %sub3A_849 : vector<16xf32>
      %mul3A_850 = arith.constant 16 : i32
      %mul3A_851 = arith.muli %while3A_843, %mul3A_850 : i32
      %add3A_852 = vector.broadcast %mul3A_851 : i32 to vector<16xi32>
      %add3A_853 = arith.addi %iota3A, %add3A_852 : vector<16xi32>
      %lt3A_854 = vector.broadcast %parallel_loop3A_535#1 : i32 to vector<16xi32>
      %lt3A_855 = arith.cmpi slt, %add3A_853, %lt3A_854 : vector<16xi32>
      %jit3A_856 = arith.constant 0.000000e+00 : f32
      %broadcast_in_dim3A_857 = vector.broadcast %jit3A_856 : f32 to vector<16xf32>
      %select_n3A_858 = arith.select %lt3A_855, %exp3A, %broadcast_in_dim3A_857 : vector<16xi1>, vector<16xf32>
      %mul3A_859 = arith.constant 16 : i32
      %mul3A_860 = arith.muli %while3A_843, %mul3A_859 : i32
      %swap3A_861 = arith.index_cast %mul3A_860 : i32 to index
      %swap3A_862 = tpu.vector_load %arg25[%swap3A_861] {strides = array<i32>} : memref<10368xf32, #tpu.memory_space<vmem>>, vector<16xf32>,
      tpu.vector_store %arg25[%swap3A_861], %select_n3A_858 {strides = array<i32>} : memref<10368xf32, #tpu.memory_space<vmem>>, vector<16xf32>,
    }
    %while3A_782 = arith.constant 1 : i32
    scf.for %while3A_843 = %while3A_780 to %while3A_776 step %while3A_782  : i32 {
      %mul3A_844 = arith.constant 16 : i32
      %mul3A_845 = arith.muli %while3A_843, %mul3A_844 : i32
      %get3A_846 = arith.index_cast %mul3A_845 : i32 to index
      %get3A_847 = tpu.vector_load %arg25[%get3A_846] {strides = array<i32>} : memref<10368xf32, #tpu.memory_space<vmem>>, vector<16xf32>,
      %sub3A_848 = vector.broadcast %reduce_max3A_675 : f32 to vector<16xf32>
      %sub3A_849 = arith.subf %get3A_847, %sub3A_848 : vector<16xf32>
      %exp3A = math.exp %sub3A_849 : vector<16xf32>
      %mul3A_850 = arith.constant 16 : i32
      %mul3A_851 = arith.muli %while3A_843, %mul3A_850 : i32
      %add3A_852 = vector.broadcast %mul3A_851 : i32 to vector<16xi32>
      %add3A_853 = arith.addi %iota3A, %add3A_852 : vector<16xi32>
      %lt3A_854 = vector.broadcast %parallel_loop3A_535#1 : i32 to vector<16xi32>
      %lt3A_855 = arith.cmpi slt, %add3A_853, %lt3A_854 : vector<16xi32>
      %jit3A_856 = arith.constant 0.000000e+00 : f32
      %broadcast_in_dim3A_857 = vector.broadcast %jit3A_856 : f32 to vector<16xf32>
      %select_n3A_858 = arith.select %lt3A_855, %exp3A, %broadcast_in_dim3A_857 : vector<16xi1>, vector<16xf32>
      %mul3A_859 = arith.constant 16 : i32
      %mul3A_860 = arith.muli %while3A_843, %mul3A_859 : i32
      %swap3A_861 = arith.index_cast %mul3A_860 : i32 to index
      %swap3A_862 = tpu.vector_load %arg25[%swap3A_861] {strides = array<i32>} : memref<10368xf32, #tpu.memory_space<vmem>>, vector<16xf32>,
      tpu.vector_store %arg25[%swap3A_861], %select_n3A_858 {strides = array<i32>} : memref<10368xf32, #tpu.memory_space<vmem>>, vector<16xf32>,
    }
    %jit3A_783 = arith.constant 64 : i32
    %div3A_784 = arith.divsi %add3A_599, %jit3A_783 : i32
    %sign3A_785 = arith.constant 0 : i32
    %sign3A_786 = arith.cmpi sgt, %add3A_599, %sign3A_785 : i32
    %sign3A_787 = arith.extui %sign3A_786 : i1 to i32
    %sign3A_788 = arith.constant 0 : i32
    %sign3A_789 = arith.cmpi slt, %add3A_599, %sign3A_788 : i32
    %sign3A_790 = arith.extui %sign3A_789 : i1 to i32
    %sign3A_791 = arith.subi %sign3A_787, %sign3A_790 : i32
    %sign3A_792 = arith.constant 0 : i32
    %sign3A_793 = arith.cmpi sgt, %jit3A_783, %sign3A_792 : i32
    %sign3A_794 = arith.extui %sign3A_793 : i1 to i32
    %sign3A_795 = arith.constant 0 : i32
    %sign3A_796 = arith.cmpi slt, %jit3A_783, %sign3A_795 : i32
    %sign3A_797 = arith.extui %sign3A_796 : i1 to i32
    %sign3A_798 = arith.subi %sign3A_794, %sign3A_797 : i32
    %ne3A_799 = arith.cmpi ne, %sign3A_791, %sign3A_798 : i32
    %rem3A_800 = arith.remsi %add3A_599, %jit3A_783 : i32
    %ne3A_801 = arith.constant 0 : i32
    %ne3A_802 = arith.cmpi ne, %rem3A_800, %ne3A_801 : i32
    %and3A_803 = arith.andi %ne3A_799, %ne3A_802 : i1
    %sub3A_804 = arith.constant 1 : i32
    %sub3A_805 = arith.subi %div3A_784, %sub3A_804 : i32
    %select_n3A_806 = arith.select %and3A_803, %sub3A_805, %div3A_784 : i32
    %while3A_807 = arith.constant 81 : i32
    %while3A_808 = arith.subi %select_n3A_806, %while3A_807 : i32
    %while3A_809 = arith.addi %while3A_807, %while3A_808 : i32
    %while3A_810 = arith.constant 1 : i32
    %while3A_811 = arith.divsi %while3A_808, %while3A_810 : i32
    %while3A_812 = arith.muli %while3A_811, %while3A_810 : i32
    %while3A_813 = arith.addi %while3A_807, %while3A_812 : i32
    %while3A_814 = arith.constant 1 : i32
    scf.for %while3A_843 = %while3A_807 to %while3A_813 step %while3A_814  : i32 {
      %mul3A_844 = arith.constant 64 : i32
      %mul3A_845 = arith.muli %while3A_843, %mul3A_844 : i32
      %dma_start3A = tpu.memref_slice %arg23[%mul3A_845] : memref<10368xi32, #tpu.memory_space<vmem>> -> memref<64xi32, #tpu.memory_space<vmem>>
      %dma_start3A_846 = arith.constant 0 : i32
      %dma_start3A_847 = arith.constant 0 : i32
      %dma_start3A_848 = tpu.memref_slice %arg11[%dma_start3A_846, %dma_start3A_847] : memref<10000x128xf32, #tpu.memory_space<hbm>> -> memref<10000x128xf32, #tpu.memory_space<hbm>>
      tpu.enqueue_indirect_dma source(%dma_start3A_848 : memref<10000x128xf32, #tpu.memory_space<hbm>>) target(%arg27 : memref<64x128xf32, #tpu.memory_space<vmem>>) offsets(%dma_start3A : memref<64xi32, #tpu.memory_space<vmem>>) semaphore(%arg28 : memref<!tpu.dma_semaphore, #tpu.memory_space<semaphore_mem>>)
      %dma_wait3A = tpu.memref_slice %arg23[%mul3A_845] : memref<10368xi32, #tpu.memory_space<vmem>> -> memref<64xi32, #tpu.memory_space<vmem>>
      %dma_wait3A_849 = arith.constant 0 : i32
      %dma_wait3A_850 = arith.constant 0 : i32
      %dma_wait3A_851 = tpu.memref_slice %arg11[%dma_wait3A_849, %dma_wait3A_850] : memref<10000x128xf32, #tpu.memory_space<hbm>> -> memref<10000x128xf32, #tpu.memory_space<hbm>>
      tpu.wait_indirect_dma semaphore(%arg28 : memref<!tpu.dma_semaphore, #tpu.memory_space<semaphore_mem>>) src(%dma_wait3A_851 : memref<10000x128xf32, #tpu.memory_space<hbm>>) dst(%arg27 : memref<64x128xf32, #tpu.memory_space<vmem>>)
      %mul3A_852 = arith.constant 64 : i32
      %mul3A_853 = arith.muli %while3A_843, %mul3A_852 : i32
      %sub3A_854 = arith.subi %parallel_loop3A_535#1, %mul3A_853 : i32
      %min3A = arith.constant 64 : i32
      %min3A_855 = arith.minsi %min3A, %sub3A_854 : i32
      %while3A_856 = arith.constant 0 : i32
      %while3A_857 = arith.constant 0 : i32
      %while3A_858 = arith.subi %min3A_855, %while3A_856 : i32
      %while3A_859 = arith.addi %while3A_856, %while3A_858 : i32
      %while3A_860 = arith.constant 1 : i32
      %while3A_861 = arith.divsi %while3A_858, %while3A_860 : i32
      %while3A_862 = arith.muli %while3A_861, %while3A_860 : i32
      %while3A_863 = arith.addi %while3A_856, %while3A_862 : i32
      %while3A_864 = arith.constant 1 : i32
      %while3A_865 = scf.for %while3A_868 = %while3A_856 to %while3A_863 step %while3A_864 iter_args(%while3A_869 = %while3A_857) -> (i32)  : i32 {
        %mul3A_870 = arith.constant 64 : i32
        %mul3A_871 = arith.muli %while3A_843, %mul3A_870 : i32
        %add3A_872 = arith.addi %mul3A_871, %while3A_868 : i32
        %broadcast_in_dim3A_873 = vector.broadcast %add3A_872 : i32 to vector<16xi32>
        %gather3A_874 = tpu.vector_load_idx %arg25[%broadcast_in_dim3A_873] : memref<10368xf32, #tpu.memory_space<vmem>>[vector<16xi32>], vector<16xf32>,
        %gather3A_875 = tpu.vector_load_idx %arg24[%broadcast_in_dim3A_873] : memref<10368xi32, #tpu.memory_space<vmem>>[vector<16xi32>], vector<16xi32>,
        %slice3A = vector.extract_strided_slice %gather3A_875 {offsets = [0], sizes = [1], strides = [1]} : vector<16xi32> to vector<1xi32>
        %squeeze3A = vector.extract %slice3A[0] : i32 from vector<1xi32>
        %jit3A_876 = arith.constant 0.000000e+00 : f32
        %broadcast_in_dim3A_877 = vector.broadcast %jit3A_876 : f32 to vector<16xf32>
        %select_n3A_878 = arith.select %eq3A_683, %gather3A_874, %broadcast_in_dim3A_877 : vector<16xi1>, vector<16xf32>
        %swap3A_879 = arith.index_cast %squeeze3A : i32 to index
        %swap3A_880 = arith.constant 128 : index
        %swap3A_881 = tpu.vector_load %arg26[%swap3A_879, %swap3A_880] {strides = array<i32>} : memref<72x256xf32, #tpu.memory_space<vmem>>, vector<16xf32>,
        tpu.vector_store %arg26[%swap3A_879, %swap3A_880], %select_n3A_878 {add = true, strides = array<i32>} : memref<72x256xf32, #tpu.memory_space<vmem>>, vector<16xf32>,
        %get3A_882 = arith.index_cast %while3A_868 : i32 to index
        %get3A_883 = arith.constant 0 : index
        %get3A_884 = tpu.vector_load %arg27[%get3A_882, %get3A_883] {strides = array<i32>} : memref<64x128xf32, #tpu.memory_space<vmem>>, vector<16xf32>,
        %mul3A_885 = arith.mulf %gather3A_874, %get3A_884 : vector<16xf32>
        %swap3A_886 = arith.index_cast %squeeze3A : i32 to index
        %swap3A_887 = arith.constant 0 : index
        %swap3A_888 = tpu.vector_load %arg26[%swap3A_886, %swap3A_887] {strides = array<i32>} : memref<72x256xf32, #tpu.memory_space<vmem>>, vector<16xf32>,
        tpu.vector_store %arg26[%swap3A_886, %swap3A_887], %mul3A_885 {add = true, strides = array<i32>} : memref<72x256xf32, #tpu.memory_space<vmem>>, vector<16xf32>,
        %get3A_889 = arith.index_cast %while3A_868 : i32 to index
        %get3A_890 = arith.constant 16 : index
        %get3A_891 = tpu.vector_load %arg27[%get3A_889, %get3A_890] {strides = array<i32>} : memref<64x128xf32, #tpu.memory_space<vmem>>, vector<16xf32>,
        %mul3A_892 = arith.mulf %gather3A_874, %get3A_891 : vector<16xf32>
        %swap3A_893 = arith.index_cast %squeeze3A : i32 to index
        %swap3A_894 = arith.constant 16 : index
        %swap3A_895 = tpu.vector_load %arg26[%swap3A_893, %swap3A_894] {strides = array<i32>} : memref<72x256xf32, #tpu.memory_space<vmem>>, vector<16xf32>,
        tpu.vector_store %arg26[%swap3A_893, %swap3A_894], %mul3A_892 {add = true, strides = array<i32>} : memref<72x256xf32, #tpu.memory_space<vmem>>, vector<16xf32>,
        %get3A_896 = arith.index_cast %while3A_868 : i32 to index
        %get3A_897 = arith.constant 32 : index
        %get3A_898 = tpu.vector_load %arg27[%get3A_896, %get3A_897] {strides = array<i32>} : memref<64x128xf32, #tpu.memory_space<vmem>>, vector<16xf32>,
        %mul3A_899 = arith.mulf %gather3A_874, %get3A_898 : vector<16xf32>
        %swap3A_900 = arith.index_cast %squeeze3A : i32 to index
        %swap3A_901 = arith.constant 32 : index
        %swap3A_902 = tpu.vector_load %arg26[%swap3A_900, %swap3A_901] {strides = array<i32>} : memref<72x256xf32, #tpu.memory_space<vmem>>, vector<16xf32>,
        tpu.vector_store %arg26[%swap3A_900, %swap3A_901], %mul3A_899 {add = true, strides = array<i32>} : memref<72x256xf32, #tpu.memory_space<vmem>>, vector<16xf32>,
        %get3A_903 = arith.index_cast %while3A_868 : i32 to index
        %get3A_904 = arith.constant 48 : index
        %get3A_905 = tpu.vector_load %arg27[%get3A_903, %get3A_904] {strides = array<i32>} : memref<64x128xf32, #tpu.memory_space<vmem>>, vector<16xf32>,
        %mul3A_906 = arith.mulf %gather3A_874, %get3A_905 : vector<16xf32>
        %swap3A_907 = arith.index_cast %squeeze3A : i32 to index
        %swap3A_908 = arith.constant 48 : index
        %swap3A_909 = tpu.vector_load %arg26[%swap3A_907, %swap3A_908] {strides = array<i32>} : memref<72x256xf32, #tpu.memory_space<vmem>>, vector<16xf32>,
        tpu.vector_store %arg26[%swap3A_907, %swap3A_908], %mul3A_906 {add = true, strides = array<i32>} : memref<72x256xf32, #tpu.memory_space<vmem>>, vector<16xf32>,
        %get3A_910 = arith.index_cast %while3A_868 : i32 to index
        %get3A_911 = arith.constant 64 : index
        %get3A_912 = tpu.vector_load %arg27[%get3A_910, %get3A_911] {strides = array<i32>} : memref<64x128xf32, #tpu.memory_space<vmem>>, vector<16xf32>,
        %mul3A_913 = arith.mulf %gather3A_874, %get3A_912 : vector<16xf32>
        %swap3A_914 = arith.index_cast %squeeze3A : i32 to index
        %swap3A_915 = arith.constant 64 : index
        %swap3A_916 = tpu.vector_load %arg26[%swap3A_914, %swap3A_915] {strides = array<i32>} : memref<72x256xf32, #tpu.memory_space<vmem>>, vector<16xf32>,
        tpu.vector_store %arg26[%swap3A_914, %swap3A_915], %mul3A_913 {add = true, strides = array<i32>} : memref<72x256xf32, #tpu.memory_space<vmem>>, vector<16xf32>,
        %get3A_917 = arith.index_cast %while3A_868 : i32 to index
        %get3A_918 = arith.constant 80 : index
        %get3A_919 = tpu.vector_load %arg27[%get3A_917, %get3A_918] {strides = array<i32>} : memref<64x128xf32, #tpu.memory_space<vmem>>, vector<16xf32>,
        %mul3A_920 = arith.mulf %gather3A_874, %get3A_919 : vector<16xf32>
        %swap3A_921 = arith.index_cast %squeeze3A : i32 to index
        %swap3A_922 = arith.constant 80 : index
        %swap3A_923 = tpu.vector_load %arg26[%swap3A_921, %swap3A_922] {strides = array<i32>} : memref<72x256xf32, #tpu.memory_space<vmem>>, vector<16xf32>,
        tpu.vector_store %arg26[%swap3A_921, %swap3A_922], %mul3A_920 {add = true, strides = array<i32>} : memref<72x256xf32, #tpu.memory_space<vmem>>, vector<16xf32>,
        %get3A_924 = arith.index_cast %while3A_868 : i32 to index
        %get3A_925 = arith.constant 96 : index
        %get3A_926 = tpu.vector_load %arg27[%get3A_924, %get3A_925] {strides = array<i32>} : memref<64x128xf32, #tpu.memory_space<vmem>>, vector<16xf32>,
        %mul3A_927 = arith.mulf %gather3A_874, %get3A_926 : vector<16xf32>
        %swap3A_928 = arith.index_cast %squeeze3A : i32 to index
        %swap3A_929 = arith.constant 96 : index
        %swap3A_930 = tpu.vector_load %arg26[%swap3A_928, %swap3A_929] {strides = array<i32>} : memref<72x256xf32, #tpu.memory_space<vmem>>, vector<16xf32>,
        tpu.vector_store %arg26[%swap3A_928, %swap3A_929], %mul3A_927 {add = true, strides = array<i32>} : memref<72x256xf32, #tpu.memory_space<vmem>>, vector<16xf32>,
        %get3A_931 = arith.index_cast %while3A_868 : i32 to index
        %get3A_932 = arith.constant 112 : index
        %get3A_933 = tpu.vector_load %arg27[%get3A_931, %get3A_932] {strides = array<i32>} : memref<64x128xf32, #tpu.memory_space<vmem>>, vector<16xf32>,
        %mul3A_934 = arith.mulf %gather3A_874, %get3A_933 : vector<16xf32>
        %swap3A_935 = arith.index_cast %squeeze3A : i32 to index
        %swap3A_936 = arith.constant 112 : index
        %swap3A_937 = tpu.vector_load %arg26[%swap3A_935, %swap3A_936] {strides = array<i32>} : memref<72x256xf32, #tpu.memory_space<vmem>>, vector<16xf32>,
        tpu.vector_store %arg26[%swap3A_935, %swap3A_936], %mul3A_934 {add = true, strides = array<i32>} : memref<72x256xf32, #tpu.memory_space<vmem>>, vector<16xf32>,
        %while3A_938 = arith.constant 0 : i32
        scf.yield %while3A_938 : i32
      }
      %while3A_866 = arith.constant 1 : i32
      %while3A_867 = scf.for %while3A_868 = %while3A_863 to %while3A_859 step %while3A_866 iter_args(%while3A_869 = %while3A_865) -> (i32)  : i32 {
        %mul3A_870 = arith.constant 64 : i32
        %mul3A_871 = arith.muli %while3A_843, %mul3A_870 : i32
        %add3A_872 = arith.addi %mul3A_871, %while3A_868 : i32
        %broadcast_in_dim3A_873 = vector.broadcast %add3A_872 : i32 to vector<16xi32>
        %gather3A_874 = tpu.vector_load_idx %arg25[%broadcast_in_dim3A_873] : memref<10368xf32, #tpu.memory_space<vmem>>[vector<16xi32>], vector<16xf32>,
        %gather3A_875 = tpu.vector_load_idx %arg24[%broadcast_in_dim3A_873] : memref<10368xi32, #tpu.memory_space<vmem>>[vector<16xi32>], vector<16xi32>,
        %slice3A = vector.extract_strided_slice %gather3A_875 {offsets = [0], sizes = [1], strides = [1]} : vector<16xi32> to vector<1xi32>
        %squeeze3A = vector.extract %slice3A[0] : i32 from vector<1xi32>
        %jit3A_876 = arith.constant 0.000000e+00 : f32
        %broadcast_in_dim3A_877 = vector.broadcast %jit3A_876 : f32 to vector<16xf32>
        %select_n3A_878 = arith.select %eq3A_683, %gather3A_874, %broadcast_in_dim3A_877 : vector<16xi1>, vector<16xf32>
        %swap3A_879 = arith.index_cast %squeeze3A : i32 to index
        %swap3A_880 = arith.constant 128 : index
        %swap3A_881 = tpu.vector_load %arg26[%swap3A_879, %swap3A_880] {strides = array<i32>} : memref<72x256xf32, #tpu.memory_space<vmem>>, vector<16xf32>,
        tpu.vector_store %arg26[%swap3A_879, %swap3A_880], %select_n3A_878 {add = true, strides = array<i32>} : memref<72x256xf32, #tpu.memory_space<vmem>>, vector<16xf32>,
        %get3A_882 = arith.index_cast %while3A_868 : i32 to index
        %get3A_883 = arith.constant 0 : index
        %get3A_884 = tpu.vector_load %arg27[%get3A_882, %get3A_883] {strides = array<i32>} : memref<64x128xf32, #tpu.memory_space<vmem>>, vector<16xf32>,
        %mul3A_885 = arith.mulf %gather3A_874, %get3A_884 : vector<16xf32>
        %swap3A_886 = arith.index_cast %squeeze3A : i32 to index
        %swap3A_887 = arith.constant 0 : index
        %swap3A_888 = tpu.vector_load %arg26[%swap3A_886, %swap3A_887] {strides = array<i32>} : memref<72x256xf32, #tpu.memory_space<vmem>>, vector<16xf32>,
        tpu.vector_store %arg26[%swap3A_886, %swap3A_887], %mul3A_885 {add = true, strides = array<i32>} : memref<72x256xf32, #tpu.memory_space<vmem>>, vector<16xf32>,
        %get3A_889 = arith.index_cast %while3A_868 : i32 to index
        %get3A_890 = arith.constant 16 : index
        %get3A_891 = tpu.vector_load %arg27[%get3A_889, %get3A_890] {strides = array<i32>} : memref<64x128xf32, #tpu.memory_space<vmem>>, vector<16xf32>,
        %mul3A_892 = arith.mulf %gather3A_874, %get3A_891 : vector<16xf32>
        %swap3A_893 = arith.index_cast %squeeze3A : i32 to index
        %swap3A_894 = arith.constant 16 : index
        %swap3A_895 = tpu.vector_load %arg26[%swap3A_893, %swap3A_894] {strides = array<i32>} : memref<72x256xf32, #tpu.memory_space<vmem>>, vector<16xf32>,
        tpu.vector_store %arg26[%swap3A_893, %swap3A_894], %mul3A_892 {add = true, strides = array<i32>} : memref<72x256xf32, #tpu.memory_space<vmem>>, vector<16xf32>,
        %get3A_896 = arith.index_cast %while3A_868 : i32 to index
        %get3A_897 = arith.constant 32 : index
        %get3A_898 = tpu.vector_load %arg27[%get3A_896, %get3A_897] {strides = array<i32>} : memref<64x128xf32, #tpu.memory_space<vmem>>, vector<16xf32>,
        %mul3A_899 = arith.mulf %gather3A_874, %get3A_898 : vector<16xf32>
        %swap3A_900 = arith.index_cast %squeeze3A : i32 to index
        %swap3A_901 = arith.constant 32 : index
        %swap3A_902 = tpu.vector_load %arg26[%swap3A_900, %swap3A_901] {strides = array<i32>} : memref<72x256xf32, #tpu.memory_space<vmem>>, vector<16xf32>,
        tpu.vector_store %arg26[%swap3A_900, %swap3A_901], %mul3A_899 {add = true, strides = array<i32>} : memref<72x256xf32, #tpu.memory_space<vmem>>, vector<16xf32>,
        %get3A_903 = arith.index_cast %while3A_868 : i32 to index
        %get3A_904 = arith.constant 48 : index
        %get3A_905 = tpu.vector_load %arg27[%get3A_903, %get3A_904] {strides = array<i32>} : memref<64x128xf32, #tpu.memory_space<vmem>>, vector<16xf32>,
        %mul3A_906 = arith.mulf %gather3A_874, %get3A_905 : vector<16xf32>
        %swap3A_907 = arith.index_cast %squeeze3A : i32 to index
        %swap3A_908 = arith.constant 48 : index
        %swap3A_909 = tpu.vector_load %arg26[%swap3A_907, %swap3A_908] {strides = array<i32>} : memref<72x256xf32, #tpu.memory_space<vmem>>, vector<16xf32>,
        tpu.vector_store %arg26[%swap3A_907, %swap3A_908], %mul3A_906 {add = true, strides = array<i32>} : memref<72x256xf32, #tpu.memory_space<vmem>>, vector<16xf32>,
        %get3A_910 = arith.index_cast %while3A_868 : i32 to index
        %get3A_911 = arith.constant 64 : index
        %get3A_912 = tpu.vector_load %arg27[%get3A_910, %get3A_911] {strides = array<i32>} : memref<64x128xf32, #tpu.memory_space<vmem>>, vector<16xf32>,
        %mul3A_913 = arith.mulf %gather3A_874, %get3A_912 : vector<16xf32>
        %swap3A_914 = arith.index_cast %squeeze3A : i32 to index
        %swap3A_915 = arith.constant 64 : index
        %swap3A_916 = tpu.vector_load %arg26[%swap3A_914, %swap3A_915] {strides = array<i32>} : memref<72x256xf32, #tpu.memory_space<vmem>>, vector<16xf32>,
        tpu.vector_store %arg26[%swap3A_914, %swap3A_915], %mul3A_913 {add = true, strides = array<i32>} : memref<72x256xf32, #tpu.memory_space<vmem>>, vector<16xf32>,
        %get3A_917 = arith.index_cast %while3A_868 : i32 to index
        %get3A_918 = arith.constant 80 : index
        %get3A_919 = tpu.vector_load %arg27[%get3A_917, %get3A_918] {strides = array<i32>} : memref<64x128xf32, #tpu.memory_space<vmem>>, vector<16xf32>,
        %mul3A_920 = arith.mulf %gather3A_874, %get3A_919 : vector<16xf32>
        %swap3A_921 = arith.index_cast %squeeze3A : i32 to index
        %swap3A_922 = arith.constant 80 : index
        %swap3A_923 = tpu.vector_load %arg26[%swap3A_921, %swap3A_922] {strides = array<i32>} : memref<72x256xf32, #tpu.memory_space<vmem>>, vector<16xf32>,
        tpu.vector_store %arg26[%swap3A_921, %swap3A_922], %mul3A_920 {add = true, strides = array<i32>} : memref<72x256xf32, #tpu.memory_space<vmem>>, vector<16xf32>,
        %get3A_924 = arith.index_cast %while3A_868 : i32 to index
        %get3A_925 = arith.constant 96 : index
        %get3A_926 = tpu.vector_load %arg27[%get3A_924, %get3A_925] {strides = array<i32>} : memref<64x128xf32, #tpu.memory_space<vmem>>, vector<16xf32>,
        %mul3A_927 = arith.mulf %gather3A_874, %get3A_926 : vector<16xf32>
        %swap3A_928 = arith.index_cast %squeeze3A : i32 to index
        %swap3A_929 = arith.constant 96 : index
        %swap3A_930 = tpu.vector_load %arg26[%swap3A_928, %swap3A_929] {strides = array<i32>} : memref<72x256xf32, #tpu.memory_space<vmem>>, vector<16xf32>,
        tpu.vector_store %arg26[%swap3A_928, %swap3A_929], %mul3A_927 {add = true, strides = array<i32>} : memref<72x256xf32, #tpu.memory_space<vmem>>, vector<16xf32>,
        %get3A_931 = arith.index_cast %while3A_868 : i32 to index
        %get3A_932 = arith.constant 112 : index
        %get3A_933 = tpu.vector_load %arg27[%get3A_931, %get3A_932] {strides = array<i32>} : memref<64x128xf32, #tpu.memory_space<vmem>>, vector<16xf32>,
        %mul3A_934 = arith.mulf %gather3A_874, %get3A_933 : vector<16xf32>
        %swap3A_935 = arith.index_cast %squeeze3A : i32 to index
        %swap3A_936 = arith.constant 112 : index
        %swap3A_937 = tpu.vector_load %arg26[%swap3A_935, %swap3A_936] {strides = array<i32>} : memref<72x256xf32, #tpu.memory_space<vmem>>, vector<16xf32>,
        tpu.vector_store %arg26[%swap3A_935, %swap3A_936], %mul3A_934 {add = true, strides = array<i32>} : memref<72x256xf32, #tpu.memory_space<vmem>>, vector<16xf32>,
        %while3A_938 = arith.constant 0 : i32
        scf.yield %while3A_938 : i32
      }
    }
    %while3A_815 = arith.constant 1 : i32
    scf.for %while3A_843 = %while3A_813 to %while3A_809 step %while3A_815  : i32 {
      %mul3A_844 = arith.constant 64 : i32
      %mul3A_845 = arith.muli %while3A_843, %mul3A_844 : i32
      %dma_start3A = tpu.memref_slice %arg23[%mul3A_845] : memref<10368xi32, #tpu.memory_space<vmem>> -> memref<64xi32, #tpu.memory_space<vmem>>
      %dma_start3A_846 = arith.constant 0 : i32
      %dma_start3A_847 = arith.constant 0 : i32
      %dma_start3A_848 = tpu.memref_slice %arg11[%dma_start3A_846, %dma_start3A_847] : memref<10000x128xf32, #tpu.memory_space<hbm>> -> memref<10000x128xf32, #tpu.memory_space<hbm>>
      tpu.enqueue_indirect_dma source(%dma_start3A_848 : memref<10000x128xf32, #tpu.memory_space<hbm>>) target(%arg27 : memref<64x128xf32, #tpu.memory_space<vmem>>) offsets(%dma_start3A : memref<64xi32, #tpu.memory_space<vmem>>) semaphore(%arg28 : memref<!tpu.dma_semaphore, #tpu.memory_space<semaphore_mem>>)
      %dma_wait3A = tpu.memref_slice %arg23[%mul3A_845] : memref<10368xi32, #tpu.memory_space<vmem>> -> memref<64xi32, #tpu.memory_space<vmem>>
      %dma_wait3A_849 = arith.constant 0 : i32
      %dma_wait3A_850 = arith.constant 0 : i32
      %dma_wait3A_851 = tpu.memref_slice %arg11[%dma_wait3A_849, %dma_wait3A_850] : memref<10000x128xf32, #tpu.memory_space<hbm>> -> memref<10000x128xf32, #tpu.memory_space<hbm>>
      tpu.wait_indirect_dma semaphore(%arg28 : memref<!tpu.dma_semaphore, #tpu.memory_space<semaphore_mem>>) src(%dma_wait3A_851 : memref<10000x128xf32, #tpu.memory_space<hbm>>) dst(%arg27 : memref<64x128xf32, #tpu.memory_space<vmem>>)
      %mul3A_852 = arith.constant 64 : i32
      %mul3A_853 = arith.muli %while3A_843, %mul3A_852 : i32
      %sub3A_854 = arith.subi %parallel_loop3A_535#1, %mul3A_853 : i32
      %min3A = arith.constant 64 : i32
      %min3A_855 = arith.minsi %min3A, %sub3A_854 : i32
      %while3A_856 = arith.constant 0 : i32
      %while3A_857 = arith.constant 0 : i32
      %while3A_858 = arith.subi %min3A_855, %while3A_856 : i32
      %while3A_859 = arith.addi %while3A_856, %while3A_858 : i32
      %while3A_860 = arith.constant 1 : i32
      %while3A_861 = arith.divsi %while3A_858, %while3A_860 : i32
      %while3A_862 = arith.muli %while3A_861, %while3A_860 : i32
      %while3A_863 = arith.addi %while3A_856, %while3A_862 : i32
      %while3A_864 = arith.constant 1 : i32
      %while3A_865 = scf.for %while3A_868 = %while3A_856 to %while3A_863 step %while3A_864 iter_args(%while3A_869 = %while3A_857) -> (i32)  : i32 {
        %mul3A_870 = arith.constant 64 : i32
        %mul3A_871 = arith.muli %while3A_843, %mul3A_870 : i32
        %add3A_872 = arith.addi %mul3A_871, %while3A_868 : i32
        %broadcast_in_dim3A_873 = vector.broadcast %add3A_872 : i32 to vector<16xi32>
        %gather3A_874 = tpu.vector_load_idx %arg25[%broadcast_in_dim3A_873] : memref<10368xf32, #tpu.memory_space<vmem>>[vector<16xi32>], vector<16xf32>,
        %gather3A_875 = tpu.vector_load_idx %arg24[%broadcast_in_dim3A_873] : memref<10368xi32, #tpu.memory_space<vmem>>[vector<16xi32>], vector<16xi32>,
        %slice3A = vector.extract_strided_slice %gather3A_875 {offsets = [0], sizes = [1], strides = [1]} : vector<16xi32> to vector<1xi32>
        %squeeze3A = vector.extract %slice3A[0] : i32 from vector<1xi32>
        %jit3A_876 = arith.constant 0.000000e+00 : f32
        %broadcast_in_dim3A_877 = vector.broadcast %jit3A_876 : f32 to vector<16xf32>
        %select_n3A_878 = arith.select %eq3A_683, %gather3A_874, %broadcast_in_dim3A_877 : vector<16xi1>, vector<16xf32>
        %swap3A_879 = arith.index_cast %squeeze3A : i32 to index
        %swap3A_880 = arith.constant 128 : index
        %swap3A_881 = tpu.vector_load %arg26[%swap3A_879, %swap3A_880] {strides = array<i32>} : memref<72x256xf32, #tpu.memory_space<vmem>>, vector<16xf32>,
        tpu.vector_store %arg26[%swap3A_879, %swap3A_880], %select_n3A_878 {add = true, strides = array<i32>} : memref<72x256xf32, #tpu.memory_space<vmem>>, vector<16xf32>,
        %get3A_882 = arith.index_cast %while3A_868 : i32 to index
        %get3A_883 = arith.constant 0 : index
        %get3A_884 = tpu.vector_load %arg27[%get3A_882, %get3A_883] {strides = array<i32>} : memref<64x128xf32, #tpu.memory_space<vmem>>, vector<16xf32>,
        %mul3A_885 = arith.mulf %gather3A_874, %get3A_884 : vector<16xf32>
        %swap3A_886 = arith.index_cast %squeeze3A : i32 to index
        %swap3A_887 = arith.constant 0 : index
        %swap3A_888 = tpu.vector_load %arg26[%swap3A_886, %swap3A_887] {strides = array<i32>} : memref<72x256xf32, #tpu.memory_space<vmem>>, vector<16xf32>,
        tpu.vector_store %arg26[%swap3A_886, %swap3A_887], %mul3A_885 {add = true, strides = array<i32>} : memref<72x256xf32, #tpu.memory_space<vmem>>, vector<16xf32>,
        %get3A_889 = arith.index_cast %while3A_868 : i32 to index
        %get3A_890 = arith.constant 16 : index
        %get3A_891 = tpu.vector_load %arg27[%get3A_889, %get3A_890] {strides = array<i32>} : memref<64x128xf32, #tpu.memory_space<vmem>>, vector<16xf32>,
        %mul3A_892 = arith.mulf %gather3A_874, %get3A_891 : vector<16xf32>
        %swap3A_893 = arith.index_cast %squeeze3A : i32 to index
        %swap3A_894 = arith.constant 16 : index
        %swap3A_895 = tpu.vector_load %arg26[%swap3A_893, %swap3A_894] {strides = array<i32>} : memref<72x256xf32, #tpu.memory_space<vmem>>, vector<16xf32>,
        tpu.vector_store %arg26[%swap3A_893, %swap3A_894], %mul3A_892 {add = true, strides = array<i32>} : memref<72x256xf32, #tpu.memory_space<vmem>>, vector<16xf32>,
        %get3A_896 = arith.index_cast %while3A_868 : i32 to index
        %get3A_897 = arith.constant 32 : index
        %get3A_898 = tpu.vector_load %arg27[%get3A_896, %get3A_897] {strides = array<i32>} : memref<64x128xf32, #tpu.memory_space<vmem>>, vector<16xf32>,
        %mul3A_899 = arith.mulf %gather3A_874, %get3A_898 : vector<16xf32>
        %swap3A_900 = arith.index_cast %squeeze3A : i32 to index
        %swap3A_901 = arith.constant 32 : index
        %swap3A_902 = tpu.vector_load %arg26[%swap3A_900, %swap3A_901] {strides = array<i32>} : memref<72x256xf32, #tpu.memory_space<vmem>>, vector<16xf32>,
        tpu.vector_store %arg26[%swap3A_900, %swap3A_901], %mul3A_899 {add = true, strides = array<i32>} : memref<72x256xf32, #tpu.memory_space<vmem>>, vector<16xf32>,
        %get3A_903 = arith.index_cast %while3A_868 : i32 to index
        %get3A_904 = arith.constant 48 : index
        %get3A_905 = tpu.vector_load %arg27[%get3A_903, %get3A_904] {strides = array<i32>} : memref<64x128xf32, #tpu.memory_space<vmem>>, vector<16xf32>,
        %mul3A_906 = arith.mulf %gather3A_874, %get3A_905 : vector<16xf32>
        %swap3A_907 = arith.index_cast %squeeze3A : i32 to index
        %swap3A_908 = arith.constant 48 : index
        %swap3A_909 = tpu.vector_load %arg26[%swap3A_907, %swap3A_908] {strides = array<i32>} : memref<72x256xf32, #tpu.memory_space<vmem>>, vector<16xf32>,
        tpu.vector_store %arg26[%swap3A_907, %swap3A_908], %mul3A_906 {add = true, strides = array<i32>} : memref<72x256xf32, #tpu.memory_space<vmem>>, vector<16xf32>,
        %get3A_910 = arith.index_cast %while3A_868 : i32 to index
        %get3A_911 = arith.constant 64 : index
        %get3A_912 = tpu.vector_load %arg27[%get3A_910, %get3A_911] {strides = array<i32>} : memref<64x128xf32, #tpu.memory_space<vmem>>, vector<16xf32>,
        %mul3A_913 = arith.mulf %gather3A_874, %get3A_912 : vector<16xf32>
        %swap3A_914 = arith.index_cast %squeeze3A : i32 to index
        %swap3A_915 = arith.constant 64 : index
        %swap3A_916 = tpu.vector_load %arg26[%swap3A_914, %swap3A_915] {strides = array<i32>} : memref<72x256xf32, #tpu.memory_space<vmem>>, vector<16xf32>,
        tpu.vector_store %arg26[%swap3A_914, %swap3A_915], %mul3A_913 {add = true, strides = array<i32>} : memref<72x256xf32, #tpu.memory_space<vmem>>, vector<16xf32>,
        %get3A_917 = arith.index_cast %while3A_868 : i32 to index
        %get3A_918 = arith.constant 80 : index
        %get3A_919 = tpu.vector_load %arg27[%get3A_917, %get3A_918] {strides = array<i32>} : memref<64x128xf32, #tpu.memory_space<vmem>>, vector<16xf32>,
        %mul3A_920 = arith.mulf %gather3A_874, %get3A_919 : vector<16xf32>
        %swap3A_921 = arith.index_cast %squeeze3A : i32 to index
        %swap3A_922 = arith.constant 80 : index
        %swap3A_923 = tpu.vector_load %arg26[%swap3A_921, %swap3A_922] {strides = array<i32>} : memref<72x256xf32, #tpu.memory_space<vmem>>, vector<16xf32>,
        tpu.vector_store %arg26[%swap3A_921, %swap3A_922], %mul3A_920 {add = true, strides = array<i32>} : memref<72x256xf32, #tpu.memory_space<vmem>>, vector<16xf32>,
        %get3A_924 = arith.index_cast %while3A_868 : i32 to index
        %get3A_925 = arith.constant 96 : index
        %get3A_926 = tpu.vector_load %arg27[%get3A_924, %get3A_925] {strides = array<i32>} : memref<64x128xf32, #tpu.memory_space<vmem>>, vector<16xf32>,
        %mul3A_927 = arith.mulf %gather3A_874, %get3A_926 : vector<16xf32>
        %swap3A_928 = arith.index_cast %squeeze3A : i32 to index
        %swap3A_929 = arith.constant 96 : index
        %swap3A_930 = tpu.vector_load %arg26[%swap3A_928, %swap3A_929] {strides = array<i32>} : memref<72x256xf32, #tpu.memory_space<vmem>>, vector<16xf32>,
        tpu.vector_store %arg26[%swap3A_928, %swap3A_929], %mul3A_927 {add = true, strides = array<i32>} : memref<72x256xf32, #tpu.memory_space<vmem>>, vector<16xf32>,
        %get3A_931 = arith.index_cast %while3A_868 : i32 to index
        %get3A_932 = arith.constant 112 : index
        %get3A_933 = tpu.vector_load %arg27[%get3A_931, %get3A_932] {strides = array<i32>} : memref<64x128xf32, #tpu.memory_space<vmem>>, vector<16xf32>,
        %mul3A_934 = arith.mulf %gather3A_874, %get3A_933 : vector<16xf32>
        %swap3A_935 = arith.index_cast %squeeze3A : i32 to index
        %swap3A_936 = arith.constant 112 : index
        %swap3A_937 = tpu.vector_load %arg26[%swap3A_935, %swap3A_936] {strides = array<i32>} : memref<72x256xf32, #tpu.memory_space<vmem>>, vector<16xf32>,
        tpu.vector_store %arg26[%swap3A_935, %swap3A_936], %mul3A_934 {add = true, strides = array<i32>} : memref<72x256xf32, #tpu.memory_space<vmem>>, vector<16xf32>,
        %while3A_938 = arith.constant 0 : i32
        scf.yield %while3A_938 : i32
      }
      %while3A_866 = arith.constant 1 : i32
      %while3A_867 = scf.for %while3A_868 = %while3A_863 to %while3A_859 step %while3A_866 iter_args(%while3A_869 = %while3A_865) -> (i32)  : i32 {
        %mul3A_870 = arith.constant 64 : i32
        %mul3A_871 = arith.muli %while3A_843, %mul3A_870 : i32
        %add3A_872 = arith.addi %mul3A_871, %while3A_868 : i32
        %broadcast_in_dim3A_873 = vector.broadcast %add3A_872 : i32 to vector<16xi32>
        %gather3A_874 = tpu.vector_load_idx %arg25[%broadcast_in_dim3A_873] : memref<10368xf32, #tpu.memory_space<vmem>>[vector<16xi32>], vector<16xf32>,
        %gather3A_875 = tpu.vector_load_idx %arg24[%broadcast_in_dim3A_873] : memref<10368xi32, #tpu.memory_space<vmem>>[vector<16xi32>], vector<16xi32>,
        %slice3A = vector.extract_strided_slice %gather3A_875 {offsets = [0], sizes = [1], strides = [1]} : vector<16xi32> to vector<1xi32>
        %squeeze3A = vector.extract %slice3A[0] : i32 from vector<1xi32>
        %jit3A_876 = arith.constant 0.000000e+00 : f32
        %broadcast_in_dim3A_877 = vector.broadcast %jit3A_876 : f32 to vector<16xf32>
        %select_n3A_878 = arith.select %eq3A_683, %gather3A_874, %broadcast_in_dim3A_877 : vector<16xi1>, vector<16xf32>
        %swap3A_879 = arith.index_cast %squeeze3A : i32 to index
        %swap3A_880 = arith.constant 128 : index
        %swap3A_881 = tpu.vector_load %arg26[%swap3A_879, %swap3A_880] {strides = array<i32>} : memref<72x256xf32, #tpu.memory_space<vmem>>, vector<16xf32>,
        tpu.vector_store %arg26[%swap3A_879, %swap3A_880], %select_n3A_878 {add = true, strides = array<i32>} : memref<72x256xf32, #tpu.memory_space<vmem>>, vector<16xf32>,
        %get3A_882 = arith.index_cast %while3A_868 : i32 to index
        %get3A_883 = arith.constant 0 : index
        %get3A_884 = tpu.vector_load %arg27[%get3A_882, %get3A_883] {strides = array<i32>} : memref<64x128xf32, #tpu.memory_space<vmem>>, vector<16xf32>,
        %mul3A_885 = arith.mulf %gather3A_874, %get3A_884 : vector<16xf32>
        %swap3A_886 = arith.index_cast %squeeze3A : i32 to index
        %swap3A_887 = arith.constant 0 : index
        %swap3A_888 = tpu.vector_load %arg26[%swap3A_886, %swap3A_887] {strides = array<i32>} : memref<72x256xf32, #tpu.memory_space<vmem>>, vector<16xf32>,
        tpu.vector_store %arg26[%swap3A_886, %swap3A_887], %mul3A_885 {add = true, strides = array<i32>} : memref<72x256xf32, #tpu.memory_space<vmem>>, vector<16xf32>,
        %get3A_889 = arith.index_cast %while3A_868 : i32 to index
        %get3A_890 = arith.constant 16 : index
        %get3A_891 = tpu.vector_load %arg27[%get3A_889, %get3A_890] {strides = array<i32>} : memref<64x128xf32, #tpu.memory_space<vmem>>, vector<16xf32>,
        %mul3A_892 = arith.mulf %gather3A_874, %get3A_891 : vector<16xf32>
        %swap3A_893 = arith.index_cast %squeeze3A : i32 to index
        %swap3A_894 = arith.constant 16 : index
        %swap3A_895 = tpu.vector_load %arg26[%swap3A_893, %swap3A_894] {strides = array<i32>} : memref<72x256xf32, #tpu.memory_space<vmem>>, vector<16xf32>,
        tpu.vector_store %arg26[%swap3A_893, %swap3A_894], %mul3A_892 {add = true, strides = array<i32>} : memref<72x256xf32, #tpu.memory_space<vmem>>, vector<16xf32>,
        %get3A_896 = arith.index_cast %while3A_868 : i32 to index
        %get3A_897 = arith.constant 32 : index
        %get3A_898 = tpu.vector_load %arg27[%get3A_896, %get3A_897] {strides = array<i32>} : memref<64x128xf32, #tpu.memory_space<vmem>>, vector<16xf32>,
        %mul3A_899 = arith.mulf %gather3A_874, %get3A_898 : vector<16xf32>
        %swap3A_900 = arith.index_cast %squeeze3A : i32 to index
        %swap3A_901 = arith.constant 32 : index
        %swap3A_902 = tpu.vector_load %arg26[%swap3A_900, %swap3A_901] {strides = array<i32>} : memref<72x256xf32, #tpu.memory_space<vmem>>, vector<16xf32>,
        tpu.vector_store %arg26[%swap3A_900, %swap3A_901], %mul3A_899 {add = true, strides = array<i32>} : memref<72x256xf32, #tpu.memory_space<vmem>>, vector<16xf32>,
        %get3A_903 = arith.index_cast %while3A_868 : i32 to index
        %get3A_904 = arith.constant 48 : index
        %get3A_905 = tpu.vector_load %arg27[%get3A_903, %get3A_904] {strides = array<i32>} : memref<64x128xf32, #tpu.memory_space<vmem>>, vector<16xf32>,
        %mul3A_906 = arith.mulf %gather3A_874, %get3A_905 : vector<16xf32>
        %swap3A_907 = arith.index_cast %squeeze3A : i32 to index
        %swap3A_908 = arith.constant 48 : index
        %swap3A_909 = tpu.vector_load %arg26[%swap3A_907, %swap3A_908] {strides = array<i32>} : memref<72x256xf32, #tpu.memory_space<vmem>>, vector<16xf32>,
        tpu.vector_store %arg26[%swap3A_907, %swap3A_908], %mul3A_906 {add = true, strides = array<i32>} : memref<72x256xf32, #tpu.memory_space<vmem>>, vector<16xf32>,
        %get3A_910 = arith.index_cast %while3A_868 : i32 to index
        %get3A_911 = arith.constant 64 : index
        %get3A_912 = tpu.vector_load %arg27[%get3A_910, %get3A_911] {strides = array<i32>} : memref<64x128xf32, #tpu.memory_space<vmem>>, vector<16xf32>,
        %mul3A_913 = arith.mulf %gather3A_874, %get3A_912 : vector<16xf32>
        %swap3A_914 = arith.index_cast %squeeze3A : i32 to index
        %swap3A_915 = arith.constant 64 : index
        %swap3A_916 = tpu.vector_load %arg26[%swap3A_914, %swap3A_915] {strides = array<i32>} : memref<72x256xf32, #tpu.memory_space<vmem>>, vector<16xf32>,
        tpu.vector_store %arg26[%swap3A_914, %swap3A_915], %mul3A_913 {add = true, strides = array<i32>} : memref<72x256xf32, #tpu.memory_space<vmem>>, vector<16xf32>,
        %get3A_917 = arith.index_cast %while3A_868 : i32 to index
        %get3A_918 = arith.constant 80 : index
        %get3A_919 = tpu.vector_load %arg27[%get3A_917, %get3A_918] {strides = array<i32>} : memref<64x128xf32, #tpu.memory_space<vmem>>, vector<16xf32>,
        %mul3A_920 = arith.mulf %gather3A_874, %get3A_919 : vector<16xf32>
        %swap3A_921 = arith.index_cast %squeeze3A : i32 to index
        %swap3A_922 = arith.constant 80 : index
        %swap3A_923 = tpu.vector_load %arg26[%swap3A_921, %swap3A_922] {strides = array<i32>} : memref<72x256xf32, #tpu.memory_space<vmem>>, vector<16xf32>,
        tpu.vector_store %arg26[%swap3A_921, %swap3A_922], %mul3A_920 {add = true, strides = array<i32>} : memref<72x256xf32, #tpu.memory_space<vmem>>, vector<16xf32>,
        %get3A_924 = arith.index_cast %while3A_868 : i32 to index
        %get3A_925 = arith.constant 96 : index
        %get3A_926 = tpu.vector_load %arg27[%get3A_924, %get3A_925] {strides = array<i32>} : memref<64x128xf32, #tpu.memory_space<vmem>>, vector<16xf32>,
        %mul3A_927 = arith.mulf %gather3A_874, %get3A_926 : vector<16xf32>
        %swap3A_928 = arith.index_cast %squeeze3A : i32 to index
        %swap3A_929 = arith.constant 96 : index
        %swap3A_930 = tpu.vector_load %arg26[%swap3A_928, %swap3A_929] {strides = array<i32>} : memref<72x256xf32, #tpu.memory_space<vmem>>, vector<16xf32>,
        tpu.vector_store %arg26[%swap3A_928, %swap3A_929], %mul3A_927 {add = true, strides = array<i32>} : memref<72x256xf32, #tpu.memory_space<vmem>>, vector<16xf32>,
        %get3A_931 = arith.index_cast %while3A_868 : i32 to index
        %get3A_932 = arith.constant 112 : index
        %get3A_933 = tpu.vector_load %arg27[%get3A_931, %get3A_932] {strides = array<i32>} : memref<64x128xf32, #tpu.memory_space<vmem>>, vector<16xf32>,
        %mul3A_934 = arith.mulf %gather3A_874, %get3A_933 : vector<16xf32>
        %swap3A_935 = arith.index_cast %squeeze3A : i32 to index
        %swap3A_936 = arith.constant 112 : index
        %swap3A_937 = tpu.vector_load %arg26[%swap3A_935, %swap3A_936] {strides = array<i32>} : memref<72x256xf32, #tpu.memory_space<vmem>>, vector<16xf32>,
        tpu.vector_store %arg26[%swap3A_935, %swap3A_936], %mul3A_934 {add = true, strides = array<i32>} : memref<72x256xf32, #tpu.memory_space<vmem>>, vector<16xf32>,
        %while3A_938 = arith.constant 0 : i32
        scf.yield %while3A_938 : i32
      }
    }
    %mul3A_816 = arith.constant 72 : i32
    %mul3A_817 = arith.muli %add3A, %mul3A_816 : i32
    %run_scoped3A_818 = arith.constant 1 : i32
    "tpu.region"() ({
      %run_scoped3A_843 = tpu.sem_alloc : memref<!tpu.dma_semaphore, #tpu.memory_space<semaphore_mem>>
      %dma_start3A = arith.constant 0 : i32
      %dma_start3A_844 = tpu.memref_slice %arg12[%run_scoped3A_818, %mul3A_817, %dma_start3A] : memref<2x2304x256xf32, #tpu.memory_space<hbm>> -> memref<1x72x256xf32, #tpu.memory_space<hbm>>
      %dma_start3A_845 = tpu.memref_squeeze %dma_start3A_844 : memref<1x72x256xf32, #tpu.memory_space<hbm>> -> memref<72x256xf32, #tpu.memory_space<hbm>>
      %dma_start3A_846 = arith.constant 0 : i32
      %dma_start3A_847 = tpu.memref_slice %arg12[%run_scoped3A_818, %mul3A_817, %dma_start3A_846] : memref<2x2304x256xf32, #tpu.memory_space<hbm>> -> memref<1x72x256xf32, #tpu.memory_space<hbm>>
      %dma_start3A_848 = tpu.memref_squeeze %dma_start3A_847 : memref<1x72x256xf32, #tpu.memory_space<hbm>> -> memref<72x256xf32, #tpu.memory_space<hbm>>
      tpu.enqueue_dma source(%arg26 : memref<72x256xf32, #tpu.memory_space<vmem>>) target(%dma_start3A_848 : memref<72x256xf32, #tpu.memory_space<hbm>>) target_semaphore(%run_scoped3A_843 : memref<!tpu.dma_semaphore, #tpu.memory_space<semaphore_mem>>)
      %dma_wait3A = arith.constant 0 : i32
      %dma_wait3A_849 = tpu.memref_slice %arg12[%run_scoped3A_818, %mul3A_817, %dma_wait3A] : memref<2x2304x256xf32, #tpu.memory_space<hbm>> -> memref<1x72x256xf32, #tpu.memory_space<hbm>>
      %dma_wait3A_850 = tpu.memref_squeeze %dma_wait3A_849 : memref<1x72x256xf32, #tpu.memory_space<hbm>> -> memref<72x256xf32, #tpu.memory_space<hbm>>
      %dma_wait3A_851 = arith.constant 0 : i32
      %dma_wait3A_852 = tpu.memref_slice %arg12[%run_scoped3A_818, %mul3A_817, %dma_wait3A_851] : memref<2x2304x256xf32, #tpu.memory_space<hbm>> -> memref<1x72x256xf32, #tpu.memory_space<hbm>>
      %dma_wait3A_853 = tpu.memref_squeeze %dma_wait3A_852 : memref<1x72x256xf32, #tpu.memory_space<hbm>> -> memref<72x256xf32, #tpu.memory_space<hbm>>
      tpu.wait_dma2 semaphore(%run_scoped3A_843 : memref<!tpu.dma_semaphore, #tpu.memory_space<semaphore_mem>>) src(%arg26 : memref<72x256xf32, #tpu.memory_space<vmem>>) dst(%dma_wait3A_853 : memref<72x256xf32, #tpu.memory_space<hbm>>)
      tpu.yield
    }) : () -> ()
    %eq3A_819 = arith.constant 0 : i32
    %eq3A_820 = arith.cmpi eq, %arg1, %eq3A_819 : i32
    %eq3A_821 = arith.constant 0 : i32
    %eq3A_822 = arith.cmpi eq, %arg0, %eq3A_821 : i32
    %and3A_823 = arith.andi %eq3A_820, %eq3A_822 : i1
    %convert_element_type3A_824 = arith.extui %and3A_823 : i1 to i32
    %cond3A_825 = arith.constant 0 : i32
    %cond3A_826 = arith.cmpi ne, %convert_element_type3A_824, %cond3A_825 : i32
    scf.if %cond3A_826 {
      %run_scoped3A_843 = arith.constant 1 : i32
      "tpu.region"() ({
        %run_scoped3A_844 = tpu.sem_alloc : memref<!tpu.dma_semaphore, #tpu.memory_space<semaphore_mem>>
        %dma_start3A = arith.constant 0 : i32
        %dma_start3A_845 = tpu.memref_slice %arg13[%run_scoped3A_843, %dma_start3A] : memref<2x64xi32, #tpu.memory_space<hbm>> -> memref<1x64xi32, #tpu.memory_space<hbm>>
        %dma_start3A_846 = tpu.memref_squeeze %dma_start3A_845 : memref<1x64xi32, #tpu.memory_space<hbm>> -> memref<64xi32, #tpu.memory_space<hbm>>
        %dma_start3A_847 = arith.constant 0 : i32
        %dma_start3A_848 = tpu.memref_slice %arg13[%run_scoped3A_843, %dma_start3A_847] : memref<2x64xi32, #tpu.memory_space<hbm>> -> memref<1x64xi32, #tpu.memory_space<hbm>>
        %dma_start3A_849 = tpu.memref_squeeze %dma_start3A_848 : memref<1x64xi32, #tpu.memory_space<hbm>> -> memref<64xi32, #tpu.memory_space<hbm>>
        tpu.enqueue_dma source(%arg19 : memref<64xi32, #tpu.memory_space<vmem>>) target(%dma_start3A_849 : memref<64xi32, #tpu.memory_space<hbm>>) target_semaphore(%run_scoped3A_844 : memref<!tpu.dma_semaphore, #tpu.memory_space<semaphore_mem>>)
        %dma_wait3A = arith.constant 0 : i32
        %dma_wait3A_850 = tpu.memref_slice %arg13[%run_scoped3A_843, %dma_wait3A] : memref<2x64xi32, #tpu.memory_space<hbm>> -> memref<1x64xi32, #tpu.memory_space<hbm>>
        %dma_wait3A_851 = tpu.memref_squeeze %dma_wait3A_850 : memref<1x64xi32, #tpu.memory_space<hbm>> -> memref<64xi32, #tpu.memory_space<hbm>>
        %dma_wait3A_852 = arith.constant 0 : i32
        %dma_wait3A_853 = tpu.memref_slice %arg13[%run_scoped3A_843, %dma_wait3A_852] : memref<2x64xi32, #tpu.memory_space<hbm>> -> memref<1x64xi32, #tpu.memory_space<hbm>>
        %dma_wait3A_854 = tpu.memref_squeeze %dma_wait3A_853 : memref<1x64xi32, #tpu.memory_space<hbm>> -> memref<64xi32, #tpu.memory_space<hbm>>
        tpu.wait_dma2 semaphore(%run_scoped3A_844 : memref<!tpu.dma_semaphore, #tpu.memory_space<semaphore_mem>>) src(%arg19 : memref<64xi32, #tpu.memory_space<vmem>>) dst(%dma_wait3A_854 : memref<64xi32, #tpu.memory_space<hbm>>)
        tpu.yield
      }) : () -> ()
    } else {
    }
    %get3A_827 = arith.constant 0 : index
    %get3A_828 = tpu.vector_load %arg17[%get3A_827] {strides = array<i32>} : memref<64xi32, #tpu.memory_space<vmem>>, vector<16xi32>,
    %broadcast_in_dim3A_829 = arith.constant -1 : i32
    %broadcast_in_dim3A_830 = vector.broadcast %broadcast_in_dim3A_829 : i32 to vector<16xi32>
    tpu.vector_store_idx %arg16[%get3A_828], %broadcast_in_dim3A_830 : memref<10000xi32, #tpu.memory_space<vmem>>[vector<16xi32>], vector<16xi32>,
    %get3A_831 = arith.constant 16 : index
    %get3A_832 = tpu.vector_load %arg17[%get3A_831] {strides = array<i32>} : memref<64xi32, #tpu.memory_space<vmem>>, vector<16xi32>,
    %broadcast_in_dim3A_833 = arith.constant -1 : i32
    %broadcast_in_dim3A_834 = vector.broadcast %broadcast_in_dim3A_833 : i32 to vector<16xi32>
    tpu.vector_store_idx %arg16[%get3A_832], %broadcast_in_dim3A_834 : memref<10000xi32, #tpu.memory_space<vmem>>[vector<16xi32>], vector<16xi32>,
    %get3A_835 = arith.constant 32 : index
    %get3A_836 = tpu.vector_load %arg17[%get3A_835] {strides = array<i32>} : memref<64xi32, #tpu.memory_space<vmem>>, vector<16xi32>,
    %broadcast_in_dim3A_837 = arith.constant -1 : i32
    %broadcast_in_dim3A_838 = vector.broadcast %broadcast_in_dim3A_837 : i32 to vector<16xi32>
    tpu.vector_store_idx %arg16[%get3A_836], %broadcast_in_dim3A_838 : memref<10000xi32, #tpu.memory_space<vmem>>[vector<16xi32>], vector<16xi32>,
    %get3A_839 = arith.constant 48 : index
    %get3A_840 = tpu.vector_load %arg17[%get3A_839] {strides = array<i32>} : memref<64xi32, #tpu.memory_space<vmem>>, vector<16xi32>,
    %broadcast_in_dim3A_841 = arith.constant -1 : i32
    %broadcast_in_dim3A_842 = vector.broadcast %broadcast_in_dim3A_841 : i32 to vector<16xi32>
    tpu.vector_store_idx %arg16[%get3A_840], %broadcast_in_dim3A_842 : memref<10000xi32, #tpu.memory_space<vmem>>[vector<16xi32>], vector<16xi32>,
    return
  }
}

module attributes {stable_mosaic.version = 14 : i64} {
  func.func @_pre_body(%arg0: i32, %arg1: memref<2048x128xf32, #tpu.memory_space<vmem>>, %arg2: memref<128x128xf32, #tpu.memory_space<vmem>>, %arg3: memref<128xf32, #tpu.memory_space<vmem>>, %arg4: memref<128xf32, #tpu.memory_space<vmem>>, %arg5: memref<10000xi32, #tpu.memory_space<vmem>>, %arg6: memref<2048x128xf32, #tpu.memory_space<vmem>>, %arg7: memref<128x128xf32, #tpu.memory_space<vmem>>, %arg8: memref<128xf32, #tpu.memory_space<vmem>>, %arg9: memref<128xf32, #tpu.memory_space<vmem>>, %arg10: memref<10000xi32, #tpu.memory_space<vmem>>, %arg11: memref<2048xf32, #tpu.memory_space<vmem>>, %arg12: memref<2048xf32, #tpu.memory_space<vmem>>, %arg13: memref<64xi32, #tpu.memory_space<vmem>>, %arg14: memref<2048xf32, #tpu.memory_space<vmem>>, %arg15: memref<2048xf32, #tpu.memory_space<vmem>>, %arg16: memref<64xi32, #tpu.memory_space<vmem>>) attributes {dimension_semantics = [#tpu.dimension_semantics<arbitrary>], iteration_bounds = array<i64: 5>, scalar_prefetch = 0 : i64, scratch_operands = 0 : i64, tpu.core_type = #tpu.core_type<tc>, window_params = [{transform_indices = @transform_0, window_bounds = array<i64: 2048, 128>}, {pipeline_mode = #tpu.pipeline_mode<synchronous>, transform_indices = @transform_1, window_bounds = array<i64: 128, 128>}, {pipeline_mode = #tpu.pipeline_mode<synchronous>, transform_indices = @transform_2, window_bounds = array<i64: 128>}, {pipeline_mode = #tpu.pipeline_mode<synchronous>, transform_indices = @transform_3, window_bounds = array<i64: 128>}, {pipeline_mode = #tpu.pipeline_mode<synchronous>, transform_indices = @transform_4, window_bounds = array<i64: 10000>}, {transform_indices = @transform_5, window_bounds = array<i64: 2048, 128>}, {pipeline_mode = #tpu.pipeline_mode<synchronous>, transform_indices = @transform_6, window_bounds = array<i64: 128, 128>}, {pipeline_mode = #tpu.pipeline_mode<synchronous>, transform_indices = @transform_7, window_bounds = array<i64: 128>}, {pipeline_mode = #tpu.pipeline_mode<synchronous>, transform_indices = @transform_8, window_bounds = array<i64: 128>}, {pipeline_mode = #tpu.pipeline_mode<synchronous>, transform_indices = @transform_9, window_bounds = array<i64: 10000>}, {transform_indices = @transform_10, window_bounds = array<i64: 2048>}, {transform_indices = @transform_11, window_bounds = array<i64: 2048>}, {pipeline_mode = #tpu.pipeline_mode<synchronous>, transform_indices = @transform_12, window_bounds = array<i64: 64>}, {transform_indices = @transform_13, window_bounds = array<i64: 2048>}, {transform_indices = @transform_14, window_bounds = array<i64: 2048>}, {pipeline_mode = #tpu.pipeline_mode<synchronous>, transform_indices = @transform_15, window_bounds = array<i64: 64>}]} {
    %get3A = arith.constant 0 : index
    %get3A_0 = arith.constant 0 : index
    %get3A_1 = vector.load %arg2[%get3A, %get3A_0] : memref<128x128xf32, #tpu.memory_space<vmem>>, vector<128x128xf32>
    %get3A_2 = arith.constant 0 : index
    %get3A_3 = vector.load %arg3[%get3A_2] : memref<128xf32, #tpu.memory_space<vmem>>, vector<128xf32>
    %broadcast_in_dim3A = vector.shape_cast %get3A_3 : vector<128xf32> to vector<128x1xf32>
    %get3A_4 = arith.constant 0 : index
    %get3A_5 = vector.load %arg4[%get3A_4] : memref<128xf32, #tpu.memory_space<vmem>>, vector<128xf32>
    %broadcast_in_dim3A_6 = vector.shape_cast %get3A_5 : vector<128xf32> to vector<128x1xf32>
    %concatenate3A = tpu.concatenate %broadcast_in_dim3A, %broadcast_in_dim3A_6 in 1 : vector<128x1xf32>, vector<128x1xf32> -> vector<128x2xf32>
    %dot_general3A = arith.constant dense<0.000000e+00> : vector<128x2xf32>
    %dot_general3A_7 = tpu.matmul %get3A_1, %concatenate3A, %dot_general3A {dimension_numbers = #tpu.dot_dimension_numbers<[1], [0], [0], [1], [0, 0, 1, 1], [], []>, precision = #tpu.contract_precision<fp32>, transpose_lhs_hint = false} : vector<128x128xf32>, vector<128x2xf32>, vector<128x2xf32> -> vector<128x2xf32>
    %get3A_8 = arith.constant 0 : index
    %get3A_9 = arith.constant 0 : index
    %get3A_10 = vector.load %arg1[%get3A_8, %get3A_9] : memref<2048x128xf32, #tpu.memory_space<vmem>>, vector<2048x128xf32>
    %dot_general3A_11 = arith.constant dense<0.000000e+00> : vector<2048x2xf32>
    %dot_general3A_12 = tpu.matmul %get3A_10, %dot_general3A_7, %dot_general3A_11 {dimension_numbers = #tpu.dot_dimension_numbers<[1], [0], [0], [1], [0, 0, 1, 1], [], []>, transpose_lhs_hint = false} : vector<2048x128xf32>, vector<128x2xf32>, vector<2048x2xf32> -> vector<2048x2xf32>
    %slice3A = vector.extract_strided_slice %dot_general3A_12 {offsets = [0, 0], sizes = [2048, 1], strides = [1, 1]} : vector<2048x2xf32> to vector<2048x1xf32>
    %squeeze3A = vector.shape_cast %slice3A : vector<2048x1xf32> to vector<2048xf32>
    %swap3A = arith.constant 0 : index
    %swap3A_13 = vector.load %arg11[%swap3A] : memref<2048xf32, #tpu.memory_space<vmem>>, vector<2048xf32>
    tpu.vector_store %arg11[%swap3A], %squeeze3A {strides = array<i32>} : memref<2048xf32, #tpu.memory_space<vmem>>, vector<2048xf32>,
    %slice3A_14 = vector.extract_strided_slice %dot_general3A_12 {offsets = [0, 1], sizes = [2048, 1], strides = [1, 1]} : vector<2048x2xf32> to vector<2048x1xf32>
    %squeeze3A_15 = vector.shape_cast %slice3A_14 : vector<2048x1xf32> to vector<2048xf32>
    %swap3A_16 = arith.constant 0 : index
    %swap3A_17 = vector.load %arg12[%swap3A_16] : memref<2048xf32, #tpu.memory_space<vmem>>, vector<2048xf32>
    tpu.vector_store %arg12[%swap3A_16], %squeeze3A_15 {strides = array<i32>} : memref<2048xf32, #tpu.memory_space<vmem>>, vector<2048xf32>,
    %eq3A = arith.constant 0 : i32
    %eq3A_18 = arith.cmpi eq, %arg0, %eq3A : i32
    %convert_element_type3A = arith.extui %eq3A_18 : i1 to i32
    %cond3A = arith.constant 0 : i32
    %cond3A_19 = arith.cmpi ne, %convert_element_type3A, %cond3A : i32
    scf.if %cond3A_19 {
      %get3A_50 = arith.constant 0 : index
      %get3A_51 = vector.load %arg5[%get3A_50] : memref<10000xi32, #tpu.memory_space<vmem>>, vector<10000xi32>
      %iota3A = tpu.iota {dimensions = array<i32: 0>} : vector<64x1xi32>
      %broadcast_in_dim3A_52 = vector.shape_cast %get3A_51 : vector<10000xi32> to vector<1x10000xi32>
      %le3A = vector.broadcast %broadcast_in_dim3A_52 : vector<1x10000xi32> to vector<64x10000xi32>
      %le3A_53 = vector.broadcast %iota3A : vector<64x1xi32> to vector<64x10000xi32>
      %le3A_54 = arith.cmpi sle, %le3A, %le3A_53 : vector<64x10000xi32>
      %convert_element_type3A_55 = arith.extui %le3A_54 : vector<64x10000xi1> to vector<64x10000xi32>
      %reduce_sum3A = arith.constant dense<0> : vector<64xi32>
      %reduce_sum3A_56 = vector.multi_reduction <add>, %convert_element_type3A_55, %reduce_sum3A [1] : vector<64x10000xi32> to vector<64xi32>
      %sub3A = arith.constant 1 : i32
      %sub3A_57 = vector.broadcast %sub3A : i32 to vector<64xi32>
      %sub3A_58 = arith.subi %reduce_sum3A_56, %sub3A_57 : vector<64xi32>
      %swap3A_59 = arith.constant 0 : index
      %swap3A_60 = vector.load %arg13[%swap3A_59] : memref<64xi32, #tpu.memory_space<vmem>>, vector<64xi32>
      tpu.vector_store %arg13[%swap3A_59], %sub3A_58 {strides = array<i32>} : memref<64xi32, #tpu.memory_space<vmem>>, vector<64xi32>,
    } else {
    }
    %get3A_20 = arith.constant 0 : index
    %get3A_21 = arith.constant 0 : index
    %get3A_22 = vector.load %arg7[%get3A_20, %get3A_21] : memref<128x128xf32, #tpu.memory_space<vmem>>, vector<128x128xf32>
    %get3A_23 = arith.constant 0 : index
    %get3A_24 = vector.load %arg8[%get3A_23] : memref<128xf32, #tpu.memory_space<vmem>>, vector<128xf32>
    %broadcast_in_dim3A_25 = vector.shape_cast %get3A_24 : vector<128xf32> to vector<128x1xf32>
    %get3A_26 = arith.constant 0 : index
    %get3A_27 = vector.load %arg9[%get3A_26] : memref<128xf32, #tpu.memory_space<vmem>>, vector<128xf32>
    %broadcast_in_dim3A_28 = vector.shape_cast %get3A_27 : vector<128xf32> to vector<128x1xf32>
    %concatenate3A_29 = tpu.concatenate %broadcast_in_dim3A_25, %broadcast_in_dim3A_28 in 1 : vector<128x1xf32>, vector<128x1xf32> -> vector<128x2xf32>
    %dot_general3A_30 = arith.constant dense<0.000000e+00> : vector<128x2xf32>
    %dot_general3A_31 = tpu.matmul %get3A_22, %concatenate3A_29, %dot_general3A_30 {dimension_numbers = #tpu.dot_dimension_numbers<[1], [0], [0], [1], [0, 0, 1, 1], [], []>, precision = #tpu.contract_precision<fp32>, transpose_lhs_hint = false} : vector<128x128xf32>, vector<128x2xf32>, vector<128x2xf32> -> vector<128x2xf32>
    %get3A_32 = arith.constant 0 : index
    %get3A_33 = arith.constant 0 : index
    %get3A_34 = vector.load %arg6[%get3A_32, %get3A_33] : memref<2048x128xf32, #tpu.memory_space<vmem>>, vector<2048x128xf32>
    %dot_general3A_35 = arith.constant dense<0.000000e+00> : vector<2048x2xf32>
    %dot_general3A_36 = tpu.matmul %get3A_34, %dot_general3A_31, %dot_general3A_35 {dimension_numbers = #tpu.dot_dimension_numbers<[1], [0], [0], [1], [0, 0, 1, 1], [], []>, transpose_lhs_hint = false} : vector<2048x128xf32>, vector<128x2xf32>, vector<2048x2xf32> -> vector<2048x2xf32>
    %slice3A_37 = vector.extract_strided_slice %dot_general3A_36 {offsets = [0, 0], sizes = [2048, 1], strides = [1, 1]} : vector<2048x2xf32> to vector<2048x1xf32>
    %squeeze3A_38 = vector.shape_cast %slice3A_37 : vector<2048x1xf32> to vector<2048xf32>
    %swap3A_39 = arith.constant 0 : index
    %swap3A_40 = vector.load %arg14[%swap3A_39] : memref<2048xf32, #tpu.memory_space<vmem>>, vector<2048xf32>
    tpu.vector_store %arg14[%swap3A_39], %squeeze3A_38 {strides = array<i32>} : memref<2048xf32, #tpu.memory_space<vmem>>, vector<2048xf32>,
    %slice3A_41 = vector.extract_strided_slice %dot_general3A_36 {offsets = [0, 1], sizes = [2048, 1], strides = [1, 1]} : vector<2048x2xf32> to vector<2048x1xf32>
    %squeeze3A_42 = vector.shape_cast %slice3A_41 : vector<2048x1xf32> to vector<2048xf32>
    %swap3A_43 = arith.constant 0 : index
    %swap3A_44 = vector.load %arg15[%swap3A_43] : memref<2048xf32, #tpu.memory_space<vmem>>, vector<2048xf32>
    tpu.vector_store %arg15[%swap3A_43], %squeeze3A_42 {strides = array<i32>} : memref<2048xf32, #tpu.memory_space<vmem>>, vector<2048xf32>,
    %eq3A_45 = arith.constant 0 : i32
    %eq3A_46 = arith.cmpi eq, %arg0, %eq3A_45 : i32
    %convert_element_type3A_47 = arith.extui %eq3A_46 : i1 to i32
    %cond3A_48 = arith.constant 0 : i32
    %cond3A_49 = arith.cmpi ne, %convert_element_type3A_47, %cond3A_48 : i32
    scf.if %cond3A_49 {
      %get3A_50 = arith.constant 0 : index
      %get3A_51 = vector.load %arg10[%get3A_50] : memref<10000xi32, #tpu.memory_space<vmem>>, vector<10000xi32>
      %iota3A = tpu.iota {dimensions = array<i32: 0>} : vector<64x1xi32>
      %broadcast_in_dim3A_52 = vector.shape_cast %get3A_51 : vector<10000xi32> to vector<1x10000xi32>
      %le3A = vector.broadcast %broadcast_in_dim3A_52 : vector<1x10000xi32> to vector<64x10000xi32>
      %le3A_53 = vector.broadcast %iota3A : vector<64x1xi32> to vector<64x10000xi32>
      %le3A_54 = arith.cmpi sle, %le3A, %le3A_53 : vector<64x10000xi32>
      %convert_element_type3A_55 = arith.extui %le3A_54 : vector<64x10000xi1> to vector<64x10000xi32>
      %reduce_sum3A = arith.constant dense<0> : vector<64xi32>
      %reduce_sum3A_56 = vector.multi_reduction <add>, %convert_element_type3A_55, %reduce_sum3A [1] : vector<64x10000xi32> to vector<64xi32>
      %sub3A = arith.constant 1 : i32
      %sub3A_57 = vector.broadcast %sub3A : i32 to vector<64xi32>
      %sub3A_58 = arith.subi %reduce_sum3A_56, %sub3A_57 : vector<64xi32>
      %swap3A_59 = arith.constant 0 : index
      %swap3A_60 = vector.load %arg16[%swap3A_59] : memref<64xi32, #tpu.memory_space<vmem>>, vector<64xi32>
      tpu.vector_store %arg16[%swap3A_59], %sub3A_58 {strides = array<i32>} : memref<64xi32, #tpu.memory_space<vmem>>, vector<64xi32>,
    } else {
    }
    return
  }
  func.func @transform_0(%arg0: i32) -> (i32, i32) {
    %c0_i32 = arith.constant 0 : i32
    %c0_i32_0 = arith.constant 0 : i32
    return %arg0, %c0_i32 : i32, i32
  }
  func.func @transform_1(%arg0: i32) -> (i32, i32) {
    %c0_i32 = arith.constant 0 : i32
    %c0_i32_0 = arith.constant 0 : i32
    %c0_i32_1 = arith.constant 0 : i32
    return %c0_i32, %c0_i32_0 : i32, i32
  }
  func.func @transform_2(%arg0: i32) -> i32 {
    %c0_i32 = arith.constant 0 : i32
    %c0_i32_0 = arith.constant 0 : i32
    return %c0_i32 : i32
  }
  func.func @transform_3(%arg0: i32) -> i32 {
    %c0_i32 = arith.constant 0 : i32
    %c0_i32_0 = arith.constant 0 : i32
    return %c0_i32 : i32
  }
  func.func @transform_4(%arg0: i32) -> i32 {
    %c0_i32 = arith.constant 0 : i32
    %c0_i32_0 = arith.constant 0 : i32
    return %c0_i32 : i32
  }
  func.func @transform_5(%arg0: i32) -> (i32, i32) {
    %c0_i32 = arith.constant 0 : i32
    %c0_i32_0 = arith.constant 0 : i32
    return %arg0, %c0_i32 : i32, i32
  }
  func.func @transform_6(%arg0: i32) -> (i32, i32) {
    %c0_i32 = arith.constant 0 : i32
    %c0_i32_0 = arith.constant 0 : i32
    %c0_i32_1 = arith.constant 0 : i32
    return %c0_i32, %c0_i32_0 : i32, i32
  }
  func.func @transform_7(%arg0: i32) -> i32 {
    %c0_i32 = arith.constant 0 : i32
    %c0_i32_0 = arith.constant 0 : i32
    return %c0_i32 : i32
  }
  func.func @transform_8(%arg0: i32) -> i32 {
    %c0_i32 = arith.constant 0 : i32
    %c0_i32_0 = arith.constant 0 : i32
    return %c0_i32 : i32
  }
  func.func @transform_9(%arg0: i32) -> i32 {
    %c0_i32 = arith.constant 0 : i32
    %c0_i32_0 = arith.constant 0 : i32
    return %c0_i32 : i32
  }
  func.func @transform_10(%arg0: i32) -> i32 {
    %c0_i32 = arith.constant 0 : i32
    return %arg0 : i32
  }
  func.func @transform_11(%arg0: i32) -> i32 {
    %c0_i32 = arith.constant 0 : i32
    return %arg0 : i32
  }
  func.func @transform_12(%arg0: i32) -> i32 {
    %c0_i32 = arith.constant 0 : i32
    %c0_i32_0 = arith.constant 0 : i32
    return %c0_i32 : i32
  }
  func.func @transform_13(%arg0: i32) -> i32 {
    %c0_i32 = arith.constant 0 : i32
    return %arg0 : i32
  }
  func.func @transform_14(%arg0: i32) -> i32 {
    %c0_i32 = arith.constant 0 : i32
    return %arg0 : i32
  }
  func.func @transform_15(%arg0: i32) -> i32 {
    %c0_i32 = arith.constant 0 : i32
    %c0_i32_0 = arith.constant 0 : i32
    return %c0_i32 : i32
  }
}

module attributes {stable_mosaic.version = 14 : i64} {
  func.func @_post_body(%arg0: memref<2x2304x256xf32, #tpu.memory_space<vmem>>, %arg1: memref<2x64xi32, #tpu.memory_space<vmem>>, %arg2: memref<128x128xf32, #tpu.memory_space<vmem>>, %arg3: memref<128xf32, #tpu.memory_space<vmem>>, %arg4: memref<128x128xf32, #tpu.memory_space<vmem>>, %arg5: memref<128xf32, #tpu.memory_space<vmem>>, %arg6: memref<128x64xf32, #tpu.memory_space<vmem>>, %arg7: memref<64xf32, #tpu.memory_space<vmem>>, %arg8: memref<64x64xf32, #tpu.memory_space<vmem>>) attributes {dimension_semantics = [], scalar_prefetch = 0 : i64, scratch_operands = 0 : i64, tpu.core_type = #tpu.core_type<tc>} {
    %get3A = arith.constant 0 : index
    %get3A_0 = arith.constant 0 : index
    %get3A_1 = arith.constant 0 : index
    %get3A_2 = vector.load %arg0[%get3A, %get3A_0, %get3A_1] : memref<2x2304x256xf32, #tpu.memory_space<vmem>>, vector<2x2304x256xf32>
    %reshape3A = vector.shape_cast %get3A_2 : vector<2x2304x256xf32> to vector<2x32x72x256xf32>
    %get3A_3 = arith.constant 0 : index
    %get3A_4 = arith.constant 0 : index
    %get3A_5 = vector.load %arg1[%get3A_3, %get3A_4] : memref<2x64xi32, #tpu.memory_space<vmem>>, vector<2x64xi32>
    %iota3A = tpu.iota {dimensions = array<i32: 1>} : vector<64x64xi32>
    %slice3A = vector.extract_strided_slice %reshape3A {offsets = [0, 0, 64, 0], sizes = [1, 32, 1, 1], strides = [1, 1, 1, 1]} : vector<2x32x72x256xf32> to vector<1x32x1x1xf32>
    %squeeze3A = vector.shape_cast %slice3A : vector<1x32x1x1xf32> to vector<32x1x1xf32>
    %reduce_max3A = arith.constant dense<0xFF800000> : vector<1x1xf32>
    %reduce_max3A_6 = vector.multi_reduction <maximumf>, %squeeze3A, %reduce_max3A [0] : vector<32x1x1xf32> to vector<1x1xf32>
    %broadcast_in_dim3A = vector.shape_cast %reduce_max3A_6 : vector<1x1xf32> to vector<1x1x1xf32>
    %sub3A = vector.broadcast %broadcast_in_dim3A : vector<1x1x1xf32> to vector<32x1x1xf32>
    %sub3A_7 = arith.subf %squeeze3A, %sub3A : vector<32x1x1xf32>
    %exp3A = math.exp %sub3A_7 : vector<32x1x1xf32>
    %slice3A_8 = vector.extract_strided_slice %reshape3A {offsets = [0, 0, 0, 0], sizes = [1, 32, 64, 128], strides = [1, 1, 1, 1]} : vector<2x32x72x256xf32> to vector<1x32x64x128xf32>
    %squeeze3A_9 = vector.shape_cast %slice3A_8 : vector<1x32x64x128xf32> to vector<32x64x128xf32>
    %mul3A = vector.broadcast %exp3A : vector<32x1x1xf32> to vector<32x64x128xf32>
    %mul3A_10 = arith.mulf %squeeze3A_9, %mul3A : vector<32x64x128xf32>
    %reduce_sum3A = arith.constant dense<0.000000e+00> : vector<64x128xf32>
    %reduce_sum3A_11 = vector.multi_reduction <add>, %mul3A_10, %reduce_sum3A [0] : vector<32x64x128xf32> to vector<64x128xf32>
    %slice3A_12 = vector.extract_strided_slice %reshape3A {offsets = [0, 0, 0, 128], sizes = [1, 32, 64, 1], strides = [1, 1, 1, 1]} : vector<2x32x72x256xf32> to vector<1x32x64x1xf32>
    %squeeze3A_13 = vector.shape_cast %slice3A_12 : vector<1x32x64x1xf32> to vector<32x64x1xf32>
    %mul3A_14 = vector.broadcast %exp3A : vector<32x1x1xf32> to vector<32x64x1xf32>
    %mul3A_15 = arith.mulf %squeeze3A_13, %mul3A_14 : vector<32x64x1xf32>
    %reduce_sum3A_16 = arith.constant dense<0.000000e+00> : vector<64x1xf32>
    %reduce_sum3A_17 = vector.multi_reduction <add>, %mul3A_15, %reduce_sum3A_16 [0] : vector<32x64x1xf32> to vector<64x1xf32>
    %add3A = arith.constant 1.000000e-16 : f32
    %add3A_18 = vector.broadcast %add3A : f32 to vector<64x1xf32>
    %add3A_19 = arith.addf %reduce_sum3A_17, %add3A_18 : vector<64x1xf32>
    %div3A = vector.broadcast %add3A_19 : vector<64x1xf32> to vector<64x128xf32>
    %div3A_20 = arith.divf %reduce_sum3A_11, %div3A : vector<64x128xf32>
    %get3A_21 = arith.constant 0 : index
    %get3A_22 = arith.constant 0 : index
    %get3A_23 = vector.load %arg2[%get3A_21, %get3A_22] : memref<128x128xf32, #tpu.memory_space<vmem>>, vector<128x128xf32>
    %dot_general3A = arith.constant dense<0.000000e+00> : vector<64x128xf32>
    %dot_general3A_24 = tpu.matmul %div3A_20, %get3A_23, %dot_general3A {dimension_numbers = #tpu.dot_dimension_numbers<[1], [0], [0], [1], [0, 0, 1, 1], [], []>, precision = #tpu.contract_precision<fp32>, transpose_lhs_hint = false} : vector<64x128xf32>, vector<128x128xf32>, vector<64x128xf32> -> vector<64x128xf32>
    %get3A_25 = arith.constant 0 : index
    %get3A_26 = vector.load %arg3[%get3A_25] : memref<128xf32, #tpu.memory_space<vmem>>, vector<128xf32>
    %broadcast_in_dim3A_27 = vector.shape_cast %get3A_26 : vector<128xf32> to vector<1x128xf32>
    %add3A_28 = vector.broadcast %broadcast_in_dim3A_27 : vector<1x128xf32> to vector<64x128xf32>
    %add3A_29 = arith.addf %dot_general3A_24, %add3A_28 : vector<64x128xf32>
    %logistic3A = arith.negf %add3A_29 : vector<64x128xf32>
    %logistic3A_30 = math.exp %logistic3A : vector<64x128xf32>
    %logistic3A_31 = arith.constant 1.000000e+00 : f32
    %logistic3A_32 = vector.broadcast %logistic3A_31 : f32 to vector<64x128xf32>
    %logistic3A_33 = arith.addf %logistic3A_32, %logistic3A_30 : vector<64x128xf32>
    %logistic3A_34 = arith.divf %logistic3A_32, %logistic3A_33 : vector<64x128xf32>
    %slice3A_35 = vector.extract_strided_slice %get3A_5 {offsets = [0, 0], sizes = [1, 64], strides = [1, 1]} : vector<2x64xi32> to vector<1x64xi32>
    %squeeze3A_36 = vector.shape_cast %slice3A_35 : vector<1x64xi32> to vector<64xi32>
    %broadcast_in_dim3A_37 = vector.shape_cast %squeeze3A_36 : vector<64xi32> to vector<64x1xi32>
    %eq3A = vector.broadcast %broadcast_in_dim3A_37 : vector<64x1xi32> to vector<64x64xi32>
    %eq3A_38 = arith.cmpi eq, %eq3A, %iota3A : vector<64x64xi32>
    %convert_element_type3A = arith.extui %eq3A_38 : vector<64x64xi1> to vector<64x64xi32>
    %convert_element_type3A_39 = arith.sitofp %convert_element_type3A : vector<64x64xi32> to vector<64x64xf32>
    %dot_general3A_40 = arith.constant dense<0.000000e+00> : vector<64x128xf32>
    %dot_general3A_41 = tpu.matmul %convert_element_type3A_39, %logistic3A_34, %dot_general3A_40 {dimension_numbers = #tpu.dot_dimension_numbers<[1], [0], [0], [1], [0, 0, 1, 1], [], []>, transpose_lhs_hint = false} : vector<64x64xf32>, vector<64x128xf32>, vector<64x128xf32> -> vector<64x128xf32>
    %slice3A_42 = vector.extract_strided_slice %reshape3A {offsets = [1, 0, 64, 0], sizes = [1, 32, 1, 1], strides = [1, 1, 1, 1]} : vector<2x32x72x256xf32> to vector<1x32x1x1xf32>
    %squeeze3A_43 = vector.shape_cast %slice3A_42 : vector<1x32x1x1xf32> to vector<32x1x1xf32>
    %reduce_max3A_44 = arith.constant dense<0xFF800000> : vector<1x1xf32>
    %reduce_max3A_45 = vector.multi_reduction <maximumf>, %squeeze3A_43, %reduce_max3A_44 [0] : vector<32x1x1xf32> to vector<1x1xf32>
    %broadcast_in_dim3A_46 = vector.shape_cast %reduce_max3A_45 : vector<1x1xf32> to vector<1x1x1xf32>
    %sub3A_47 = vector.broadcast %broadcast_in_dim3A_46 : vector<1x1x1xf32> to vector<32x1x1xf32>
    %sub3A_48 = arith.subf %squeeze3A_43, %sub3A_47 : vector<32x1x1xf32>
    %exp3A_49 = math.exp %sub3A_48 : vector<32x1x1xf32>
    %slice3A_50 = vector.extract_strided_slice %reshape3A {offsets = [1, 0, 0, 0], sizes = [1, 32, 64, 128], strides = [1, 1, 1, 1]} : vector<2x32x72x256xf32> to vector<1x32x64x128xf32>
    %squeeze3A_51 = vector.shape_cast %slice3A_50 : vector<1x32x64x128xf32> to vector<32x64x128xf32>
    %mul3A_52 = vector.broadcast %exp3A_49 : vector<32x1x1xf32> to vector<32x64x128xf32>
    %mul3A_53 = arith.mulf %squeeze3A_51, %mul3A_52 : vector<32x64x128xf32>
    %reduce_sum3A_54 = arith.constant dense<0.000000e+00> : vector<64x128xf32>
    %reduce_sum3A_55 = vector.multi_reduction <add>, %mul3A_53, %reduce_sum3A_54 [0] : vector<32x64x128xf32> to vector<64x128xf32>
    %slice3A_56 = vector.extract_strided_slice %reshape3A {offsets = [1, 0, 0, 128], sizes = [1, 32, 64, 1], strides = [1, 1, 1, 1]} : vector<2x32x72x256xf32> to vector<1x32x64x1xf32>
    %squeeze3A_57 = vector.shape_cast %slice3A_56 : vector<1x32x64x1xf32> to vector<32x64x1xf32>
    %mul3A_58 = vector.broadcast %exp3A_49 : vector<32x1x1xf32> to vector<32x64x1xf32>
    %mul3A_59 = arith.mulf %squeeze3A_57, %mul3A_58 : vector<32x64x1xf32>
    %reduce_sum3A_60 = arith.constant dense<0.000000e+00> : vector<64x1xf32>
    %reduce_sum3A_61 = vector.multi_reduction <add>, %mul3A_59, %reduce_sum3A_60 [0] : vector<32x64x1xf32> to vector<64x1xf32>
    %add3A_62 = arith.constant 1.000000e-16 : f32
    %add3A_63 = vector.broadcast %add3A_62 : f32 to vector<64x1xf32>
    %add3A_64 = arith.addf %reduce_sum3A_61, %add3A_63 : vector<64x1xf32>
    %div3A_65 = vector.broadcast %add3A_64 : vector<64x1xf32> to vector<64x128xf32>
    %div3A_66 = arith.divf %reduce_sum3A_55, %div3A_65 : vector<64x128xf32>
    %get3A_67 = arith.constant 0 : index
    %get3A_68 = arith.constant 0 : index
    %get3A_69 = vector.load %arg4[%get3A_67, %get3A_68] : memref<128x128xf32, #tpu.memory_space<vmem>>, vector<128x128xf32>
    %dot_general3A_70 = arith.constant dense<0.000000e+00> : vector<64x128xf32>
    %dot_general3A_71 = tpu.matmul %div3A_66, %get3A_69, %dot_general3A_70 {dimension_numbers = #tpu.dot_dimension_numbers<[1], [0], [0], [1], [0, 0, 1, 1], [], []>, precision = #tpu.contract_precision<fp32>, transpose_lhs_hint = false} : vector<64x128xf32>, vector<128x128xf32>, vector<64x128xf32> -> vector<64x128xf32>
    %get3A_72 = arith.constant 0 : index
    %get3A_73 = vector.load %arg5[%get3A_72] : memref<128xf32, #tpu.memory_space<vmem>>, vector<128xf32>
    %broadcast_in_dim3A_74 = vector.shape_cast %get3A_73 : vector<128xf32> to vector<1x128xf32>
    %add3A_75 = vector.broadcast %broadcast_in_dim3A_74 : vector<1x128xf32> to vector<64x128xf32>
    %add3A_76 = arith.addf %dot_general3A_71, %add3A_75 : vector<64x128xf32>
    %logistic3A_77 = arith.negf %add3A_76 : vector<64x128xf32>
    %logistic3A_78 = math.exp %logistic3A_77 : vector<64x128xf32>
    %logistic3A_79 = arith.constant 1.000000e+00 : f32
    %logistic3A_80 = vector.broadcast %logistic3A_79 : f32 to vector<64x128xf32>
    %logistic3A_81 = arith.addf %logistic3A_80, %logistic3A_78 : vector<64x128xf32>
    %logistic3A_82 = arith.divf %logistic3A_80, %logistic3A_81 : vector<64x128xf32>
    %slice3A_83 = vector.extract_strided_slice %get3A_5 {offsets = [1, 0], sizes = [1, 64], strides = [1, 1]} : vector<2x64xi32> to vector<1x64xi32>
    %squeeze3A_84 = vector.shape_cast %slice3A_83 : vector<1x64xi32> to vector<64xi32>
    %broadcast_in_dim3A_85 = vector.shape_cast %squeeze3A_84 : vector<64xi32> to vector<64x1xi32>
    %eq3A_86 = vector.broadcast %broadcast_in_dim3A_85 : vector<64x1xi32> to vector<64x64xi32>
    %eq3A_87 = arith.cmpi eq, %eq3A_86, %iota3A : vector<64x64xi32>
    %convert_element_type3A_88 = arith.extui %eq3A_87 : vector<64x64xi1> to vector<64x64xi32>
    %convert_element_type3A_89 = arith.sitofp %convert_element_type3A_88 : vector<64x64xi32> to vector<64x64xf32>
    %dot_general3A_90 = arith.constant dense<0.000000e+00> : vector<64x128xf32>
    %dot_general3A_91 = tpu.matmul %convert_element_type3A_89, %logistic3A_82, %dot_general3A_90 {dimension_numbers = #tpu.dot_dimension_numbers<[1], [0], [0], [1], [0, 0, 1, 1], [], []>, transpose_lhs_hint = false} : vector<64x64xf32>, vector<64x128xf32>, vector<64x128xf32> -> vector<64x128xf32>
    %mul3A_92 = arith.mulf %dot_general3A_41, %dot_general3A_91 : vector<64x128xf32>
    %get3A_93 = arith.constant 0 : index
    %get3A_94 = arith.constant 0 : index
    %get3A_95 = vector.load %arg6[%get3A_93, %get3A_94] : memref<128x64xf32, #tpu.memory_space<vmem>>, vector<128x64xf32>
    %dot_general3A_96 = arith.constant dense<0.000000e+00> : vector<64x64xf32>
    %dot_general3A_97 = tpu.matmul %mul3A_92, %get3A_95, %dot_general3A_96 {dimension_numbers = #tpu.dot_dimension_numbers<[1], [0], [0], [1], [0, 0, 1, 1], [], []>, transpose_lhs_hint = false} : vector<64x128xf32>, vector<128x64xf32>, vector<64x64xf32> -> vector<64x64xf32>
    %get3A_98 = arith.constant 0 : index
    %get3A_99 = vector.load %arg7[%get3A_98] : memref<64xf32, #tpu.memory_space<vmem>>, vector<64xf32>
    %broadcast_in_dim3A_100 = vector.shape_cast %get3A_99 : vector<64xf32> to vector<1x64xf32>
    %add3A_101 = vector.broadcast %broadcast_in_dim3A_100 : vector<1x64xf32> to vector<64x64xf32>
    %add3A_102 = arith.addf %dot_general3A_97, %add3A_101 : vector<64x64xf32>
    %swap3A = arith.constant 0 : index
    %swap3A_103 = arith.constant 0 : index
    %swap3A_104 = vector.load %arg8[%swap3A, %swap3A_103] : memref<64x64xf32, #tpu.memory_space<vmem>>, vector<64x64xf32>
    tpu.vector_store %arg8[%swap3A, %swap3A_103], %add3A_102 {strides = array<i32>} : memref<64x64xf32, #tpu.memory_space<vmem>>, vector<64x64xf32>,
    return
  }
}

</mosaic_0001>

<sc_bundles>
// kernel: kernel.5.cloned.1.call-start
scs
__scs_entry_jumppad:
0x0: {  	(pc) =	sbr.rel $0x88, $3  }
0x1: {  	(tag) =	ssettag $0x0;
	lr =	simm.s32 $0x1  }
0x2: {  	[smem:$0x3F91] =	sst lr;
	_ =	strace $0xD0000000  }
0x3: {  	_ = 	snop  }
0x4: {  	_ = 	snop  }
0x5: {  	_ = 	snop  }
0x6: {  	_ = 	snop  }
0x7: {  	_ = 	snop  }
__scs_overlays_trampoline_lowered:
0x8: {  	[smem:$0x3FA0] =	sst s0  }
0x9: {  	[smem:$0x3FA1] =	sst s1  }
0xa: {  	[smem:$0x3FA2] =	sst s2  }
0xb: {  	[smem:$0x3FA3] =	sst s3  }
0xc: {  	[smem:$0x3FA4] =	sst s4  }
0xd: {  	[smem:$0x3FA5] =	sst s5  }
0xe: {  	[smem:$0x3FA6] =	sst s6  }
0xf: {  	[smem:$0x3FA7] =	sst s7  }
0x10: {  	[smem:$0x3FA8] =	sst s8  }
0x11: {  	[smem:$0x3FA9] =	sst s9;
	s0 =	simm.s32 @!p0 $0x0  }
0x12: {  	s1 =	sld [smem:$0x3F8F];
	s0 =	simm.s32 @p0 $0x1  }
0x13: {  	[smem:$0x3FAA] =	sst s0;
	s0 =	simm.s32 @!p1 $0x0  }
0x14: {  	s2 =	sld [smem:$0x3F8E];
	s0 =	simm.s32 @p1 $0x1  }
0x15: {  	[smem:$0x3FAB] =	sst s0;
	s0 =	simm.s32 @!p2 $0x0  }
0x16: {  	s3 =	sld [smem:$0x3FDB];
	s0 =	simm.s32 @p2 $0x1  }
0x17: {  	s4 =	simm.s32 $0x1BF5;
	[smem:$0x3FAD] =	sst s0  }
0x18: {  	s0 =	sld [smem:$0x3F90];
	_ =	swait.ge [sflag:s4], $0x0  }
0x19: {  	s7 =	sld [smem:$0x3F91]  }
0x1a: {  	s8 =	sadd.s32 $0xFFFFE003, lr  }
0x1b: {  	s9 =	sadd.s32 $0xFFFFFEF7, lr;
	s5 =	simm.s32 $0xFFFFFFFF;
	p2 =	slt.u32 s8, $0xFFFFF086  }
0x1c: {  	p1 =	slt.u32 s9, $0xF7A;
	s5 =	simm.s32 @!p2 $0x0  }
0x1d: {  	s5 =	simm.s32 @p1 $0x1;
	p0 =	seq.s32 s7, s2  }
0x1e: {  	s7 =	smul.u32 @!p0 $0xF7A, s2;
	p2 =	seq.s32 @!p0 s5, $0x0  }
0x1f: {  	s9 =	smul.u32 $0xF7A, s1;
	s8 =	simm.s32 @!p0 $0x1BF5;
	p2 =	por !p2, p0  }
0x20: {  	[sflag:s8] =	ssyncset.s32 @!p0 $0xFFFFF086;
	s6 =	sadd.s32 @!p0 s3, s7;
	s7 =	simm.s32 @!p0 $0x108  }
0x21: {  	s3 =	sadd.s32 s3, s9;
	s6 =	sadd.s32 @!p0 $0x88, s6;
	s7 =	simm.s32 @p2 $0x1082  }
0x22: {  	[simem:s7], [sflag:s8] =	dma.local @!p0 [hbm:s6], $0xF7A  }
0x23: {  	s9 =	sor.u32 $0xD0000000, s2;
	s6 =	simm.s32 $0x108;
	_ =	swait.ge @!p0 [sflag:s8], $0x0  }
0x24: {  	s3 =	sadd.s32 $0x88, s3;
	s6 =	simm.s32 @!p1 $0x1082;
	[sflag:s4] =	ssyncset.s32 $0xFFFFF086  }
0x25: {  	[simem:s6], [sflag:s4] =	dma.local [hbm:s3], $0xF7A  }
0x26: {  	[smem:$0x3F91] =	sst s1;
	(tag) =	ssettag s2;
	_ =	strace s9  }
0x27: {  	s1 =	sld [smem:$0x3FA1]  }
0x28: {  	s2 =	sld [smem:$0x3FA2]  }
0x29: {  	s4 =	sld [smem:$0x3FA4]  }
0x2a: {  	p0 =	seq.s32 s5, $0x0;
	s5 =	sld [smem:$0x3FA5]  }
0x2b: {  	s6 =	sld [smem:$0x3FA6]  }
0x2c: {  	s7 =	sld [smem:$0x3FA7]  }
0x2d: {  	s3 =	simm.s32 $0x108;
	s8 =	sld [smem:$0x3FA8]  }
0x2e: {  	s3 =	simm.s32 @!p0 $0x1082;
	s9 =	sld [smem:$0x3FA9]  }
0x2f: {  	lr =	sadd.s32 s0, s3;
	s0 =	sld [smem:$0x3FA0]  }
0x30: {  	s3 =	sld [smem:$0x3FA3]  }
0x31: {  	[smem:$0x3FAC] =	sst s10  }
0x32: {  	s10 =	sld [smem:$0x3FAA];
	_ =	sdelay $0x3  }
0x33: {  	p0 =	seq.s32 s10, $0x1;
	s10 =	sld [smem:$0x3FAC];
	_ =	sdelay $0x3  }
0x34: {  	[smem:$0x3FAC] =	sst s10  }
0x35: {  	s10 =	sld [smem:$0x3FAB];
	_ =	sdelay $0x3  }
0x36: {  	p1 =	seq.s32 s10, $0x1;
	s10 =	sld [smem:$0x3FAC];
	_ =	sdelay $0x3  }
0x37: {  	[smem:$0x3FAC] =	sst s10  }
0x38: {  	s10 =	sld [smem:$0x3FAD]  }
0x39: {  	_ = 	snop;
	(pc) =	sbr.ind lr, $3  }
0x3a: {  	_ = 	snop  }
0x3b: {  	_ = 	snop  }
0x3c: {  	p2 =	seq.s32 s10, $0x1;
	s10 =	sld [smem:$0x3FAC]  }
0x3d: {  	_ =	shalt  }
0x3e: {  	_ =	shalt  }
0x3f: {  	_ =	shalt  }
0x40: {  	_ =	shalt  }
0x41: {  	_ =	shalt  }
0x42: {  	_ =	shalt  }
0x43: {  	_ =	shalt  }
0x44: {  	_ =	shalt  }
0x45: {  	_ =	shalt  }
0x46: {  	_ =	shalt  }
0x47: {  	_ =	shalt  }
0x48: {  	_ =	shalt  }
0x49: {  	_ =	shalt  }
0x4a: {  	_ =	shalt  }
0x4b: {  	_ =	shalt  }
0x4c: {  	_ =	shalt  }
0x4d: {  	_ =	shalt  }
0x4e: {  	_ =	shalt  }
0x4f: {  	_ =	shalt  }
0x50: {  	_ =	shalt  }
0x51: {  	_ =	shalt  }
0x52: {  	_ =	shalt  }
0x53: {  	_ =	shalt  }
0x54: {  	_ =	shalt  }
0x55: {  	_ =	shalt  }
0x56: {  	_ =	shalt  }
0x57: {  	_ =	shalt  }
0x58: {  	_ =	shalt  }
0x59: {  	_ =	shalt  }
0x5a: {  	_ =	shalt  }
0x5b: {  	_ =	shalt  }
0x5c: {  	_ =	shalt  }
0x5d: {  	_ =	shalt  }
0x5e: {  	_ =	shalt  }
0x5f: {  	_ =	shalt  }
0x60: {  	_ =	shalt  }
0x61: {  	_ =	shalt  }
0x62: {  	_ =	shalt  }
0x63: {  	_ =	shalt  }
0x64: {  	_ =	shalt  }
0x65: {  	_ =	shalt  }
0x66: {  	_ =	shalt  }
0x67: {  	_ =	shalt  }
0x68: {  	_ =	shalt  }
0x69: {  	_ =	shalt  }
0x6a: {  	_ =	shalt  }
0x6b: {  	_ =	shalt  }
0x6c: {  	_ =	shalt  }
0x6d: {  	_ =	shalt  }
0x6e: {  	_ =	shalt  }
0x6f: {  	_ =	shalt  }
0x70: {  	_ =	shalt  }
0x71: {  	_ =	shalt  }
0x72: {  	_ =	shalt  }
0x73: {  	_ =	shalt  }
0x74: {  	_ =	shalt  }
0x75: {  	_ =	shalt  }
0x76: {  	_ =	shalt  }
0x77: {  	_ =	shalt  }
0x78: {  	_ =	shalt  }
0x79: {  	_ =	shalt  }
0x7a: {  	_ =	shalt  }
0x7b: {  	_ =	shalt  }
0x7c: {  	_ =	shalt  }
0x7d: {  	_ =	shalt  }
0x7e: {  	_ =	shalt  }
0x7f: {  	_ =	shalt  }
0x80: {  	_ =	shalt  }
0x81: {  	_ =	shalt  }
0x82: {  	_ =	shalt  }
0x83: {  	_ =	shalt  }
0x84: {  	_ =	shalt  }
0x85: {  	_ =	shalt  }
0x86: {  	_ =	shalt  }
0x87: {  	_ =	shalt  }
.Lfunc_end0:
.L_simem_size_0:
called_computation_lowered:
.L_overlay_start_0:
0x88: {  	s2 =	sld [smem:$0x3FD9]  }
0x89: {  	s3 =	sld [smem:$0x3FFE];
	_ =	sdelay $0x1  }
0x8a: {  	s1 =	srdreg.scid  }
0x8b: {  	s0 =	sand.u32 $0x1, s1  }
0x8c: {  	s17 =	sshll.u32 s0, $0xA;
	s2 =	sadd.s32 s3, s2  }
0x8d: {  	s2 =	sadd.s32 s2, s17  }
0x8e: {  	[smem:$0x3FB8] =	sst s2  }
0x8f: {  	_ = 	snop  }
0x90: {  	s2 =	sld [smem:$0x3FC9]  }
0x91: {  	s18 =	sld [smem:$0x3FC8]  }
0x92: {  	s4 =	sld [smem:$0x3FC6]  }
0x93: {  	s5 =	sld [smem:$0x3FC5]  }
0x94: {  	s6 =	sld [smem:$0x3FD0];
	(tm) =	ssettm $0x1  }
0x95: {  	s7 =	sld [smem:$0x3FFB];
	_ =	sdelay $0x3  }
0x96: {  	_ =	strace s7  }
0x97: {  	s7 =	sld [smem:$0x3FFC];
	_ =	sdelay $0x3  }
0x98: {  	_ =	strace s7  }
0x99: {  	s7 =	sld [smem:$0x3FFD];
	_ =	sdelay $0x3  }
0x9a: {  	_ =	strace s7  }
0x9b: {  	_ =	strace $0x8FFFFFFF  }
0x9c: {  	s19 =	sld [smem:$0x3FDB];
	_ =	sdelay $0x1  }
0x9d: {  	s8 =	simm.s32 $_scs_section_size  }
0x9e: {  	s9 =	simm.s32 $_size__tile_overlayer_lowered;
	s10 =	simm.s32 $_tile_overlayer_lowered  }
0x9f: {  	s22 =	simm.s32 $0x1BFF;
	s21 =	sshll.u32 s10, $0x1;
	s7 =	sadd.s32 s8, s19  }
0xa0: {  	s11 =	simm.s32 $0x0;
	s20 =	sshll.u32 s9, $0x1;
	s9 =	sadd.s32 s21, s7  }
0xa1: {  	[timem:s11], [sflag:s22] =	dma.local [hbm:s9], s20  }
0xa2: {  	_ =	swait.ge [sflag:s22], s20  }
0xa3: {  	s8 =	ssub.s32 $0x0, s20;
	[sflag:s22] =	ssyncset.done $0x0  }
0xa4: {  	[sflag:s22] =	ssyncadd.s32 s8;
	_ =	sdelay $0x1  }
0xa5: {  	s23 =	simm.s32 $0x1B8B  }
0xa6: {  	_ =	swait.ge [sflag:s23], $0x1  }
0xa7: {  	[sflag:s23] =	ssyncset.done $0x0  }
0xa8: {  	s25 =	simm.s32 $0x1B8E;
	s24 =	sld [smem:$0x3FFE];
	[sflag:s23] =	ssyncadd.s32 $0xFFFFFFFF  }
0xa9: {  	s26 =	simm.s32 $execute0_lowered;
	[smem:$0x3FD2] =	sst s25  }
0xaa: {  	s9 =	sshll.u32 s26, $0x1;
	_ =	strace $0x80000046;
	[dreg:$0x1] =	wrdreg $0xFFFFFFFF  }
0xab: {  	s28 =	simm.s32 $_size_execute0_lowered;
	s7 =	sadd.s32 s7, s9;
	[dreg:$0x0] =	wrdreg $0x0  }
0xac: {  	s9 =	sshll.u32 s28, $0x1;
	[dreg:$0x2] =	wrdreg s7  }
0xad: {  	[dreg:$0x3] =	wrdreg s9  }
0xae: {  	[dreg:$0x4] =	wrdreg $0xC0  }
0xaf: {  	_ =	task [dreg:s11], $0x5FFFF  }
0xb0: {  	[dreg:$0x1] =	wrdreg $0xFFFFFFFF  }
0xb1: {  	[dreg:$0x0] =	wrdreg $0x60  }
0xb2: {  	[dreg:$0x2] =	wrdreg s18  }
0xb3: {  	[dreg:$0x3] =	wrdreg s5  }
0xb4: {  	[dreg:$0x4] =	wrdreg s24  }
0xb5: {  	[dreg:$0x5] =	wrdreg s2  }
0xb6: {  	[dreg:$0x6] =	wrdreg s4  }
0xb7: {  	[dreg:$0x7] =	wrdreg s6  }
0xb8: {  	[dreg:$0x8] =	wrdreg $0x9  }
0xb9: {  	_ =	task.clear_ibuf [dreg:s11], $0x9FFFF;
	_ =	strace $0x90000046  }
0xba: {  	s29 =	simm.s32 $0x9;
	_ =	strace $0x80000048  }
0xbb: {  	_ =	swait.ge [sflag:s29], $0x1  }
0xbc: {  	[sflag:s29] =	ssyncadd.s32 $0xFFFFFFFF  }
0xbd: {  	_ =	strace $0x90000048  }
0xbe: {  	_ =	sfence  }
0xbf: {  	s30 =	sld [smem:$0x0];
	_ =	sdelay $0x2  }
0xc0: {  	s31 =	sshll.u32 s1, $0xD;
	s1 =	sshrl.u32 s1, $0x2  }
0xc1: {  	s3 =	sand.u32 $0x4000, s31;
	s1 =	sadd.s32 s1, s30  }
0xc2: {  	s0 =	sor.u32 s3, s0;
	s1 =	sshll.u32 s1, $0x11  }
0xc3: {  	s0 =	sor.u32 s1, s0  }
0xc4: {  	s0 =	sadd.s32 $0x8F2B, s0  }
0xc5: {  	[sflag:s0] =	ssyncadd.remote.s32 $0x1  }
0xc6: {  	_ =	sfence.sel $0xFFFF  }
0xc7: {  	[dreg:$0x0] =	wrdreg $0xFFFFFFFF;
	(pc) =	sbr.abs _section_cstart, $3  }
0xc8: {  	[dreg:$0x1] =	wrdreg $0xFFFFFFFF  }
0xc9: {  	_ =	task.clear_ibuf [dreg:s11], $0x2FFFF;
	_ =	strace $0x9FFFFFFF  }
0xca: {  	(tm) =	ssettm $0x7FFFFFFF  }
0xcb: {  	_ =	shalt  }
tec
execute0_lowered:
.L_overlay_start_1:
0x0: {  	(tag) =	ssettag $0x1  }
0x1: {  	s0 =	rddreg [dreg:$0x0]  }
0x2: {  	s1 =	rddreg [dreg:$0x1]  }
0x3: {  	s2 =	rddreg [dreg:$0x2]  }
0x4: {  	s9 =	rddreg [dreg:$0x5];
	s3 =	simm.s32 $0x0;
	s13 =	srdreg.scid  }
0x5: {  	s10 =	stileid.u32;
	[smem:$0x7FF] =	sst s3;
	s4 =	sadd.s32 $0x3600, s2  }
0x6: {  	s5 =	sadd.s32 $0x3C00, s2;
	_ =	strace $0x80000047;
	[dreg:$0x7] =	wrdreg s4  }
0x7: {  	s30 =	simm.s32 $0x1E00;
	s15 =	sadd.s32 $0x4200, s2;
	[dreg:$0x8] =	wrdreg s5  }
0x8: {  	s31 =	simm.s32 $0x1;
	s16 =	sadd.s32 $0x4800, s2;
	[dreg:$0x9] =	wrdreg s15  }
0x9: {  	s3 =	sand.u32 $0x1, s13;
	s17 =	sadd.s32 $0x4E00, s2;
	[dreg:$0xa] =	wrdreg s16  }
0xa: {  	s14 =	sshll.u32 s10, $0x1;
	s6 =	sadd.s32 $0x5000, s2;
	[dreg:$0xb] =	wrdreg s17  }
0xb: {  	s28 =	sadd.s32 $0x10, s9;
	s4 =	sor.u32 s3, s14;
	[dreg:$0xc] =	wrdreg s6  }
0xc: {  	s19 =	ssub.s32 $0x2, s3;
	s24 =	sor.u32 s3, s10;
	s18 =	smul.u32 $0x4800, s4  }
0xd: {  	[dreg:$0x14] =	wrdreg s28;
	s7 =	smul.u32 $0xA00, s4;
	s8 =	sshrl.u32 s19, $0x1  }
0xe: {  	s6 =	simm.s32 $0x11900;
	p0 =	seq.s32 s4, $0x1F;
	s20 =	ssub.s32 s19, s8  }
0xf: {  	s30 =	simm.s32 @!p0 $0x0;
	s5 =	sshrl.u32 s18, $0x3;
	s7 =	simm.s32 @p0 $0x12E80  }
0x10: {  	s29 =	smax.u32 s20, $0x1;
	s8 =	sor.u32 $0xA040, s30;
	[dreg:$0xe] =	wrdreg s30  }
0x11: {  	p0 =	sne.s32 s24, $0x0;
	s24 =	simm.s32 $0x14180;
	[dreg:$0x15] =	wrdreg s29  }
0x12: {  	s2 =	sadd.s32 s5, s2;
	s21 =	sadd.s32 s0, s7;
	[dreg:$0x16] =	wrdreg s8  }
0x13: {  	s22 =	sor.u32 $0x10, s7;
	s25 =	sadd.s32 s1, s7;
	[dreg:$0xd] =	wrdreg s21  }
.Ltmp0:
0x14: {  	s0 =	sadd.s32 s0, s22;
	[dreg:$0x11] =	wrdreg s25;
	(pc) =	sbr.rel .LBB2_1-.Ltmp0, $4  }
0x15: {  	s5 =	simm.s32 $0x2;
	s23 =	sadd.s32 $0x5200, s2;
	[dreg:$0xf] =	wrdreg s0  }
0x16: {  	v0 =	vlaneseq.u32;
	s7 =	simm.s32 $0x0;
	s1 =	sadd.s32 s1, s22;
	[dreg:$0x10] =	wrdreg s23  }
0x17: {  	v1 =	vimm.s32 $0xFFFFFFFF;
	v5 =	vimm.f32 $0.0e+00;
	vm0 =	vmmov $0x1;
	s26 =	sadd.s32 $0x17200, s2;
	s25 =	simm.s32 $0x4F00;
	[dreg:$0x12] =	wrdreg s1  }
0x18: {  	v2 =	vor.u32 $0x10, v0;
	v3 =	vor.u32 $0x20, v0;
	v4 =	vor.u32 $0x30, v0;
	s21 =	simm.s32 $0x7800;
	s22 =	simm.s32 $0xA000;
	[dreg:$0x13] =	wrdreg s26  }
.LBB2_103:
0x19: {  	s0 =	rddreg [dreg:$0x13];
	s1 =	simm.s32 $0x16A00;
	s5 =	simm.s32 $0x2  }
0x1a: {  	[hbm4b:s0+s20] =	stream.linear.scatter [tilespmem:s1], [sflag:$0x2], $0x4800, $0x38;
	[tilespmem:$0x1D200] =	vst v63  }
0x1b: {  	_ =	swait.ge [sflag:s5], $0x4800  }
0x1c: {  	s0 =	simm.s32 @!p0 $0x0;
	[sflag:s5] =	ssyncset.done $0x0  }
0x1d: {  	s1 =	simm.s32 @!p0 $0x7780;
	s2 =	rddreg [dreg:$0x14];
	[sflag:s5] =	ssyncadd.s32 $0xFFFFB800  }
0x1e: {  	[hbm4b:s2+s0] =	stream.linear.scatter @!p0 [tilespmem:s1], [sflag:$0x2], $0x80, $0x38;
	[tilespmem:$0x1D200] =	vst v63  }
0x1f: {  	s0 =	simm.s32 @!p0 $0x2  }
0x20: {  	_ =	swait.ge @!p0 [sflag:s0], $0x80  }
0x21: {  	[sflag:s0] =	ssyncset.done @!p0 $0x0  }
0x22: {  	[sflag:s0] =	ssyncadd.s32 @!p0 $0xFFFFFF80  }
0x23: {  	v6 =	vld [tilespmem:$0x7680];
	_ =	sdelay $0x7  }
0x24: {  	[tilespmem:v6+s25+$0x0] =	vst.idx.msk $0xffff, v1  }
0x25: {  	v6 =	vld [tilespmem:$0x7690];
	_ =	sdelay $0x7  }
0x26: {  	[tilespmem:v6+s25+$0x0] =	vst.idx.msk $0xffff, v1  }
0x27: {  	v6 =	vld [tilespmem:$0x76A0];
	_ =	sdelay $0x7  }
0x28: {  	[tilespmem:v6+s25+$0x0] =	vst.idx.msk $0xffff, v1  }
0x29: {  	v6 =	vld [tilespmem:$0x76B0]  }
0x2a: {  	s7 =	rddreg [dreg:$0x17]  }
0x2b: {  	s29 =	rddreg [dreg:$0x15];
	s7 =	sadd.s32 $0x1, s7  }
0x2c: {  	p1 =	sne.s32 s7, s29  }
.Ltmp1:
0x2d: {  	_ = 	snop;
	(pc) =	sbr.rel @!p1 .LBB2_104-.Ltmp1, $2  }
0x2e: {  	_ =	sdelay $0x2  }
0x2f: {  	s8 =	rddreg [dreg:$0x16];
	[tilespmem:v6+s25+$0x0] =	vst.idx.msk $0xffff, v1  }
.LBB2_1:
0x30: {  	s1 =	simm.s32 $0x100;
	s0 =	simm.s32 $0x0  }
.LBB2_2:
0x31: {  	p1 =	sne.s32 s1, $0x9B00;
	[tilespmem:s0+$0x4F30] =	vst v1;
	s2 =	smov.u32 s1;
	s1 =	sadd.s32 $0x100, s1  }
.Ltmp2:
0x32: {  	[tilespmem:s0+$0x4F20] =	vst v1;
	(pc) =	sbr.rel @p1 .LBB2_2-.Ltmp2, $3  }
0x33: {  	[tilespmem:s0+$0x4F00] =	vst v1  }
0x34: {  	[tilespmem:s0+$0x4F10] =	vst v1;
	_ =	sdelay $0x1  }
0x35: {  	s0 =	sshra.s32 s2, $0x2  }
0x36: {  	[tilespmem:s0+$0x4F30] =	vst v1  }
0x37: {  	[tilespmem:s0+$0x4F20] =	vst v1  }
0x38: {  	[tilespmem:s0+$0x4F00] =	vst v1  }
0x39: {  	[tilespmem:s0+$0x4F10] =	vst v1  }
0x3a: {  	s20 =	simm.s32 $0x0;
	s1 =	rddreg [dreg:$0x7];
	[tilespmem:$0x7600] =	vst v1  }
0x3b: {  	[tilespmem:s20], [sflag:$0x2] =	stream.linear.gather [hbm4b:s1+s20], $0x2780, $0x38;
	[tilespmem:$0x1D200] =	vst v63  }
0x3c: {  	_ =	swait.ge [sflag:s5], $0x2780  }
0x3d: {  	[sflag:s5] =	ssyncset.done $0x0  }
0x3e: {  	s2 =	simm.s32 $0x2780;
	s23 =	rddreg [dreg:$0x8];
	[sflag:s5] =	ssyncadd.s32 $0xFFFFD880  }
0x3f: {  	[tilespmem:s2], [sflag:$0x2] =	stream.linear.gather [hbm4b:s23+s20], $0x2780, $0x38;
	[tilespmem:$0x1D200] =	vst v63  }
0x40: {  	_ =	swait.ge [sflag:s5], $0x2780  }
0x41: {  	[sflag:s5] =	ssyncset.done $0x0  }
0x42: {  	s3 =	simm.s32 $0x7680;
	s26 =	rddreg [dreg:$0xb];
	[sflag:s5] =	ssyncadd.s32 $0xFFFFD880  }
0x43: {  	[tilespmem:s3], [sflag:$0x2] =	stream.linear.gather [hbm4b:s26+s20], $0x80, $0x38;
	[tilespmem:$0x1D200] =	vst v63  }
0x44: {  	_ =	swait.ge [sflag:s5], $0x80  }
0x45: {  	[sflag:s5] =	ssyncset.done $0x0  }
0x46: {  	[sflag:s5] =	ssyncadd.s32 $0xFFFFFF80  }
0x47: {  	v6 =	vld [tilespmem:$0x7680];
	_ =	sdelay $0x4  }
0x48: {  	vm1 =	vlt.s32 v6, $0x0;
	v7 =	vadd.s32 $0x2710, v6  }
0x49: {  	v6 =	vsel vm1, v7, v6;
	_ =	sdelay $0x3  }
0x4a: {  	[tilespmem:$0x7680] =	vst v6  }
0x4b: {  	[tilespmem:v6+s25+$0x0] =	vst.idx.msk $0xffff, v0  }
0x4c: {  	v6 =	vld [tilespmem:$0x7690];
	_ =	sdelay $0x4  }
0x4d: {  	vm1 =	vlt.s32 v6, $0x0;
	v7 =	vadd.s32 $0x2710, v6  }
0x4e: {  	v6 =	vsel vm1, v7, v6;
	_ =	sdelay $0x3  }
0x4f: {  	[tilespmem:$0x7690] =	vst v6  }
0x50: {  	[tilespmem:v6+s25+$0x0] =	vst.idx.msk $0xffff, v2  }
0x51: {  	v6 =	vld [tilespmem:$0x76A0];
	_ =	sdelay $0x4  }
0x52: {  	vm1 =	vlt.s32 v6, $0x0;
	v7 =	vadd.s32 $0x2710, v6  }
0x53: {  	v6 =	vsel vm1, v7, v6;
	_ =	sdelay $0x3  }
0x54: {  	[tilespmem:$0x76A0] =	vst v6  }
0x55: {  	[tilespmem:v6+s25+$0x0] =	vst.idx.msk $0xffff, v3  }
0x56: {  	v6 =	vld [tilespmem:$0x76B0];
	_ =	sdelay $0x4  }
0x57: {  	vm1 =	vlt.s32 v6, $0x0;
	v7 =	vadd.s32 $0x2710, v6  }
0x58: {  	v6 =	vsel vm1, v7, v6;
	_ =	sdelay $0x3  }
0x59: {  	[tilespmem:$0x76B0] =	vst v6  }
0x5a: {  	[tilespmem:v6+s25+$0x0] =	vst.idx.msk $0xffff, v4  }
0x5b: {  	v6 =	vld [tilespmem:$0x7680];
	_ =	sdelay $0x7  }
0x5c: {  	v7 =	vld.idx.msk [tilespmem:v6+s25+$0x0], $0xffff;
	_ =	sdelay $0x3  }
0x5d: {  	v8 =	vld [tilespmem:$0x7690]  }
0x5e: {  	[tilespmem:$0x7780] =	vst v7  }
0x5f: {  	v6 =	vld.idx.msk [tilespmem:v6+s2+$0x0], $0xffff;
	_ =	sdelay $0x4  }
0x60: {  	[tilespmem:$0x7700] =	vst v6  }
0x61: {  	v6 =	vld.idx.msk [tilespmem:v8+s25+$0x0], $0xffff;
	_ =	sdelay $0x3  }
0x62: {  	v7 =	vld [tilespmem:$0x76A0]  }
0x63: {  	[tilespmem:$0x7790] =	vst v6  }
0x64: {  	v6 =	vld.idx.msk [tilespmem:v8+s2+$0x0], $0xffff;
	_ =	sdelay $0x4  }
0x65: {  	[tilespmem:$0x7710] =	vst v6  }
0x66: {  	v6 =	vld.idx.msk [tilespmem:v7+s25+$0x0], $0xffff;
	_ =	sdelay $0x3  }
0x67: {  	v63 =	vld [tilespmem:$0x76B0]  }
0x68: {  	[tilespmem:$0x77A0] =	vst v6  }
0x69: {  	v6 =	vld.idx.msk [tilespmem:v7+s2+$0x0], $0xffff;
	_ =	sdelay $0x4  }
0x6a: {  	[tilespmem:$0x7720] =	vst v6  }
0x6b: {  	v6 =	vld.idx.msk [tilespmem:v63+s25+$0x0], $0xffff;
	_ =	sdelay $0x4  }
0x6c: {  	[tilespmem:$0x77B0] =	vst v6  }
0x6d: {  	v6 =	vld.idx.msk [tilespmem:v63+s2+$0x0], $0xffff;
	_ =	sdelay $0x3  }
0x6e: {  	s28 =	sand.u32 $0x3800, s20;
	s0 =	sand.u32 $0x380, s20  }
0x6f: {  	s1 =	sor.u32 s0, s28;
	[tilespmem:$0x7730] =	vst v6  }
0x70: {  	s0 =	sadd.s32 $0x16A00, s1;
	[tilespmem:s1+$0x16A00] =	vst v5  }
0x71: {  	[tilespmem:s0+$0x40] =	vst v5  }
0x72: {  	[tilespmem:s0+$0x50] =	vst v5  }
0x73: {  	[tilespmem:s0+$0x60] =	vst v5  }
0x74: {  	[tilespmem:s0+$0x70] =	vst v5  }
0x75: {  	[tilespmem:s0+$0x10] =	vst v5  }
0x76: {  	s29 =	simm.s32 $0x100;
	s1 =	simm.s32 $0x80;
	[tilespmem:s0+$0x20] =	vst v5  }
0x77: {  	s3 =	sand.u32 $0x3800, s29;
	s2 =	simm.s32 $0x200;
	[tilespmem:s0+$0x30] =	vst v5;
	s4 =	sand.u32 $0x380, s1  }
.LBB2_4:
0x78: {  	p1 =	sne.s32 s2, $0x3F00;
	s3 =	sor.u32 s4, s3;
	[tilespmem:s0+$0x400] =	vst v5  }
0x79: {  	s0 =	sadd.s32 $0x16A00, s3;
	[tilespmem:s3+$0x16A00] =	vst v5  }
0x7a: {  	[tilespmem:s0+$0x10] =	vst v5  }
0x7b: {  	[tilespmem:s0+$0x20] =	vst v5  }
.Ltmp3:
0x7c: {  	[tilespmem:s0+$0x30] =	vst v5;
	(pc) =	sbr.rel @p1 .LBB2_4-.Ltmp3, $4  }
0x7d: {  	[tilespmem:s0+$0x40] =	vst v5  }
0x7e: {  	[tilespmem:s0+$0x50] =	vst v5  }
0x7f: {  	s1 =	sadd.s32 $0x80, s1;
	[tilespmem:s0+$0x60] =	vst v5  }
0x80: {  	s3 =	sand.u32 $0x3800, s2;
	s4 =	sand.u32 $0x380, s1;
	s2 =	sadd.s32 $0x100, s2;
	[tilespmem:s0+$0x70] =	vst v5  }
0x81: {  	[tilespmem:s0+$0x400] =	vst v5  }
0x82: {  	s1 =	sor.u32 s4, s3;
	[tilespmem:$0x1AA00] =	vst v5  }
0x83: {  	s23 =	sadd.s32 $0x16A00, s1;
	[tilespmem:s1+$0x16A00] =	vst v5  }
0x84: {  	[tilespmem:s23+$0x10] =	vst v5  }
0x85: {  	[tilespmem:s23+$0x20] =	vst v5  }
0x86: {  	[tilespmem:s23+$0x30] =	vst v5  }
0x87: {  	[tilespmem:s23+$0x40] =	vst v5  }
0x88: {  	[tilespmem:s23+$0x50] =	vst v5  }
0x89: {  	[tilespmem:s23+$0x60] =	vst v5  }
0x8a: {  	[tilespmem:s23+$0x70] =	vst v5  }
0x8b: {  	s26 =	rddreg [dreg:$0xd];
	s28 =	simm.s32 $0x80;
	s2 =	simm.s32 $0x100;
	[tilespmem:s23+$0x400] =	vst v5  }
0x8c: {  	[tilespmem:s21], [sflag:$0x2] =	stream.strided.gather [hbm4b:s26+s28], $0x2800, s2, s28, $0x38;
	[tilespmem:$0x1D200] =	vst v63  }
0x8d: {  	_ =	swait.ge [sflag:s5], $0x2800  }
0x8e: {  	[sflag:s5] =	ssyncset.done $0x0  }
0x8f: {  	s29 =	rddreg [dreg:$0xf];
	[sflag:s5] =	ssyncadd.s32 $0xFFFFD800  }
0x90: {  	[tilespmem:s22], [sflag:$0x2] =	stream.strided.gather [hbm4b:s29+s28], $0x2800, s2, s28, $0x38;
	[tilespmem:$0x1D200] =	vst v63  }
0x91: {  	_ =	swait.ge [sflag:s5], $0x2800  }
0x92: {  	[sflag:s5] =	ssyncset.done $0x0  }
0x93: {  	p1 =	slt.u32 s30, $0x2780;
	[sflag:s5] =	ssyncadd.s32 $0xFFFFD800  }
.Ltmp4:
0x94: {  	v6 =	vld [tilespmem:s8+$0x20];
	(pc) =	sbr.rel @!p1 .LBB2_6-.Ltmp4, $4  }
0x95: {  	v7 =	vld [tilespmem:s8+$0xFFFFFFC0]  }
0x96: {  	s0 =	simm.s32 $0x0;
	s13 =	simm.s32 $0x1440;
	s9 =	sadd.s32 $0x80, s30;
	v8 =	vld [tilespmem:s8+$0xFFFFFFE0]  }
0x97: {  	p2 =	por $0x0, $0x0;
	p3 =	por $0x0, $0x0;
	v9 =	vld [tilespmem:s8+$0x0];
	[dreg:$0x18] =	wrdreg s9  }
0x98: {  	p4 =	por $0x0, $0x0;
	p5 =	por $0x0, $0x0;
	[dreg:$0x17] =	wrdreg s7  }
0x99: {  	_ =	sdelay $0x4  }
0x9a: {  	v7 =	vld.idx.msk [tilespmem:v7+s25+$0x0], $0xffff  }
0x9b: {  	v8 =	vld.idx.msk [tilespmem:v8+s25+$0x0], $0xffff  }
0x9c: {  	v9 =	vld.idx.msk [tilespmem:v9+s25+$0x0], $0xffff  }
0x9d: {  	v10 =	vld.idx.msk [tilespmem:v6+s25+$0x0], $0xffff;
	_ =	sdelay $0x1  }
0x9e: {  	vm6 =	vgt.s32 v7, $0xFFFFFFFF  }
0x9f: {  	p6 =	slt.u32 s9, $0x2780;
	v7 =	vmpcnt.ones.xlane vm6;
	vm1 =	vgt.s32 v8, $0xFFFFFFFF  }
.Ltmp5:
0xa0: {  	s29 =	sadd.s32 $0x80, s8;
	v8 =	vmpcnt.ones.xlane vm1;
	vm10 =	vgt.s32 v9, $0xFFFFFFFF;
	(pc) =	sbr.rel @!p6 .LBB2_8-.Ltmp5, $4  }
0xa1: {  	v6 =	vld [tilespmem:s29+$0x20];
	vm9 =	vgt.s32 v10, $0xFFFFFFFF;
	v9 =	vmpcnt.ones.xlane vm10;
	(v2sf) =	vpush v7, $0x0  }
0xa2: {  	v10 =	vmpcnt.ones.xlane vm9;
	v7 =	vld [tilespmem:s29+$0xFFFFFFC0];
	(v2sf) =	vpush v8, $0x0  }
0xa3: {  	v8 =	vld [tilespmem:s29+$0xFFFFFFE0];
	(v2sf) =	vpush v9, $0x0  }
0xa4: {  	s3 =	sadd.s32 $0x80, s9;
	p2 =	por $0x1, $0x1;
	vm8 =	vmmov vm1;
	v9 =	vld [tilespmem:s29+$0x0];
	(v2sf) =	vpush v10, $0x0  }
0xa5: {  	_ =	sdelay $0x5  }
0xa6: {  	v7 =	vld.idx.msk [tilespmem:v7+s25+$0x0], $0xffff  }
0xa7: {  	v8 =	vld.idx.msk [tilespmem:v8+s25+$0x0], $0xffff  }
0xa8: {  	v10 =	vld.idx.msk [tilespmem:v6+s25+$0x0], $0xffff  }
0xa9: {  	v9 =	vld.idx.msk [tilespmem:v9+s25+$0x0], $0xffff  }
0xaa: {  	v6 =	vor.u32 s30, v0  }
0xab: {  	s20 =	sadd.s32 $0x80, s29;
	[tilespmem:s0+$0xC800] =	vst.msk vm6, v6;
	vm6 =	vgt.s32 v7, $0xFFFFFFFF  }
0xac: {  	v6 =	vld [tilespmem:s20+$0x20];
	v11 =	vmpcnt.ones.xlane vm6;
	vm2 =	vgt.s32 v8, $0xFFFFFFFF  }
0xad: {  	vm1 =	vmmov vm9;
	p6 =	slt.u32 s3, $0x2780;
	v15 =	vld [tilespmem:s8+$0xFFFFFFD0];
	vm9 =	vgt.s32 v10, $0xFFFFFFFF;
	v10 =	vmpcnt.ones.xlane vm2  }
.Ltmp6:
0xae: {  	vm3 =	vmmov vm10;
	s17 =	sadd.s32 $0x20, s30;
	v7 =	vld [tilespmem:s20+$0xFFFFFFC0];
	vm10 =	vgt.s32 v9, $0xFFFFFFFF;
	s26 =	spop (v2sf);
	(v2sf) =	vpush v11, $0x0;
	(pc) =	sbr.rel @!p6 .LBB2_10-.Ltmp6, $4  }
0xaf: {  	s16 =	sadd.s32 $0x40, s30;
	v8 =	vld [tilespmem:s20+$0xFFFFFFE0];
	v12 =	vmpcnt.ones.xlane vm10;
	s0 =	sadd.s32 $0x0, s26;
	s1 =	spop (v2sf);
	(v2sf) =	vpush v10, $0x0;
	v10 =	vor.u32 s17, v0  }
0xb0: {  	s18 =	sadd.s32 $0x60, s30;
	v13 =	vmpcnt.ones.xlane vm9;
	v9 =	vld [tilespmem:s20+$0x0];
	v11 =	vor.u32 s16, v0;
	s1 =	sadd.s32 s0, s1;
	s2 =	spop (v2sf);
	[tilespmem:s0+$0xC800] =	vst.msk vm8, v10  }
0xb1: {  	(v2sf) =	vpush v12, $0x0;
	v10 =	vor.u32 s18, v0;
	[tilespmem:s1+$0xC800] =	vst.msk vm3, v11;
	s1 =	sadd.s32 s1, s2;
	s28 =	spop (v2sf);
	v19 =	vld [tilespmem:s8+$0xFFFFFFF0]  }
0xb2: {  	s10 =	sadd.s32 $0x80, s3;
	p3 =	por $0x1, $0x1;
	vm8 =	vmmov vm2;
	(v2sf) =	vpush v13, $0x0;
	v18 =	vld [tilespmem:s8+$0x10];
	[tilespmem:s1+$0xC800] =	vst.msk vm1, v10;
	s22 =	sadd.s32 s1, s28  }
0xb3: {  	_ =	sdelay $0x3  }
0xb4: {  	v10 =	vld.idx.msk [tilespmem:v6+s25+$0x0], $0xffff  }
0xb5: {  	v6 =	vld.idx.msk [tilespmem:v15+s25+$0x0], $0xffff  }
0xb6: {  	v7 =	vld.idx.msk [tilespmem:v7+s25+$0x0], $0xffff  }
0xb7: {  	v11 =	vld [tilespmem:s8+$0x30]  }
0xb8: {  	v12 =	vor.u32 s9, v0;
	v8 =	vld.idx.msk [tilespmem:v8+s25+$0x0], $0xffff  }
0xb9: {  	[tilespmem:s22+$0xC800] =	vst.msk vm6, v12;
	v9 =	vld.idx.msk [tilespmem:v9+s25+$0x0], $0xffff  }
0xba: {  	v13 =	vld [tilespmem:s29+$0xFFFFFFD0]  }
0xbb: {  	vm1 =	vmmov vm9;
	v12 =	vld.idx.msk [tilespmem:v19+s25+$0x0], $0xffff;
	vm14 =	vgt.s32 v6, $0xFFFFFFFF  }
0xbc: {  	s0 =	sadd.s32 $0x80, s20;
	vm3 =	vmmov vm10;
	v15 =	vld.idx.msk [tilespmem:v18+s25+$0x0], $0xffff;
	vm6 =	vgt.s32 v7, $0xFFFFFFFF;
	v14 =	vmpcnt.ones.xlane vm14  }
0xbd: {  	v6 =	vld [tilespmem:s0+$0x20];
	vm9 =	vgt.s32 v10, $0xFFFFFFFF;
	v16 =	vmpcnt.ones.xlane vm6;
	vm2 =	vgt.s32 v8, $0xFFFFFFFF  }
0xbe: {  	s26 =	sadd.s32 $0x20, s9;
	v7 =	vld [tilespmem:s0+$0xFFFFFFC0];
	v17 =	vmpcnt.ones.xlane vm2;
	vm10 =	vgt.s32 v9, $0xFFFFFFFF;
	(v2sf) =	vpush v14, $0x0;
	s1 =	spop (v2sf)  }
0xbf: {  	s15 =	sadd.s32 $0x40, s9;
	v8 =	vld [tilespmem:s0+$0xFFFFFFE0];
	v10 =	vmpcnt.ones.xlane vm10;
	(v2sf) =	vpush v16, $0x0;
	v16 =	vor.u32 s26, v0;
	s1 =	sadd.s32 s22, s1;
	s2 =	spop (v2sf)  }
0xc0: {  	s19 =	sadd.s32 $0x60, s9;
	v9 =	vld [tilespmem:s0+$0x0];
	v14 =	vor.u32 s15, v0;
	(v2sf) =	vpush v17, $0x0;
	s2 =	sadd.s32 s1, s2;
	[tilespmem:s1+$0xC800] =	vst.msk vm8, v16;
	s4 =	spop (v2sf)  }
0xc1: {  	(v2sf) =	vpush v10, $0x0;
	[tilespmem:s2+$0xC800] =	vst.msk vm3, v14;
	v14 =	vld.idx.msk [tilespmem:v11+s25+$0x0], $0xffff;
	v10 =	vor.u32 s19, v0;
	s2 =	sadd.s32 s2, s4  }
0xc2: {  	v17 =	vld [tilespmem:s29+$0xFFFFFFF0];
	s28 =	spop (v2sf);
	[tilespmem:s2+$0xC800] =	vst.msk vm1, v10  }
0xc3: {  	vm12 =	vgt.s32 v12, $0xFFFFFFFF;
	v16 =	vld [tilespmem:s29+$0x10];
	s22 =	sadd.s32 s2, s28;
	v10 =	vimm.s32 $0x0;
	[dreg:$0x1a] =	wrdreg s17  }
0xc4: {  	p6 =	slt.u32 s10, $0x2780;
	[dreg:$0x1b] =	wrdreg s22;
	v10 =	vsel vm12, $0xFFFFFFFF, v10  }
.Ltmp7:
0xc5: {  	[dreg:$0x1d] =	wrdreg s16;
	[tilespmem:$0x1FFD0] =	vst v10;
	v10 =	vimm.s32 $0x0;
	(pc) =	sbr.rel @!p6 .LBB2_12-.Ltmp7, $4  }
0xc6: {  	[dreg:$0x1f] =	wrdreg s18;
	v10 =	vsel vm14, $0xFFFFFFFF, v10  }
0xc7: {  	v18 =	vmpcnt.ones.xlane vm9;
	vm13 =	vgt.s32 v15, $0xFFFFFFFF;
	[smem:$0x7FA] =	sst s26;
	[tilespmem:$0x1FFE0] =	vst v10;
	v10 =	vimm.s32 $0x0  }
0xc8: {  	s12 =	sadd.s32 $0x80, s10;
	v12 =	vmpcnt.ones.xlane vm12;
	[smem:$0x7FB] =	sst s15;
	v10 =	vsel vm13, $0xFFFFFFFF, v10  }
0xc9: {  	p4 =	por $0x1, $0x1;
	s11 =	smov.u32 s9;
	vm8 =	vmmov vm2;
	v11 =	vmpcnt.ones.xlane vm13;
	(v2sf) =	vpush v18, $0x0;
	[smem:$0x7FC] =	sst s19;
	[tilespmem:$0x1FFF0] =	vst v10  }
0xca: {  	_ =	sdelay $0x3  }
0xcb: {  	v10 =	vld.idx.msk [tilespmem:v6+s25+$0x0], $0xffff;
	(v2sf) =	vpush v11, $0x0  }
0xcc: {  	v6 =	vld.idx.msk [tilespmem:v13+s25+$0x0], $0xffff;
	(v2sf) =	vpush v12, $0x0  }
0xcd: {  	v7 =	vld.idx.msk [tilespmem:v7+s25+$0x0], $0xffff  }
0xce: {  	v8 =	vld.idx.msk [tilespmem:v8+s25+$0x0], $0xffff  }
0xcf: {  	v9 =	vld.idx.msk [tilespmem:v9+s25+$0x0], $0xffff;
	vm7 =	vgt.s32 v14, $0xFFFFFFFF  }
0xd0: {  	vm2 =	vmmov vm9;
	v18 =	vld [tilespmem:s29+$0x30];
	v19 =	vmpcnt.ones.xlane vm7  }
0xd1: {  	vm4 =	vmmov vm10;
	vm1 =	vmmov vm12;
	v15 =	vor.u32 s3, v0;
	v22 =	vld.idx.msk [tilespmem:v17+s25+$0x0], $0xffff  }
0xd2: {  	v20 =	vld.idx.msk [tilespmem:v16+s25+$0x0], $0xffff;
	vm5 =	vmmov vm13;
	[tilespmem:s22+$0xC800] =	vst.msk vm6, v15;
	(v2sf) =	vpush v19, $0x0;
	vm11 =	vgt.s32 v6, $0xFFFFFFFF  }
0xd3: {  	v21 =	vor.u32 s30, v2;
	s14 =	sadd.s32 $0x80, s0;
	s2 =	sadd.s32 $0x40, s3;
	v15 =	vld [tilespmem:s20+$0xFFFFFFD0];
	s4 =	spop (v2sf);
	vm6 =	vgt.s32 v7, $0xFFFFFFFF;
	v19 =	vmpcnt.ones.xlane vm11  }
0xd4: {  	s1 =	sadd.s32 $0x20, s3;
	s21 =	sadd.s32 $0x60, s3;
	s5 =	spop (v2sf);
	v6 =	vld [tilespmem:s14+$0x20];
	vm3 =	vgt.s32 v8, $0xFFFFFFFF;
	vm9 =	vgt.s32 v10, $0xFFFFFFFF;
	v23 =	vmpcnt.ones.xlane vm6  }
0xd5: {  	p6 =	slt.u32 s12, $0x2780;
	v7 =	vld [tilespmem:s14+$0xFFFFFFC0];
	vm10 =	vgt.s32 v9, $0xFFFFFFFF;
	s7 =	sadd.s32 s22, s5;
	s30 =	spop (v2sf);
	v10 =	vmpcnt.ones.xlane vm3;
	(v2sf) =	vpush v19, $0x0  }
.Ltmp8:
0xd6: {  	p5 =	por $0x1, $0x1;
	[tilespmem:s13+$0xC800] =	vst.msk vm14, v21;
	v8 =	vld [tilespmem:s14+$0xFFFFFFE0];
	vm12 =	vgt.s32 v22, $0xFFFFFFFF;
	s5 =	sadd.s32 s7, s30;
	(v2sf) =	vpush v23, $0x0;
	v23 =	vor.u32 s2, v0;
	(pc) =	sbr.rel @!p6 .LBB2_14-.Ltmp8, $4  }
0xd7: {  	s28 =	smov.u32 s16;
	s23 =	smov.u32 s18;
	v9 =	vld [tilespmem:s14+$0x0];
	s8 =	spop (v2sf);
	v19 =	vmpcnt.ones.xlane vm10;
	(v2sf) =	vpush v10, $0x0;
	v10 =	vor.u32 s1, v0;
	[tilespmem:s5+$0xC800] =	vst.msk vm4, v23  }
0xd8: {  	s13 =	sadd.s32 $0x1440, s4;
	vm13 =	vgt.s32 v20, $0xFFFFFFFF;
	v24 =	vmpcnt.ones.xlane vm9;
	s8 =	sadd.s32 s5, s8;
	v22 =	vld.idx.msk [tilespmem:v18+s25+$0x0], $0xffff;
	s5 =	sadd.s32 $0x80, s12;
	[tilespmem:s7+$0xC800] =	vst.msk vm8, v10;
	v10 =	vor.u32 s21, v0  }
0xd9: {  	v20 =	vmpcnt.ones.xlane vm13;
	(v2sf) =	vpush v19, $0x0;
	v18 =	vld [tilespmem:s20+$0x10];
	s7 =	smov.u32 s15;
	[tilespmem:s8+$0xC800] =	vst.msk vm2, v10;
	v10 =	vor.u32 s17, v2;
	s17 =	smov.u32 s26;
	s9 =	spop (v2sf)  }
0xda: {  	v21 =	vmpcnt.ones.xlane vm12;
	vm8 =	vmmov vm3;
	v19 =	vld [tilespmem:s20+$0xFFFFFFF0];
	(v2sf) =	vpush v24, $0x0;
	s22 =	sadd.s32 s8, s9;
	s8 =	smov.u32 s11;
	s4 =	spop (v2sf)  }
.LBB2_15:
0xdb: {  	p6 =	slt.u32 s5, $0x2780;
	(v2sf) =	vpush v20, $0x0;
	s9 =	spop (v2sf);
	s11 =	smov.u32 s5  }
0xdc: {  	v23 =	vld.idx.msk [tilespmem:v6+s25+$0x0], $0xffff;
	[tilespmem:s13+$0xC800] =	vst.msk vm1, v10;
	vm2 =	vmmov vm9;
	vm3 =	vmmov vm10;
	vm1 =	vmmov vm12;
	s5 =	sadd.s32 $0x80, s5;
	s30 =	smov.u32 s17;
	s17 =	smov.u32 s1  }
0xdd: {  	v6 =	vor.u32 s10, v0;
	v10 =	vld.idx.msk [tilespmem:v15+s25+$0x0], $0xffff;
	(v2sf) =	vpush v21, $0x0;
	s1 =	sadd.s32 s13, s9;
	v15 =	vor.u32 s28, v2;
	s28 =	smov.u32 s7;
	s7 =	smov.u32 s2  }
0xde: {  	v7 =	vld.idx.msk [tilespmem:v7+s25+$0x0], $0xffff;
	[tilespmem:s1+$0xC800] =	vst.msk vm5, v15;
	s1 =	sadd.s32 s1, s4;
	v15 =	vor.u32 s23, v2;
	vm5 =	vmmov vm13;
	s23 =	smov.u32 s19;
	s19 =	smov.u32 s21  }
0xdf: {  	v8 =	vld.idx.msk [tilespmem:v8+s25+$0x0], $0xffff;
	[tilespmem:s1+$0xC800] =	vst.msk vm7, v15;
	vm7 =	vgt.s32 v22, $0xFFFFFFFF  }
0xe0: {  	v9 =	vld.idx.msk [tilespmem:v9+s25+$0x0], $0xffff;
	[tilespmem:s22+$0xC800] =	vst.msk vm6, v6;
	v6 =	vmpcnt.ones.xlane vm7  }
0xe1: {  	v20 =	vld [tilespmem:s20+$0x30];
	s2 =	spop (v2sf);
	s20 =	smov.u32 s0;
	s0 =	smov.u32 s14  }
0xe2: {  	v15 =	vor.u32 s8, v2;
	s8 =	smov.u32 s3;
	s3 =	smov.u32 s10;
	v18 =	vld.idx.msk [tilespmem:v18+s25+$0x0], $0xffff;
	(v2sf) =	vpush v6, $0x0;
	s4 =	sadd.s32 s1, s2  }
0xe3: {  	s10 =	smov.u32 s12;
	s12 =	smov.u32 s11;
	s14 =	sadd.s32 $0x80, s14;
	v19 =	vld.idx.msk [tilespmem:v19+s25+$0x0], $0xffff;
	[tilespmem:s4+$0xC800] =	vst.msk vm11, v15;
	vm11 =	vgt.s32 v10, $0xFFFFFFFF  }
0xe4: {  	vm6 =	vgt.s32 v7, $0xFFFFFFFF;
	v6 =	vld [tilespmem:s14+$0x20];
	v10 =	vmpcnt.ones.xlane vm11  }
0xe5: {  	vm9 =	vgt.s32 v23, $0xFFFFFFFF;
	v21 =	vmpcnt.ones.xlane vm6;
	vm4 =	vgt.s32 v8, $0xFFFFFFFF;
	v15 =	vld [tilespmem:s20+$0xFFFFFFD0];
	s9 =	spop (v2sf)  }
0xe6: {  	s1 =	sadd.s32 $0x20, s3;
	s2 =	sadd.s32 $0x40, s3;
	v22 =	vmpcnt.ones.xlane vm4;
	vm10 =	vgt.s32 v9, $0xFFFFFFFF;
	v7 =	vld [tilespmem:s14+$0xFFFFFFC0];
	s11 =	spop (v2sf);
	(v2sf) =	vpush v10, $0x0  }
.Ltmp9:
0xe7: {  	v10 =	vmpcnt.ones.xlane vm10;
	v8 =	vld [tilespmem:s14+$0xFFFFFFE0];
	(v2sf) =	vpush v21, $0x0;
	s11 =	sadd.s32 s22, s11;
	v21 =	vor.u32 s2, v0;
	s13 =	spop (v2sf);
	(pc) =	sbr.rel @p6 .LBB2_15-.Ltmp9, $4  }
0xe8: {  	v23 =	vmpcnt.ones.xlane vm9;
	v24 =	vor.u32 s1, v0;
	v9 =	vld [tilespmem:s14+$0x0];
	(v2sf) =	vpush v22, $0x0;
	s13 =	sadd.s32 s11, s13;
	s15 =	spop (v2sf)  }
0xe9: {  	s21 =	sadd.s32 $0x60, s3;
	vm13 =	vgt.s32 v18, $0xFFFFFFFF;
	vm12 =	vgt.s32 v19, $0xFFFFFFFF;
	(v2sf) =	vpush v10, $0x0;
	[tilespmem:s13+$0xC800] =	vst.msk vm3, v21;
	s13 =	sadd.s32 s13, s15;
	v22 =	vld.idx.msk [tilespmem:v20+s25+$0x0], $0xffff  }
0xea: {  	v10 =	vor.u32 s21, v0;
	v21 =	vmpcnt.ones.xlane vm12;
	v20 =	vmpcnt.ones.xlane vm13;
	[tilespmem:s11+$0xC800] =	vst.msk vm8, v24;
	v18 =	vld [tilespmem:s20+$0x10];
	s11 =	spop (v2sf)  }
0xeb: {  	vm8 =	vmmov vm4;
	(v2sf) =	vpush v23, $0x0;
	v19 =	vld [tilespmem:s20+$0xFFFFFFF0];
	[tilespmem:s13+$0xC800] =	vst.msk vm2, v10;
	s22 =	sadd.s32 s13, s11;
	s13 =	sadd.s32 s4, s9;
	v10 =	vor.u32 s30, v2;
	s4 =	spop (v2sf)  }
0xec: {  	s30 =	smov.u32 s20;
	[smem:$0x7FD] =	sst s3;
	s5 =	smov.u32 s10  }
0xed: {  	s9 =	smov.u32 s0;
	s20 =	smov.u32 s14;
	s3 =	smov.u32 s12  }
.LBB2_17:
0xee: {  	_ =	sdelay $0x3  }
0xef: {  	v15 =	vld.idx.msk @p3 [tilespmem:v15+s25+$0x0], $0xffff;
	vm2 =	vgt.s32 @p4 v22, $0xFFFFFFFF  }
0xf0: {  	v7 =	vld.idx.msk [tilespmem:v7+s25+$0x0], $0xffff;
	v54 =	vimm.s32 $0x0;
	(v2sf) =	vpush @p4 v20, $0x0;
	v20 =	vmpcnt.ones.xlane @p4 vm2  }
0xf1: {  	v8 =	vld.idx.msk [tilespmem:v8+s25+$0x0], $0xffff;
	v22 =	vsel vm2, $0xFFFFFFFF, v54;
	(v2sf) =	vpush @p4 v21, $0x0  }
0xf2: {  	[tilespmem:$0x1FFA0] =	vst v22;
	(v2sf) =	vpush @p4 v20, $0x0  }
0xf3: {  	v9 =	vld.idx.msk [tilespmem:v9+s25+$0x0], $0xffff  }
0xf4: {  	s14 =	spop @p5 (v2sf);
	vm2 =	vgt.s32 @p3 v15, $0xFFFFFFFF  }
0xf5: {  	v55 =	vimm.s32 $0x0;
	s16 =	spop @p5 (v2sf);
	vm4 =	vgt.s32 v7, $0xFFFFFFFF;
	v7 =	vmpcnt.ones.xlane @p3 vm2  }
0xf6: {  	v15 =	vsel vm2, $0xFFFFFFFF, v55;
	v56 =	vmpcnt.ones.xlane vm4;
	vm2 =	vgt.s32 v8, $0xFFFFFFFF;
	s0 =	spop @p4 (v2sf)  }
0xf7: {  	[tilespmem:$0x1FFB0] =	vst v15;
	v8 =	vmpcnt.ones.xlane vm2;
	(v2sf) =	vpush @p3 v7, $0x0;
	[smem:$0x7F4] =	sst s0  }
0xf8: {  	s12 =	smov.u32 @p2 s5;
	vm14 =	vgt.s32 v9, $0xFFFFFFFF;
	s0 =	spop @p2 (v2sf);
	(v2sf) =	vpush v56, $0x0;
	v9 =	vld @p3 [tilespmem:s30+$0x30]  }
0xf9: {  	v7 =	vmpcnt.ones.xlane vm14;
	s0 =	sadd.s32 @p2 s22, s0;
	s30 =	sadd.s32 @p2 $0x40, s12;
	v6 =	vld.idx.msk [tilespmem:v6+s25+$0x0], $0xffff;
	(v2sf) =	vpush v8, $0x0;
	v8 =	vor.u32 @p2 s5, v0;
	s5 =	spop @p2 (v2sf)  }
0xfa: {  	vm3 =	vmmov @p2 vm10;
	s10 =	smov.u32 @p2 s9;
	s18 =	sadd.s32 @p2 $0x20, s12;
	v18 =	vld.idx.msk @p3 [tilespmem:v18+s25+$0x0], $0xffff;
	[tilespmem:s22+$0xC800] =	vst.msk @p2 vm6, v8;
	v8 =	vor.u32 @p2 s30, v0;
	s5 =	sadd.s32 @p2 s0, s5  }
0xfb: {  	(v2sf) =	vpush v7, $0x0;
	[tilespmem:s5+$0xC800] =	vst.msk @p2 vm3, v8;
	v7 =	vld @p2 [tilespmem:s10+$0xFFFFFFD0];
	v8 =	vor.u32 @p2 s18, v0  }
0xfc: {  	[tilespmem:s0+$0xC800] =	vst.msk @p2 vm8, v8;
	v8 =	vld @p2 [tilespmem:s10+$0x10]  }
0xfd: {  	s0 =	spop @p2 (v2sf);
	v15 =	vld @p2 [tilespmem:s10+$0xFFFFFFF0]  }
0xfe: {  	s22 =	spop @p2 (v2sf)  }
0xff: {  	s15 =	sadd.s32 @p2 $0x60, s12;
	vm3 =	vmmov @p2 vm9;
	s26 =	spop @p4 (v2sf)  }
0x100: {  	s5 =	sadd.s32 @p2 s5, s0;
	vm10 =	vgt.s32 v6, $0xFFFFFFFF;
	v6 =	vor.u32 @p2 s15, v0;
	s11 =	spop @p4 (v2sf);
	v7 =	vpsel p2, v7, v13  }
0x101: {  	s29 =	smov.u32 @p2 s10;
	[tilespmem:s5+$0xC800] =	vst.msk @p2 vm3, v6;
	v13 =	vld.idx.msk @p3 [tilespmem:v19+s25+$0x0], $0xffff;
	v8 =	vpsel p2, v8, v16;
	s0 =	spop @p4 (v2sf)  }
0x102: {  	v58 =	vimm.s32 $0x0;
	vm3 =	vgt.s32 @p3 v18, $0xFFFFFFFF;
	v6 =	vpsel p2, v15, v17;
	v15 =	vld @p2 [tilespmem:s29+$0x30];
	[smem:$0x7F5] =	sst s0  }
0x103: {  	v16 =	vsel vm3, $0xFFFFFFFF, v58;
	v9 =	vld.idx.msk @p3 [tilespmem:v9+s25+$0x0], $0xffff  }
0x104: {  	s5 =	sadd.s32 @p2 s5, s22;
	s0 =	rddreg [dreg:$0x1b];
	[tilespmem:$0x1FF90] =	vst v16  }
0x105: {  	s0 =	smov.u32 @p2 s5;
	s5 =	sadd.s32 $0x40, s3;
	v7 =	vld.idx.msk @p2 [tilespmem:v7+s25+$0x0], $0xffff  }
0x106: {  	v59 =	vor.u32 s3, v0;
	s9 =	sadd.s32 $0x20, s3;
	s22 =	spop @p3 (v2sf);
	v8 =	vld.idx.msk @p2 [tilespmem:v8+s25+$0x0], $0xffff;
	[smem:$0x7F8] =	sst s5  }
0x107: {  	v62 =	vor.u32 s9, v0;
	vm2 =	vmmov vm2;
	vm15 =	vmmov vm14;
	s29 =	spop (v2sf);
	[tilespmem:s0+$0xC800] =	vst.msk vm4, v59  }
0x108: {  	v57 =	vmpcnt.ones.xlane vm10;
	v16 =	vmpcnt.ones.xlane @p3 vm3;
	v6 =	vld.idx.msk @p2 [tilespmem:v6+s25+$0x0], $0xffff;
	s10 =	sadd.s32 s0, s29;
	s29 =	spop (v2sf);
	[smem:$0x7F7] =	sst s9;
	v9 =	vpsel p3, v9, v14  }
0x109: {  	v60 =	vor.u32 s5, v0;
	s29 =	sadd.s32 s10, s29;
	[tilespmem:s10+$0xC800] =	vst.msk vm2, v62;
	vm4 =	vgt.s32 @p3 v9, $0xFFFFFFFF;
	v9 =	vimm.s32 $0x0  }
0x10a: {  	(v2sf) =	vpush v57, $0x0;
	v11 =	vpsel p3, v16, v11;
	s5 =	sadd.s32 $0x60, s3;
	v61 =	vld [tilespmem:s20+$0xFFFFFFD0];
	s10 =	spop (v2sf);
	[tilespmem:s29+$0xC800] =	vst.msk vm15, v60;
	v9 =	vsel vm4, $0xFFFFFFFF, v9  }
0x10b: {  	vm3 =	vgt.s32 @p3 v13, $0xFFFFFFFF;
	(v2sf) =	vpush @p3 v11, $0x0;
	s9 =	sadd.s32 s29, s10;
	s10 =	sadd.s32 @p5 s13, s14;
	v11 =	vld [tilespmem:s20+$0x10];
	[smem:$0x7F9] =	sst s5;
	[tilespmem:$0x1FFC0] =	vst v9  }
0x10c: {  	v13 =	vmpcnt.ones.xlane @p3 vm3;
	s4 =	sadd.s32 @p5 s10, s4;
	v63 =	vld [tilespmem:s20+$0xFFFFFFF0]  }
0x10d: {  	vm2 =	vmmov vm10;
	v9 =	vor.u32 s5, v0;
	[smem:$0x7F6] =	sst s4  }
0x10e: {  	v12 =	vpsel p3, v13, v12;
	v14 =	vld.idx.msk @p2 [tilespmem:v15+s25+$0x0], $0xffff;
	[tilespmem:s9+$0xC800] =	vst.msk vm2, v9  }
0x10f: {  	(v2sf) =	vpush @p3 v12, $0x0;
	s14 =	sadd.s32 @p5 s4, s16;
	s16 =	rddreg [dreg:$0x1a]  }
0x110: {  	s0 =	smov.u32 @p3 s1;
	v12 =	vmpcnt.ones.xlane @p3 vm4;
	vm15 =	vgt.s32 @p2 v7, $0xFFFFFFFF;
	vm14 =	vgt.s32 @p2 v8, $0xFFFFFFFF;
	v9 =	vld [tilespmem:s20+$0x30];
	s20 =	rddreg [dreg:$0x1d]  }
0x111: {  	v7 =	vmpcnt.ones.xlane @p2 vm15;
	v8 =	vmpcnt.ones.xlane @p2 vm14;
	s16 =	smov.u32 @p3 s0;
	s0 =	smov.u32 @p3 s2;
	s2 =	sld [smem:$0x7F4]  }
0x112: {  	(v2sf) =	vpush @p3 v12, $0x0;
	vm4 =	vgt.s32 @p2 v6, $0xFFFFFFFF;
	s20 =	smov.u32 @p3 s0;
	s0 =	smov.u32 @p3 s21;
	s21 =	rddreg [dreg:$0x1f]  }
0x113: {  	s5 =	simm.s32 $0x1440;
	(v2sf) =	vpush @p2 v7, $0x0;
	v7 =	vpsel p2, v8, v0;
	s21 =	smov.u32 @p3 s0;
	s0 =	sld [smem:$0x7FD];
	v8 =	vpsel p2, v14, v0  }
0x114: {  	s5 =	smov.u32 @p5 s14;
	v6 =	vmpcnt.ones.xlane @p2 vm4;
	s4 =	sld [smem:$0x7FB];
	vm10 =	vgt.s32 @p2 v8, $0xFFFFFFFF;
	v8 =	vld.idx.msk [tilespmem:v63+s25+$0x0], $0xffff  }
0x115: {  	s14 =	smov.u32 @p4 s26;
	s26 =	sld [smem:$0x7FC];
	(v2sf) =	vpush @p2 v7, $0x0;
	v7 =	vld.idx.msk [tilespmem:v61+s25+$0x0], $0xffff;
	s2 =	sadd.s32 @p4 s5, s2  }
0x116: {  	v6 =	vpsel p2, v6, v0;
	s29 =	smov.u32 @p4 s2;
	v11 =	vld.idx.msk [tilespmem:v11+s25+$0x0], $0xffff;
	s2 =	smov.u32 @p3 s0;
	s0 =	rddreg [dreg:$0xe]  }
0x117: {  	(v2sf) =	vpush @p2 v6, $0x0;
	v6 =	vmpcnt.ones.xlane @p2 vm10;
	s0 =	smov.u32 @p3 s2;
	s2 =	sld [smem:$0x7F5]  }
0x118: {  	s1 =	sld [smem:$0x7FA];
	s4 =	smov.u32 @p2 s30;
	s30 =	sadd.s32 @p4 s29, s11  }
0x119: {  	s26 =	smov.u32 @p2 s15;
	s15 =	rddreg [dreg:$0x18];
	s14 =	sadd.s32 @p4 s30, s14;
	[tilespmem:s13+$0xC800] =	vst.msk @p5 vm1, v10;
	(v2sf) =	vpush @p2 v6, $0x0;
	v6 =	vld.idx.msk [tilespmem:v9+s25+$0x0], $0xffff;
	vm2 =	vgt.s32 v8, $0xFFFFFFFF;
	v8 =	vor.u32 @p5 s28, v2  }
0x11a: {  	vm9 =	vgt.s32 v7, $0xFFFFFFFF;
	s11 =	sadd.s32 @p4 s14, s2;
	s2 =	simm.s32 $0x1440;
	[tilespmem:s10+$0xC800] =	vst.msk @p5 vm5, v8  }
0x11b: {  	s1 =	smov.u32 @p2 s18;
	s18 =	spop (v2sf);
	v7 =	vmpcnt.ones.xlane vm9;
	vm8 =	vgt.s32 v11, $0xFFFFFFFF;
	s2 =	smov.u32 @p4 s11;
	v8 =	vld [tilespmem:$0x1FFD0]  }
0x11c: {  	s11 =	sadd.s32 s9, s18;
	s18 =	smov.u32 @p2 s1;
	v9 =	vmpcnt.ones.xlane vm8;
	s1 =	sld [smem:$0x7F6]  }
0x11d: {  	vm1 =	vmmov @p4 vm12;
	(v2sf) =	vpush v7, $0x0;
	v7 =	vmpcnt.ones.xlane vm2  }
0x11e: {  	s9 =	smov.u32 @p4 s17;
	s17 =	smov.u32 @p4 s7;
	(v2sf) =	vpush v9, $0x0;
	vm6 =	vgt.s32 v6, $0xFFFFFFFF;
	v6 =	vor.u32 @p5 s23, v2  }
0x11f: {  	vm1 =	vmmov @p4 vm1;
	s7 =	sadd.s32 @p3 s2, s22;
	s22 =	smov.u32 @p2 s26;
	s26 =	spop @p3 (v2sf);
	(v2sf) =	vpush v7, $0x0;
	[tilespmem:s1+$0xC800] =	vst.msk @p5 vm7, v6;
	v6 =	vor.u32 @p4 s9, v2  }
0x120: {  	s15 =	smov.u32 @p2 s12;
	v7 =	vmpcnt.ones.xlane vm6;
	v6 =	vpsel p4, v6, v0;
	vm5 =	vnez.u8 v8  }
0x121: {  	s12 =	smov.u32 @p4 s19;
	s19 =	smov.u32 @p3 s20;
	s20 =	smov.u32 @p2 s4;
	v8 =	vor.u32 @p4 s8, v2;
	[tilespmem:s29+$0xC800] =	vst.msk @p4 vm1, v6;
	vm5 =	vmmov @p3 vm3;
	vm3 =	vmmov @p4 vm13  }
0x122: {  	s13 =	smov.u32 @p2 s15;
	s15 =	smov.u32 @p2 s20;
	s20 =	spop @p3 (v2sf);
	(v2sf) =	vpush v7, $0x0;
	v7 =	vor.u32 @p4 s17, v2;
	[tilespmem:s5+$0xC800] =	vst.msk @p4 vm11, v8;
	vm1 =	vmmov @p4 vm3  }
0x123: {  	[tilespmem:s30+$0xC800] =	vst.msk @p4 vm1, v7  }
0x124: {  	v7 =	vld [tilespmem:$0x1FFF0];
	_ =	sdelay $0x4  }
0x125: {  	vm3 =	vnez.u8 v7;
	v7 =	vld [tilespmem:$0x1FF90];
	_ =	sdelay $0x4  }
0x126: {  	vm1 =	vnez.u8 v7;
	v7 =	vld [tilespmem:$0x1FFA0];
	_ =	sdelay $0x4  }
0x127: {  	s12 =	smov.u32 @p4 s12;
	vm3 =	vmmov @p3 vm1;
	vm1 =	vnez.u8 v7  }
0x128: {  	v6 =	vor.u32 @p4 s12, v2;
	vm1 =	vmmov @p4 vm1  }
0x129: {  	[tilespmem:s14+$0xC800] =	vst.msk @p4 vm1, v6  }
0x12a: {  	v6 =	vld [tilespmem:$0x1FFE0];
	_ =	sdelay $0x4  }
0x12b: {  	vm7 =	vnez.u8 v6;
	v6 =	vld [tilespmem:$0x1FFB0];
	_ =	sdelay $0x2  }
0x12c: {  	v8 =	vor.u32 @p3 s0, v2;
	s0 =	smov.u32 @p3 s16;
	vm3 =	vmmov @p3 vm3  }
0x12d: {  	s19 =	smov.u32 @p3 s19;
	s7 =	smov.u32 @p3 s7;
	vm3 =	vmmov @p3 vm3;
	v7 =	vor.u32 @p3 s0, v2  }
0x12e: {  	s20 =	sadd.s32 @p3 s7, s20;
	vm1 =	vnez.u8 v6;
	v6 =	vpsel p3, v7, v0;
	v7 =	vor.u32 @p3 s19, v2  }
0x12f: {  	vm7 =	vmmov @p3 vm1;
	vm1 =	vmmov @p3 vm5;
	[tilespmem:s20+$0xC800] =	vst.msk @p3 vm3, v7  }
0x130: {  	[tilespmem:s2+$0xC800] =	vst.msk @p3 vm7, v8;
	vm1 =	vmmov @p3 vm1  }
0x131: {  	[tilespmem:s7+$0xC800] =	vst.msk @p3 vm1, v6  }
0x132: {  	v7 =	vld [tilespmem:$0x1FFC0]  }
0x133: {  	s18 =	smov.u32 @p2 s18;
	s8 =	smov.u32 @p3 s26  }
0x134: {  	s10 =	smov.u32 @p2 s22;
	s22 =	sadd.s32 @p3 s20, s8;
	s8 =	spop @p3 (v2sf)  }
0x135: {  	s1 =	smov.u32 @p2 s13;
	s13 =	simm.s32 $0x1440;
	s8 =	sadd.s32 @p3 s22, s8  }
0x136: {  	s12 =	smov.u32 @p2 s18;
	s13 =	smov.u32 @p3 s8;
	s8 =	spop @p2 (v2sf)  }
0x137: {  	s21 =	smov.u32 @p3 s21;
	s8 =	sadd.s32 @p2 s13, s8;
	v8 =	vor.u32 @p2 s12, v2;
	vm1 =	vmmov @p2 vm4;
	vm3 =	vnez.u8 v7  }
0x138: {  	s9 =	spop @p2 (v2sf);
	s8 =	smov.u32 @p2 s8;
	v6 =	vor.u32 @p3 s21, v2;
	vm4 =	vmmov @p2 vm15;
	vm3 =	vmmov @p3 vm3  }
0x139: {  	s4 =	smov.u32 @p2 s9;
	s9 =	spop @p2 (v2sf);
	s0 =	smov.u32 @p2 s15;
	vm1 =	vmmov @p2 vm1;
	v7 =	vor.u32 @p2 s1, v2;
	[tilespmem:s22+$0xC800] =	vst.msk @p3 vm3, v6;
	vm3 =	vmmov @p2 vm14  }
0x13a: {  	s0 =	smov.u32 @p2 s0;
	s2 =	smov.u32 @p2 s10;
	s7 =	sadd.s32 @p2 s8, s9;
	vm1 =	vmmov @p2 vm1;
	[tilespmem:s13+$0xC800] =	vst.msk @p2 vm4, v7;
	v6 =	vpsel p2, v8, v0;
	vm3 =	vmmov @p2 vm3  }
0x13b: {  	s2 =	smov.u32 @p2 s2;
	s4 =	sadd.s32 @p2 s7, s4;
	s1 =	spop @p2 (v2sf);
	[tilespmem:s8+$0xC800] =	vst.msk @p2 vm1, v6;
	v6 =	vor.u32 @p2 s0, v2;
	vm1 =	vmmov @p2 vm3  }
0x13c: {  	s28 =	simm.s32 $0x1440;
	s12 =	sadd.s32 @p2 s4, s1;
	[tilespmem:s7+$0xC800] =	vst.msk @p2 vm1, v6;
	vm1 =	vmmov @p2 vm10;
	v6 =	vor.u32 @p2 s2, v2  }
0x13d: {  	s28 =	smov.u32 @p2 s12;
	[tilespmem:s4+$0xC800] =	vst.msk @p2 vm1, v6;
	v6 =	vor.u32 s3, v2  }
0x13e: {  	[tilespmem:s28+$0xC800] =	vst.msk vm9, v6  }
0x13f: {  	s19 =	sadd.s32 $0x3F, s11;
	s29 =	sld [smem:$0x7F7]  }
0x140: {  	s20 =	sand.u32 $0x3F, s19;
	p6 =	slt.s32 s19, $0x1  }
0x141: {  	p5 =	sne.s32 s20, $0x0;
	s21 =	sshra.s32 s19, $0x1F;
	s1 =	spop (v2sf)  }
0x142: {  	s22 =	sshrl.u32 s21, $0x1A;
	p3 =	por !p6, !p5;
	s26 =	sadd.s32 s28, s1;
	vm1 =	vmmov vm2;
	v6 =	vor.u32 s29, v2  }
0x143: {  	s5 =	simm.s32 $0x1;
	s23 =	sadd.s32 s22, s19;
	p3 =	por !p3, !p3;
	[tilespmem:s26+$0xC800] =	vst.msk vm1, v6  }
0x144: {  	s0 =	sshrl.u32 s23, $0x6;
	s5 =	simm.s32 @!p3 $0x0;
	s30 =	sld [smem:$0x7F8]  }
0x145: {  	s14 =	spop (v2sf);
	s0 =	ssub.s32 s0, s5  }
0x146: {  	s15 =	spop (v2sf);
	s2 =	sshll.u32 s0, $0x6  }
0x147: {  	vm2 =	vmmov vm8;
	s3 =	sadd.s32 s26, s15;
	s0 =	sshra.s32 s2, $0x4;
	v6 =	vor.u32 s30, v2  }
0x148: {  	p3 =	slt.s32 s0, $0x1;
	[tilespmem:s3+$0xC800] =	vst.msk vm2, v6  }
.Ltmp10:
0x149: {  	s4 =	sld [smem:$0x7F9];
	(pc) =	sbr.rel @p3 .LBB2_18-.Ltmp10, $3  }
0x14a: {  	_ =	sdelay $0x1  }
0x14b: {  	s16 =	spop (v2sf);
	s3 =	sadd.s32 s3, s14;
	v6 =	vor.u32 s4, v2  }
0x14c: {  	v8 =	vmov s11;
	s10 =	sadd.s32 s3, s16;
	[tilespmem:s3+$0xC800] =	vst.msk vm6, v6  }
0x14d: {  	s3 =	simm.s32 $0xC800  }
0x14e: {  	s4 =	simm.s32 $0xF080;
	s5 =	simm.s32 $0x11900;
	s7 =	simm.s32 $0x14180  }
0x14f: {  	s8 =	simm.s32 $0x0;
	s9 =	smov.u32 s0;
	s19 =	rddreg [dreg:$0x3]  }
0x150: {  	s20 =	simm.s32 $0x0;
	s21 =	simm.s32 $0x7800;
	s22 =	simm.s32 $0xA000  }
0x151: {  	v7 =	vimm.f32 $-3.000000010e+38;
	s13 =	simm.s32 $0x7700;
	s23 =	simm.s32 $0x40;
	s26 =	simm.s32 $0x1B200  }
.LBB2_20:
0x152: {  	v6 =	vld [tilespmem:s3+$0x0];
	_ =	sdelay $0x2  }
0x153: {  	v9 =	vor.u32 s8, v0  }
0x154: {  	vm1 =	vlt.s32 v9, v8  }
0x155: {  	v6 =	vnsel vm1, $0x0, v6;
	_ =	sdelay $0x4  }
0x156: {  	v9 =	vld.idx.msk [tilespmem:v6+s22+$0x0], $0xffff;
	_ =	sdelay $0x7  }
0x157: {  	v9 =	vld.idx.msk [tilespmem:v9+s25+$0x0], $0xffff  }
0x158: {  	v6 =	vld.idx.msk [tilespmem:v6+s21+$0x0], $0xffff;
	_ =	sdelay $0x3  }
0x159: {  	v9 =	vnsel vm1, $0x0, v9;
	_ =	sdelay $0x3  }
0x15a: {  	v10 =	vld.idx.msk [tilespmem:v6+s20+$0x0], $0xffff  }
0x15b: {  	v11 =	vld.idx.msk [tilespmem:v9+s13+$0x0], $0xffff;
	_ =	sdelay $0x4  }
0x15c: {  	v10 =	vadd.f32 v11, v10  }
0x15d: {  	p2 =	sne.s32 s9, $0x1  }
.Ltmp11:
0x15e: {  	v11 =	vmul.f32 $2.000000030e-01, v10;
	(pc) =	sbr.rel @p2 .LBB2_20-.Ltmp11, $4  }
0x15f: {  	vm2 =	vge.f32 v10, $0.0e+00  }
0x160: {  	[tilespmem:s4+$0x0] =	vst v6;
	v10 =	vsel vm2, v10, v11  }
0x161: {  	s3 =	sadd.s32 $0x10, s3;
	s8 =	sadd.s32 $0x10, s8;
	s9 =	sadd.s32 $0xFFFFFFFF, s9;
	[tilespmem:s5+$0x0] =	vst v9;
	v6 =	vnsel vm1, $0xFF61B1E6, v10  }
0x162: {  	s4 =	sadd.s32 $0x10, s4;
	s5 =	sadd.s32 $0x10, s5;
	[tilespmem:s7+$0x0] =	vst v6;
	v7 =	vmax.f32 v7, v6;
	s7 =	sadd.s32 $0x10, s7  }
.Ltmp12:
0x163: {  	_ = 	snop;
	(pc) =	sbr.rel .LBB2_21-.Ltmp12, $1  }
0x164: {  	_ =	sdelay $0x3  }
.LBB2_18:
0x165: {  	s19 =	rddreg [dreg:$0x3]  }
0x166: {  	s20 =	simm.s32 $0x0;
	s21 =	simm.s32 $0x7800;
	s22 =	simm.s32 $0xA000  }
0x167: {  	v7 =	vimm.f32 $-3.000000010e+38;
	s13 =	simm.s32 $0x7700;
	s23 =	simm.s32 $0x40;
	s26 =	simm.s32 $0x1B200  }
.LBB2_21:
0x168: {  	s3 =	sadd.s32 $0xFFFFEBFF, s10  }
0x169: {  	s4 =	sand.u32 $0x3F, s3  }
0x16a: {  	s30 =	sshra.s32 s3, $0x1F;
	p4 =	slt.s32 s3, $0x1;
	p2 =	sne.s32 s4, $0x0  }
0x16b: {  	s4 =	sshrl.u32 s30, $0x1A;
	p2 =	por !p4, !p2  }
0x16c: {  	s3 =	sadd.s32 s4, s3;
	s4 =	simm.s32 $0x1;
	p2 =	por !p2, !p2  }
0x16d: {  	s3 =	sshrl.u32 s3, $0x6;
	s4 =	simm.s32 @!p2 $0x0  }
0x16e: {  	s3 =	ssub.s32 s3, s4  }
0x16f: {  	s3 =	sshll.u32 s3, $0x6  }
0x170: {  	s17 =	sadd.s32 $0x1440, s3  }
0x171: {  	s7 =	sshra.s32 s17, $0x4  }
0x172: {  	p2 =	slt.s32 s7, $0x145  }
.Ltmp13:
0x173: {  	_ = 	snop;
	(pc) =	sbr.rel @p2 .LBB2_24-.Ltmp13, $2  }
0x174: {  	_ =	sdelay $0x2  }
0x175: {  	v6 =	vmov s10  }
0x176: {  	s3 =	ssub.s32 $0x144, s7;
	s4 =	simm.s32 $0xDC40;
	s5 =	simm.s32 $0x104C0  }
0x177: {  	s8 =	simm.s32 $0x12D40;
	s9 =	simm.s32 $0x155C0;
	s12 =	simm.s32 $0x1440  }
.LBB2_23:
0x178: {  	v9 =	vld [tilespmem:s4+$0x0];
	_ =	sdelay $0x2  }
0x179: {  	v10 =	vor.u32 s12, v0  }
0x17a: {  	vm1 =	vlt.s32 v10, v6  }
0x17b: {  	v9 =	vnsel vm1, $0x0, v9;
	_ =	sdelay $0x4  }
0x17c: {  	v10 =	vld.idx.msk [tilespmem:v9+s22+$0x0], $0xffff;
	_ =	sdelay $0x7  }
0x17d: {  	v10 =	vld.idx.msk [tilespmem:v10+s25+$0x0], $0xffff  }
0x17e: {  	v9 =	vld.idx.msk [tilespmem:v9+s21+$0x0], $0xffff;
	_ =	sdelay $0x3  }
0x17f: {  	v10 =	vnsel vm1, $0x0, v10;
	_ =	sdelay $0x3  }
0x180: {  	v11 =	vld.idx.msk [tilespmem:v9+s20+$0x0], $0xffff  }
0x181: {  	v12 =	vld.idx.msk [tilespmem:v10+s13+$0x0], $0xffff;
	_ =	sdelay $0x4  }
0x182: {  	s3 =	sadd.s32 $0x1, s3;
	v11 =	vadd.f32 v12, v11  }
0x183: {  	p4 =	seq.s32 s3, $0x0  }
.Ltmp14:
0x184: {  	v12 =	vmul.f32 $2.000000030e-01, v11;
	(pc) =	sbr.rel @!p4 .LBB2_23-.Ltmp14, $4  }
0x185: {  	vm2 =	vge.f32 v11, $0.0e+00  }
0x186: {  	[tilespmem:s5+$0x0] =	vst v9;
	v11 =	vsel vm2, v11, v12  }
0x187: {  	s4 =	sadd.s32 $0x10, s4;
	s12 =	sadd.s32 $0x10, s12;
	[tilespmem:s8+$0x0] =	vst v10;
	v9 =	vnsel vm1, $0xFF61B1E6, v11  }
0x188: {  	s5 =	sadd.s32 $0x10, s5;
	s8 =	sadd.s32 $0x10, s8;
	[tilespmem:s9+$0x0] =	vst v9;
	v7 =	vmax.f32 v7, v9;
	s9 =	sadd.s32 $0x10, s9  }
.LBB2_24:
0x189: {  	(xrf0) =	vmax.scan.msk.f32 $0xffff, v7;
	_ =	sdelay $0x4  }
.Ltmp15:
0x18a: {  	_ = 	snop;
	(pc) =	sbr.rel @p3 .LBB2_31-.Ltmp15, $3  }
0x18b: {  	v7, _, _ =	vpop (xrf0)  }
0x18c: {  	v7 =	vbroadcast v7, $0xF;
	_ =	sdelay $0x1  }
0x18d: {  	[tilespmem:$0x1AA00] =	vst v7  }
0x18e: {  	p4 =	sne.s32 s0, $0x1  }
.Ltmp16:
0x18f: {  	_ = 	snop;
	(pc) =	sbr.rel @!p4 .LBB2_26-.Ltmp16, $3  }
0x190: {  	_ =	sdelay $0x1  }
0x191: {  	s3 =	simm.s32 $0x14180  }
0x192: {  	s4 =	simm.s32 $0x0;
	s0 =	sadd.s32 $0xFFFFFFFF, s0;
	p3 =	por $0x0, $0x0;
	v9 =	vld [tilespmem:s3+$0x0]  }
0x193: {  	_ =	sdelay $0x3  }
0x194: {  	v9 =	vsub.f32 v9, v7;
	_ =	sdelay $0x1  }
0x195: {  	v9 =	vmul.f32 $1.442695020e+00, v9;
	_ =	sdelay $0x1  }
0x196: {  	(erf) = vpow2.f32 v9;
	_ =	sdelay $0x5  }
0x197: {  	v9 =	vor.u32 s4, v0  }
0x198: {  	p4 =	sne.s32 s0, $0x1  }
.Ltmp17:
0x199: {  	_ = 	snop;
	(pc) =	sbr.rel @!p4 .LBB2_28-.Ltmp17, $4  }
0x19a: {  	vm1 =	vlt.s32 v9, v8;
	v9 =	vpop (erf)  }
0x19b: {  	v9 =	vnsel vm1, $0x0, v9  }
0x19c: {  	[tilespmem:s3+$0x0] =	vst v9;
	s3 =	simm.s32 $0x14190  }
0x19d: {  	s5 =	sadd.s32 $0xFFFFFFFF, s0;
	p3 =	por $0x1, $0x1;
	s0 =	simm.s32 $0x0;
	v9 =	vld [tilespmem:s3+$0x0]  }
.LBB2_29:
0x19e: {  	p4 =	sne.s32 s5, $0x1;
	_ =	sdelay $0x3  }
0x19f: {  	v9 =	vsub.f32 v9, v7;
	_ =	sdelay $0x1  }
0x1a0: {  	v9 =	vmul.f32 $1.442695020e+00, v9;
	_ =	sdelay $0x1  }
0x1a1: {  	(erf) = vpow2.f32 v9;
	_ =	sdelay $0x6  }
0x1a2: {  	s0 =	sadd.s32 $0x10, s0  }
.Ltmp18:
0x1a3: {  	v10 =	vor.u32 s0, v0;
	(pc) =	sbr.rel @p4 .LBB2_29-.Ltmp18, $4  }
0x1a4: {  	vm1 =	vlt.s32 v10, v8;
	v9 =	vpop (erf)  }
0x1a5: {  	v9 =	vnsel vm1, $0x0, v9  }
0x1a6: {  	[tilespmem:s3+$0x0] =	vst v9;
	s3 =	sadd.s32 $0x10, s3  }
0x1a7: {  	s5 =	sadd.s32 $0xFFFFFFFF, s5;
	v9 =	vld [tilespmem:s3+$0x0]  }
.LBB2_30:
0x1a8: {  	_ =	sdelay $0x3  }
0x1a9: {  	v9 =	vsub.f32 v9, v7;
	_ =	sdelay $0x1  }
0x1aa: {  	v9 =	vmul.f32 $1.442695020e+00, v9;
	_ =	sdelay $0x1  }
0x1ab: {  	(erf) = vpow2.f32 v9;
	_ =	sdelay $0x5  }
0x1ac: {  	s0 =	sadd.s32 @p3 $0x10, s0  }
0x1ad: {  	s4 =	smov.u32 @p3 s0  }
0x1ae: {  	v63 =	vor.u32 s4, v0  }
0x1af: {  	vm1 =	vlt.s32 v63, v8;
	v8 =	vpop (erf)  }
0x1b0: {  	v8 =	vnsel vm1, $0x0, v8  }
0x1b1: {  	[tilespmem:s3+$0x0] =	vst v8  }
.LBB2_31:
0x1b2: {  	s0 =	sshra.s32 s2, $0x6  }
0x1b3: {  	p3 =	sgt.s32 s0, $0x0  }
.Ltmp19:
0x1b4: {  	_ = 	snop;
	(pc) =	sbr.rel @p3 .LBB2_40-.Ltmp19, $2  }
0x1b5: {  	_ =	sdelay $0x2  }
0x1b6: {  	s2 =	simm.s32 $0x0;
	s4 =	smov.u32 s11;
	s8 =	simm.s32 $0x0  }
.LBB2_32:
.Ltmp20:
0x1b7: {  	(pc) =	sbr.rel @p2 .LBB2_35-.Ltmp20, $1  }
0x1b8: {  	_ =	sdelay $0x3  }
0x1b9: {  	s3 =	simm.s32 $0x155C0  }
0x1ba: {  	v8 =	vld [tilespmem:s3+$0x0];
	_ =	sdelay $0x4  }
0x1bb: {  	v8 =	vsub.f32 v8, v7;
	_ =	sdelay $0x1  }
0x1bc: {  	v8 =	vmul.f32 $1.442695020e+00, v8;
	_ =	sdelay $0x1  }
0x1bd: {  	(erf) = vpow2.f32 v8;
	_ =	sdelay $0x3  }
0x1be: {  	s2 =	ssub.s32 $0x144, s7  }
0x1bf: {  	s0 =	simm.s32 $0x1440;
	s2 =	sadd.s32 $0x1, s2  }
0x1c0: {  	p2 =	seq.s32 s2, $0x0;
	v8 =	vor.u32 s0, v0  }
.Ltmp21:
0x1c1: {  	_ = 	snop;
	(pc) =	sbr.rel @p2 .LBB2_35-.Ltmp21, $4  }
0x1c2: {  	_ = 	snop  }
0x1c3: {  	vm1 =	vlt.s32 v8, v6;
	v8 =	vpop (erf)  }
0x1c4: {  	v8 =	vnsel vm1, $0x0, v8  }
0x1c5: {  	[tilespmem:s3+$0x0] =	vst v8;
	s3 =	simm.s32 $0x155D0  }
.LBB2_34:
0x1c6: {  	v8 =	vld [tilespmem:s3+$0x0];
	s2 =	sadd.s32 $0x1, s2  }
0x1c7: {  	p2 =	seq.s32 s2, $0x0;
	_ =	sdelay $0x3  }
0x1c8: {  	v8 =	vsub.f32 v8, v7;
	_ =	sdelay $0x1  }
0x1c9: {  	v8 =	vmul.f32 $1.442695020e+00, v8;
	_ =	sdelay $0x1  }
0x1ca: {  	(erf) = vpow2.f32 v8;
	_ =	sdelay $0x6  }
.Ltmp22:
0x1cb: {  	s0 =	sadd.s32 $0x10, s0;
	(pc) =	sbr.rel @!p2 .LBB2_34-.Ltmp22, $4  }
0x1cc: {  	v9 =	vor.u32 s0, v0  }
0x1cd: {  	vm1 =	vlt.s32 v9, v6;
	v8 =	vpop (erf)  }
0x1ce: {  	v8 =	vnsel vm1, $0x0, v8  }
0x1cf: {  	[tilespmem:s3+$0x0] =	vst v8;
	s3 =	sadd.s32 $0x10, s3  }
.LBB2_35:
0x1d0: {  	s0 =	sshra.s32 s17, $0x6  }
0x1d1: {  	p2 =	slt.s32 s0, $0x52  }
.Ltmp23:
0x1d2: {  	_ = 	snop;
	(pc) =	sbr.rel @p2 .LBB2_53-.Ltmp23, $2  }
0x1d3: {  	_ =	sdelay $0x2  }
0x1d4: {  	s17 =	rddreg [dreg:$0xe]  }
.Ltmp24:
0x1d5: {  	s1 =	sadd.s32 s15, s1;
	(pc) =	sbr.rel .LBB2_37-.Ltmp24, $4  }
0x1d6: {  	s1 =	sadd.s32 s14, s1  }
0x1d7: {  	s1 =	sadd.s32 s16, s1  }
0x1d8: {  	s1 =	sadd.s32 s28, s1  }
0x1d9: {  	s2 =	simm.s32 $0x51;
	s4 =	simm.s32 $0x1440;
	s1 =	sadd.s32 $0xFFFFEBC0, s1  }
.LBB2_42:
0x1da: {  	s3 =	simm.s32 $0x1B240  }
.LBB2_46:
0x1db: {  	_ =	sdelay $0x2  }
0x1dc: {  	[tilespmem:s13+$0x0] =	vst.add.f32.msk @p3 $0xffff, v9  }
0x1dd: {  	v9 =	vld.idx.msk [tilespmem:v8+s6+$0x0], $0xffff;
	_ =	sdelay $0x4  }
0x1de: {  	(v2sf) =	vpush v9, $0x0;
	_ =	sdelay $0xd  }
0x1df: {  	v8 =	vld.idx.msk [tilespmem:v8+s24+$0x0], $0xffff  }
0x1e0: {  	s5 =	spop (v2sf)  }
0x1e1: {  	s12 =	sshll.u32 s5, $0x8;
	s5 =	sshll.u32 s5, $0x7  }
0x1e2: {  	s12 =	sand.u32 $0xFFFFF800, s12;
	s5 =	sand.u32 $0x380, s5  }
0x1e3: {  	s5 =	sor.u32 s5, s12  }
0x1e4: {  	s3 =	sadd.s32 @p3 $0x80, s3;
	v63 =	vnsel vm0, $0x0, v8;
	s12 =	sadd.s32 $0x16A00, s5  }
0x1e5: {  	s9 =	smov.u32 @p3 s3;
	[tilespmem:s12+$0x400] =	vst.add.f32.msk $0xffff, v63  }
0x1e6: {  	v9 =	vld [tilespmem:s9+$0xFFFFFFC0];
	_ =	sdelay $0x4  }
0x1e7: {  	v9 =	vmul.f32 v9, v8;
	_ =	sdelay $0x1  }
0x1e8: {  	[tilespmem:s5+$0x16A00] =	vst.add.f32.msk $0xffff, v9  }
0x1e9: {  	v9 =	vld [tilespmem:s9+$0xFFFFFFD0];
	_ =	sdelay $0x4  }
0x1ea: {  	v9 =	vmul.f32 v9, v8  }
0x1eb: {  	s29 =	sor.u32 $0x10, s12  }
0x1ec: {  	[tilespmem:s29+$0x0] =	vst.add.f32.msk $0xffff, v9  }
0x1ed: {  	v9 =	vld [tilespmem:s9+$0xFFFFFFE0];
	_ =	sdelay $0x4  }
0x1ee: {  	v9 =	vmul.f32 v9, v8  }
0x1ef: {  	s30 =	sor.u32 $0x20, s12  }
0x1f0: {  	[tilespmem:s30+$0x0] =	vst.add.f32.msk $0xffff, v9  }
0x1f1: {  	v9 =	vld [tilespmem:s9+$0xFFFFFFF0];
	_ =	sdelay $0x4  }
0x1f2: {  	v9 =	vmul.f32 v9, v8  }
0x1f3: {  	s5 =	sor.u32 $0x30, s12  }
0x1f4: {  	[tilespmem:s5+$0x0] =	vst.add.f32.msk $0xffff, v9  }
0x1f5: {  	v9 =	vld [tilespmem:s9+$0x0];
	_ =	sdelay $0x4  }
0x1f6: {  	v9 =	vmul.f32 v9, v8  }
0x1f7: {  	s13 =	sor.u32 $0x40, s12  }
0x1f8: {  	[tilespmem:s13+$0x0] =	vst.add.f32.msk $0xffff, v9  }
0x1f9: {  	v9 =	vld [tilespmem:s9+$0x10];
	_ =	sdelay $0x4  }
0x1fa: {  	v9 =	vmul.f32 v9, v8  }
0x1fb: {  	s18 =	sor.u32 $0x50, s12  }
0x1fc: {  	[tilespmem:s18+$0x0] =	vst.add.f32.msk $0xffff, v9  }
0x1fd: {  	v9 =	vld [tilespmem:s9+$0x20];
	_ =	sdelay $0x4  }
0x1fe: {  	v9 =	vmul.f32 v9, v8  }
0x1ff: {  	s29 =	sor.u32 $0x60, s12  }
0x200: {  	[tilespmem:s29+$0x0] =	vst.add.f32.msk $0xffff, v9  }
0x201: {  	v9 =	vld [tilespmem:s9+$0x30];
	_ =	sdelay $0x4  }
0x202: {  	v8 =	vmul.f32 v9, v8  }
0x203: {  	s30 =	sor.u32 $0x70, s12  }
0x204: {  	[tilespmem:s30+$0x0] =	vst.add.f32.msk $0xffff, v8  }
.LBB2_47:
0x205: {  	s8 =	sadd.s32 $0x1, s8  }
0x206: {  	p3 =	seq.s32 s8, s0  }
.Ltmp25:
0x207: {  	_ = 	snop;
	(pc) =	sbr.rel @p3 .LBB2_32-.Ltmp25, $2  }
0x208: {  	_ =	sdelay $0x2  }
0x209: {  	s4 =	sadd.s32 $0xFFFFFFC0, s4;
	s2 =	sadd.s32 $0x40, s2  }
.LBB2_40:
0x20a: {  	s3 =	sshll.u32 s8, $0x6  }
0x20b: {  	s5 =	sadd.s32 $0xF080, s3;
	s3 =	ssub.s32 s11, s3  }
0x20c: {  	p3 =	slt.s32 s3, $0x1  }
.Ltmp26:
0x20d: {  	_ = 	snop;
	(pc) =	sbr.rel @p3 .LBB2_47-.Ltmp26, $4  }
0x20e: {  	[tilespmem:s26], [sflag:$0x1] =	stream.indirect.gather [hbm4b:s19+s23], $0x80, s5, s23, $0xb8;
	[tilespmem:$0x1D200] =	vst v63  }
0x20f: {  	_ =	swait.ge [sflag:s31], $0x2000  }
0x210: {  	[sflag:s31] =	ssyncset.done $0x0  }
0x211: {  	[sflag:s31] =	ssyncadd.s32 $0xFFFFE000  }
0x212: {  	p3 =	sgt.s32 s4, $0x1;
	s3 =	smov.u32 s4  }
0x213: {  	s3 =	simm.s32 @!p3 $0x1  }
0x214: {  	s3 =	smin.u32 s3, $0x40  }
0x215: {  	p4 =	sne.s32 s3, $0x1  }
.Ltmp27:
0x216: {  	_ = 	snop;
	(pc) =	sbr.rel @!p4 .LBB2_42-.Ltmp27, $2  }
0x217: {  	_ =	sdelay $0x2  }
0x218: {  	s9 =	simm.s32 $0x1B240;
	v8 =	vmov s2;
	p3 =	por $0x0, $0x0;
	s3 =	sadd.s32 $0xFFFFFFFF, s3  }
0x219: {  	_ =	sdelay $0x3  }
0x21a: {  	v9 =	vld.idx.msk [tilespmem:v8+s6+$0x0], $0xffff;
	_ =	sdelay $0x4  }
0x21b: {  	(v2sf) =	vpush v9, $0x0;
	_ =	sdelay $0xd  }
0x21c: {  	v9 =	vld.idx.msk [tilespmem:v8+s24+$0x0], $0xffff  }
0x21d: {  	s5 =	spop (v2sf)  }
0x21e: {  	s12 =	sshll.u32 s5, $0x8;
	s5 =	sshll.u32 s5, $0x7  }
0x21f: {  	s12 =	sand.u32 $0xFFFFF800, s12;
	s5 =	sand.u32 $0x380, s5  }
0x220: {  	s5 =	sor.u32 s5, s12  }
0x221: {  	v8 =	vnsel vm0, $0x0, v9;
	s13 =	sadd.s32 $0x16A00, s5  }
0x222: {  	[tilespmem:s13+$0x400] =	vst.add.f32.msk $0xffff, v8  }
0x223: {  	v8 =	vld [tilespmem:s9+$0xFFFFFFC0];
	_ =	sdelay $0x4  }
0x224: {  	v8 =	vmul.f32 v8, v9;
	_ =	sdelay $0x1  }
0x225: {  	[tilespmem:s5+$0x16A00] =	vst.add.f32.msk $0xffff, v8  }
0x226: {  	v8 =	vld [tilespmem:s9+$0xFFFFFFD0];
	_ =	sdelay $0x4  }
0x227: {  	v8 =	vmul.f32 v8, v9  }
0x228: {  	s29 =	sor.u32 $0x10, s13  }
0x229: {  	[tilespmem:s29+$0x0] =	vst.add.f32.msk $0xffff, v8  }
0x22a: {  	v8 =	vld [tilespmem:s9+$0xFFFFFFE0];
	_ =	sdelay $0x4  }
0x22b: {  	v8 =	vmul.f32 v8, v9  }
0x22c: {  	s30 =	sor.u32 $0x20, s13  }
0x22d: {  	[tilespmem:s30+$0x0] =	vst.add.f32.msk $0xffff, v8  }
0x22e: {  	v8 =	vld [tilespmem:s9+$0xFFFFFFF0];
	_ =	sdelay $0x4  }
0x22f: {  	v8 =	vmul.f32 v8, v9  }
0x230: {  	s12 =	sor.u32 $0x30, s13  }
0x231: {  	[tilespmem:s12+$0x0] =	vst.add.f32.msk $0xffff, v8  }
0x232: {  	v8 =	vld [tilespmem:s9+$0x0];
	_ =	sdelay $0x4  }
0x233: {  	v8 =	vmul.f32 v8, v9  }
0x234: {  	s18 =	sor.u32 $0x40, s13  }
0x235: {  	[tilespmem:s18+$0x0] =	vst.add.f32.msk $0xffff, v8  }
0x236: {  	v8 =	vld [tilespmem:s9+$0x10];
	_ =	sdelay $0x4  }
0x237: {  	v8 =	vmul.f32 v8, v9  }
0x238: {  	s29 =	sor.u32 $0x50, s13  }
0x239: {  	[tilespmem:s29+$0x0] =	vst.add.f32.msk $0xffff, v8  }
0x23a: {  	v8 =	vld [tilespmem:s9+$0x20];
	_ =	sdelay $0x4  }
0x23b: {  	v8 =	vmul.f32 v8, v9  }
0x23c: {  	s30 =	sor.u32 $0x60, s13  }
0x23d: {  	[tilespmem:s30+$0x0] =	vst.add.f32.msk $0xffff, v8  }
0x23e: {  	v10 =	vld [tilespmem:s9+$0x30]  }
0x23f: {  	p4 =	sne.s32 s3, $0x1  }
.Ltmp28:
0x240: {  	s12 =	sadd.s32 $0x1, s2;
	(pc) =	sbr.rel @!p4 .LBB2_44-.Ltmp28, $3  }
0x241: {  	v8 =	vmov s12;
	_ =	sdelay $0x1  }
0x242: {  	p3 =	por $0x1, $0x1;
	v9 =	vmul.f32 v10, v9  }
0x243: {  	s5 =	sadd.s32 $0xFFFFFFFF, s3;
	s3 =	simm.s32 $0x1B240;
	s13 =	sor.u32 $0x70, s13  }
.LBB2_45:
0x244: {  	p4 =	sne.s32 s5, $0x1;
	s5 =	sadd.s32 $0xFFFFFFFF, s5;
	[tilespmem:s13+$0x0] =	vst.add.f32.msk $0xffff, v9;
	s3 =	sadd.s32 $0x80, s3  }
0x245: {  	v9 =	vld.idx.msk [tilespmem:v8+s6+$0x0], $0xffff;
	_ =	sdelay $0x5  }
0x246: {  	(v2sf) =	vpush v9, $0x0;
	_ =	sdelay $0xc  }
0x247: {  	v9 =	vld.idx.msk [tilespmem:v8+s24+$0x0], $0xffff;
	_ =	sdelay $0x1  }
0x248: {  	s13 =	spop (v2sf)  }
0x249: {  	s18 =	sshll.u32 s13, $0x8;
	s13 =	sshll.u32 s13, $0x7  }
0x24a: {  	s18 =	sand.u32 $0xFFFFF800, s18;
	s13 =	sand.u32 $0x380, s13  }
0x24b: {  	s18 =	sor.u32 s13, s18  }
0x24c: {  	v8 =	vnsel vm0, $0x0, v9;
	s13 =	sadd.s32 $0x16A00, s18  }
0x24d: {  	[tilespmem:s13+$0x400] =	vst.add.f32.msk $0xffff, v8  }
0x24e: {  	v8 =	vld [tilespmem:s3+$0xFFFFFFC0];
	_ =	sdelay $0x4  }
0x24f: {  	v8 =	vmul.f32 v8, v9;
	_ =	sdelay $0x1  }
0x250: {  	[tilespmem:s18+$0x16A00] =	vst.add.f32.msk $0xffff, v8  }
0x251: {  	v8 =	vld [tilespmem:s3+$0xFFFFFFD0];
	_ =	sdelay $0x4  }
0x252: {  	v8 =	vmul.f32 v8, v9  }
0x253: {  	s18 =	sor.u32 $0x10, s13  }
0x254: {  	[tilespmem:s18+$0x0] =	vst.add.f32.msk $0xffff, v8  }
0x255: {  	v8 =	vld [tilespmem:s3+$0xFFFFFFE0];
	_ =	sdelay $0x4  }
0x256: {  	v8 =	vmul.f32 v8, v9  }
0x257: {  	s18 =	sor.u32 $0x20, s13  }
0x258: {  	[tilespmem:s18+$0x0] =	vst.add.f32.msk $0xffff, v8  }
0x259: {  	v8 =	vld [tilespmem:s3+$0xFFFFFFF0];
	_ =	sdelay $0x4  }
0x25a: {  	v8 =	vmul.f32 v8, v9  }
0x25b: {  	s18 =	sor.u32 $0x30, s13  }
0x25c: {  	[tilespmem:s18+$0x0] =	vst.add.f32.msk $0xffff, v8  }
0x25d: {  	v8 =	vld [tilespmem:s3+$0x0];
	_ =	sdelay $0x4  }
0x25e: {  	v8 =	vmul.f32 v8, v9  }
0x25f: {  	s18 =	sor.u32 $0x40, s13  }
0x260: {  	[tilespmem:s18+$0x0] =	vst.add.f32.msk $0xffff, v8  }
0x261: {  	v8 =	vld [tilespmem:s3+$0x10];
	_ =	sdelay $0x4  }
0x262: {  	v8 =	vmul.f32 v8, v9  }
0x263: {  	s18 =	sor.u32 $0x50, s13  }
0x264: {  	[tilespmem:s18+$0x0] =	vst.add.f32.msk $0xffff, v8  }
0x265: {  	v8 =	vld [tilespmem:s3+$0x20];
	_ =	sdelay $0x4  }
0x266: {  	v8 =	vmul.f32 v8, v9  }
0x267: {  	s18 =	sor.u32 $0x60, s13  }
0x268: {  	[tilespmem:s18+$0x0] =	vst.add.f32.msk $0xffff, v8  }
0x269: {  	v10 =	vld [tilespmem:s3+$0x30];
	_ =	sdelay $0x1  }
.Ltmp29:
0x26a: {  	s12 =	sadd.s32 $0x1, s12;
	(pc) =	sbr.rel @p4 .LBB2_45-.Ltmp29, $3  }
0x26b: {  	v8 =	vmov s12;
	_ =	sdelay $0x1  }
0x26c: {  	v9 =	vmul.f32 v10, v9  }
0x26d: {  	s13 =	sor.u32 $0x70, s13  }
.Ltmp30:
0x26e: {  	_ = 	snop;
	(pc) =	sbr.rel .LBB2_46-.Ltmp30, $1  }
0x26f: {  	_ =	sdelay $0x3  }
.LBB2_44:
.Ltmp31:
0x270: {  	(pc) =	sbr.rel .LBB2_46-.Ltmp31, $2  }
0x271: {  	_ =	sdelay $0x2  }
0x272: {  	s3 =	simm.s32 $0x1B240  }
.LBB2_39:
0x273: {  	s3 =	simm.s32 $0x1B240  }
.LBB2_51:
0x274: {  	_ =	sdelay $0x2  }
0x275: {  	[tilespmem:s9+$0x0] =	vst.add.f32.msk @p2 $0xffff, v7  }
0x276: {  	v7 =	vld.idx.msk [tilespmem:v6+s6+$0x0], $0xffff;
	_ =	sdelay $0x4  }
0x277: {  	(v2sf) =	vpush v7, $0x0;
	_ =	sdelay $0xd  }
0x278: {  	v6 =	vld.idx.msk [tilespmem:v6+s24+$0x0], $0xffff  }
0x279: {  	s5 =	spop (v2sf)  }
0x27a: {  	s8 =	sshll.u32 s5, $0x8;
	s5 =	sshll.u32 s5, $0x7  }
0x27b: {  	s8 =	sand.u32 $0xFFFFF800, s8;
	s5 =	sand.u32 $0x380, s5  }
0x27c: {  	s5 =	sor.u32 s5, s8  }
0x27d: {  	s3 =	sadd.s32 @p2 $0x80, s3;
	v7 =	vnsel vm0, $0x0, v6;
	s8 =	sadd.s32 $0x16A00, s5  }
0x27e: {  	s7 =	smov.u32 @p2 s3;
	[tilespmem:s8+$0x400] =	vst.add.f32.msk $0xffff, v7  }
0x27f: {  	v7 =	vld [tilespmem:s7+$0xFFFFFFC0];
	_ =	sdelay $0x4  }
0x280: {  	v7 =	vmul.f32 v7, v6;
	_ =	sdelay $0x1  }
0x281: {  	[tilespmem:s5+$0x16A00] =	vst.add.f32.msk $0xffff, v7  }
0x282: {  	v7 =	vld [tilespmem:s7+$0xFFFFFFD0];
	_ =	sdelay $0x4  }
0x283: {  	v7 =	vmul.f32 v7, v6  }
0x284: {  	s14 =	sor.u32 $0x10, s8  }
0x285: {  	[tilespmem:s14+$0x0] =	vst.add.f32.msk $0xffff, v7  }
0x286: {  	v7 =	vld [tilespmem:s7+$0xFFFFFFE0];
	_ =	sdelay $0x4  }
0x287: {  	v7 =	vmul.f32 v7, v6  }
0x288: {  	s15 =	sor.u32 $0x20, s8  }
0x289: {  	[tilespmem:s15+$0x0] =	vst.add.f32.msk $0xffff, v7  }
0x28a: {  	v7 =	vld [tilespmem:s7+$0xFFFFFFF0];
	_ =	sdelay $0x4  }
0x28b: {  	v7 =	vmul.f32 v7, v6  }
0x28c: {  	s16 =	sor.u32 $0x30, s8  }
0x28d: {  	[tilespmem:s16+$0x0] =	vst.add.f32.msk $0xffff, v7  }
0x28e: {  	v7 =	vld [tilespmem:s7+$0x0];
	_ =	sdelay $0x4  }
0x28f: {  	v7 =	vmul.f32 v7, v6  }
0x290: {  	s18 =	sor.u32 $0x40, s8  }
0x291: {  	[tilespmem:s18+$0x0] =	vst.add.f32.msk $0xffff, v7  }
0x292: {  	v7 =	vld [tilespmem:s7+$0x10];
	_ =	sdelay $0x4  }
0x293: {  	v7 =	vmul.f32 v7, v6  }
0x294: {  	s28 =	sor.u32 $0x50, s8  }
0x295: {  	[tilespmem:s28+$0x0] =	vst.add.f32.msk $0xffff, v7  }
0x296: {  	v7 =	vld [tilespmem:s7+$0x20];
	_ =	sdelay $0x4  }
0x297: {  	v7 =	vmul.f32 v7, v6  }
0x298: {  	s29 =	sor.u32 $0x60, s8  }
0x299: {  	[tilespmem:s29+$0x0] =	vst.add.f32.msk $0xffff, v7  }
0x29a: {  	v7 =	vld [tilespmem:s7+$0x30];
	_ =	sdelay $0x4  }
0x29b: {  	v6 =	vmul.f32 v7, v6  }
0x29c: {  	s30 =	sor.u32 $0x70, s8  }
0x29d: {  	[tilespmem:s30+$0x0] =	vst.add.f32.msk $0xffff, v6  }
.LBB2_52:
0x29e: {  	s2 =	sadd.s32 $0x1, s2  }
0x29f: {  	p2 =	sne.s32 s2, s0  }
.Ltmp32:
0x2a0: {  	_ = 	snop;
	(pc) =	sbr.rel @!p2 .LBB2_53-.Ltmp32, $2  }
0x2a1: {  	_ =	sdelay $0x2  }
0x2a2: {  	s1 =	sadd.s32 $0xFFFFFFC0, s1;
	s4 =	sadd.s32 $0x40, s4  }
.LBB2_37:
0x2a3: {  	s3 =	sshll.u32 s2, $0x6  }
0x2a4: {  	s5 =	sadd.s32 $0xF080, s3;
	s3 =	ssub.s32 s10, s3  }
0x2a5: {  	p2 =	slt.s32 s3, $0x1  }
.Ltmp33:
0x2a6: {  	_ = 	snop;
	(pc) =	sbr.rel @p2 .LBB2_52-.Ltmp33, $4  }
0x2a7: {  	[tilespmem:s26], [sflag:$0x1] =	stream.indirect.gather [hbm4b:s19+s23], $0x80, s5, s23, $0xb8;
	[tilespmem:$0x1D200] =	vst v63  }
0x2a8: {  	_ =	swait.ge [sflag:s31], $0x2000  }
0x2a9: {  	[sflag:s31] =	ssyncset.done $0x0  }
0x2aa: {  	[sflag:s31] =	ssyncadd.s32 $0xFFFFE000  }
0x2ab: {  	p2 =	sgt.s32 s1, $0x1;
	s3 =	smov.u32 s1  }
0x2ac: {  	s3 =	simm.s32 @!p2 $0x1  }
0x2ad: {  	s3 =	smin.u32 s3, $0x40  }
0x2ae: {  	p3 =	sne.s32 s3, $0x1  }
.Ltmp34:
0x2af: {  	_ = 	snop;
	(pc) =	sbr.rel @!p3 .LBB2_39-.Ltmp34, $2  }
0x2b0: {  	_ =	sdelay $0x2  }
0x2b1: {  	s7 =	simm.s32 $0x1B240;
	v6 =	vmov s4;
	p2 =	por $0x0, $0x0;
	s3 =	sadd.s32 $0xFFFFFFFF, s3  }
0x2b2: {  	_ =	sdelay $0x3  }
0x2b3: {  	v7 =	vld.idx.msk [tilespmem:v6+s6+$0x0], $0xffff;
	_ =	sdelay $0x4  }
0x2b4: {  	(v2sf) =	vpush v7, $0x0;
	_ =	sdelay $0xd  }
0x2b5: {  	v7 =	vld.idx.msk [tilespmem:v6+s24+$0x0], $0xffff  }
0x2b6: {  	s5 =	spop (v2sf)  }
0x2b7: {  	s8 =	sshll.u32 s5, $0x8;
	s5 =	sshll.u32 s5, $0x7  }
0x2b8: {  	s8 =	sand.u32 $0xFFFFF800, s8;
	s5 =	sand.u32 $0x380, s5  }
0x2b9: {  	s5 =	sor.u32 s5, s8  }
0x2ba: {  	v6 =	vnsel vm0, $0x0, v7;
	s9 =	sadd.s32 $0x16A00, s5  }
0x2bb: {  	[tilespmem:s9+$0x400] =	vst.add.f32.msk $0xffff, v6  }
0x2bc: {  	v6 =	vld [tilespmem:s7+$0xFFFFFFC0];
	_ =	sdelay $0x4  }
0x2bd: {  	v6 =	vmul.f32 v6, v7;
	_ =	sdelay $0x1  }
0x2be: {  	[tilespmem:s5+$0x16A00] =	vst.add.f32.msk $0xffff, v6  }
0x2bf: {  	v6 =	vld [tilespmem:s7+$0xFFFFFFD0];
	_ =	sdelay $0x4  }
0x2c0: {  	v6 =	vmul.f32 v6, v7  }
0x2c1: {  	s15 =	sor.u32 $0x10, s9  }
0x2c2: {  	[tilespmem:s15+$0x0] =	vst.add.f32.msk $0xffff, v6  }
0x2c3: {  	v6 =	vld [tilespmem:s7+$0xFFFFFFE0];
	_ =	sdelay $0x4  }
0x2c4: {  	v6 =	vmul.f32 v6, v7  }
0x2c5: {  	s16 =	sor.u32 $0x20, s9  }
0x2c6: {  	[tilespmem:s16+$0x0] =	vst.add.f32.msk $0xffff, v6  }
0x2c7: {  	v6 =	vld [tilespmem:s7+$0xFFFFFFF0];
	_ =	sdelay $0x4  }
0x2c8: {  	v6 =	vmul.f32 v6, v7  }
0x2c9: {  	s18 =	sor.u32 $0x30, s9  }
0x2ca: {  	[tilespmem:s18+$0x0] =	vst.add.f32.msk $0xffff, v6  }
0x2cb: {  	v6 =	vld [tilespmem:s7+$0x0];
	_ =	sdelay $0x4  }
0x2cc: {  	v6 =	vmul.f32 v6, v7  }
0x2cd: {  	s28 =	sor.u32 $0x40, s9  }
0x2ce: {  	[tilespmem:s28+$0x0] =	vst.add.f32.msk $0xffff, v6  }
0x2cf: {  	v6 =	vld [tilespmem:s7+$0x10];
	_ =	sdelay $0x4  }
0x2d0: {  	v6 =	vmul.f32 v6, v7  }
0x2d1: {  	s29 =	sor.u32 $0x50, s9  }
0x2d2: {  	[tilespmem:s29+$0x0] =	vst.add.f32.msk $0xffff, v6  }
0x2d3: {  	v6 =	vld [tilespmem:s7+$0x20];
	_ =	sdelay $0x4  }
0x2d4: {  	v6 =	vmul.f32 v6, v7  }
0x2d5: {  	s30 =	sor.u32 $0x60, s9  }
0x2d6: {  	[tilespmem:s30+$0x0] =	vst.add.f32.msk $0xffff, v6  }
0x2d7: {  	v8 =	vld [tilespmem:s7+$0x30]  }
0x2d8: {  	p3 =	sne.s32 s3, $0x1  }
.Ltmp35:
0x2d9: {  	s8 =	sadd.s32 $0x1, s4;
	(pc) =	sbr.rel @!p3 .LBB2_49-.Ltmp35, $3  }
0x2da: {  	v6 =	vmov s8;
	_ =	sdelay $0x1  }
0x2db: {  	p2 =	por $0x1, $0x1;
	v7 =	vmul.f32 v8, v7  }
0x2dc: {  	s9 =	sor.u32 $0x70, s9;
	s5 =	sadd.s32 $0xFFFFFFFF, s3;
	s3 =	simm.s32 $0x1B240  }
.LBB2_50:
0x2dd: {  	p3 =	sne.s32 s5, $0x1;
	s5 =	sadd.s32 $0xFFFFFFFF, s5;
	[tilespmem:s9+$0x0] =	vst.add.f32.msk $0xffff, v7;
	s3 =	sadd.s32 $0x80, s3  }
0x2de: {  	v7 =	vld.idx.msk [tilespmem:v6+s6+$0x0], $0xffff;
	_ =	sdelay $0x5  }
0x2df: {  	(v2sf) =	vpush v7, $0x0;
	_ =	sdelay $0xc  }
0x2e0: {  	v7 =	vld.idx.msk [tilespmem:v6+s24+$0x0], $0xffff;
	_ =	sdelay $0x1  }
0x2e1: {  	s9 =	spop (v2sf)  }
0x2e2: {  	s11 =	sshll.u32 s9, $0x8;
	s9 =	sshll.u32 s9, $0x7  }
0x2e3: {  	s11 =	sand.u32 $0xFFFFF800, s11;
	s9 =	sand.u32 $0x380, s9  }
0x2e4: {  	s11 =	sor.u32 s9, s11  }
0x2e5: {  	v6 =	vnsel vm0, $0x0, v7;
	s9 =	sadd.s32 $0x16A00, s11  }
0x2e6: {  	[tilespmem:s9+$0x400] =	vst.add.f32.msk $0xffff, v6  }
0x2e7: {  	v6 =	vld [tilespmem:s3+$0xFFFFFFC0];
	_ =	sdelay $0x4  }
0x2e8: {  	v6 =	vmul.f32 v6, v7;
	_ =	sdelay $0x1  }
0x2e9: {  	[tilespmem:s11+$0x16A00] =	vst.add.f32.msk $0xffff, v6  }
0x2ea: {  	v6 =	vld [tilespmem:s3+$0xFFFFFFD0];
	_ =	sdelay $0x4  }
0x2eb: {  	v6 =	vmul.f32 v6, v7  }
0x2ec: {  	s11 =	sor.u32 $0x10, s9  }
0x2ed: {  	[tilespmem:s11+$0x0] =	vst.add.f32.msk $0xffff, v6  }
0x2ee: {  	v6 =	vld [tilespmem:s3+$0xFFFFFFE0];
	_ =	sdelay $0x4  }
0x2ef: {  	v6 =	vmul.f32 v6, v7  }
0x2f0: {  	s11 =	sor.u32 $0x20, s9  }
0x2f1: {  	[tilespmem:s11+$0x0] =	vst.add.f32.msk $0xffff, v6  }
0x2f2: {  	v6 =	vld [tilespmem:s3+$0xFFFFFFF0];
	_ =	sdelay $0x4  }
0x2f3: {  	v6 =	vmul.f32 v6, v7  }
0x2f4: {  	s11 =	sor.u32 $0x30, s9  }
0x2f5: {  	[tilespmem:s11+$0x0] =	vst.add.f32.msk $0xffff, v6  }
0x2f6: {  	v6 =	vld [tilespmem:s3+$0x0];
	_ =	sdelay $0x4  }
0x2f7: {  	v6 =	vmul.f32 v6, v7  }
0x2f8: {  	s11 =	sor.u32 $0x40, s9  }
0x2f9: {  	[tilespmem:s11+$0x0] =	vst.add.f32.msk $0xffff, v6  }
0x2fa: {  	v6 =	vld [tilespmem:s3+$0x10];
	_ =	sdelay $0x4  }
0x2fb: {  	v6 =	vmul.f32 v6, v7  }
0x2fc: {  	s11 =	sor.u32 $0x50, s9  }
0x2fd: {  	[tilespmem:s11+$0x0] =	vst.add.f32.msk $0xffff, v6  }
0x2fe: {  	v6 =	vld [tilespmem:s3+$0x20];
	_ =	sdelay $0x4  }
0x2ff: {  	v6 =	vmul.f32 v6, v7  }
0x300: {  	s11 =	sor.u32 $0x60, s9  }
0x301: {  	[tilespmem:s11+$0x0] =	vst.add.f32.msk $0xffff, v6  }
0x302: {  	v8 =	vld [tilespmem:s3+$0x30];
	_ =	sdelay $0x1  }
.Ltmp36:
0x303: {  	s8 =	sadd.s32 $0x1, s8;
	(pc) =	sbr.rel @p3 .LBB2_50-.Ltmp36, $3  }
0x304: {  	v6 =	vmov s8;
	_ =	sdelay $0x1  }
0x305: {  	v7 =	vmul.f32 v8, v7  }
0x306: {  	s9 =	sor.u32 $0x70, s9  }
.Ltmp37:
0x307: {  	_ = 	snop;
	(pc) =	sbr.rel .LBB2_51-.Ltmp37, $1  }
0x308: {  	_ =	sdelay $0x3  }
.LBB2_49:
.Ltmp38:
0x309: {  	(pc) =	sbr.rel .LBB2_51-.Ltmp38, $2  }
0x30a: {  	_ =	sdelay $0x2  }
0x30b: {  	s3 =	simm.s32 $0x1B240  }
.LBB2_53:
0x30c: {  	s0 =	rddreg [dreg:$0x10];
	s1 =	simm.s32 $0x16A00;
	s5 =	simm.s32 $0x2  }
0x30d: {  	[hbm4b:s0+s20] =	stream.linear.scatter [tilespmem:s1], [sflag:$0x2], $0x4800, $0x38;
	[tilespmem:$0x1D200] =	vst v63  }
0x30e: {  	_ =	swait.ge [sflag:s5], $0x4800  }
0x30f: {  	[sflag:s5] =	ssyncset.done $0x0  }
0x310: {  	[sflag:s5] =	ssyncadd.s32 $0xFFFFB800  }
0x311: {  	s0 =	simm.s32 @!p0 $0x0;
	s1 =	simm.s32 @!p0 $0x7780;
	s2 =	rddreg [dreg:$0x5]  }
0x312: {  	[hbm4b:s2+s0] =	stream.linear.scatter @!p0 [tilespmem:s1], [sflag:$0x2], $0x80, $0x38;
	[tilespmem:$0x1D200] =	vst v63  }
0x313: {  	s0 =	simm.s32 @!p0 $0x2  }
0x314: {  	_ =	swait.ge @!p0 [sflag:s0], $0x80  }
0x315: {  	[sflag:s0] =	ssyncset.done @!p0 $0x0  }
0x316: {  	[sflag:s0] =	ssyncadd.s32 @!p0 $0xFFFFFF80  }
0x317: {  	v6 =	vld [tilespmem:$0x7680];
	_ =	sdelay $0x7  }
0x318: {  	[tilespmem:v6+s25+$0x0] =	vst.idx.msk $0xffff, v1  }
0x319: {  	v6 =	vld [tilespmem:$0x7690];
	_ =	sdelay $0x7  }
0x31a: {  	[tilespmem:v6+s25+$0x0] =	vst.idx.msk $0xffff, v1  }
0x31b: {  	v6 =	vld [tilespmem:$0x76A0];
	_ =	sdelay $0x7  }
0x31c: {  	[tilespmem:v6+s25+$0x0] =	vst.idx.msk $0xffff, v1  }
0x31d: {  	v6 =	vld [tilespmem:$0x76B0];
	_ =	sdelay $0x7  }
0x31e: {  	s20 =	simm.s32 $0x0;
	s23 =	rddreg [dreg:$0x9];
	[tilespmem:v6+s25+$0x0] =	vst.idx.msk $0xffff, v1  }
0x31f: {  	[tilespmem:s20], [sflag:$0x2] =	stream.linear.gather [hbm4b:s23+s20], $0x2780, $0x38;
	[tilespmem:$0x1D200] =	vst v63  }
0x320: {  	_ =	swait.ge [sflag:s5], $0x2780  }
0x321: {  	[sflag:s5] =	ssyncset.done $0x0  }
0x322: {  	s28 =	simm.s32 $0x2780;
	s26 =	rddreg [dreg:$0xa];
	[sflag:s5] =	ssyncadd.s32 $0xFFFFD880  }
0x323: {  	[tilespmem:s28], [sflag:$0x2] =	stream.linear.gather [hbm4b:s26+s20], $0x2780, $0x38;
	[tilespmem:$0x1D200] =	vst v63  }
0x324: {  	_ =	swait.ge [sflag:s5], $0x2780  }
0x325: {  	[sflag:s5] =	ssyncset.done $0x0  }
0x326: {  	s3 =	simm.s32 $0x7680;
	s29 =	rddreg [dreg:$0xc];
	[sflag:s5] =	ssyncadd.s32 $0xFFFFD880  }
0x327: {  	[tilespmem:s3], [sflag:$0x2] =	stream.linear.gather [hbm4b:s29+s20], $0x80, $0x38;
	[tilespmem:$0x1D200] =	vst v63  }
0x328: {  	_ =	swait.ge [sflag:s5], $0x80  }
0x329: {  	[sflag:s5] =	ssyncset.done $0x0  }
0x32a: {  	[sflag:s5] =	ssyncadd.s32 $0xFFFFFF80  }
0x32b: {  	v6 =	vld [tilespmem:$0x7680];
	_ =	sdelay $0x4  }
0x32c: {  	vm1 =	vlt.s32 v6, $0x0;
	v7 =	vadd.s32 $0x2710, v6  }
0x32d: {  	v6 =	vsel vm1, v7, v6;
	_ =	sdelay $0x3  }
0x32e: {  	[tilespmem:$0x7680] =	vst v6  }
0x32f: {  	[tilespmem:v6+s25+$0x0] =	vst.idx.msk $0xffff, v0  }
0x330: {  	v6 =	vld [tilespmem:$0x7690];
	_ =	sdelay $0x4  }
0x331: {  	vm1 =	vlt.s32 v6, $0x0;
	v7 =	vadd.s32 $0x2710, v6  }
0x332: {  	v6 =	vsel vm1, v7, v6;
	_ =	sdelay $0x3  }
0x333: {  	[tilespmem:$0x7690] =	vst v6  }
0x334: {  	[tilespmem:v6+s25+$0x0] =	vst.idx.msk $0xffff, v2  }
0x335: {  	v6 =	vld [tilespmem:$0x76A0];
	_ =	sdelay $0x4  }
0x336: {  	vm1 =	vlt.s32 v6, $0x0;
	v7 =	vadd.s32 $0x2710, v6  }
0x337: {  	v6 =	vsel vm1, v7, v6;
	_ =	sdelay $0x3  }
0x338: {  	[tilespmem:$0x76A0] =	vst v6  }
0x339: {  	[tilespmem:v6+s25+$0x0] =	vst.idx.msk $0xffff, v3  }
0x33a: {  	v6 =	vld [tilespmem:$0x76B0];
	_ =	sdelay $0x4  }
0x33b: {  	vm1 =	vlt.s32 v6, $0x0;
	v7 =	vadd.s32 $0x2710, v6  }
0x33c: {  	v6 =	vsel vm1, v7, v6;
	_ =	sdelay $0x3  }
0x33d: {  	[tilespmem:$0x76B0] =	vst v6  }
0x33e: {  	[tilespmem:v6+s25+$0x0] =	vst.idx.msk $0xffff, v4  }
0x33f: {  	v6 =	vld [tilespmem:$0x7680];
	_ =	sdelay $0x7  }
0x340: {  	v7 =	vld.idx.msk [tilespmem:v6+s25+$0x0], $0xffff;
	_ =	sdelay $0x3  }
0x341: {  	v8 =	vld [tilespmem:$0x7690]  }
0x342: {  	[tilespmem:$0x7780] =	vst v7  }
0x343: {  	v6 =	vld.idx.msk [tilespmem:v6+s28+$0x0], $0xffff;
	_ =	sdelay $0x4  }
0x344: {  	[tilespmem:$0x7700] =	vst v6  }
0x345: {  	v6 =	vld.idx.msk [tilespmem:v8+s25+$0x0], $0xffff;
	_ =	sdelay $0x3  }
0x346: {  	v7 =	vld [tilespmem:$0x76A0]  }
0x347: {  	[tilespmem:$0x7790] =	vst v6  }
0x348: {  	v6 =	vld.idx.msk [tilespmem:v8+s28+$0x0], $0xffff;
	_ =	sdelay $0x4  }
0x349: {  	[tilespmem:$0x7710] =	vst v6  }
0x34a: {  	v6 =	vld.idx.msk [tilespmem:v7+s25+$0x0], $0xffff;
	_ =	sdelay $0x3  }
0x34b: {  	v63 =	vld [tilespmem:$0x76B0]  }
0x34c: {  	[tilespmem:$0x77A0] =	vst v6  }
0x34d: {  	v6 =	vld.idx.msk [tilespmem:v7+s28+$0x0], $0xffff;
	_ =	sdelay $0x4  }
0x34e: {  	[tilespmem:$0x7720] =	vst v6  }
0x34f: {  	v6 =	vld.idx.msk [tilespmem:v63+s25+$0x0], $0xffff;
	_ =	sdelay $0x4  }
0x350: {  	[tilespmem:$0x77B0] =	vst v6  }
0x351: {  	v6 =	vld.idx.msk [tilespmem:v63+s28+$0x0], $0xffff;
	_ =	sdelay $0x3  }
0x352: {  	s30 =	sand.u32 $0x3800, s20;
	s0 =	sand.u32 $0x380, s20  }
0x353: {  	s1 =	sor.u32 s0, s30;
	[tilespmem:$0x7730] =	vst v6  }
0x354: {  	s0 =	sadd.s32 $0x16A00, s1;
	[tilespmem:s1+$0x16A00] =	vst v5  }
0x355: {  	[tilespmem:s0+$0x40] =	vst v5  }
0x356: {  	[tilespmem:s0+$0x50] =	vst v5  }
0x357: {  	[tilespmem:s0+$0x60] =	vst v5  }
0x358: {  	[tilespmem:s0+$0x70] =	vst v5  }
0x359: {  	[tilespmem:s0+$0x10] =	vst v5  }
0x35a: {  	s31 =	simm.s32 $0x100;
	s1 =	simm.s32 $0x80;
	[tilespmem:s0+$0x20] =	vst v5  }
0x35b: {  	s2 =	simm.s32 $0x200;
	s3 =	sand.u32 $0x3800, s31;
	[tilespmem:s0+$0x30] =	vst v5;
	s4 =	sand.u32 $0x380, s1  }
.LBB2_54:
0x35c: {  	p2 =	sne.s32 s2, $0x3F00;
	s3 =	sor.u32 s4, s3;
	[tilespmem:s0+$0x400] =	vst v5  }
0x35d: {  	s0 =	sadd.s32 $0x16A00, s3;
	[tilespmem:s3+$0x16A00] =	vst v5  }
0x35e: {  	[tilespmem:s0+$0x10] =	vst v5  }
0x35f: {  	[tilespmem:s0+$0x20] =	vst v5  }
.Ltmp39:
0x360: {  	[tilespmem:s0+$0x30] =	vst v5;
	(pc) =	sbr.rel @p2 .LBB2_54-.Ltmp39, $4  }
0x361: {  	[tilespmem:s0+$0x40] =	vst v5  }
0x362: {  	[tilespmem:s0+$0x50] =	vst v5  }
0x363: {  	s1 =	sadd.s32 $0x80, s1;
	[tilespmem:s0+$0x60] =	vst v5  }
0x364: {  	s3 =	sand.u32 $0x3800, s2;
	s4 =	sand.u32 $0x380, s1;
	s2 =	sadd.s32 $0x100, s2;
	[tilespmem:s0+$0x70] =	vst v5  }
0x365: {  	[tilespmem:s0+$0x400] =	vst v5  }
0x366: {  	s1 =	sor.u32 s4, s3;
	[tilespmem:$0x1AA00] =	vst v5  }
0x367: {  	s28 =	sadd.s32 $0x16A00, s1;
	[tilespmem:s1+$0x16A00] =	vst v5  }
0x368: {  	[tilespmem:s28+$0x10] =	vst v5  }
0x369: {  	[tilespmem:s28+$0x20] =	vst v5  }
0x36a: {  	[tilespmem:s28+$0x30] =	vst v5  }
0x36b: {  	[tilespmem:s28+$0x40] =	vst v5  }
0x36c: {  	[tilespmem:s28+$0x50] =	vst v5  }
0x36d: {  	[tilespmem:s28+$0x60] =	vst v5  }
0x36e: {  	[tilespmem:s28+$0x70] =	vst v5  }
0x36f: {  	s29 =	rddreg [dreg:$0x11];
	s30 =	simm.s32 $0x80;
	s2 =	simm.s32 $0x100;
	[tilespmem:s28+$0x400] =	vst v5  }
0x370: {  	[tilespmem:s21], [sflag:$0x2] =	stream.strided.gather [hbm4b:s29+s30], $0x2800, s2, s30, $0x38;
	[tilespmem:$0x1D200] =	vst v63  }
0x371: {  	_ =	swait.ge [sflag:s5], $0x2800  }
0x372: {  	[sflag:s5] =	ssyncset.done $0x0  }
0x373: {  	s31 =	rddreg [dreg:$0x12];
	[sflag:s5] =	ssyncadd.s32 $0xFFFFD800  }
0x374: {  	[tilespmem:s22], [sflag:$0x2] =	stream.strided.gather [hbm4b:s31+s30], $0x2800, s2, s30, $0x38;
	[tilespmem:$0x1D200] =	vst v63  }
0x375: {  	_ =	swait.ge [sflag:s5], $0x2800  }
0x376: {  	[sflag:s5] =	ssyncset.done $0x0  }
.Ltmp40:
0x377: {  	s7 =	rddreg [dreg:$0x16];
	[sflag:s5] =	ssyncadd.s32 $0xFFFFD800;
	(pc) =	sbr.rel @!p1 .LBB2_56-.Ltmp40, $4  }
0x378: {  	v6 =	vld [tilespmem:s7+$0x20]  }
0x379: {  	v7 =	vld [tilespmem:s7+$0xFFFFFFC0]  }
0x37a: {  	s8 =	simm.s32 $0x1440;
	p2 =	por $0x0, $0x0;
	p3 =	por $0x0, $0x0;
	v8 =	vld [tilespmem:s7+$0xFFFFFFE0]  }
0x37b: {  	p4 =	por $0x0, $0x0;
	p5 =	por $0x0, $0x0;
	s22 =	simm.s32 $0x0;
	v9 =	vld [tilespmem:s7+$0x0]  }
0x37c: {  	_ =	sdelay $0x5  }
0x37d: {  	v7 =	vld.idx.msk [tilespmem:v7+s25+$0x0], $0xffff  }
0x37e: {  	v8 =	vld.idx.msk [tilespmem:v8+s25+$0x0], $0xffff  }
0x37f: {  	v9 =	vld.idx.msk [tilespmem:v9+s25+$0x0], $0xffff  }
0x380: {  	v10 =	vld.idx.msk [tilespmem:v6+s25+$0x0], $0xffff;
	_ =	sdelay $0x1  }
0x381: {  	s9 =	rddreg [dreg:$0x18];
	vm6 =	vgt.s32 v7, $0xFFFFFFFF  }
0x382: {  	p1 =	slt.u32 s9, $0x2780;
	v7 =	vmpcnt.ones.xlane vm6;
	vm1 =	vgt.s32 v8, $0xFFFFFFFF  }
.Ltmp41:
0x383: {  	s4 =	sadd.s32 $0x80, s7;
	v8 =	vmpcnt.ones.xlane vm1;
	vm10 =	vgt.s32 v9, $0xFFFFFFFF;
	(pc) =	sbr.rel @!p1 .LBB2_58-.Ltmp41, $4  }
0x384: {  	v6 =	vld [tilespmem:s4+$0x20];
	vm9 =	vgt.s32 v10, $0xFFFFFFFF;
	v9 =	vmpcnt.ones.xlane vm10;
	(v2sf) =	vpush v7, $0x0  }
0x385: {  	v10 =	vmpcnt.ones.xlane vm9;
	v7 =	vld [tilespmem:s4+$0xFFFFFFC0];
	(v2sf) =	vpush v8, $0x0  }
0x386: {  	v8 =	vld [tilespmem:s4+$0xFFFFFFE0];
	(v2sf) =	vpush v9, $0x0  }
0x387: {  	p2 =	por $0x1, $0x1;
	s1 =	sadd.s32 $0x80, s9;
	vm8 =	vmmov vm1;
	v9 =	vld [tilespmem:s4+$0x0];
	(v2sf) =	vpush v10, $0x0  }
0x388: {  	_ =	sdelay $0x5  }
0x389: {  	v7 =	vld.idx.msk [tilespmem:v7+s25+$0x0], $0xffff  }
0x38a: {  	v8 =	vld.idx.msk [tilespmem:v8+s25+$0x0], $0xffff  }
0x38b: {  	v10 =	vld.idx.msk [tilespmem:v6+s25+$0x0], $0xffff  }
0x38c: {  	v9 =	vld.idx.msk [tilespmem:v9+s25+$0x0], $0xffff  }
0x38d: {  	v6 =	vor.u32 s17, v0  }
0x38e: {  	s20 =	sadd.s32 $0x80, s4;
	[tilespmem:s22+$0xC800] =	vst.msk vm6, v6;
	vm6 =	vgt.s32 v7, $0xFFFFFFFF  }
0x38f: {  	v6 =	vld [tilespmem:s20+$0x20];
	v11 =	vmpcnt.ones.xlane vm6;
	vm2 =	vgt.s32 v8, $0xFFFFFFFF  }
0x390: {  	vm1 =	vmmov vm9;
	p1 =	slt.u32 s1, $0x2780;
	v15 =	vld [tilespmem:s7+$0xFFFFFFD0];
	vm9 =	vgt.s32 v10, $0xFFFFFFFF;
	v10 =	vmpcnt.ones.xlane vm2  }
.Ltmp42:
0x391: {  	vm3 =	vmmov vm10;
	s26 =	sadd.s32 $0x20, s17;
	v7 =	vld [tilespmem:s20+$0xFFFFFFC0];
	vm10 =	vgt.s32 v9, $0xFFFFFFFF;
	s0 =	spop (v2sf);
	(v2sf) =	vpush v11, $0x0;
	(pc) =	sbr.rel @!p1 .LBB2_60-.Ltmp42, $4  }
0x392: {  	s21 =	sadd.s32 $0x40, s17;
	v8 =	vld [tilespmem:s20+$0xFFFFFFE0];
	v12 =	vmpcnt.ones.xlane vm10;
	s0 =	sadd.s32 $0x0, s0;
	s2 =	spop (v2sf);
	(v2sf) =	vpush v10, $0x0;
	v10 =	vor.u32 s26, v0  }
0x393: {  	s31 =	sadd.s32 $0x60, s17;
	v13 =	vmpcnt.ones.xlane vm9;
	v9 =	vld [tilespmem:s20+$0x0];
	v11 =	vor.u32 s21, v0;
	s2 =	sadd.s32 s0, s2;
	s3 =	spop (v2sf);
	[tilespmem:s0+$0xC800] =	vst.msk vm8, v10  }
0x394: {  	(v2sf) =	vpush v12, $0x0;
	v10 =	vor.u32 s31, v0;
	[tilespmem:s2+$0xC800] =	vst.msk vm3, v11;
	s2 =	sadd.s32 s2, s3;
	s30 =	spop (v2sf);
	v19 =	vld [tilespmem:s7+$0xFFFFFFF0]  }
0x395: {  	s10 =	sadd.s32 $0x80, s1;
	p3 =	por $0x1, $0x1;
	vm8 =	vmmov vm2;
	(v2sf) =	vpush v13, $0x0;
	v18 =	vld [tilespmem:s7+$0x10];
	[tilespmem:s2+$0xC800] =	vst.msk vm1, v10;
	s11 =	sadd.s32 s2, s30  }
0x396: {  	_ =	sdelay $0x3  }
0x397: {  	v10 =	vld.idx.msk [tilespmem:v6+s25+$0x0], $0xffff  }
0x398: {  	v6 =	vld.idx.msk [tilespmem:v15+s25+$0x0], $0xffff  }
0x399: {  	v7 =	vld.idx.msk [tilespmem:v7+s25+$0x0], $0xffff  }
0x39a: {  	v11 =	vld [tilespmem:s7+$0x30]  }
0x39b: {  	v12 =	vor.u32 s9, v0;
	v8 =	vld.idx.msk [tilespmem:v8+s25+$0x0], $0xffff  }
0x39c: {  	[tilespmem:s11+$0xC800] =	vst.msk vm6, v12;
	v9 =	vld.idx.msk [tilespmem:v9+s25+$0x0], $0xffff  }
0x39d: {  	v13 =	vld [tilespmem:s4+$0xFFFFFFD0]  }
0x39e: {  	v12 =	vld.idx.msk [tilespmem:v19+s25+$0x0], $0xffff;
	vm14 =	vgt.s32 v6, $0xFFFFFFFF  }
0x39f: {  	s14 =	sadd.s32 $0x80, s20;
	v15 =	vld.idx.msk [tilespmem:v18+s25+$0x0], $0xffff;
	vm6 =	vgt.s32 v7, $0xFFFFFFFF;
	v14 =	vmpcnt.ones.xlane vm14  }
0x3a0: {  	v6 =	vld [tilespmem:s14+$0x20];
	v16 =	vmpcnt.ones.xlane vm6  }
0x3a1: {  	vm3 =	vmmov vm10;
	s15 =	sadd.s32 $0x20, s9;
	v7 =	vld [tilespmem:s14+$0xFFFFFFC0];
	(v2sf) =	vpush v14, $0x0;
	s0 =	spop (v2sf)  }
0x3a2: {  	s16 =	sadd.s32 $0x40, s9;
	vm2 =	vgt.s32 v8, $0xFFFFFFFF;
	v8 =	vld [tilespmem:s14+$0xFFFFFFE0];
	(v2sf) =	vpush v16, $0x0;
	v16 =	vor.u32 s15, v0;
	s0 =	sadd.s32 s11, s0;
	s2 =	spop (v2sf)  }
0x3a3: {  	s30 =	sadd.s32 $0x60, s9;
	v17 =	vmpcnt.ones.xlane vm2;
	vm10 =	vgt.s32 v9, $0xFFFFFFFF;
	v9 =	vld [tilespmem:s14+$0x0];
	v14 =	vor.u32 s16, v0;
	s2 =	sadd.s32 s0, s2;
	[tilespmem:s0+$0xC800] =	vst.msk vm8, v16;
	s3 =	spop (v2sf)  }
0x3a4: {  	vm1 =	vmmov vm9;
	[tilespmem:s2+$0xC800] =	vst.msk vm3, v14;
	v14 =	vld.idx.msk [tilespmem:v11+s25+$0x0], $0xffff;
	v11 =	vor.u32 s30, v0;
	s2 =	sadd.s32 s2, s3  }
0x3a5: {  	vm12 =	vgt.s32 v12, $0xFFFFFFFF;
	(v2sf) =	vpush v17, $0x0;
	v17 =	vld [tilespmem:s4+$0xFFFFFFF0];
	[tilespmem:s2+$0xC800] =	vst.msk vm1, v11;
	v11 =	vimm.s32 $0x0  }
0x3a6: {  	p1 =	slt.u32 s10, $0x2780;
	v16 =	vld [tilespmem:s4+$0x10];
	[dreg:$0x19] =	wrdreg s26;
	v11 =	vsel vm12, $0xFFFFFFFF, v11  }
.Ltmp43:
0x3a7: {  	[dreg:$0x1c] =	wrdreg s21;
	[tilespmem:$0x1FF60] =	vst v11;
	v11 =	vimm.s32 $0x0;
	(pc) =	sbr.rel @!p1 .LBB2_62-.Ltmp43, $4  }
0x3a8: {  	vm9 =	vgt.s32 v10, $0xFFFFFFFF;
	v10 =	vmpcnt.ones.xlane vm10;
	[dreg:$0x1e] =	wrdreg s31;
	v11 =	vsel vm14, $0xFFFFFFFF, v11  }
0x3a9: {  	v18 =	vmpcnt.ones.xlane vm9;
	vm13 =	vgt.s32 v15, $0xFFFFFFFF;
	[smem:$0x7F0] =	sst s15;
	[tilespmem:$0x1FF70] =	vst v11;
	v11 =	vimm.s32 $0x0  }
0x3aa: {  	p4 =	por $0x1, $0x1;
	v12 =	vmpcnt.ones.xlane vm12;
	(v2sf) =	vpush v10, $0x0;
	s29 =	spop (v2sf);
	[smem:$0x7F1] =	sst s16;
	v11 =	vsel vm13, $0xFFFFFFFF, v11  }
0x3ab: {  	vm8 =	vmmov vm2;
	v10 =	vmpcnt.ones.xlane vm13;
	s3 =	sadd.s32 $0x80, s10;
	(v2sf) =	vpush v18, $0x0;
	s22 =	sadd.s32 s2, s29;
	[smem:$0x7F2] =	sst s30;
	[tilespmem:$0x1FF80] =	vst v11  }
0x3ac: {  	_ =	sdelay $0x3  }
0x3ad: {  	v11 =	vld.idx.msk [tilespmem:v6+s25+$0x0], $0xffff;
	(v2sf) =	vpush v10, $0x0  }
0x3ae: {  	v6 =	vld.idx.msk [tilespmem:v13+s25+$0x0], $0xffff;
	(v2sf) =	vpush v12, $0x0  }
0x3af: {  	v7 =	vld.idx.msk [tilespmem:v7+s25+$0x0], $0xffff  }
0x3b0: {  	v8 =	vld.idx.msk [tilespmem:v8+s25+$0x0], $0xffff  }
0x3b1: {  	v9 =	vld.idx.msk [tilespmem:v9+s25+$0x0], $0xffff;
	vm7 =	vgt.s32 v14, $0xFFFFFFFF  }
0x3b2: {  	vm2 =	vmmov vm9;
	v18 =	vld [tilespmem:s4+$0x30];
	v19 =	vmpcnt.ones.xlane vm7  }
0x3b3: {  	vm4 =	vmmov vm10;
	vm1 =	vmmov vm12;
	v15 =	vor.u32 s1, v0;
	v22 =	vld.idx.msk [tilespmem:v17+s25+$0x0], $0xffff  }
0x3b4: {  	v20 =	vld.idx.msk [tilespmem:v16+s25+$0x0], $0xffff;
	vm5 =	vmmov vm13;
	s29 =	sadd.s32 $0x80, s14;
	[tilespmem:s22+$0xC800] =	vst.msk vm6, v15;
	(v2sf) =	vpush v19, $0x0;
	vm11 =	vgt.s32 v6, $0xFFFFFFFF  }
0x3b5: {  	v21 =	vor.u32 s17, v2;
	s28 =	sadd.s32 $0x40, s1;
	s12 =	sadd.s32 $0x20, s1;
	v15 =	vld [tilespmem:s20+$0xFFFFFFD0];
	s0 =	spop (v2sf);
	vm6 =	vgt.s32 v7, $0xFFFFFFFF;
	v19 =	vmpcnt.ones.xlane vm11  }
0x3b6: {  	s23 =	sadd.s32 $0x60, s1;
	p1 =	slt.u32 s3, $0x2780;
	v6 =	vld [tilespmem:s29+$0x20];
	vm3 =	vgt.s32 v8, $0xFFFFFFFF;
	vm9 =	vgt.s32 v11, $0xFFFFFFFF;
	s2 =	spop (v2sf);
	v23 =	vmpcnt.ones.xlane vm6  }
0x3b7: {  	p5 =	por $0x1, $0x1;
	v7 =	vld [tilespmem:s29+$0xFFFFFFC0];
	vm10 =	vgt.s32 v9, $0xFFFFFFFF;
	v11 =	vmpcnt.ones.xlane vm3;
	s2 =	sadd.s32 s22, s2;
	(v2sf) =	vpush v19, $0x0;
	s5 =	spop (v2sf)  }
.Ltmp44:
0x3b8: {  	s18 =	smov.u32 s16;
	[tilespmem:s8+$0xC800] =	vst.msk vm14, v21;
	v8 =	vld [tilespmem:s29+$0xFFFFFFE0];
	vm12 =	vgt.s32 v22, $0xFFFFFFFF;
	(v2sf) =	vpush v23, $0x0;
	v23 =	vor.u32 s28, v0;
	s5 =	sadd.s32 s2, s5;
	(pc) =	sbr.rel @!p1 .LBB2_64-.Ltmp44, $4  }
0x3b9: {  	s16 =	smov.u32 s31;
	s8 =	smov.u32 s9;
	v9 =	vld [tilespmem:s29+$0x0];
	v19 =	vmpcnt.ones.xlane vm10;
	(v2sf) =	vpush v11, $0x0;
	v11 =	vor.u32 s12, v0;
	[tilespmem:s5+$0xC800] =	vst.msk vm4, v23;
	s7 =	spop (v2sf)  }
0x3ba: {  	vm13 =	vgt.s32 v20, $0xFFFFFFFF;
	s13 =	sadd.s32 $0x1440, s0;
	v24 =	vmpcnt.ones.xlane vm9;
	v22 =	vld.idx.msk [tilespmem:v18+s25+$0x0], $0xffff;
	[tilespmem:s2+$0xC800] =	vst.msk vm8, v11;
	v11 =	vor.u32 s23, v0;
	s7 =	sadd.s32 s5, s7;
	s19 =	spop (v2sf)  }
0x3bb: {  	v20 =	vmpcnt.ones.xlane vm13;
	v18 =	vld [tilespmem:s20+$0x10];
	(v2sf) =	vpush v19, $0x0;
	s5 =	sadd.s32 $0x80, s3;
	s11 =	sadd.s32 s7, s19;
	[tilespmem:s7+$0xC800] =	vst.msk vm2, v11;
	v11 =	vor.u32 s26, v2;
	s26 =	smov.u32 s15  }
0x3bc: {  	v21 =	vmpcnt.ones.xlane vm12;
	vm8 =	vmmov vm3;
	v19 =	vld [tilespmem:s20+$0xFFFFFFF0];
	(v2sf) =	vpush v24, $0x0;
	s15 =	smov.u32 s21;
	s19 =	smov.u32 s30;
	s0 =	spop (v2sf)  }
.LBB2_65:
0x3bd: {  	p1 =	slt.u32 s5, $0x2780;
	(v2sf) =	vpush v20, $0x0;
	s2 =	spop (v2sf);
	s7 =	smov.u32 s5  }
0x3be: {  	v23 =	vld.idx.msk [tilespmem:v6+s25+$0x0], $0xffff;
	[tilespmem:s13+$0xC800] =	vst.msk vm1, v11;
	vm2 =	vmmov vm9;
	vm3 =	vmmov vm10;
	vm1 =	vmmov vm12;
	s5 =	sadd.s32 $0x80, s5;
	s30 =	smov.u32 s26;
	s26 =	smov.u32 s12  }
0x3bf: {  	v6 =	vor.u32 s10, v0;
	v11 =	vld.idx.msk [tilespmem:v15+s25+$0x0], $0xffff;
	(v2sf) =	vpush v21, $0x0;
	s2 =	sadd.s32 s13, s2;
	v15 =	vor.u32 s15, v2;
	s15 =	smov.u32 s18;
	s18 =	smov.u32 s28  }
0x3c0: {  	v7 =	vld.idx.msk [tilespmem:v7+s25+$0x0], $0xffff;
	[tilespmem:s2+$0xC800] =	vst.msk vm5, v15;
	s0 =	sadd.s32 s2, s0;
	v15 =	vor.u32 s16, v2;
	vm5 =	vmmov vm13;
	s16 =	smov.u32 s19;
	s19 =	smov.u32 s23  }
0x3c1: {  	v8 =	vld.idx.msk [tilespmem:v8+s25+$0x0], $0xffff;
	[tilespmem:s0+$0xC800] =	vst.msk vm7, v15;
	vm7 =	vgt.s32 v22, $0xFFFFFFFF  }
0x3c2: {  	v9 =	vld.idx.msk [tilespmem:v9+s25+$0x0], $0xffff;
	[tilespmem:s11+$0xC800] =	vst.msk vm6, v6;
	v6 =	vmpcnt.ones.xlane vm7  }
0x3c3: {  	v20 =	vld [tilespmem:s20+$0x30];
	s2 =	spop (v2sf);
	s20 =	smov.u32 s14;
	s14 =	smov.u32 s29  }
0x3c4: {  	v15 =	vor.u32 s8, v2;
	s8 =	smov.u32 s1;
	s1 =	smov.u32 s10;
	v18 =	vld.idx.msk [tilespmem:v18+s25+$0x0], $0xffff;
	(v2sf) =	vpush v6, $0x0;
	s0 =	sadd.s32 s0, s2  }
0x3c5: {  	s10 =	smov.u32 s3;
	s3 =	smov.u32 s7;
	s29 =	sadd.s32 $0x80, s29;
	v19 =	vld.idx.msk [tilespmem:v19+s25+$0x0], $0xffff;
	[tilespmem:s0+$0xC800] =	vst.msk vm11, v15;
	vm11 =	vgt.s32 v11, $0xFFFFFFFF  }
0x3c6: {  	vm6 =	vgt.s32 v7, $0xFFFFFFFF;
	v6 =	vld [tilespmem:s29+$0x20];
	v11 =	vmpcnt.ones.xlane vm11  }
0x3c7: {  	vm9 =	vgt.s32 v23, $0xFFFFFFFF;
	v21 =	vmpcnt.ones.xlane vm6;
	vm4 =	vgt.s32 v8, $0xFFFFFFFF;
	v15 =	vld [tilespmem:s20+$0xFFFFFFD0];
	s2 =	spop (v2sf)  }
0x3c8: {  	s12 =	sadd.s32 $0x20, s1;
	s28 =	sadd.s32 $0x40, s1;
	v22 =	vmpcnt.ones.xlane vm4;
	vm10 =	vgt.s32 v9, $0xFFFFFFFF;
	v7 =	vld [tilespmem:s29+$0xFFFFFFC0];
	s7 =	spop (v2sf);
	(v2sf) =	vpush v11, $0x0  }
.Ltmp45:
0x3c9: {  	v11 =	vmpcnt.ones.xlane vm10;
	v8 =	vld [tilespmem:s29+$0xFFFFFFE0];
	(v2sf) =	vpush v21, $0x0;
	s7 =	sadd.s32 s11, s7;
	v21 =	vor.u32 s28, v0;
	s9 =	spop (v2sf);
	(pc) =	sbr.rel @p1 .LBB2_65-.Ltmp45, $4  }
0x3ca: {  	v24 =	vor.u32 s12, v0;
	v23 =	vmpcnt.ones.xlane vm9;
	v9 =	vld [tilespmem:s29+$0x0];
	(v2sf) =	vpush v22, $0x0;
	s9 =	sadd.s32 s7, s9;
	s11 =	spop (v2sf)  }
0x3cb: {  	s23 =	sadd.s32 $0x60, s1;
	vm13 =	vgt.s32 v18, $0xFFFFFFFF;
	vm12 =	vgt.s32 v19, $0xFFFFFFFF;
	(v2sf) =	vpush v11, $0x0;
	[tilespmem:s9+$0xC800] =	vst.msk vm3, v21;
	s9 =	sadd.s32 s9, s11;
	v22 =	vld.idx.msk [tilespmem:v20+s25+$0x0], $0xffff  }
0x3cc: {  	v11 =	vor.u32 s23, v0;
	v21 =	vmpcnt.ones.xlane vm12;
	v20 =	vmpcnt.ones.xlane vm13;
	[tilespmem:s7+$0xC800] =	vst.msk vm8, v24;
	v18 =	vld [tilespmem:s20+$0x10];
	s7 =	spop (v2sf)  }
0x3cd: {  	s13 =	sadd.s32 s0, s2;
	vm8 =	vmmov vm4;
	(v2sf) =	vpush v23, $0x0;
	v19 =	vld [tilespmem:s20+$0xFFFFFFF0];
	[tilespmem:s9+$0xC800] =	vst.msk vm2, v11;
	s11 =	sadd.s32 s9, s7;
	v11 =	vor.u32 s30, v2;
	s0 =	spop (v2sf)  }
0x3ce: {  	s30 =	smov.u32 s20;
	[smem:$0x7F3] =	sst s1;
	s5 =	smov.u32 s10  }
0x3cf: {  	s21 =	smov.u32 s14;
	s20 =	smov.u32 s29;
	s1 =	smov.u32 s3  }
.LBB2_67:
0x3d0: {  	_ =	sdelay $0x3  }
0x3d1: {  	v15 =	vld.idx.msk @p3 [tilespmem:v15+s25+$0x0], $0xffff  }
0x3d2: {  	v7 =	vld.idx.msk [tilespmem:v7+s25+$0x0], $0xffff;
	_ =	sdelay $0x2  }
0x3d3: {  	v8 =	vld.idx.msk [tilespmem:v8+s25+$0x0], $0xffff;
	vm2 =	vgt.s32 @p4 v22, $0xFFFFFFFF;
	v54 =	vimm.s32 $0x0;
	(v2sf) =	vpush @p4 v20, $0x0  }
0x3d4: {  	v22 =	vsel vm2, $0xFFFFFFFF, v54;
	v20 =	vmpcnt.ones.xlane @p4 vm2;
	vm2 =	vgt.s32 @p3 v15, $0xFFFFFFFF  }
0x3d5: {  	(v2sf) =	vpush @p4 v21, $0x0;
	[tilespmem:$0x1FF30] =	vst v22;
	vm4 =	vgt.s32 v7, $0xFFFFFFFF;
	v7 =	vmpcnt.ones.xlane @p3 vm2  }
0x3d6: {  	v9 =	vld.idx.msk [tilespmem:v9+s25+$0x0], $0xffff;
	(v2sf) =	vpush @p4 v20, $0x0  }
0x3d7: {  	v55 =	vimm.s32 $0x0;
	(v2sf) =	vpush @p3 v7, $0x0  }
0x3d8: {  	s7 =	spop @p5 (v2sf);
	v15 =	vsel vm2, $0xFFFFFFFF, v55;
	v56 =	vmpcnt.ones.xlane vm4;
	vm2 =	vgt.s32 v8, $0xFFFFFFFF  }
0x3d9: {  	s14 =	spop @p5 (v2sf);
	v8 =	vmpcnt.ones.xlane vm2  }
0x3da: {  	s2 =	spop @p4 (v2sf);
	(v2sf) =	vpush v56, $0x0  }
0x3db: {  	s10 =	smov.u32 @p2 s5;
	[tilespmem:$0x1FF40] =	vst v15;
	vm14 =	vgt.s32 v9, $0xFFFFFFFF;
	[smem:$0x7EA] =	sst s2;
	s3 =	spop @p2 (v2sf);
	(v2sf) =	vpush v8, $0x0  }
0x3dc: {  	v7 =	vmpcnt.ones.xlane vm14;
	v9 =	vld @p3 [tilespmem:s30+$0x30];
	s3 =	sadd.s32 @p2 s11, s3;
	s30 =	sadd.s32 @p2 $0x40, s10;
	v8 =	vor.u32 @p2 s5, v0;
	s5 =	spop @p2 (v2sf)  }
0x3dd: {  	vm3 =	vmmov @p2 vm10;
	s17 =	sadd.s32 @p2 $0x20, s10;
	v6 =	vld.idx.msk [tilespmem:v6+s25+$0x0], $0xffff;
	[tilespmem:s11+$0xC800] =	vst.msk @p2 vm6, v8;
	v8 =	vor.u32 @p2 s30, v0;
	s5 =	sadd.s32 @p2 s3, s5  }
0x3de: {  	(v2sf) =	vpush v7, $0x0;
	[tilespmem:s5+$0xC800] =	vst.msk @p2 vm3, v8;
	v7 =	vld @p2 [tilespmem:s21+$0xFFFFFFD0];
	v8 =	vor.u32 @p2 s17, v0  }
0x3df: {  	[tilespmem:s3+$0xC800] =	vst.msk @p2 vm8, v8;
	v8 =	vld @p2 [tilespmem:s21+$0x10]  }
0x3e0: {  	v18 =	vld.idx.msk @p3 [tilespmem:v18+s25+$0x0], $0xffff  }
0x3e1: {  	s3 =	spop @p2 (v2sf);
	v15 =	vld @p2 [tilespmem:s21+$0xFFFFFFF0]  }
0x3e2: {  	s29 =	spop @p2 (v2sf)  }
0x3e3: {  	s11 =	sadd.s32 @p2 $0x60, s10;
	vm3 =	vmmov @p2 vm9;
	s2 =	spop @p4 (v2sf);
	v7 =	vpsel p2, v7, v13  }
0x3e4: {  	s5 =	sadd.s32 @p2 s5, s3;
	vm10 =	vgt.s32 v6, $0xFFFFFFFF;
	v6 =	vor.u32 @p2 s11, v0;
	s9 =	spop @p4 (v2sf);
	v13 =	vld.idx.msk @p3 [tilespmem:v19+s25+$0x0], $0xffff;
	[smem:$0x7EB] =	sst s2;
	v8 =	vpsel p2, v8, v16  }
0x3e5: {  	s4 =	smov.u32 @p2 s21;
	v58 =	vimm.s32 $0x0;
	[tilespmem:s5+$0xC800] =	vst.msk @p2 vm3, v6;
	s21 =	spop @p4 (v2sf);
	vm3 =	vgt.s32 @p3 v18, $0xFFFFFFFF  }
0x3e6: {  	v9 =	vld.idx.msk @p3 [tilespmem:v9+s25+$0x0], $0xffff;
	v6 =	vpsel p2, v15, v17;
	v16 =	vsel vm3, $0xFFFFFFFF, v58;
	s2 =	spop @p3 (v2sf)  }
0x3e7: {  	v15 =	vld @p2 [tilespmem:s4+$0x30];
	[tilespmem:$0x1FF20] =	vst v16;
	[smem:$0x7EC] =	sst s2  }
0x3e8: {  	s31 =	sadd.s32 $0x40, s1;
	s4 =	sadd.s32 @p2 s5, s29;
	v7 =	vld.idx.msk @p2 [tilespmem:v7+s25+$0x0], $0xffff  }
0x3e9: {  	v59 =	vor.u32 s1, v0;
	s22 =	smov.u32 @p2 s4;
	s29 =	spop (v2sf);
	v8 =	vld.idx.msk @p2 [tilespmem:v8+s25+$0x0], $0xffff;
	[smem:$0x7EE] =	sst s31  }
0x3ea: {  	v60 =	vor.u32 s31, v0;
	vm2 =	vmmov vm2;
	vm15 =	vmmov vm14;
	s5 =	sadd.s32 s22, s29;
	s3 =	spop (v2sf);
	s31 =	sadd.s32 $0x20, s1;
	[tilespmem:s22+$0xC800] =	vst.msk vm4, v59  }
0x3eb: {  	v57 =	vmpcnt.ones.xlane vm10;
	v16 =	vmpcnt.ones.xlane @p3 vm3;
	v9 =	vpsel p3, v9, v14;
	v6 =	vld.idx.msk @p2 [tilespmem:v6+s25+$0x0], $0xffff;
	s29 =	sadd.s32 s5, s3;
	[smem:$0x7ED] =	sst s31  }
0x3ec: {  	v62 =	vor.u32 s31, v0;
	vm4 =	vgt.s32 @p3 v9, $0xFFFFFFFF;
	v9 =	vimm.s32 $0x0;
	[tilespmem:s29+$0xC800] =	vst.msk vm15, v60  }
0x3ed: {  	(v2sf) =	vpush v57, $0x0;
	s4 =	sadd.s32 $0x60, s1;
	v10 =	vpsel p3, v16, v10;
	v9 =	vsel vm4, $0xFFFFFFFF, v9;
	v61 =	vld [tilespmem:s20+$0xFFFFFFD0];
	[tilespmem:s5+$0xC800] =	vst.msk vm2, v62  }
0x3ee: {  	vm3 =	vgt.s32 @p3 v13, $0xFFFFFFFF;
	(v2sf) =	vpush @p3 v10, $0x0;
	s3 =	spop (v2sf);
	v10 =	vld [tilespmem:s20+$0x10];
	[smem:$0x7EF] =	sst s4;
	[tilespmem:$0x1FF50] =	vst v9  }
0x3ef: {  	v13 =	vmpcnt.ones.xlane @p3 vm3;
	s5 =	sadd.s32 s29, s3;
	vm2 =	vmmov vm10;
	v9 =	vor.u32 s4, v0;
	v63 =	vld [tilespmem:s20+$0xFFFFFFF0]  }
0x3f0: {  	[tilespmem:s5+$0xC800] =	vst.msk vm2, v9  }
0x3f1: {  	v12 =	vpsel p3, v13, v12;
	v14 =	vld.idx.msk @p2 [tilespmem:v15+s25+$0x0], $0xffff;
	s31 =	rddreg [dreg:$0x19]  }
0x3f2: {  	s22 =	sadd.s32 @p5 s13, s7;
	(v2sf) =	vpush @p3 v12, $0x0;
	s2 =	sld [smem:$0x7F0]  }
0x3f3: {  	s7 =	smov.u32 @p3 s12;
	v12 =	vmpcnt.ones.xlane @p3 vm4;
	s29 =	sadd.s32 @p5 s22, s0;
	vm15 =	vgt.s32 @p2 v7, $0xFFFFFFFF;
	vm14 =	vgt.s32 @p2 v8, $0xFFFFFFFF;
	s0 =	sld [smem:$0x7EA]  }
0x3f4: {  	s12 =	sadd.s32 @p5 s29, s14;
	s4 =	simm.s32 $0x1440;
	v9 =	vld [tilespmem:s20+$0x30];
	v7 =	vmpcnt.ones.xlane @p2 vm15;
	v8 =	vmpcnt.ones.xlane @p2 vm14;
	s20 =	rddreg [dreg:$0x1c]  }
0x3f5: {  	(v2sf) =	vpush @p3 v12, $0x0;
	s4 =	smov.u32 @p5 s12;
	vm4 =	vgt.s32 @p2 v6, $0xFFFFFFFF;
	s3 =	sld [smem:$0x7F1]  }
0x3f6: {  	(v2sf) =	vpush @p2 v7, $0x0;
	v7 =	vpsel p2, v8, v0;
	s12 =	sadd.s32 @p4 s4, s0;
	s0 =	sld [smem:$0x7F3];
	v8 =	vpsel p2, v14, v0  }
0x3f7: {  	s31 =	smov.u32 @p3 s7;
	s7 =	smov.u32 @p3 s28;
	v6 =	vmpcnt.ones.xlane @p2 vm4;
	s28 =	rddreg [dreg:$0x18];
	vm10 =	vgt.s32 @p2 v8, $0xFFFFFFFF;
	v8 =	vld.idx.msk [tilespmem:v63+s25+$0x0], $0xffff  }
0x3f8: {  	s20 =	smov.u32 @p3 s7;
	s7 =	smov.u32 @p3 s23;
	s23 =	rddreg [dreg:$0x1e];
	(v2sf) =	vpush @p2 v7, $0x0;
	v7 =	vld.idx.msk [tilespmem:v61+s25+$0x0], $0xffff  }
0x3f9: {  	s23 =	smov.u32 @p3 s7;
	v6 =	vpsel p2, v6, v0;
	s7 =	smov.u32 @p3 s0;
	s0 =	sld [smem:$0x7EB];
	v10 =	vld.idx.msk [tilespmem:v10+s25+$0x0], $0xffff  }
0x3fa: {  	s2 =	smov.u32 @p2 s17;
	s3 =	smov.u32 @p2 s30;
	s30 =	rddreg [dreg:$0xe];
	(v2sf) =	vpush @p2 v6, $0x0;
	v6 =	vmpcnt.ones.xlane @p2 vm10  }
0x3fb: {  	s17 =	smov.u32 @p4 s19;
	s19 =	smov.u32 @p2 s2;
	s2 =	sld [smem:$0x7EC]  }
0x3fc: {  	s14 =	smov.u32 @p4 s12;
	(v2sf) =	vpush @p2 v6, $0x0;
	v6 =	vld.idx.msk [tilespmem:v9+s25+$0x0], $0xffff;
	s12 =	smov.u32 @p4 s0;
	s0 =	sld [smem:$0x7F2];
	[tilespmem:s13+$0xC800] =	vst.msk @p5 vm1, v11;
	vm2 =	vgt.s32 v8, $0xFFFFFFFF;
	v8 =	vor.u32 @p5 s15, v2  }
0x3fd: {  	vm9 =	vgt.s32 v7, $0xFFFFFFFF;
	[tilespmem:s22+$0xC800] =	vst.msk @p5 vm5, v8  }
0x3fe: {  	s9 =	sadd.s32 @p4 s14, s9;
	v7 =	vmpcnt.ones.xlane vm9;
	vm8 =	vgt.s32 v10, $0xFFFFFFFF;
	v8 =	vld [tilespmem:$0x1FF60]  }
0x3ff: {  	s30 =	smov.u32 @p3 s7;
	s7 =	simm.s32 $0x1440;
	s12 =	sadd.s32 @p4 s9, s12;
	v9 =	vmpcnt.ones.xlane vm8  }
0x400: {  	vm1 =	vmmov @p4 vm12;
	s0 =	smov.u32 @p2 s11;
	s11 =	sadd.s32 @p4 s12, s21;
	s21 =	spop (v2sf);
	(v2sf) =	vpush v7, $0x0;
	v7 =	vmpcnt.ones.xlane vm2  }
0x401: {  	s7 =	smov.u32 @p4 s11;
	s11 =	sadd.s32 s5, s21;
	s5 =	smov.u32 @p4 s26;
	vm6 =	vgt.s32 v6, $0xFFFFFFFF;
	v6 =	vor.u32 @p5 s16, v2;
	(v2sf) =	vpush v9, $0x0  }
0x402: {  	vm1 =	vmmov @p4 vm1;
	s26 =	spop @p3 (v2sf);
	[tilespmem:s29+$0xC800] =	vst.msk @p5 vm7, v6;
	v6 =	vor.u32 @p4 s5, v2;
	(v2sf) =	vpush v7, $0x0  }
0x403: {  	s28 =	smov.u32 @p2 s10;
	s10 =	smov.u32 @p4 s18;
	v7 =	vmpcnt.ones.xlane vm6;
	v6 =	vpsel p4, v6, v0;
	vm5 =	vnez.u8 v8  }
0x404: {  	s18 =	smov.u32 @p4 s10;
	s21 =	smov.u32 @p2 s3;
	[tilespmem:s14+$0xC800] =	vst.msk @p4 vm1, v6;
	v8 =	vor.u32 @p4 s8, v2;
	vm5 =	vmmov @p3 vm3;
	vm3 =	vmmov @p4 vm13  }
0x405: {  	s16 =	smov.u32 @p2 s21;
	s21 =	spop @p3 (v2sf);
	(v2sf) =	vpush v7, $0x0;
	v7 =	vor.u32 @p4 s18, v2;
	[tilespmem:s4+$0xC800] =	vst.msk @p4 vm11, v8;
	vm1 =	vmmov @p4 vm3  }
0x406: {  	[tilespmem:s9+$0xC800] =	vst.msk @p4 vm1, v7  }
0x407: {  	v7 =	vld [tilespmem:$0x1FF80];
	_ =	sdelay $0x4  }
0x408: {  	vm3 =	vnez.u8 v7;
	v7 =	vld [tilespmem:$0x1FF20];
	_ =	sdelay $0x4  }
0x409: {  	vm1 =	vnez.u8 v7;
	v7 =	vld [tilespmem:$0x1FF30];
	_ =	sdelay $0x4  }
0x40a: {  	s17 =	smov.u32 @p4 s17;
	vm3 =	vmmov @p3 vm1;
	vm1 =	vnez.u8 v7  }
0x40b: {  	v6 =	vor.u32 @p4 s17, v2;
	vm1 =	vmmov @p4 vm1  }
0x40c: {  	[tilespmem:s12+$0xC800] =	vst.msk @p4 vm1, v6  }
0x40d: {  	v6 =	vld [tilespmem:$0x1FF70];
	_ =	sdelay $0x4  }
0x40e: {  	vm7 =	vnez.u8 v6;
	v6 =	vld [tilespmem:$0x1FF40];
	_ =	sdelay $0x2  }
0x40f: {  	s3 =	smov.u32 @p3 s31;
	s10 =	sadd.s32 @p3 s7, s2;
	vm3 =	vmmov @p3 vm3  }
0x410: {  	s20 =	smov.u32 @p3 s20;
	s10 =	smov.u32 @p3 s10;
	vm3 =	vmmov @p3 vm3;
	v7 =	vor.u32 @p3 s3, v2  }
0x411: {  	s21 =	sadd.s32 @p3 s10, s21;
	vm1 =	vnez.u8 v6;
	v6 =	vpsel p3, v7, v0;
	v7 =	vor.u32 @p3 s20, v2  }
0x412: {  	v8 =	vor.u32 @p3 s30, v2;
	vm7 =	vmmov @p3 vm1;
	vm1 =	vmmov @p3 vm5;
	[tilespmem:s21+$0xC800] =	vst.msk @p3 vm3, v7  }
0x413: {  	[tilespmem:s7+$0xC800] =	vst.msk @p3 vm7, v8;
	vm1 =	vmmov @p3 vm1  }
0x414: {  	[tilespmem:s10+$0xC800] =	vst.msk @p3 vm1, v6  }
0x415: {  	v7 =	vld [tilespmem:$0x1FF50];
	_ =	sdelay $0x1  }
0x416: {  	s19 =	smov.u32 @p2 s19;
	s13 =	smov.u32 @p2 s28;
	s8 =	smov.u32 @p3 s26  }
0x417: {  	s15 =	smov.u32 @p2 s0;
	s5 =	sadd.s32 @p3 s21, s8;
	s8 =	spop @p3 (v2sf)  }
0x418: {  	s2 =	smov.u32 @p2 s13;
	s13 =	simm.s32 $0x1440;
	s8 =	sadd.s32 @p3 s5, s8  }
0x419: {  	s22 =	smov.u32 @p3 s23;
	s13 =	smov.u32 @p3 s8;
	s8 =	spop @p2 (v2sf);
	vm3 =	vnez.u8 v7  }
0x41a: {  	s0 =	smov.u32 @p2 s15;
	s8 =	sadd.s32 @p2 s13, s8;
	s12 =	smov.u32 @p2 s19;
	vm1 =	vmmov @p2 vm4;
	v6 =	vor.u32 @p3 s22, v2;
	vm3 =	vmmov @p3 vm3  }
0x41b: {  	s9 =	spop @p2 (v2sf);
	s8 =	smov.u32 @p2 s8;
	s3 =	smov.u32 @p2 s16;
	v8 =	vor.u32 @p2 s12, v2;
	vm1 =	vmmov @p2 vm1;
	[tilespmem:s5+$0xC800] =	vst.msk @p3 vm3, v6;
	vm3 =	vmmov @p2 vm14  }
0x41c: {  	s3 =	smov.u32 @p2 s3;
	s7 =	smov.u32 @p2 s9;
	s9 =	spop @p2 (v2sf);
	vm1 =	vmmov @p2 vm1;
	v6 =	vpsel p2, v8, v0;
	vm3 =	vmmov @p2 vm3  }
0x41d: {  	s0 =	smov.u32 @p2 s0;
	s9 =	sadd.s32 @p2 s8, s9;
	[tilespmem:s8+$0xC800] =	vst.msk @p2 vm1, v6;
	v6 =	vor.u32 @p2 s3, v2;
	vm1 =	vmmov @p2 vm3  }
0x41e: {  	v7 =	vor.u32 @p2 s2, v2;
	s2 =	sadd.s32 @p2 s9, s7;
	s7 =	spop @p2 (v2sf);
	[tilespmem:s9+$0xC800] =	vst.msk @p2 vm1, v6;
	vm1 =	vmmov @p2 vm10;
	v6 =	vor.u32 @p2 s0, v2  }
0x41f: {  	vm4 =	vmmov @p2 vm15;
	s7 =	sadd.s32 @p2 s2, s7;
	[tilespmem:s2+$0xC800] =	vst.msk @p2 vm1, v6;
	v6 =	vor.u32 s1, v2;
	s1 =	simm.s32 $0x1440  }
0x420: {  	[tilespmem:s13+$0xC800] =	vst.msk @p2 vm4, v7;
	s1 =	smov.u32 @p2 s7  }
0x421: {  	s20 =	sadd.s32 $0x3F, s11;
	[tilespmem:s1+$0xC800] =	vst.msk vm9, v6  }
0x422: {  	s21 =	sand.u32 $0x3F, s20;
	s2 =	sld [smem:$0x7ED]  }
0x423: {  	p6 =	slt.s32 s20, $0x1;
	p1 =	sne.s32 s21, $0x0  }
0x424: {  	s22 =	sshra.s32 s20, $0x1F;
	p1 =	por !p6, !p1;
	s12 =	spop (v2sf)  }
0x425: {  	s4 =	sshrl.u32 s22, $0x1A;
	vm1 =	vmmov vm2;
	s28 =	smov.u32 s1;
	s1 =	sadd.s32 s1, s12;
	v6 =	vor.u32 s2, v2  }
0x426: {  	p1 =	por !p1, !p1;
	s23 =	sadd.s32 s4, s20;
	s4 =	simm.s32 $0x1;
	[tilespmem:s1+$0xC800] =	vst.msk vm1, v6  }
0x427: {  	s26 =	sshrl.u32 s23, $0x6;
	s4 =	simm.s32 @!p1 $0x0;
	s30 =	sld [smem:$0x7EE]  }
0x428: {  	s10 =	spop (v2sf);
	s0 =	ssub.s32 s26, s4  }
0x429: {  	s14 =	spop (v2sf);
	s0 =	sshll.u32 s0, $0x6  }
0x42a: {  	vm2 =	vmmov vm8;
	s29 =	sadd.s32 s1, s14;
	s1 =	sshra.s32 s0, $0x4;
	v6 =	vor.u32 s30, v2  }
0x42b: {  	p2 =	slt.s32 s1, $0x1;
	[tilespmem:s29+$0xC800] =	vst.msk vm2, v6  }
.Ltmp46:
0x42c: {  	s31 =	sld [smem:$0x7EF];
	(pc) =	sbr.rel @p2 .LBB2_68-.Ltmp46, $3  }
0x42d: {  	_ =	sdelay $0x1  }
0x42e: {  	s15 =	spop (v2sf);
	s2 =	sadd.s32 s29, s10;
	v6 =	vor.u32 s31, v2  }
0x42f: {  	v8 =	vmov s11;
	s8 =	sadd.s32 s2, s15;
	[tilespmem:s2+$0xC800] =	vst.msk vm6, v6  }
0x430: {  	s2 =	simm.s32 $0xC800  }
0x431: {  	s3 =	simm.s32 $0xF080;
	s4 =	simm.s32 $0x11900;
	s5 =	simm.s32 $0x14180  }
0x432: {  	s7 =	simm.s32 $0x0;
	s9 =	smov.u32 s1;
	s19 =	rddreg [dreg:$0x4]  }
0x433: {  	s20 =	simm.s32 $0x0;
	s21 =	simm.s32 $0x7800;
	s22 =	simm.s32 $0xA000  }
0x434: {  	v7 =	vimm.f32 $-3.000000010e+38;
	s17 =	simm.s32 $0x7700;
	s23 =	simm.s32 $0x40;
	s26 =	simm.s32 $0x1B200  }
.LBB2_70:
0x435: {  	v6 =	vld [tilespmem:s2+$0x0];
	_ =	sdelay $0x2  }
0x436: {  	v9 =	vor.u32 s7, v0  }
0x437: {  	vm1 =	vlt.s32 v9, v8  }
0x438: {  	v6 =	vnsel vm1, $0x0, v6;
	_ =	sdelay $0x4  }
0x439: {  	v9 =	vld.idx.msk [tilespmem:v6+s22+$0x0], $0xffff;
	_ =	sdelay $0x7  }
0x43a: {  	v9 =	vld.idx.msk [tilespmem:v9+s25+$0x0], $0xffff  }
0x43b: {  	v6 =	vld.idx.msk [tilespmem:v6+s21+$0x0], $0xffff;
	_ =	sdelay $0x3  }
0x43c: {  	v9 =	vnsel vm1, $0x0, v9;
	_ =	sdelay $0x3  }
0x43d: {  	v10 =	vld.idx.msk [tilespmem:v6+s20+$0x0], $0xffff  }
0x43e: {  	v11 =	vld.idx.msk [tilespmem:v9+s17+$0x0], $0xffff;
	_ =	sdelay $0x4  }
0x43f: {  	v10 =	vadd.f32 v11, v10  }
0x440: {  	p1 =	sne.s32 s9, $0x1  }
.Ltmp47:
0x441: {  	v11 =	vmul.f32 $2.000000030e-01, v10;
	(pc) =	sbr.rel @p1 .LBB2_70-.Ltmp47, $4  }
0x442: {  	vm2 =	vge.f32 v10, $0.0e+00  }
0x443: {  	[tilespmem:s3+$0x0] =	vst v6;
	v10 =	vsel vm2, v10, v11  }
0x444: {  	s2 =	sadd.s32 $0x10, s2;
	s7 =	sadd.s32 $0x10, s7;
	s9 =	sadd.s32 $0xFFFFFFFF, s9;
	[tilespmem:s4+$0x0] =	vst v9;
	v6 =	vnsel vm1, $0xFF61B1E6, v10  }
0x445: {  	s3 =	sadd.s32 $0x10, s3;
	s4 =	sadd.s32 $0x10, s4;
	[tilespmem:s5+$0x0] =	vst v6;
	v7 =	vmax.f32 v7, v6;
	s5 =	sadd.s32 $0x10, s5  }
.Ltmp48:
0x446: {  	_ = 	snop;
	(pc) =	sbr.rel .LBB2_71-.Ltmp48, $1  }
0x447: {  	_ =	sdelay $0x3  }
.LBB2_68:
0x448: {  	s19 =	rddreg [dreg:$0x4]  }
0x449: {  	s20 =	simm.s32 $0x0;
	s21 =	simm.s32 $0x7800;
	s22 =	simm.s32 $0xA000  }
0x44a: {  	v7 =	vimm.f32 $-3.000000010e+38;
	s17 =	simm.s32 $0x7700;
	s23 =	simm.s32 $0x40;
	s26 =	simm.s32 $0x1B200  }
.LBB2_71:
0x44b: {  	s2 =	sadd.s32 $0xFFFFEBFF, s8  }
0x44c: {  	s3 =	sand.u32 $0x3F, s2  }
0x44d: {  	s29 =	sshra.s32 s2, $0x1F;
	p3 =	slt.s32 s2, $0x1;
	p1 =	sne.s32 s3, $0x0  }
0x44e: {  	s3 =	sshrl.u32 s29, $0x1A;
	p1 =	por !p3, !p1  }
0x44f: {  	s2 =	sadd.s32 s3, s2;
	s3 =	simm.s32 $0x1;
	p1 =	por !p1, !p1  }
0x450: {  	s2 =	sshrl.u32 s2, $0x6;
	s3 =	simm.s32 @!p1 $0x0  }
0x451: {  	s2 =	ssub.s32 s2, s3  }
0x452: {  	s2 =	sshll.u32 s2, $0x6  }
0x453: {  	s16 =	sadd.s32 $0x1440, s2  }
0x454: {  	s7 =	sshra.s32 s16, $0x4  }
0x455: {  	p1 =	slt.s32 s7, $0x145  }
.Ltmp49:
0x456: {  	_ = 	snop;
	(pc) =	sbr.rel @p1 .LBB2_74-.Ltmp49, $2  }
0x457: {  	_ =	sdelay $0x2  }
0x458: {  	v6 =	vmov s8;
	s31 =	simm.s32 $0x1;
	s30 =	rddreg [dreg:$0xe]  }
0x459: {  	s2 =	ssub.s32 $0x144, s7;
	s3 =	simm.s32 $0xDC40;
	s4 =	simm.s32 $0x104C0  }
0x45a: {  	s5 =	simm.s32 $0x12D40;
	s9 =	simm.s32 $0x155C0;
	s13 =	simm.s32 $0x1440  }
.LBB2_73:
0x45b: {  	v9 =	vld [tilespmem:s3+$0x0];
	_ =	sdelay $0x2  }
0x45c: {  	v10 =	vor.u32 s13, v0  }
0x45d: {  	vm1 =	vlt.s32 v10, v6  }
0x45e: {  	v9 =	vnsel vm1, $0x0, v9;
	_ =	sdelay $0x4  }
0x45f: {  	v10 =	vld.idx.msk [tilespmem:v9+s22+$0x0], $0xffff;
	_ =	sdelay $0x7  }
0x460: {  	v10 =	vld.idx.msk [tilespmem:v10+s25+$0x0], $0xffff  }
0x461: {  	v9 =	vld.idx.msk [tilespmem:v9+s21+$0x0], $0xffff;
	_ =	sdelay $0x3  }
0x462: {  	v10 =	vnsel vm1, $0x0, v10;
	_ =	sdelay $0x3  }
0x463: {  	v11 =	vld.idx.msk [tilespmem:v9+s20+$0x0], $0xffff  }
0x464: {  	v12 =	vld.idx.msk [tilespmem:v10+s17+$0x0], $0xffff;
	_ =	sdelay $0x4  }
0x465: {  	s2 =	sadd.s32 $0x1, s2;
	v11 =	vadd.f32 v12, v11  }
0x466: {  	p3 =	seq.s32 s2, $0x0  }
.Ltmp50:
0x467: {  	v12 =	vmul.f32 $2.000000030e-01, v11;
	(pc) =	sbr.rel @!p3 .LBB2_73-.Ltmp50, $4  }
0x468: {  	vm2 =	vge.f32 v11, $0.0e+00  }
0x469: {  	[tilespmem:s4+$0x0] =	vst v9;
	v11 =	vsel vm2, v11, v12  }
0x46a: {  	s3 =	sadd.s32 $0x10, s3;
	s13 =	sadd.s32 $0x10, s13;
	[tilespmem:s5+$0x0] =	vst v10;
	v9 =	vnsel vm1, $0xFF61B1E6, v11  }
0x46b: {  	s4 =	sadd.s32 $0x10, s4;
	s5 =	sadd.s32 $0x10, s5;
	[tilespmem:s9+$0x0] =	vst v9;
	v7 =	vmax.f32 v7, v9;
	s9 =	sadd.s32 $0x10, s9  }
.LBB2_74:
0x46c: {  	(xrf0) =	vmax.scan.msk.f32 $0xffff, v7;
	_ =	sdelay $0x4  }
.Ltmp51:
0x46d: {  	_ = 	snop;
	(pc) =	sbr.rel @p2 .LBB2_81-.Ltmp51, $3  }
0x46e: {  	v7, _, _ =	vpop (xrf0)  }
0x46f: {  	v7 =	vbroadcast v7, $0xF;
	_ =	sdelay $0x1  }
0x470: {  	[tilespmem:$0x1AA00] =	vst v7  }
0x471: {  	p3 =	sne.s32 s1, $0x1  }
.Ltmp52:
0x472: {  	_ = 	snop;
	(pc) =	sbr.rel @!p3 .LBB2_76-.Ltmp52, $3  }
0x473: {  	_ =	sdelay $0x1  }
0x474: {  	s2 =	simm.s32 $0x14180  }
0x475: {  	s3 =	simm.s32 $0x0;
	s1 =	sadd.s32 $0xFFFFFFFF, s1;
	p2 =	por $0x0, $0x0;
	v9 =	vld [tilespmem:s2+$0x0]  }
0x476: {  	_ =	sdelay $0x3  }
0x477: {  	v9 =	vsub.f32 v9, v7;
	_ =	sdelay $0x1  }
0x478: {  	v9 =	vmul.f32 $1.442695020e+00, v9;
	_ =	sdelay $0x1  }
0x479: {  	(erf) = vpow2.f32 v9;
	_ =	sdelay $0x5  }
0x47a: {  	v9 =	vor.u32 s3, v0  }
0x47b: {  	p3 =	sne.s32 s1, $0x1  }
.Ltmp53:
0x47c: {  	_ = 	snop;
	(pc) =	sbr.rel @!p3 .LBB2_78-.Ltmp53, $4  }
0x47d: {  	vm1 =	vlt.s32 v9, v8;
	v9 =	vpop (erf)  }
0x47e: {  	v9 =	vnsel vm1, $0x0, v9  }
0x47f: {  	[tilespmem:s2+$0x0] =	vst v9;
	s2 =	simm.s32 $0x14190  }
0x480: {  	s4 =	sadd.s32 $0xFFFFFFFF, s1;
	p2 =	por $0x1, $0x1;
	s1 =	simm.s32 $0x0;
	v9 =	vld [tilespmem:s2+$0x0]  }
.LBB2_79:
0x481: {  	p3 =	sne.s32 s4, $0x1;
	_ =	sdelay $0x3  }
0x482: {  	v9 =	vsub.f32 v9, v7;
	_ =	sdelay $0x1  }
0x483: {  	v9 =	vmul.f32 $1.442695020e+00, v9;
	_ =	sdelay $0x1  }
0x484: {  	(erf) = vpow2.f32 v9;
	_ =	sdelay $0x6  }
0x485: {  	s1 =	sadd.s32 $0x10, s1  }
.Ltmp54:
0x486: {  	v10 =	vor.u32 s1, v0;
	(pc) =	sbr.rel @p3 .LBB2_79-.Ltmp54, $4  }
0x487: {  	vm1 =	vlt.s32 v10, v8;
	v9 =	vpop (erf)  }
0x488: {  	v9 =	vnsel vm1, $0x0, v9  }
0x489: {  	[tilespmem:s2+$0x0] =	vst v9;
	s2 =	sadd.s32 $0x10, s2  }
0x48a: {  	s4 =	sadd.s32 $0xFFFFFFFF, s4;
	v9 =	vld [tilespmem:s2+$0x0]  }
.LBB2_80:
0x48b: {  	_ =	sdelay $0x3  }
0x48c: {  	v9 =	vsub.f32 v9, v7;
	_ =	sdelay $0x1  }
0x48d: {  	v9 =	vmul.f32 $1.442695020e+00, v9;
	_ =	sdelay $0x1  }
0x48e: {  	(erf) = vpow2.f32 v9;
	_ =	sdelay $0x5  }
0x48f: {  	s1 =	sadd.s32 @p2 $0x10, s1  }
0x490: {  	s3 =	smov.u32 @p2 s1  }
0x491: {  	v63 =	vor.u32 s3, v0  }
0x492: {  	vm1 =	vlt.s32 v63, v8;
	v8 =	vpop (erf)  }
0x493: {  	v8 =	vnsel vm1, $0x0, v8  }
0x494: {  	[tilespmem:s2+$0x0] =	vst v8  }
.LBB2_81:
0x495: {  	s0 =	sshra.s32 s0, $0x6  }
0x496: {  	p2 =	sgt.s32 s0, $0x0  }
.Ltmp55:
0x497: {  	_ = 	snop;
	(pc) =	sbr.rel @p2 .LBB2_90-.Ltmp55, $2  }
0x498: {  	_ =	sdelay $0x2  }
0x499: {  	s1 =	simm.s32 $0x0;
	s2 =	smov.u32 s11;
	s4 =	simm.s32 $0x0  }
.LBB2_82:
.Ltmp56:
0x49a: {  	(pc) =	sbr.rel @p1 .LBB2_85-.Ltmp56, $1  }
0x49b: {  	_ =	sdelay $0x3  }
0x49c: {  	s2 =	simm.s32 $0x155C0  }
0x49d: {  	v8 =	vld [tilespmem:s2+$0x0];
	_ =	sdelay $0x4  }
0x49e: {  	v8 =	vsub.f32 v8, v7;
	_ =	sdelay $0x1  }
0x49f: {  	v8 =	vmul.f32 $1.442695020e+00, v8;
	_ =	sdelay $0x1  }
0x4a0: {  	(erf) = vpow2.f32 v8;
	_ =	sdelay $0x3  }
0x4a1: {  	s1 =	ssub.s32 $0x144, s7  }
0x4a2: {  	s0 =	simm.s32 $0x1440;
	s1 =	sadd.s32 $0x1, s1  }
0x4a3: {  	p1 =	seq.s32 s1, $0x0;
	v8 =	vor.u32 s0, v0  }
.Ltmp57:
0x4a4: {  	_ = 	snop;
	(pc) =	sbr.rel @p1 .LBB2_85-.Ltmp57, $4  }
0x4a5: {  	_ = 	snop  }
0x4a6: {  	vm1 =	vlt.s32 v8, v6;
	v8 =	vpop (erf)  }
0x4a7: {  	v8 =	vnsel vm1, $0x0, v8  }
0x4a8: {  	[tilespmem:s2+$0x0] =	vst v8;
	s2 =	simm.s32 $0x155D0  }
.LBB2_84:
0x4a9: {  	v8 =	vld [tilespmem:s2+$0x0];
	s1 =	sadd.s32 $0x1, s1  }
0x4aa: {  	p1 =	seq.s32 s1, $0x0;
	_ =	sdelay $0x3  }
0x4ab: {  	v8 =	vsub.f32 v8, v7;
	_ =	sdelay $0x1  }
0x4ac: {  	v8 =	vmul.f32 $1.442695020e+00, v8;
	_ =	sdelay $0x1  }
0x4ad: {  	(erf) = vpow2.f32 v8;
	_ =	sdelay $0x6  }
.Ltmp58:
0x4ae: {  	s0 =	sadd.s32 $0x10, s0;
	(pc) =	sbr.rel @!p1 .LBB2_84-.Ltmp58, $4  }
0x4af: {  	v9 =	vor.u32 s0, v0  }
0x4b0: {  	vm1 =	vlt.s32 v9, v6;
	v8 =	vpop (erf)  }
0x4b1: {  	v8 =	vnsel vm1, $0x0, v8  }
0x4b2: {  	[tilespmem:s2+$0x0] =	vst v8;
	s2 =	sadd.s32 $0x10, s2  }
.LBB2_85:
0x4b3: {  	s0 =	sshra.s32 s16, $0x6  }
0x4b4: {  	p1 =	slt.s32 s0, $0x52  }
.Ltmp59:
0x4b5: {  	_ = 	snop;
	(pc) =	sbr.rel @p1 .LBB2_103-.Ltmp59, $1  }
0x4b6: {  	_ =	sdelay $0x3  }
.Ltmp60:
0x4b7: {  	s1 =	sadd.s32 s14, s12;
	(pc) =	sbr.rel .LBB2_87-.Ltmp60, $4  }
0x4b8: {  	s1 =	sadd.s32 s10, s1  }
0x4b9: {  	s1 =	sadd.s32 s15, s1  }
0x4ba: {  	s1 =	sadd.s32 s28, s1  }
0x4bb: {  	s2 =	simm.s32 $0x51;
	s4 =	simm.s32 $0x1440;
	s1 =	sadd.s32 $0xFFFFEBC0, s1  }
.LBB2_92:
0x4bc: {  	s3 =	simm.s32 $0x1B240  }
.LBB2_96:
0x4bd: {  	_ =	sdelay $0x2  }
0x4be: {  	[tilespmem:s17+$0x0] =	vst.add.f32.msk @p2 $0xffff, v9  }
0x4bf: {  	v9 =	vld.idx.msk [tilespmem:v8+s6+$0x0], $0xffff;
	_ =	sdelay $0x4  }
0x4c0: {  	(v2sf) =	vpush v9, $0x0;
	_ =	sdelay $0xd  }
0x4c1: {  	v8 =	vld.idx.msk [tilespmem:v8+s24+$0x0], $0xffff  }
0x4c2: {  	s5 =	spop (v2sf)  }
0x4c3: {  	s13 =	sshll.u32 s5, $0x8;
	s5 =	sshll.u32 s5, $0x7  }
0x4c4: {  	s13 =	sand.u32 $0xFFFFF800, s13;
	s5 =	sand.u32 $0x380, s5  }
0x4c5: {  	s5 =	sor.u32 s5, s13  }
0x4c6: {  	s3 =	sadd.s32 @p2 $0x80, s3;
	v63 =	vnsel vm0, $0x0, v8;
	s13 =	sadd.s32 $0x16A00, s5  }
0x4c7: {  	s9 =	smov.u32 @p2 s3;
	[tilespmem:s13+$0x400] =	vst.add.f32.msk $0xffff, v63  }
0x4c8: {  	v9 =	vld [tilespmem:s9+$0xFFFFFFC0];
	_ =	sdelay $0x4  }
0x4c9: {  	v9 =	vmul.f32 v9, v8;
	_ =	sdelay $0x1  }
0x4ca: {  	[tilespmem:s5+$0x16A00] =	vst.add.f32.msk $0xffff, v9  }
0x4cb: {  	v9 =	vld [tilespmem:s9+$0xFFFFFFD0];
	_ =	sdelay $0x4  }
0x4cc: {  	v9 =	vmul.f32 v9, v8  }
0x4cd: {  	s17 =	sor.u32 $0x10, s13  }
0x4ce: {  	[tilespmem:s17+$0x0] =	vst.add.f32.msk $0xffff, v9  }
0x4cf: {  	v9 =	vld [tilespmem:s9+$0xFFFFFFE0];
	_ =	sdelay $0x4  }
0x4d0: {  	v9 =	vmul.f32 v9, v8  }
0x4d1: {  	s18 =	sor.u32 $0x20, s13  }
0x4d2: {  	[tilespmem:s18+$0x0] =	vst.add.f32.msk $0xffff, v9  }
0x4d3: {  	v9 =	vld [tilespmem:s9+$0xFFFFFFF0];
	_ =	sdelay $0x4  }
0x4d4: {  	v9 =	vmul.f32 v9, v8  }
0x4d5: {  	s29 =	sor.u32 $0x30, s13  }
0x4d6: {  	[tilespmem:s29+$0x0] =	vst.add.f32.msk $0xffff, v9  }
0x4d7: {  	v9 =	vld [tilespmem:s9+$0x0];
	_ =	sdelay $0x4  }
0x4d8: {  	v9 =	vmul.f32 v9, v8  }
0x4d9: {  	s5 =	sor.u32 $0x40, s13  }
0x4da: {  	[tilespmem:s5+$0x0] =	vst.add.f32.msk $0xffff, v9  }
0x4db: {  	v9 =	vld [tilespmem:s9+$0x10];
	_ =	sdelay $0x4  }
0x4dc: {  	v9 =	vmul.f32 v9, v8  }
0x4dd: {  	s17 =	sor.u32 $0x50, s13  }
0x4de: {  	[tilespmem:s17+$0x0] =	vst.add.f32.msk $0xffff, v9  }
0x4df: {  	v9 =	vld [tilespmem:s9+$0x20];
	_ =	sdelay $0x4  }
0x4e0: {  	v9 =	vmul.f32 v9, v8  }
0x4e1: {  	s18 =	sor.u32 $0x60, s13  }
0x4e2: {  	[tilespmem:s18+$0x0] =	vst.add.f32.msk $0xffff, v9  }
0x4e3: {  	v9 =	vld [tilespmem:s9+$0x30];
	_ =	sdelay $0x4  }
0x4e4: {  	v8 =	vmul.f32 v9, v8  }
0x4e5: {  	s29 =	sor.u32 $0x70, s13  }
0x4e6: {  	[tilespmem:s29+$0x0] =	vst.add.f32.msk $0xffff, v8  }
.LBB2_97:
0x4e7: {  	s4 =	sadd.s32 $0x1, s4  }
0x4e8: {  	p2 =	seq.s32 s4, s0  }
.Ltmp61:
0x4e9: {  	_ = 	snop;
	(pc) =	sbr.rel @p2 .LBB2_82-.Ltmp61, $2  }
0x4ea: {  	_ =	sdelay $0x2  }
0x4eb: {  	s2 =	sadd.s32 $0xFFFFFFC0, s2;
	s1 =	sadd.s32 $0x40, s1  }
.LBB2_90:
0x4ec: {  	s3 =	sshll.u32 s4, $0x6  }
0x4ed: {  	s5 =	sadd.s32 $0xF080, s3;
	s3 =	ssub.s32 s11, s3  }
0x4ee: {  	p2 =	slt.s32 s3, $0x1  }
.Ltmp62:
0x4ef: {  	_ = 	snop;
	(pc) =	sbr.rel @p2 .LBB2_97-.Ltmp62, $4  }
0x4f0: {  	[tilespmem:s26], [sflag:$0x1] =	stream.indirect.gather [hbm4b:s19+s23], $0x80, s5, s23, $0xb8;
	[tilespmem:$0x1D200] =	vst v63  }
0x4f1: {  	_ =	swait.ge [sflag:s31], $0x2000  }
0x4f2: {  	[sflag:s31] =	ssyncset.done $0x0  }
0x4f3: {  	[sflag:s31] =	ssyncadd.s32 $0xFFFFE000  }
0x4f4: {  	p2 =	sgt.s32 s2, $0x1;
	s3 =	smov.u32 s2  }
0x4f5: {  	s3 =	simm.s32 @!p2 $0x1  }
0x4f6: {  	s3 =	smin.u32 s3, $0x40  }
0x4f7: {  	p3 =	sne.s32 s3, $0x1  }
.Ltmp63:
0x4f8: {  	_ = 	snop;
	(pc) =	sbr.rel @!p3 .LBB2_92-.Ltmp63, $2  }
0x4f9: {  	_ =	sdelay $0x2  }
0x4fa: {  	s9 =	simm.s32 $0x1B240;
	v8 =	vmov s1;
	p2 =	por $0x0, $0x0;
	s3 =	sadd.s32 $0xFFFFFFFF, s3  }
0x4fb: {  	_ =	sdelay $0x3  }
0x4fc: {  	v9 =	vld.idx.msk [tilespmem:v8+s6+$0x0], $0xffff;
	_ =	sdelay $0x4  }
0x4fd: {  	(v2sf) =	vpush v9, $0x0;
	_ =	sdelay $0xd  }
0x4fe: {  	v9 =	vld.idx.msk [tilespmem:v8+s24+$0x0], $0xffff  }
0x4ff: {  	s5 =	spop (v2sf)  }
0x500: {  	s13 =	sshll.u32 s5, $0x8;
	s5 =	sshll.u32 s5, $0x7  }
0x501: {  	s13 =	sand.u32 $0xFFFFF800, s13;
	s5 =	sand.u32 $0x380, s5  }
0x502: {  	s5 =	sor.u32 s5, s13  }
0x503: {  	v8 =	vnsel vm0, $0x0, v9;
	s17 =	sadd.s32 $0x16A00, s5  }
0x504: {  	[tilespmem:s17+$0x400] =	vst.add.f32.msk $0xffff, v8  }
0x505: {  	v8 =	vld [tilespmem:s9+$0xFFFFFFC0];
	_ =	sdelay $0x4  }
0x506: {  	v8 =	vmul.f32 v8, v9;
	_ =	sdelay $0x1  }
0x507: {  	[tilespmem:s5+$0x16A00] =	vst.add.f32.msk $0xffff, v8  }
0x508: {  	v8 =	vld [tilespmem:s9+$0xFFFFFFD0];
	_ =	sdelay $0x4  }
0x509: {  	v8 =	vmul.f32 v8, v9  }
0x50a: {  	s13 =	sor.u32 $0x10, s17  }
0x50b: {  	[tilespmem:s13+$0x0] =	vst.add.f32.msk $0xffff, v8  }
0x50c: {  	v8 =	vld [tilespmem:s9+$0xFFFFFFE0];
	_ =	sdelay $0x4  }
0x50d: {  	v8 =	vmul.f32 v8, v9  }
0x50e: {  	s18 =	sor.u32 $0x20, s17  }
0x50f: {  	[tilespmem:s18+$0x0] =	vst.add.f32.msk $0xffff, v8  }
0x510: {  	v8 =	vld [tilespmem:s9+$0xFFFFFFF0];
	_ =	sdelay $0x4  }
0x511: {  	v8 =	vmul.f32 v8, v9  }
0x512: {  	s29 =	sor.u32 $0x30, s17  }
0x513: {  	[tilespmem:s29+$0x0] =	vst.add.f32.msk $0xffff, v8  }
0x514: {  	v8 =	vld [tilespmem:s9+$0x0];
	_ =	sdelay $0x4  }
0x515: {  	v8 =	vmul.f32 v8, v9  }
0x516: {  	s13 =	sor.u32 $0x40, s17  }
0x517: {  	[tilespmem:s13+$0x0] =	vst.add.f32.msk $0xffff, v8  }
0x518: {  	v8 =	vld [tilespmem:s9+$0x10];
	_ =	sdelay $0x4  }
0x519: {  	v8 =	vmul.f32 v8, v9  }
0x51a: {  	s18 =	sor.u32 $0x50, s17  }
0x51b: {  	[tilespmem:s18+$0x0] =	vst.add.f32.msk $0xffff, v8  }
0x51c: {  	v8 =	vld [tilespmem:s9+$0x20];
	_ =	sdelay $0x4  }
0x51d: {  	v8 =	vmul.f32 v8, v9  }
0x51e: {  	s29 =	sor.u32 $0x60, s17  }
0x51f: {  	[tilespmem:s29+$0x0] =	vst.add.f32.msk $0xffff, v8  }
0x520: {  	v10 =	vld [tilespmem:s9+$0x30]  }
0x521: {  	p3 =	sne.s32 s3, $0x1  }
.Ltmp64:
0x522: {  	s13 =	sadd.s32 $0x1, s1;
	(pc) =	sbr.rel @!p3 .LBB2_94-.Ltmp64, $3  }
0x523: {  	v8 =	vmov s13;
	_ =	sdelay $0x1  }
0x524: {  	p2 =	por $0x1, $0x1;
	v9 =	vmul.f32 v10, v9  }
0x525: {  	s5 =	sadd.s32 $0xFFFFFFFF, s3;
	s3 =	simm.s32 $0x1B240;
	s17 =	sor.u32 $0x70, s17  }
.LBB2_95:
0x526: {  	p3 =	sne.s32 s5, $0x1;
	s5 =	sadd.s32 $0xFFFFFFFF, s5;
	[tilespmem:s17+$0x0] =	vst.add.f32.msk $0xffff, v9;
	s3 =	sadd.s32 $0x80, s3  }
0x527: {  	v9 =	vld.idx.msk [tilespmem:v8+s6+$0x0], $0xffff;
	_ =	sdelay $0x5  }
0x528: {  	(v2sf) =	vpush v9, $0x0;
	_ =	sdelay $0xc  }
0x529: {  	v9 =	vld.idx.msk [tilespmem:v8+s24+$0x0], $0xffff;
	_ =	sdelay $0x1  }
0x52a: {  	s17 =	spop (v2sf)  }
0x52b: {  	s18 =	sshll.u32 s17, $0x8;
	s17 =	sshll.u32 s17, $0x7  }
0x52c: {  	s18 =	sand.u32 $0xFFFFF800, s18;
	s17 =	sand.u32 $0x380, s17  }
0x52d: {  	s18 =	sor.u32 s17, s18  }
0x52e: {  	v8 =	vnsel vm0, $0x0, v9;
	s17 =	sadd.s32 $0x16A00, s18  }
0x52f: {  	[tilespmem:s17+$0x400] =	vst.add.f32.msk $0xffff, v8  }
0x530: {  	v8 =	vld [tilespmem:s3+$0xFFFFFFC0];
	_ =	sdelay $0x4  }
0x531: {  	v8 =	vmul.f32 v8, v9;
	_ =	sdelay $0x1  }
0x532: {  	[tilespmem:s18+$0x16A00] =	vst.add.f32.msk $0xffff, v8  }
0x533: {  	v8 =	vld [tilespmem:s3+$0xFFFFFFD0];
	_ =	sdelay $0x4  }
0x534: {  	v8 =	vmul.f32 v8, v9  }
0x535: {  	s18 =	sor.u32 $0x10, s17  }
0x536: {  	[tilespmem:s18+$0x0] =	vst.add.f32.msk $0xffff, v8  }
0x537: {  	v8 =	vld [tilespmem:s3+$0xFFFFFFE0];
	_ =	sdelay $0x4  }
0x538: {  	v8 =	vmul.f32 v8, v9  }
0x539: {  	s18 =	sor.u32 $0x20, s17  }
0x53a: {  	[tilespmem:s18+$0x0] =	vst.add.f32.msk $0xffff, v8  }
0x53b: {  	v8 =	vld [tilespmem:s3+$0xFFFFFFF0];
	_ =	sdelay $0x4  }
0x53c: {  	v8 =	vmul.f32 v8, v9  }
0x53d: {  	s18 =	sor.u32 $0x30, s17  }
0x53e: {  	[tilespmem:s18+$0x0] =	vst.add.f32.msk $0xffff, v8  }
0x53f: {  	v8 =	vld [tilespmem:s3+$0x0];
	_ =	sdelay $0x4  }
0x540: {  	v8 =	vmul.f32 v8, v9  }
0x541: {  	s18 =	sor.u32 $0x40, s17  }
0x542: {  	[tilespmem:s18+$0x0] =	vst.add.f32.msk $0xffff, v8  }
0x543: {  	v8 =	vld [tilespmem:s3+$0x10];
	_ =	sdelay $0x4  }
0x544: {  	v8 =	vmul.f32 v8, v9  }
0x545: {  	s18 =	sor.u32 $0x50, s17  }
0x546: {  	[tilespmem:s18+$0x0] =	vst.add.f32.msk $0xffff, v8  }
0x547: {  	v8 =	vld [tilespmem:s3+$0x20];
	_ =	sdelay $0x4  }
0x548: {  	v8 =	vmul.f32 v8, v9  }
0x549: {  	s18 =	sor.u32 $0x60, s17  }
0x54a: {  	[tilespmem:s18+$0x0] =	vst.add.f32.msk $0xffff, v8  }
0x54b: {  	v10 =	vld [tilespmem:s3+$0x30];
	_ =	sdelay $0x1  }
.Ltmp65:
0x54c: {  	s13 =	sadd.s32 $0x1, s13;
	(pc) =	sbr.rel @p3 .LBB2_95-.Ltmp65, $3  }
0x54d: {  	v8 =	vmov s13;
	_ =	sdelay $0x1  }
0x54e: {  	v9 =	vmul.f32 v10, v9  }
0x54f: {  	s17 =	sor.u32 $0x70, s17  }
.Ltmp66:
0x550: {  	_ = 	snop;
	(pc) =	sbr.rel .LBB2_96-.Ltmp66, $1  }
0x551: {  	_ =	sdelay $0x3  }
.LBB2_94:
.Ltmp67:
0x552: {  	(pc) =	sbr.rel .LBB2_96-.Ltmp67, $2  }
0x553: {  	_ =	sdelay $0x2  }
0x554: {  	s3 =	simm.s32 $0x1B240  }
.LBB2_89:
0x555: {  	s3 =	simm.s32 $0x1B240  }
.LBB2_101:
0x556: {  	_ =	sdelay $0x2  }
0x557: {  	[tilespmem:s10+$0x0] =	vst.add.f32.msk @p1 $0xffff, v7  }
0x558: {  	v7 =	vld.idx.msk [tilespmem:v6+s6+$0x0], $0xffff;
	_ =	sdelay $0x4  }
0x559: {  	(v2sf) =	vpush v7, $0x0;
	_ =	sdelay $0xd  }
0x55a: {  	v6 =	vld.idx.msk [tilespmem:v6+s24+$0x0], $0xffff  }
0x55b: {  	s5 =	spop (v2sf)  }
0x55c: {  	s9 =	sshll.u32 s5, $0x8;
	s5 =	sshll.u32 s5, $0x7  }
0x55d: {  	s9 =	sand.u32 $0xFFFFF800, s9;
	s5 =	sand.u32 $0x380, s5  }
0x55e: {  	s5 =	sor.u32 s5, s9  }
0x55f: {  	s3 =	sadd.s32 @p1 $0x80, s3;
	v7 =	vnsel vm0, $0x0, v6;
	s9 =	sadd.s32 $0x16A00, s5  }
0x560: {  	s7 =	smov.u32 @p1 s3;
	[tilespmem:s9+$0x400] =	vst.add.f32.msk $0xffff, v7  }
0x561: {  	v7 =	vld [tilespmem:s7+$0xFFFFFFC0];
	_ =	sdelay $0x4  }
0x562: {  	v7 =	vmul.f32 v7, v6;
	_ =	sdelay $0x1  }
0x563: {  	[tilespmem:s5+$0x16A00] =	vst.add.f32.msk $0xffff, v7  }
0x564: {  	v7 =	vld [tilespmem:s7+$0xFFFFFFD0];
	_ =	sdelay $0x4  }
0x565: {  	v7 =	vmul.f32 v7, v6  }
0x566: {  	s14 =	sor.u32 $0x10, s9  }
0x567: {  	[tilespmem:s14+$0x0] =	vst.add.f32.msk $0xffff, v7  }
0x568: {  	v7 =	vld [tilespmem:s7+$0xFFFFFFE0];
	_ =	sdelay $0x4  }
0x569: {  	v7 =	vmul.f32 v7, v6  }
0x56a: {  	s15 =	sor.u32 $0x20, s9  }
0x56b: {  	[tilespmem:s15+$0x0] =	vst.add.f32.msk $0xffff, v7  }
0x56c: {  	v7 =	vld [tilespmem:s7+$0xFFFFFFF0];
	_ =	sdelay $0x4  }
0x56d: {  	v7 =	vmul.f32 v7, v6  }
0x56e: {  	s16 =	sor.u32 $0x30, s9  }
0x56f: {  	[tilespmem:s16+$0x0] =	vst.add.f32.msk $0xffff, v7  }
0x570: {  	v7 =	vld [tilespmem:s7+$0x0];
	_ =	sdelay $0x4  }
0x571: {  	v7 =	vmul.f32 v7, v6  }
0x572: {  	s17 =	sor.u32 $0x40, s9  }
0x573: {  	[tilespmem:s17+$0x0] =	vst.add.f32.msk $0xffff, v7  }
0x574: {  	v7 =	vld [tilespmem:s7+$0x10];
	_ =	sdelay $0x4  }
0x575: {  	v7 =	vmul.f32 v7, v6  }
0x576: {  	s18 =	sor.u32 $0x50, s9  }
0x577: {  	[tilespmem:s18+$0x0] =	vst.add.f32.msk $0xffff, v7  }
0x578: {  	v7 =	vld [tilespmem:s7+$0x20];
	_ =	sdelay $0x4  }
0x579: {  	v7 =	vmul.f32 v7, v6  }
0x57a: {  	s28 =	sor.u32 $0x60, s9  }
0x57b: {  	[tilespmem:s28+$0x0] =	vst.add.f32.msk $0xffff, v7  }
0x57c: {  	v7 =	vld [tilespmem:s7+$0x30];
	_ =	sdelay $0x4  }
0x57d: {  	v6 =	vmul.f32 v7, v6  }
0x57e: {  	s29 =	sor.u32 $0x70, s9  }
0x57f: {  	[tilespmem:s29+$0x0] =	vst.add.f32.msk $0xffff, v6  }
.LBB2_102:
0x580: {  	s2 =	sadd.s32 $0x1, s2  }
0x581: {  	p1 =	sne.s32 s2, s0  }
.Ltmp68:
0x582: {  	_ = 	snop;
	(pc) =	sbr.rel @!p1 .LBB2_103-.Ltmp68, $2  }
0x583: {  	_ =	sdelay $0x2  }
0x584: {  	s1 =	sadd.s32 $0xFFFFFFC0, s1;
	s4 =	sadd.s32 $0x40, s4  }
.LBB2_87:
0x585: {  	s3 =	sshll.u32 s2, $0x6  }
0x586: {  	s5 =	sadd.s32 $0xF080, s3;
	s3 =	ssub.s32 s8, s3  }
0x587: {  	p1 =	slt.s32 s3, $0x1  }
.Ltmp69:
0x588: {  	_ = 	snop;
	(pc) =	sbr.rel @p1 .LBB2_102-.Ltmp69, $4  }
0x589: {  	[tilespmem:s26], [sflag:$0x1] =	stream.indirect.gather [hbm4b:s19+s23], $0x80, s5, s23, $0xb8;
	[tilespmem:$0x1D200] =	vst v63  }
0x58a: {  	_ =	swait.ge [sflag:s31], $0x2000  }
0x58b: {  	[sflag:s31] =	ssyncset.done $0x0  }
0x58c: {  	[sflag:s31] =	ssyncadd.s32 $0xFFFFE000  }
0x58d: {  	p1 =	sgt.s32 s1, $0x1;
	s3 =	smov.u32 s1  }
0x58e: {  	s3 =	simm.s32 @!p1 $0x1  }
0x58f: {  	s3 =	smin.u32 s3, $0x40  }
0x590: {  	p2 =	sne.s32 s3, $0x1  }
.Ltmp70:
0x591: {  	_ = 	snop;
	(pc) =	sbr.rel @!p2 .LBB2_89-.Ltmp70, $2  }
0x592: {  	_ =	sdelay $0x2  }
0x593: {  	s7 =	simm.s32 $0x1B240;
	v6 =	vmov s4;
	p1 =	por $0x0, $0x0;
	s3 =	sadd.s32 $0xFFFFFFFF, s3  }
0x594: {  	_ =	sdelay $0x3  }
0x595: {  	v7 =	vld.idx.msk [tilespmem:v6+s6+$0x0], $0xffff;
	_ =	sdelay $0x4  }
0x596: {  	(v2sf) =	vpush v7, $0x0;
	_ =	sdelay $0xd  }
0x597: {  	v7 =	vld.idx.msk [tilespmem:v6+s24+$0x0], $0xffff  }
0x598: {  	s5 =	spop (v2sf)  }
0x599: {  	s9 =	sshll.u32 s5, $0x8;
	s5 =	sshll.u32 s5, $0x7  }
0x59a: {  	s9 =	sand.u32 $0xFFFFF800, s9;
	s5 =	sand.u32 $0x380, s5  }
0x59b: {  	s5 =	sor.u32 s5, s9  }
0x59c: {  	v6 =	vnsel vm0, $0x0, v7;
	s10 =	sadd.s32 $0x16A00, s5  }
0x59d: {  	[tilespmem:s10+$0x400] =	vst.add.f32.msk $0xffff, v6  }
0x59e: {  	v6 =	vld [tilespmem:s7+$0xFFFFFFC0];
	_ =	sdelay $0x4  }
0x59f: {  	v6 =	vmul.f32 v6, v7;
	_ =	sdelay $0x1  }
0x5a0: {  	[tilespmem:s5+$0x16A00] =	vst.add.f32.msk $0xffff, v6  }
0x5a1: {  	v6 =	vld [tilespmem:s7+$0xFFFFFFD0];
	_ =	sdelay $0x4  }
0x5a2: {  	v6 =	vmul.f32 v6, v7  }
0x5a3: {  	s15 =	sor.u32 $0x10, s10  }
0x5a4: {  	[tilespmem:s15+$0x0] =	vst.add.f32.msk $0xffff, v6  }
0x5a5: {  	v6 =	vld [tilespmem:s7+$0xFFFFFFE0];
	_ =	sdelay $0x4  }
0x5a6: {  	v6 =	vmul.f32 v6, v7  }
0x5a7: {  	s16 =	sor.u32 $0x20, s10  }
0x5a8: {  	[tilespmem:s16+$0x0] =	vst.add.f32.msk $0xffff, v6  }
0x5a9: {  	v6 =	vld [tilespmem:s7+$0xFFFFFFF0];
	_ =	sdelay $0x4  }
0x5aa: {  	v6 =	vmul.f32 v6, v7  }
0x5ab: {  	s17 =	sor.u32 $0x30, s10  }
0x5ac: {  	[tilespmem:s17+$0x0] =	vst.add.f32.msk $0xffff, v6  }
0x5ad: {  	v6 =	vld [tilespmem:s7+$0x0];
	_ =	sdelay $0x4  }
0x5ae: {  	v6 =	vmul.f32 v6, v7  }
0x5af: {  	s18 =	sor.u32 $0x40, s10  }
0x5b0: {  	[tilespmem:s18+$0x0] =	vst.add.f32.msk $0xffff, v6  }
0x5b1: {  	v6 =	vld [tilespmem:s7+$0x10];
	_ =	sdelay $0x4  }
0x5b2: {  	v6 =	vmul.f32 v6, v7  }
0x5b3: {  	s28 =	sor.u32 $0x50, s10  }
0x5b4: {  	[tilespmem:s28+$0x0] =	vst.add.f32.msk $0xffff, v6  }
0x5b5: {  	v6 =	vld [tilespmem:s7+$0x20];
	_ =	sdelay $0x4  }
0x5b6: {  	v6 =	vmul.f32 v6, v7  }
0x5b7: {  	s29 =	sor.u32 $0x60, s10  }
0x5b8: {  	[tilespmem:s29+$0x0] =	vst.add.f32.msk $0xffff, v6  }
0x5b9: {  	v8 =	vld [tilespmem:s7+$0x30]  }
0x5ba: {  	p2 =	sne.s32 s3, $0x1  }
.Ltmp71:
0x5bb: {  	s9 =	sadd.s32 $0x1, s4;
	(pc) =	sbr.rel @!p2 .LBB2_99-.Ltmp71, $3  }
0x5bc: {  	v6 =	vmov s9;
	_ =	sdelay $0x1  }
0x5bd: {  	p1 =	por $0x1, $0x1;
	v7 =	vmul.f32 v8, v7  }
0x5be: {  	s10 =	sor.u32 $0x70, s10;
	s5 =	sadd.s32 $0xFFFFFFFF, s3;
	s3 =	simm.s32 $0x1B240  }
.LBB2_100:
0x5bf: {  	p2 =	sne.s32 s5, $0x1;
	s5 =	sadd.s32 $0xFFFFFFFF, s5;
	[tilespmem:s10+$0x0] =	vst.add.f32.msk $0xffff, v7;
	s3 =	sadd.s32 $0x80, s3  }
0x5c0: {  	v7 =	vld.idx.msk [tilespmem:v6+s6+$0x0], $0xffff;
	_ =	sdelay $0x5  }
0x5c1: {  	(v2sf) =	vpush v7, $0x0;
	_ =	sdelay $0xc  }
0x5c2: {  	v7 =	vld.idx.msk [tilespmem:v6+s24+$0x0], $0xffff;
	_ =	sdelay $0x1  }
0x5c3: {  	s10 =	spop (v2sf)  }
0x5c4: {  	s11 =	sshll.u32 s10, $0x8;
	s10 =	sshll.u32 s10, $0x7  }
0x5c5: {  	s11 =	sand.u32 $0xFFFFF800, s11;
	s10 =	sand.u32 $0x380, s10  }
0x5c6: {  	s11 =	sor.u32 s10, s11  }
0x5c7: {  	v6 =	vnsel vm0, $0x0, v7;
	s10 =	sadd.s32 $0x16A00, s11  }
0x5c8: {  	[tilespmem:s10+$0x400] =	vst.add.f32.msk $0xffff, v6  }
0x5c9: {  	v6 =	vld [tilespmem:s3+$0xFFFFFFC0];
	_ =	sdelay $0x4  }
0x5ca: {  	v6 =	vmul.f32 v6, v7;
	_ =	sdelay $0x1  }
0x5cb: {  	[tilespmem:s11+$0x16A00] =	vst.add.f32.msk $0xffff, v6  }
0x5cc: {  	v6 =	vld [tilespmem:s3+$0xFFFFFFD0];
	_ =	sdelay $0x4  }
0x5cd: {  	v6 =	vmul.f32 v6, v7  }
0x5ce: {  	s11 =	sor.u32 $0x10, s10  }
0x5cf: {  	[tilespmem:s11+$0x0] =	vst.add.f32.msk $0xffff, v6  }
0x5d0: {  	v6 =	vld [tilespmem:s3+$0xFFFFFFE0];
	_ =	sdelay $0x4  }
0x5d1: {  	v6 =	vmul.f32 v6, v7  }
0x5d2: {  	s11 =	sor.u32 $0x20, s10  }
0x5d3: {  	[tilespmem:s11+$0x0] =	vst.add.f32.msk $0xffff, v6  }
0x5d4: {  	v6 =	vld [tilespmem:s3+$0xFFFFFFF0];
	_ =	sdelay $0x4  }
0x5d5: {  	v6 =	vmul.f32 v6, v7  }
0x5d6: {  	s11 =	sor.u32 $0x30, s10  }
0x5d7: {  	[tilespmem:s11+$0x0] =	vst.add.f32.msk $0xffff, v6  }
0x5d8: {  	v6 =	vld [tilespmem:s3+$0x0];
	_ =	sdelay $0x4  }
0x5d9: {  	v6 =	vmul.f32 v6, v7  }
0x5da: {  	s11 =	sor.u32 $0x40, s10  }
0x5db: {  	[tilespmem:s11+$0x0] =	vst.add.f32.msk $0xffff, v6  }
0x5dc: {  	v6 =	vld [tilespmem:s3+$0x10];
	_ =	sdelay $0x4  }
0x5dd: {  	v6 =	vmul.f32 v6, v7  }
0x5de: {  	s11 =	sor.u32 $0x50, s10  }
0x5df: {  	[tilespmem:s11+$0x0] =	vst.add.f32.msk $0xffff, v6  }
0x5e0: {  	v6 =	vld [tilespmem:s3+$0x20];
	_ =	sdelay $0x4  }
0x5e1: {  	v6 =	vmul.f32 v6, v7  }
0x5e2: {  	s11 =	sor.u32 $0x60, s10  }
0x5e3: {  	[tilespmem:s11+$0x0] =	vst.add.f32.msk $0xffff, v6  }
0x5e4: {  	v8 =	vld [tilespmem:s3+$0x30];
	_ =	sdelay $0x1  }
.Ltmp72:
0x5e5: {  	s9 =	sadd.s32 $0x1, s9;
	(pc) =	sbr.rel @p2 .LBB2_100-.Ltmp72, $3  }
0x5e6: {  	v6 =	vmov s9;
	_ =	sdelay $0x1  }
0x5e7: {  	v7 =	vmul.f32 v8, v7  }
0x5e8: {  	s10 =	sor.u32 $0x70, s10  }
.Ltmp73:
0x5e9: {  	_ = 	snop;
	(pc) =	sbr.rel .LBB2_101-.Ltmp73, $1  }
0x5ea: {  	_ =	sdelay $0x3  }
.LBB2_99:
.Ltmp74:
0x5eb: {  	(pc) =	sbr.rel .LBB2_101-.Ltmp74, $2  }
0x5ec: {  	_ =	sdelay $0x2  }
0x5ed: {  	s3 =	simm.s32 $0x1B240  }
.LBB2_6:
0x5ee: {  	s0 =	simm.s32 $0x0  }
0x5ef: {  	[dreg:$0x1b] =	wrdreg s0  }
0x5f0: {  	_ = 	snop  }
.Ltmp75:
0x5f1: {  	(pc) =	sbr.rel .LBB2_17-.Ltmp75, $4  }
0x5f2: {  	_ = 	snop  }
0x5f3: {  	_ = 	snop  }
0x5f4: {  	_ = 	snop  }
0x5f5: {  	s22 =	simm.s32 $0x0;
	s3 =	smov.u32 s30;
	s20 =	smov.u32 s8  }
.LBB2_56:
0x5f6: {  	_ = 	snop  }
0x5f7: {  	_ = 	snop  }
0x5f8: {  	_ = 	snop  }
.Ltmp76:
0x5f9: {  	(pc) =	sbr.rel .LBB2_67-.Ltmp76, $4  }
0x5fa: {  	_ = 	snop  }
0x5fb: {  	_ = 	snop  }
0x5fc: {  	_ = 	snop  }
0x5fd: {  	s11 =	simm.s32 $0x0;
	s1 =	smov.u32 s17;
	s20 =	smov.u32 s7  }
.LBB2_8:
0x5fe: {  	s0 =	simm.s32 $0x0  }
0x5ff: {  	[dreg:$0x1b] =	wrdreg s0  }
0x600: {  	_ = 	snop  }
.Ltmp77:
0x601: {  	(pc) =	sbr.rel .LBB2_17-.Ltmp77, $4  }
0x602: {  	_ = 	snop  }
0x603: {  	_ = 	snop  }
0x604: {  	s20 =	smov.u32 s29;
	s5 =	smov.u32 s30  }
0x605: {  	s3 =	smov.u32 s9;
	s22 =	simm.s32 $0x0;
	s9 =	smov.u32 s8  }
.LBB2_58:
0x606: {  	_ = 	snop  }
0x607: {  	_ = 	snop  }
0x608: {  	_ = 	snop  }
.Ltmp78:
0x609: {  	(pc) =	sbr.rel .LBB2_67-.Ltmp78, $4  }
0x60a: {  	_ = 	snop  }
0x60b: {  	_ = 	snop  }
0x60c: {  	s20 =	smov.u32 s4;
	s1 =	smov.u32 s9  }
0x60d: {  	s5 =	smov.u32 s17;
	s11 =	simm.s32 $0x0;
	s21 =	smov.u32 s7  }
.LBB2_10:
0x60e: {  	s0 =	simm.s32 $0x0  }
0x60f: {  	[dreg:$0x1b] =	wrdreg s0  }
.Ltmp79:
0x610: {  	(pc) =	sbr.rel .LBB2_17-.Ltmp79, $4  }
0x611: {  	_ = 	snop  }
0x612: {  	s1 =	smov.u32 s17;
	s2 =	smov.u32 s16  }
0x613: {  	s5 =	smov.u32 s9;
	s21 =	smov.u32 s18;
	s26 =	smov.u32 s30  }
0x614: {  	s9 =	smov.u32 s29;
	s30 =	smov.u32 s8;
	[smem:$0x7FD] =	sst s26  }
.LBB2_60:
0x615: {  	_ = 	snop  }
0x616: {  	_ = 	snop  }
.Ltmp80:
0x617: {  	(pc) =	sbr.rel .LBB2_67-.Ltmp80, $4  }
0x618: {  	_ = 	snop  }
0x619: {  	s12 =	smov.u32 s26  }
0x61a: {  	s5 =	smov.u32 s9;
	s28 =	smov.u32 s21;
	s23 =	smov.u32 s31  }
0x61b: {  	s21 =	smov.u32 s4;
	s30 =	smov.u32 s7;
	[smem:$0x7F3] =	sst s17  }
.LBB2_12:
.Ltmp81:
0x61c: {  	(pc) =	sbr.rel .LBB2_17-.Ltmp81, $4  }
0x61d: {  	s5 =	smov.u32 s3;
	s9 =	smov.u32 s20;
	s1 =	smov.u32 s26  }
0x61e: {  	s7 =	smov.u32 s16;
	s2 =	smov.u32 s15;
	s21 =	smov.u32 s19  }
0x61f: {  	v15 =	vmov v13;
	v21 =	vmov v12;
	s19 =	smov.u32 s18;
	s8 =	smov.u32 s30;
	s30 =	smov.u32 s29  }
0x620: {  	v22 =	vmovc v14;
	s20 =	smov.u32 s0;
	v18 =	vmovc v16;
	[smem:$0x7FD] =	sst s11;
	v19 =	vmov v17;
	vm11 =	vmmov vm14;
	s3 =	smov.u32 s10;
	v20 =	vmov v11  }
.LBB2_62:
.Ltmp82:
0x621: {  	s5 =	smov.u32 s1;
	(pc) =	sbr.rel .LBB2_67-.Ltmp82, $4  }
0x622: {  	s12 =	smov.u32 s15;
	s18 =	smov.u32 s21;
	s21 =	smov.u32 s20  }
0x623: {  	s28 =	smov.u32 s16;
	s19 =	smov.u32 s31;
	s23 =	smov.u32 s30  }
0x624: {  	v15 =	vmov v13;
	v21 =	vmov v12;
	s11 =	smov.u32 s22;
	s8 =	smov.u32 s17;
	s30 =	smov.u32 s4  }
0x625: {  	v22 =	vmovc v14;
	s20 =	smov.u32 s14;
	v18 =	vmovc v16;
	[smem:$0x7F3] =	sst s9;
	v19 =	vmov v17;
	vm11 =	vmmov vm14;
	s1 =	smov.u32 s10;
	v20 =	vmov v10  }
.LBB2_14:
.Ltmp83:
0x626: {  	(pc) =	sbr.rel .LBB2_17-.Ltmp83, $4  }
0x627: {  	s30 =	smov.u32 s20;
	[smem:$0x7FD] =	sst s3;
	s17 =	smov.u32 s26  }
0x628: {  	s5 =	smov.u32 s10;
	s28 =	smov.u32 s16;
	s7 =	sld [smem:$0x7FB]  }
0x629: {  	s23 =	smov.u32 s18;
	s19 =	sld [smem:$0x7FC];
	s9 =	smov.u32 s0  }
0x62a: {  	s20 =	smov.u32 s14;
	s8 =	rddreg [dreg:$0x18];
	s3 =	smov.u32 s12  }
.LBB2_64:
.Ltmp84:
0x62b: {  	[smem:$0x7F3] =	sst s1;
	(pc) =	sbr.rel .LBB2_67-.Ltmp84, $4  }
0x62c: {  	s30 =	smov.u32 s20;
	s26 =	sld [smem:$0x7F0]  }
0x62d: {  	s5 =	smov.u32 s10;
	s15 =	smov.u32 s21;
	s18 =	sld [smem:$0x7F1]  }
0x62e: {  	s16 =	smov.u32 s31;
	s19 =	sld [smem:$0x7F2];
	s21 =	smov.u32 s14  }
0x62f: {  	s20 =	smov.u32 s29;
	s8 =	smov.u32 s9;
	s1 =	smov.u32 s3  }
.LBB2_26:
.Ltmp85:
0x630: {  	(pc) =	sbr.rel .LBB2_30-.Ltmp85, $2  }
0x631: {  	_ =	sdelay $0x2  }
0x632: {  	s0 =	simm.s32 $0x0  }
.LBB2_76:
.Ltmp86:
0x633: {  	(pc) =	sbr.rel .LBB2_80-.Ltmp86, $2  }
0x634: {  	_ =	sdelay $0x2  }
0x635: {  	s1 =	simm.s32 $0x0  }
.LBB2_28:
.Ltmp87:
0x636: {  	(pc) =	sbr.rel .LBB2_30-.Ltmp87, $2  }
0x637: {  	_ =	sdelay $0x2  }
0x638: {  	s0 =	simm.s32 $0x0  }
.LBB2_78:
.Ltmp88:
0x639: {  	(pc) =	sbr.rel .LBB2_80-.Ltmp88, $2  }
0x63a: {  	_ =	sdelay $0x2  }
0x63b: {  	s1 =	simm.s32 $0x0  }
.LBB2_104:
0x63c: {  	_ =	sfence.sel $0x180000  }
0x63d: {  	[bflag:$0x0] =	sbarrier.arrive $0xFFFF  }
0x63e: {  	_ =	strace $0x90000047  }
0x63f: {  	s0 =	stileid.u32;
	[bflag:$0x2] =	sbarrier.arrive $0xFFFF  }
0x640: {  	p0 =	sne.s32 s0, $0x0;
	s0 =	rddreg [dreg:$0x6]  }
0x641: {  	s0 =	sadd.s32 @!p0 $0x100000, s0  }
0x642: {  	[sflag:s0] =	ssyncadd.tile.s32 @!p0 $0x1;
	_ =	shalt  }
.Lfunc_end2:
_tile_overlayer_lowered:
.L_overlay_start_2:
0x643: {  	(tag) =	ssettag $0x2  }
0x644: {  	s0 =	rddreg [dreg:$0x0];
	s2 =	stileid.u32  }
0x645: {  	s1 =	rddreg [dreg:$0x1];
	p0 =	sne.s32 s2, $0x0  }
0x646: {  	s3 =	rddreg [dreg:$0x2];
	[bflag:$0x3] =	sbarrier.arrive $0xFFFF;
	s2 =	simm.s32 @!p0 $0x1C02  }
0x647: {  	[timem:s3], [sflag:s2] =	dma.local @!p0 [hbm:s0], s1  }
0x648: {  	s0 =	simm.s32 @!p0 $0x2  }
0x649: {  	_ =	swait.ge @!p0 [sflag:s0], s1  }
0x64a: {  	s1 =	ssub.s32 @!p0 $0x0, s1;
	[sflag:s0] =	ssyncset.done @!p0 $0x0  }
0x64b: {  	[sflag:s0] =	ssyncadd.s32 @!p0 s1  }
0x64c: {  	[bflag:$0x3] =	sbarrier.arrive $0xFFFF  }
0x64d: {  	_ =	shalt  }

</sc_bundles>
